<compile_context>
chip_gen: v7x
topology: tpu7x:2x2x1
jax: 0.10.2.dev20260603
libtpu: 0.0.44.dev20260713+nightly
codegen_flags: <defaults>
</compile_context>

<pallas_src>
import functools

import jax
import jax.numpy as jnp
from jax import lax
from jax.experimental import pallas as pl
from jax.experimental.pallas import tpu as pltpu
from jax.experimental.pallas import tpu_sc as plsc

_TEMP = 0.1
_NEG = -1e9
_SENTINEL = 2.0

try:
    _INFO = plsc.get_sparse_core_info()
    _NC, _NS = int(_INFO.num_cores), int(_INFO.num_subcores)
except Exception:
    _NC, _NS = 2, 16
_NW = _NC * _NS



def _pre_body(ids_ref, nt_ref, cnt_ref, mem_ref, wm_ref, out_ref):
    nt = nt_ref[...]
    cnt = cnt_ref[...]
    rows = nt.shape[0]
    pos = lax.broadcasted_iota(jnp.int32, (rows, 32), 1)
    tv = jnp.where(pos < cnt, nt, jnp.float32(_SENTINEL))
    memb = mem_ref[...].astype(jnp.bfloat16).astype(jnp.float32)
    wmb = wm_ref[...].astype(jnp.bfloat16).astype(jnp.float32)
    mp = jnp.sum(memb * wmb[None, :], axis=1)
    mp16 = jnp.broadcast_to(mp[:, None], (rows, 16))
    payload = jnp.concatenate([tv, mp16, jnp.zeros((rows, 48), jnp.float32)],
                              axis=1)
    out_ref[...] = jnp.concatenate(
        [ids_ref[...], lax.bitcast_convert_type(payload, jnp.int32)], axis=1)


def _build_packed(ids, ntimes, cnt, mem, wm):
    n = ntimes.shape[0]
    r = 2000
    grid = (n // r,)
    return pl.pallas_call(
        _pre_body,
        grid=grid,
        in_specs=[
            pl.BlockSpec((r, 32), lambda i: (i, 0)),
            pl.BlockSpec((r, 32), lambda i: (i, 0)),
            pl.BlockSpec((r, 1), lambda i: (i, 0)),
            pl.BlockSpec((r, 128), lambda i: (i, 0)),
            pl.BlockSpec((128,), lambda i: (0,)),
        ],
        out_specs=pl.BlockSpec((r, 128), lambda i: (i, 0)),
        out_shape=jax.ShapeDtypeStruct((n, 128), jnp.int32),
    )(ids, ntimes, cnt[:, None], mem, wm)



def _make_sc_gather(w, bpw):
    mesh = plsc.VectorSubcoreMesh(core_axis_name="c", subcore_axis_name="s")
    n_full, rem = divmod(bpw, 128)
    chunks = [(i * 128, 128) for i in range(n_full)]
    if rem:
        chunks.append((n_full * 128, rem))

    @functools.partial(
        pl.kernel,
        mesh=mesh,
        out_type=jax.ShapeDtypeStruct((w, 128), jnp.int32),
        scratch_types=[
            pltpu.VMEM((bpw,), jnp.int32),
            pltpu.VMEM((bpw, 128), jnp.int32),
            pltpu.SemaphoreType.DMA,
        ],
    )
    def gather_k(pk_hbm, cur_hbm, out_hbm, idx_v, rows_v, sem):
        wid = lax.axis_index("s") * _NC + lax.axis_index("c")
        base = wid * bpw
        pltpu.sync_copy(cur_hbm.at[pl.ds(base, bpw)], idx_v)
        copies = []
        for off, size in chunks:
            sl = pl.ds(off, size)
            copies.append(pltpu.async_copy(pk_hbm.at[idx_v.at[sl]],
                                           rows_v.at[sl], sem))
        for cp in copies:
            cp.wait()
        pltpu.sync_copy(rows_v, out_hbm.at[pl.ds(base, bpw)])

    return gather_k



def _step_body(pk_ref, ct_ref, sn_ref, st_ref, lp_ref,
               u_ref, rn_ref, tf_ref, tp_ref, wt_ref, b_ref,
               cur_out, ct_out, lp_out):
    packed = pk_ref[...]
    ids = packed[:, :32].T
    t = lax.bitcast_convert_type(packed[:, 32:64], jnp.float32).T
    mp16 = lax.bitcast_convert_type(packed[:, 64:80], jnp.float32).T
    mp = jnp.max(mp16, axis=0)
    ct = ct_ref[...]
    cols = t.shape[1]

    valid = t < ct[None, :]
    logits = jnp.where(valid, (t - ct[None, :]) / jnp.float32(_TEMP),
                       jnp.float32(_NEG))
    score = logits + u_ref[...]

    pos = lax.broadcasted_iota(jnp.int32, (32, cols), 0)
    smax = jnp.max(score, axis=0)
    eq = score == smax[None, :]
    choice = jnp.min(jnp.where(eq, pos, 64), axis=0)
    onehot = pos == choice[None, :]

    ml = jnp.max(logits, axis=0)
    shifted = logits - ml[None, :]
    sumexp = jnp.sum(jnp.exp(shifted), axis=0)
    chosen_shift = jnp.sum(jnp.where(onehot, shifted, 0.0), axis=0)
    step_lp = chosen_shift - jnp.log(sumexp)

    has_valid = jnp.min(t, axis=0) < ct

    nxt = jnp.sum(jnp.where(onehot, ids, 0), axis=0)
    nxt_t = jnp.sum(jnp.where(onehot, t, 0.0), axis=0)

    tenc = jnp.cos(ct[None, :] * tf_ref[...] + tp_ref[...])
    tencb = tenc.astype(jnp.bfloat16).astype(jnp.float32)
    wtb = wt_ref[...].astype(jnp.bfloat16).astype(jnp.float32)
    z = mp + jnp.sum(tencb * wtb, axis=0) + b_ref[...]
    p = jax.nn.sigmoid(z)
    do_r = rn_ref[...] < p

    lp = lp_ref[...] + jnp.where(has_valid, step_lp, 0.0)
    lp = lp + jnp.log(jnp.where(do_r, p, 1.0 - p) + 1e-8)

    sn = sn_ref[...]
    st = st_ref[...]
    cur_out[...] = jnp.where(do_r, sn, jnp.where(has_valid, nxt, sn))
    ct_out[...] = jnp.where(do_r, st, jnp.where(has_valid, nxt_t, st))
    lp_out[...] = lp


def _run_step(pk_rows, ct, sn, st, lp, u, rn, tf, tp, wt, b):
    w = ct.shape[0]
    bw = 2048 if w % 2048 == 0 else 1024
    grid = (w // bw,)
    blk1 = pl.BlockSpec((bw,), lambda i: (i,))
    full = lambda size: pl.BlockSpec((size,), lambda i: (0,))
    return pl.pallas_call(
        _step_body,
        grid=grid,
        in_specs=[
            pl.BlockSpec((bw, 128), lambda i: (i, 0)),
            blk1, blk1, blk1, blk1,
            pl.BlockSpec((32, bw), lambda i: (0, i)),
            blk1,
            pl.BlockSpec((64, 1), lambda i: (0, 0)),
            pl.BlockSpec((64, 1), lambda i: (0, 0)),
            pl.BlockSpec((64, 1), lambda i: (0, 0)),
            full(1),
        ],
        out_specs=[blk1, blk1, blk1],
        out_shape=[
            jax.ShapeDtypeStruct((w,), jnp.int32),
            jax.ShapeDtypeStruct((w,), jnp.float32),
            jax.ShapeDtypeStruct((w,), jnp.float32),
        ],
    )(pk_rows, ct, sn, st, lp, u, rn, tf, tp, wt, b)



def kernel(start_nodes, start_times, dense_neighbor_ids, dense_neighbor_times,
           dense_neighbor_counts, memory_state, step_noise, restart_noise,
           W_restart, b_restart, time_freq, time_phase):
    b = start_nodes.shape[0]
    w = step_noise.shape[0]
    num_walks = w // b
    walk_len = step_noise.shape[1]

    wm = W_restart[:128, 0]
    wt = W_restart[128:, 0]

    pk = _build_packed(dense_neighbor_ids, dense_neighbor_times,
                       dense_neighbor_counts, memory_state, wm)

    sn = jnp.repeat(start_nodes, num_walks)
    st = jnp.repeat(start_times, num_walks)

    def _gum(h, s, hw):
        blk = step_noise[h * hw:(h + 1) * hw, s, :]
        return (-jnp.log(-jnp.log(jnp.clip(blk, 1e-7, 1.0 - 1e-7)))).T

    nh = 2
    hw = w // nh
    gather = _make_sc_gather(hw, hw // _NW)

    cur = [sn[h * hw:(h + 1) * hw] for h in range(nh)]
    snh = list(cur)
    sth = [st[h * hw:(h + 1) * hw] for h in range(nh)]
    ct = list(sth)
    lp = [jnp.zeros((hw,), dtype=jnp.float32) for _ in range(nh)]
    walks = [[c] for c in cur]
    for s in range(walk_len):
        rows = [gather(pk, cur[h]) for h in range(nh)]
        for h in range(nh):
            cur[h], ct[h], lp[h] = _run_step(
                rows[h], ct[h], snh[h], sth[h], lp[h],
                _gum(h, s, hw),
                restart_noise[h * hw:(h + 1) * hw, s],
                time_freq[:, None], time_phase[:, None],
                wt[:, None], b_restart)
            walks[h].append(cur[h])

    return (jnp.concatenate([jnp.stack(wk, axis=1) for wk in walks], axis=0),
            jnp.concatenate(lp))

# --- scband reference (transcript-rebuilt; emitter-appended) ---
"""Pipeline reference for scband-multi-scale-walk-sampler-47124381172077 (READ-ONLY COPY).

The authoritative reference and input builder live on the scoring server;
editing this copy changes nothing except your own understanding.
"""

import jax, jax.numpy as jnp
import numpy as np

NUM_WALKS = 5
WALK_LEN = 8
TEMP = 0.1
N, D, B = 100000, 32, 4096
MEM, TDIM = 128, 64


def setup_inputs(seed: int = 0):
    key = jax.random.key(seed)
    ks = jax.random.split(key, 12)
    W = B * NUM_WALKS
    start_nodes = jax.random.randint(ks[0], (B,), 0, N)
    start_times = jax.random.uniform(ks[1], (B,), dtype=jnp.float32)
    dense_neighbor_ids = jax.random.randint(ks[2], (N, D), 0, N)
    dense_neighbor_times = jax.random.uniform(ks[3], (N, D), dtype=jnp.float32)
    dense_neighbor_counts = jax.random.randint(ks[4], (N,), 0, 33)
    memory_state = jax.random.normal(ks[5], (N, MEM), dtype=jnp.float32)
    step_noise = jax.random.uniform(ks[6], (W, WALK_LEN, D), dtype=jnp.float32)
    restart_noise = jax.random.uniform(ks[7], (W, WALK_LEN), dtype=jnp.float32)
    fan = MEM + TDIM
    W_restart = jax.random.normal(ks[8], (fan, 1), dtype=jnp.float32) * np.sqrt(2.0 / (fan + 1))
    b_restart = jnp.full((1,), -2.197, dtype=jnp.float32)
    time_freq = jax.random.normal(ks[9], (TDIM,), dtype=jnp.float32)
    time_phase = jax.random.normal(ks[10], (TDIM,), dtype=jnp.float32)
    return {
        'start_nodes': start_nodes,
        'start_times': start_times,
        'dense_neighbor_ids': dense_neighbor_ids,
        'dense_neighbor_times': dense_neighbor_times,
        'dense_neighbor_counts': dense_neighbor_counts,
        'memory_state': memory_state,
        'step_noise': step_noise,
        'restart_noise': restart_noise,
        'W_restart': W_restart,
        'b_restart': b_restart,
        'time_freq': time_freq,
        'time_phase': time_phase,
    }


def reference(start_nodes, start_times, dense_neighbor_ids, dense_neighbor_times,
              dense_neighbor_counts, memory_state, step_noise, restart_noise,
              W_restart, b_restart, time_freq, time_phase):
    # Vectorized TAWR (temporal-aware walk with restart) sampling:
    # temporal-bias softmax over neighbor time deltas (temperature), Gumbel-max
    # sampling via provided uniform noise, learnable restart probability from
    # sigmoid(Linear([memory(cur), time_enc(cur_t)])).
    cur = jnp.repeat(start_nodes, NUM_WALKS)
    cur_t = jnp.repeat(start_times, NUM_WALKS)
    start_n = cur
    start_t = cur_t
    Wn = cur.shape[0]
    pos = jnp.arange(D)[None, :]
    walks = [cur]
    logprob = jnp.zeros(Wn, dtype=jnp.float32)
    for step in range(WALK_LEN):
        nids = jnp.take(dense_neighbor_ids, cur, axis=0)        # [W, D] gather
        ntimes = jnp.take(dense_neighbor_times, cur, axis=0)    # [W, D] gather
        cnt = jnp.take(dense_neighbor_counts, cur, axis=0)      # [W]   gather
        valid = (pos < cnt[:, None]) & (ntimes < cur_t[:, None])
        logits = jnp.where(valid, (ntimes - cur_t[:, None]) / TEMP, -1e9)
        u = jnp.clip(step_noise[:, step, :], 1e-7, 1.0 - 1e-7)
        g = -jnp.log(-jnp.log(u))
        choice = jnp.argmax(logits + g, axis=-1)                # [W]
        has_valid = jnp.any(valid, axis=-1)
        logp = jax.nn.log_softmax(logits, axis=-1)
        step_lp = jnp.take_along_axis(logp, choice[:, None], axis=-1)[:, 0]
        logprob = logprob + jnp.where(has_valid, step_lp, 0.0)
        nxt = jnp.take_along_axis(nids, choice[:, None], axis=-1)[:, 0]
        nxt_t = jnp.take_along_axis(ntimes, choice[:, None], axis=-1)[:, 0]
        mem = jnp.take(memory_state, cur, axis=0)               # [W, MEM] gather
        tenc = jnp.cos(cur_t[:, None] * time_freq[None, :] + time_phase[None, :])
        combined = jnp.concatenate([mem, tenc], axis=-1)
        p_restart = jax.nn.sigmoid(combined @ W_restart + b_restart[None, :])[:, 0]
        do_restart = restart_noise[:, step] < p_restart
        logprob = logprob + jnp.where(do_restart,
                                      jnp.log(p_restart + 1e-8),
                                      jnp.log(1.0 - p_restart + 1e-8))
        cur = jnp.where(do_restart, start_n, jnp.where(has_valid, nxt, start_n))
        cur_t = jnp.where(do_restart, start_t, jnp.where(has_valid, nxt_t, start_t))
        walks.append(cur)
    walks_arr = jnp.stack(walks, axis=1)  # [W, WALK_LEN+1] int
    return walks_arr, logprob

if __name__ == "__main__":
    import jax
    _d = setup_inputs()
    print(jax.jit(kernel)(*tuple(_d.values())))

</pallas_src>

<mosaic_0001>
#map = affine_map<(d0, d1) -> (0, 0)>
#map1 = affine_map<(d0, d1) -> (0)>
module attributes {stable_mosaic.version = 14 : i64} {
  func.func @gather_k(%arg0: i32, %arg1: i32, %arg2: memref<100000x128xi32, #tpu.memory_space<hbm>>, %arg3: memref<10240xi32, #tpu.memory_space<hbm>>, %arg4: memref<10240x128xi32, #tpu.memory_space<hbm>>, %arg5: memref<320xi32, #tpu.memory_space<vmem>>, %arg6: memref<320x128xi32, #tpu.memory_space<vmem>>, %arg7: memref<!tpu.dma_semaphore, #tpu.memory_space<semaphore_mem>>) attributes {dimension_semantics = [#tpu.dimension_semantics<core_parallel>, #tpu.dimension_semantics<subcore_parallel>], iteration_bounds = array<i64: 2, 16>, scalar_prefetch = 0 : i64, scratch_operands = 3 : i64, tpu.core_type = #tpu.core_type<sc_vector_subcore>, window_params = [{transform_indices = #map}, {transform_indices = #map1}, {transform_indices = #map}]} {
    %mul3A = arith.constant 2 : i32
    %mul3A_0 = arith.muli %arg1, %mul3A : i32
    %add3A = arith.addi %mul3A_0, %arg0 : i32
    %mul3A_1 = arith.constant 320 : i32
    %mul3A_2 = arith.muli %add3A, %mul3A_1 : i32
    "tpu.region"() ({
      %run_scoped3A = tpu.sem_alloc : memref<!tpu.dma_semaphore, #tpu.memory_space<semaphore_mem>>
      %dma_start3A_49 = tpu.memref_slice %arg3[%mul3A_2] : memref<10240xi32, #tpu.memory_space<hbm>> -> memref<320xi32, #tpu.memory_space<hbm>>
      %dma_start3A_50 = tpu.memref_slice %arg3[%mul3A_2] : memref<10240xi32, #tpu.memory_space<hbm>> -> memref<320xi32, #tpu.memory_space<hbm>>
      tpu.enqueue_dma source(%dma_start3A_50 : memref<320xi32, #tpu.memory_space<hbm>>) target(%arg5 : memref<320xi32, #tpu.memory_space<vmem>>) target_semaphore(%run_scoped3A : memref<!tpu.dma_semaphore, #tpu.memory_space<semaphore_mem>>)
      %dma_wait3A_51 = tpu.memref_slice %arg3[%mul3A_2] : memref<10240xi32, #tpu.memory_space<hbm>> -> memref<320xi32, #tpu.memory_space<hbm>>
      %dma_wait3A_52 = tpu.memref_slice %arg3[%mul3A_2] : memref<10240xi32, #tpu.memory_space<hbm>> -> memref<320xi32, #tpu.memory_space<hbm>>
      tpu.wait_dma2 semaphore(%run_scoped3A : memref<!tpu.dma_semaphore, #tpu.memory_space<semaphore_mem>>) src(%dma_wait3A_52 : memref<320xi32, #tpu.memory_space<hbm>>) dst(%arg5 : memref<320xi32, #tpu.memory_space<vmem>>)
      tpu.yield
    }) : () -> ()
    %dma_start3A = arith.constant 0 : i32
    %dma_start3A_3 = arith.constant 0 : i32
    %dma_start3A_4 = tpu.memref_slice %arg6[%dma_start3A, %dma_start3A_3] : memref<320x128xi32, #tpu.memory_space<vmem>> -> memref<128x128xi32, #tpu.memory_space<vmem>>
    %dma_start3A_5 = arith.constant 0 : i32
    %dma_start3A_6 = tpu.memref_slice %arg5[%dma_start3A_5] : memref<320xi32, #tpu.memory_space<vmem>> -> memref<128xi32, #tpu.memory_space<vmem>>
    %dma_start3A_7 = arith.constant 0 : i32
    %dma_start3A_8 = arith.constant 0 : i32
    %dma_start3A_9 = tpu.memref_slice %arg2[%dma_start3A_7, %dma_start3A_8] : memref<100000x128xi32, #tpu.memory_space<hbm>> -> memref<100000x128xi32, #tpu.memory_space<hbm>>
    tpu.enqueue_indirect_dma source(%dma_start3A_9 : memref<100000x128xi32, #tpu.memory_space<hbm>>) target(%dma_start3A_4 : memref<128x128xi32, #tpu.memory_space<vmem>>) offsets(%dma_start3A_6 : memref<128xi32, #tpu.memory_space<vmem>>) semaphore(%arg7 : memref<!tpu.dma_semaphore, #tpu.memory_space<semaphore_mem>>)
    %dma_start3A_10 = arith.constant 128 : i32
    %dma_start3A_11 = arith.constant 0 : i32
    %dma_start3A_12 = tpu.memref_slice %arg6[%dma_start3A_10, %dma_start3A_11] : memref<320x128xi32, #tpu.memory_space<vmem>> -> memref<128x128xi32, #tpu.memory_space<vmem>>
    %dma_start3A_13 = arith.constant 128 : i32
    %dma_start3A_14 = tpu.memref_slice %arg5[%dma_start3A_13] : memref<320xi32, #tpu.memory_space<vmem>> -> memref<128xi32, #tpu.memory_space<vmem>>
    %dma_start3A_15 = arith.constant 0 : i32
    %dma_start3A_16 = arith.constant 0 : i32
    %dma_start3A_17 = tpu.memref_slice %arg2[%dma_start3A_15, %dma_start3A_16] : memref<100000x128xi32, #tpu.memory_space<hbm>> -> memref<100000x128xi32, #tpu.memory_space<hbm>>
    tpu.enqueue_indirect_dma source(%dma_start3A_17 : memref<100000x128xi32, #tpu.memory_space<hbm>>) target(%dma_start3A_12 : memref<128x128xi32, #tpu.memory_space<vmem>>) offsets(%dma_start3A_14 : memref<128xi32, #tpu.memory_space<vmem>>) semaphore(%arg7 : memref<!tpu.dma_semaphore, #tpu.memory_space<semaphore_mem>>)
    %dma_start3A_18 = arith.constant 256 : i32
    %dma_start3A_19 = arith.constant 0 : i32
    %dma_start3A_20 = tpu.memref_slice %arg6[%dma_start3A_18, %dma_start3A_19] : memref<320x128xi32, #tpu.memory_space<vmem>> -> memref<64x128xi32, #tpu.memory_space<vmem>>
    %dma_start3A_21 = arith.constant 256 : i32
    %dma_start3A_22 = tpu.memref_slice %arg5[%dma_start3A_21] : memref<320xi32, #tpu.memory_space<vmem>> -> memref<64xi32, #tpu.memory_space<vmem>>
    %dma_start3A_23 = arith.constant 0 : i32
    %dma_start3A_24 = arith.constant 0 : i32
    %dma_start3A_25 = tpu.memref_slice %arg2[%dma_start3A_23, %dma_start3A_24] : memref<100000x128xi32, #tpu.memory_space<hbm>> -> memref<100000x128xi32, #tpu.memory_space<hbm>>
    tpu.enqueue_indirect_dma source(%dma_start3A_25 : memref<100000x128xi32, #tpu.memory_space<hbm>>) target(%dma_start3A_20 : memref<64x128xi32, #tpu.memory_space<vmem>>) offsets(%dma_start3A_22 : memref<64xi32, #tpu.memory_space<vmem>>) semaphore(%arg7 : memref<!tpu.dma_semaphore, #tpu.memory_space<semaphore_mem>>)
    %dma_wait3A = arith.constant 0 : i32
    %dma_wait3A_26 = arith.constant 0 : i32
    %dma_wait3A_27 = tpu.memref_slice %arg6[%dma_wait3A, %dma_wait3A_26] : memref<320x128xi32, #tpu.memory_space<vmem>> -> memref<128x128xi32, #tpu.memory_space<vmem>>
    %dma_wait3A_28 = arith.constant 0 : i32
    %dma_wait3A_29 = tpu.memref_slice %arg5[%dma_wait3A_28] : memref<320xi32, #tpu.memory_space<vmem>> -> memref<128xi32, #tpu.memory_space<vmem>>
    %dma_wait3A_30 = arith.constant 0 : i32
    %dma_wait3A_31 = arith.constant 0 : i32
    %dma_wait3A_32 = tpu.memref_slice %arg2[%dma_wait3A_30, %dma_wait3A_31] : memref<100000x128xi32, #tpu.memory_space<hbm>> -> memref<100000x128xi32, #tpu.memory_space<hbm>>
    tpu.wait_indirect_dma semaphore(%arg7 : memref<!tpu.dma_semaphore, #tpu.memory_space<semaphore_mem>>) src(%dma_wait3A_32 : memref<100000x128xi32, #tpu.memory_space<hbm>>) dst(%dma_wait3A_27 : memref<128x128xi32, #tpu.memory_space<vmem>>)
    %dma_wait3A_33 = arith.constant 128 : i32
    %dma_wait3A_34 = arith.constant 0 : i32
    %dma_wait3A_35 = tpu.memref_slice %arg6[%dma_wait3A_33, %dma_wait3A_34] : memref<320x128xi32, #tpu.memory_space<vmem>> -> memref<128x128xi32, #tpu.memory_space<vmem>>
    %dma_wait3A_36 = arith.constant 128 : i32
    %dma_wait3A_37 = tpu.memref_slice %arg5[%dma_wait3A_36] : memref<320xi32, #tpu.memory_space<vmem>> -> memref<128xi32, #tpu.memory_space<vmem>>
    %dma_wait3A_38 = arith.constant 0 : i32
    %dma_wait3A_39 = arith.constant 0 : i32
    %dma_wait3A_40 = tpu.memref_slice %arg2[%dma_wait3A_38, %dma_wait3A_39] : memref<100000x128xi32, #tpu.memory_space<hbm>> -> memref<100000x128xi32, #tpu.memory_space<hbm>>
    tpu.wait_indirect_dma semaphore(%arg7 : memref<!tpu.dma_semaphore, #tpu.memory_space<semaphore_mem>>) src(%dma_wait3A_40 : memref<100000x128xi32, #tpu.memory_space<hbm>>) dst(%dma_wait3A_35 : memref<128x128xi32, #tpu.memory_space<vmem>>)
    %dma_wait3A_41 = arith.constant 256 : i32
    %dma_wait3A_42 = arith.constant 0 : i32
    %dma_wait3A_43 = tpu.memref_slice %arg6[%dma_wait3A_41, %dma_wait3A_42] : memref<320x128xi32, #tpu.memory_space<vmem>> -> memref<64x128xi32, #tpu.memory_space<vmem>>
    %dma_wait3A_44 = arith.constant 256 : i32
    %dma_wait3A_45 = tpu.memref_slice %arg5[%dma_wait3A_44] : memref<320xi32, #tpu.memory_space<vmem>> -> memref<64xi32, #tpu.memory_space<vmem>>
    %dma_wait3A_46 = arith.constant 0 : i32
    %dma_wait3A_47 = arith.constant 0 : i32
    %dma_wait3A_48 = tpu.memref_slice %arg2[%dma_wait3A_46, %dma_wait3A_47] : memref<100000x128xi32, #tpu.memory_space<hbm>> -> memref<100000x128xi32, #tpu.memory_space<hbm>>
    tpu.wait_indirect_dma semaphore(%arg7 : memref<!tpu.dma_semaphore, #tpu.memory_space<semaphore_mem>>) src(%dma_wait3A_48 : memref<100000x128xi32, #tpu.memory_space<hbm>>) dst(%dma_wait3A_43 : memref<64x128xi32, #tpu.memory_space<vmem>>)
    "tpu.region"() ({
      %run_scoped3A = tpu.sem_alloc : memref<!tpu.dma_semaphore, #tpu.memory_space<semaphore_mem>>
      %dma_start3A_49 = arith.constant 0 : i32
      %dma_start3A_50 = tpu.memref_slice %arg4[%mul3A_2, %dma_start3A_49] : memref<10240x128xi32, #tpu.memory_space<hbm>> -> memref<320x128xi32, #tpu.memory_space<hbm>>
      %dma_start3A_51 = arith.constant 0 : i32
      %dma_start3A_52 = tpu.memref_slice %arg4[%mul3A_2, %dma_start3A_51] : memref<10240x128xi32, #tpu.memory_space<hbm>> -> memref<320x128xi32, #tpu.memory_space<hbm>>
      tpu.enqueue_dma source(%arg6 : memref<320x128xi32, #tpu.memory_space<vmem>>) target(%dma_start3A_52 : memref<320x128xi32, #tpu.memory_space<hbm>>) target_semaphore(%run_scoped3A : memref<!tpu.dma_semaphore, #tpu.memory_space<semaphore_mem>>)
      %dma_wait3A_53 = arith.constant 0 : i32
      %dma_wait3A_54 = tpu.memref_slice %arg4[%mul3A_2, %dma_wait3A_53] : memref<10240x128xi32, #tpu.memory_space<hbm>> -> memref<320x128xi32, #tpu.memory_space<hbm>>
      %dma_wait3A_55 = arith.constant 0 : i32
      %dma_wait3A_56 = tpu.memref_slice %arg4[%mul3A_2, %dma_wait3A_55] : memref<10240x128xi32, #tpu.memory_space<hbm>> -> memref<320x128xi32, #tpu.memory_space<hbm>>
      tpu.wait_dma2 semaphore(%run_scoped3A : memref<!tpu.dma_semaphore, #tpu.memory_space<semaphore_mem>>) src(%arg6 : memref<320x128xi32, #tpu.memory_space<vmem>>) dst(%dma_wait3A_56 : memref<320x128xi32, #tpu.memory_space<hbm>>)
      tpu.yield
    }) : () -> ()
    return
  }
}

#map = affine_map<(d0, d1) -> (0, 0)>
#map1 = affine_map<(d0, d1) -> (0)>
module attributes {stable_mosaic.version = 14 : i64} {
  func.func @gather_k(%arg0: i32, %arg1: i32, %arg2: memref<100000x128xi32, #tpu.memory_space<hbm>>, %arg3: memref<10240xi32, #tpu.memory_space<hbm>>, %arg4: memref<10240x128xi32, #tpu.memory_space<hbm>>, %arg5: memref<320xi32, #tpu.memory_space<vmem>>, %arg6: memref<320x128xi32, #tpu.memory_space<vmem>>, %arg7: memref<!tpu.dma_semaphore, #tpu.memory_space<semaphore_mem>>) attributes {dimension_semantics = [#tpu.dimension_semantics<core_parallel>, #tpu.dimension_semantics<subcore_parallel>], iteration_bounds = array<i64: 2, 16>, scalar_prefetch = 0 : i64, scratch_operands = 3 : i64, tpu.core_type = #tpu.core_type<sc_vector_subcore>, window_params = [{transform_indices = #map}, {transform_indices = #map1}, {transform_indices = #map}]} {
    %mul3A = arith.constant 2 : i32
    %mul3A_0 = arith.muli %arg1, %mul3A : i32
    %add3A = arith.addi %mul3A_0, %arg0 : i32
    %mul3A_1 = arith.constant 320 : i32
    %mul3A_2 = arith.muli %add3A, %mul3A_1 : i32
    "tpu.region"() ({
      %run_scoped3A = tpu.sem_alloc : memref<!tpu.dma_semaphore, #tpu.memory_space<semaphore_mem>>
      %dma_start3A_49 = tpu.memref_slice %arg3[%mul3A_2] : memref<10240xi32, #tpu.memory_space<hbm>> -> memref<320xi32, #tpu.memory_space<hbm>>
      %dma_start3A_50 = tpu.memref_slice %arg3[%mul3A_2] : memref<10240xi32, #tpu.memory_space<hbm>> -> memref<320xi32, #tpu.memory_space<hbm>>
      tpu.enqueue_dma source(%dma_start3A_50 : memref<320xi32, #tpu.memory_space<hbm>>) target(%arg5 : memref<320xi32, #tpu.memory_space<vmem>>) target_semaphore(%run_scoped3A : memref<!tpu.dma_semaphore, #tpu.memory_space<semaphore_mem>>)
      %dma_wait3A_51 = tpu.memref_slice %arg3[%mul3A_2] : memref<10240xi32, #tpu.memory_space<hbm>> -> memref<320xi32, #tpu.memory_space<hbm>>
      %dma_wait3A_52 = tpu.memref_slice %arg3[%mul3A_2] : memref<10240xi32, #tpu.memory_space<hbm>> -> memref<320xi32, #tpu.memory_space<hbm>>
      tpu.wait_dma2 semaphore(%run_scoped3A : memref<!tpu.dma_semaphore, #tpu.memory_space<semaphore_mem>>) src(%dma_wait3A_52 : memref<320xi32, #tpu.memory_space<hbm>>) dst(%arg5 : memref<320xi32, #tpu.memory_space<vmem>>)
      tpu.yield
    }) : () -> ()
    %dma_start3A = arith.constant 0 : i32
    %dma_start3A_3 = arith.constant 0 : i32
    %dma_start3A_4 = tpu.memref_slice %arg6[%dma_start3A, %dma_start3A_3] : memref<320x128xi32, #tpu.memory_space<vmem>> -> memref<128x128xi32, #tpu.memory_space<vmem>>
    %dma_start3A_5 = arith.constant 0 : i32
    %dma_start3A_6 = tpu.memref_slice %arg5[%dma_start3A_5] : memref<320xi32, #tpu.memory_space<vmem>> -> memref<128xi32, #tpu.memory_space<vmem>>
    %dma_start3A_7 = arith.constant 0 : i32
    %dma_start3A_8 = arith.constant 0 : i32
    %dma_start3A_9 = tpu.memref_slice %arg2[%dma_start3A_7, %dma_start3A_8] : memref<100000x128xi32, #tpu.memory_space<hbm>> -> memref<100000x128xi32, #tpu.memory_space<hbm>>
    tpu.enqueue_indirect_dma source(%dma_start3A_9 : memref<100000x128xi32, #tpu.memory_space<hbm>>) target(%dma_start3A_4 : memref<128x128xi32, #tpu.memory_space<vmem>>) offsets(%dma_start3A_6 : memref<128xi32, #tpu.memory_space<vmem>>) semaphore(%arg7 : memref<!tpu.dma_semaphore, #tpu.memory_space<semaphore_mem>>)
    %dma_start3A_10 = arith.constant 128 : i32
    %dma_start3A_11 = arith.constant 0 : i32
    %dma_start3A_12 = tpu.memref_slice %arg6[%dma_start3A_10, %dma_start3A_11] : memref<320x128xi32, #tpu.memory_space<vmem>> -> memref<128x128xi32, #tpu.memory_space<vmem>>
    %dma_start3A_13 = arith.constant 128 : i32
    %dma_start3A_14 = tpu.memref_slice %arg5[%dma_start3A_13] : memref<320xi32, #tpu.memory_space<vmem>> -> memref<128xi32, #tpu.memory_space<vmem>>
    %dma_start3A_15 = arith.constant 0 : i32
    %dma_start3A_16 = arith.constant 0 : i32
    %dma_start3A_17 = tpu.memref_slice %arg2[%dma_start3A_15, %dma_start3A_16] : memref<100000x128xi32, #tpu.memory_space<hbm>> -> memref<100000x128xi32, #tpu.memory_space<hbm>>
    tpu.enqueue_indirect_dma source(%dma_start3A_17 : memref<100000x128xi32, #tpu.memory_space<hbm>>) target(%dma_start3A_12 : memref<128x128xi32, #tpu.memory_space<vmem>>) offsets(%dma_start3A_14 : memref<128xi32, #tpu.memory_space<vmem>>) semaphore(%arg7 : memref<!tpu.dma_semaphore, #tpu.memory_space<semaphore_mem>>)
    %dma_start3A_18 = arith.constant 256 : i32
    %dma_start3A_19 = arith.constant 0 : i32
    %dma_start3A_20 = tpu.memref_slice %arg6[%dma_start3A_18, %dma_start3A_19] : memref<320x128xi32, #tpu.memory_space<vmem>> -> memref<64x128xi32, #tpu.memory_space<vmem>>
    %dma_start3A_21 = arith.constant 256 : i32
    %dma_start3A_22 = tpu.memref_slice %arg5[%dma_start3A_21] : memref<320xi32, #tpu.memory_space<vmem>> -> memref<64xi32, #tpu.memory_space<vmem>>
    %dma_start3A_23 = arith.constant 0 : i32
    %dma_start3A_24 = arith.constant 0 : i32
    %dma_start3A_25 = tpu.memref_slice %arg2[%dma_start3A_23, %dma_start3A_24] : memref<100000x128xi32, #tpu.memory_space<hbm>> -> memref<100000x128xi32, #tpu.memory_space<hbm>>
    tpu.enqueue_indirect_dma source(%dma_start3A_25 : memref<100000x128xi32, #tpu.memory_space<hbm>>) target(%dma_start3A_20 : memref<64x128xi32, #tpu.memory_space<vmem>>) offsets(%dma_start3A_22 : memref<64xi32, #tpu.memory_space<vmem>>) semaphore(%arg7 : memref<!tpu.dma_semaphore, #tpu.memory_space<semaphore_mem>>)
    %dma_wait3A = arith.constant 0 : i32
    %dma_wait3A_26 = arith.constant 0 : i32
    %dma_wait3A_27 = tpu.memref_slice %arg6[%dma_wait3A, %dma_wait3A_26] : memref<320x128xi32, #tpu.memory_space<vmem>> -> memref<128x128xi32, #tpu.memory_space<vmem>>
    %dma_wait3A_28 = arith.constant 0 : i32
    %dma_wait3A_29 = tpu.memref_slice %arg5[%dma_wait3A_28] : memref<320xi32, #tpu.memory_space<vmem>> -> memref<128xi32, #tpu.memory_space<vmem>>
    %dma_wait3A_30 = arith.constant 0 : i32
    %dma_wait3A_31 = arith.constant 0 : i32
    %dma_wait3A_32 = tpu.memref_slice %arg2[%dma_wait3A_30, %dma_wait3A_31] : memref<100000x128xi32, #tpu.memory_space<hbm>> -> memref<100000x128xi32, #tpu.memory_space<hbm>>
    tpu.wait_indirect_dma semaphore(%arg7 : memref<!tpu.dma_semaphore, #tpu.memory_space<semaphore_mem>>) src(%dma_wait3A_32 : memref<100000x128xi32, #tpu.memory_space<hbm>>) dst(%dma_wait3A_27 : memref<128x128xi32, #tpu.memory_space<vmem>>)
    %dma_wait3A_33 = arith.constant 128 : i32
    %dma_wait3A_34 = arith.constant 0 : i32
    %dma_wait3A_35 = tpu.memref_slice %arg6[%dma_wait3A_33, %dma_wait3A_34] : memref<320x128xi32, #tpu.memory_space<vmem>> -> memref<128x128xi32, #tpu.memory_space<vmem>>
    %dma_wait3A_36 = arith.constant 128 : i32
    %dma_wait3A_37 = tpu.memref_slice %arg5[%dma_wait3A_36] : memref<320xi32, #tpu.memory_space<vmem>> -> memref<128xi32, #tpu.memory_space<vmem>>
    %dma_wait3A_38 = arith.constant 0 : i32
    %dma_wait3A_39 = arith.constant 0 : i32
    %dma_wait3A_40 = tpu.memref_slice %arg2[%dma_wait3A_38, %dma_wait3A_39] : memref<100000x128xi32, #tpu.memory_space<hbm>> -> memref<100000x128xi32, #tpu.memory_space<hbm>>
    tpu.wait_indirect_dma semaphore(%arg7 : memref<!tpu.dma_semaphore, #tpu.memory_space<semaphore_mem>>) src(%dma_wait3A_40 : memref<100000x128xi32, #tpu.memory_space<hbm>>) dst(%dma_wait3A_35 : memref<128x128xi32, #tpu.memory_space<vmem>>)
    %dma_wait3A_41 = arith.constant 256 : i32
    %dma_wait3A_42 = arith.constant 0 : i32
    %dma_wait3A_43 = tpu.memref_slice %arg6[%dma_wait3A_41, %dma_wait3A_42] : memref<320x128xi32, #tpu.memory_space<vmem>> -> memref<64x128xi32, #tpu.memory_space<vmem>>
    %dma_wait3A_44 = arith.constant 256 : i32
    %dma_wait3A_45 = tpu.memref_slice %arg5[%dma_wait3A_44] : memref<320xi32, #tpu.memory_space<vmem>> -> memref<64xi32, #tpu.memory_space<vmem>>
    %dma_wait3A_46 = arith.constant 0 : i32
    %dma_wait3A_47 = arith.constant 0 : i32
    %dma_wait3A_48 = tpu.memref_slice %arg2[%dma_wait3A_46, %dma_wait3A_47] : memref<100000x128xi32, #tpu.memory_space<hbm>> -> memref<100000x128xi32, #tpu.memory_space<hbm>>
    tpu.wait_indirect_dma semaphore(%arg7 : memref<!tpu.dma_semaphore, #tpu.memory_space<semaphore_mem>>) src(%dma_wait3A_48 : memref<100000x128xi32, #tpu.memory_space<hbm>>) dst(%dma_wait3A_43 : memref<64x128xi32, #tpu.memory_space<vmem>>)
    "tpu.region"() ({
      %run_scoped3A = tpu.sem_alloc : memref<!tpu.dma_semaphore, #tpu.memory_space<semaphore_mem>>
      %dma_start3A_49 = arith.constant 0 : i32
      %dma_start3A_50 = tpu.memref_slice %arg4[%mul3A_2, %dma_start3A_49] : memref<10240x128xi32, #tpu.memory_space<hbm>> -> memref<320x128xi32, #tpu.memory_space<hbm>>
      %dma_start3A_51 = arith.constant 0 : i32
      %dma_start3A_52 = tpu.memref_slice %arg4[%mul3A_2, %dma_start3A_51] : memref<10240x128xi32, #tpu.memory_space<hbm>> -> memref<320x128xi32, #tpu.memory_space<hbm>>
      tpu.enqueue_dma source(%arg6 : memref<320x128xi32, #tpu.memory_space<vmem>>) target(%dma_start3A_52 : memref<320x128xi32, #tpu.memory_space<hbm>>) target_semaphore(%run_scoped3A : memref<!tpu.dma_semaphore, #tpu.memory_space<semaphore_mem>>)
      %dma_wait3A_53 = arith.constant 0 : i32
      %dma_wait3A_54 = tpu.memref_slice %arg4[%mul3A_2, %dma_wait3A_53] : memref<10240x128xi32, #tpu.memory_space<hbm>> -> memref<320x128xi32, #tpu.memory_space<hbm>>
      %dma_wait3A_55 = arith.constant 0 : i32
      %dma_wait3A_56 = tpu.memref_slice %arg4[%mul3A_2, %dma_wait3A_55] : memref<10240x128xi32, #tpu.memory_space<hbm>> -> memref<320x128xi32, #tpu.memory_space<hbm>>
      tpu.wait_dma2 semaphore(%run_scoped3A : memref<!tpu.dma_semaphore, #tpu.memory_space<semaphore_mem>>) src(%arg6 : memref<320x128xi32, #tpu.memory_space<vmem>>) dst(%dma_wait3A_56 : memref<320x128xi32, #tpu.memory_space<hbm>>)
      tpu.yield
    }) : () -> ()
    return
  }
}

#map = affine_map<(d0, d1) -> (0, 0)>
#map1 = affine_map<(d0, d1) -> (0)>
module attributes {stable_mosaic.version = 14 : i64} {
  func.func @gather_k(%arg0: i32, %arg1: i32, %arg2: memref<100000x128xi32, #tpu.memory_space<hbm>>, %arg3: memref<10240xi32, #tpu.memory_space<hbm>>, %arg4: memref<10240x128xi32, #tpu.memory_space<hbm>>, %arg5: memref<320xi32, #tpu.memory_space<vmem>>, %arg6: memref<320x128xi32, #tpu.memory_space<vmem>>, %arg7: memref<!tpu.dma_semaphore, #tpu.memory_space<semaphore_mem>>) attributes {dimension_semantics = [#tpu.dimension_semantics<core_parallel>, #tpu.dimension_semantics<subcore_parallel>], iteration_bounds = array<i64: 2, 16>, scalar_prefetch = 0 : i64, scratch_operands = 3 : i64, tpu.core_type = #tpu.core_type<sc_vector_subcore>, window_params = [{transform_indices = #map}, {transform_indices = #map1}, {transform_indices = #map}]} {
    %mul3A = arith.constant 2 : i32
    %mul3A_0 = arith.muli %arg1, %mul3A : i32
    %add3A = arith.addi %mul3A_0, %arg0 : i32
    %mul3A_1 = arith.constant 320 : i32
    %mul3A_2 = arith.muli %add3A, %mul3A_1 : i32
    "tpu.region"() ({
      %run_scoped3A = tpu.sem_alloc : memref<!tpu.dma_semaphore, #tpu.memory_space<semaphore_mem>>
      %dma_start3A_49 = tpu.memref_slice %arg3[%mul3A_2] : memref<10240xi32, #tpu.memory_space<hbm>> -> memref<320xi32, #tpu.memory_space<hbm>>
      %dma_start3A_50 = tpu.memref_slice %arg3[%mul3A_2] : memref<10240xi32, #tpu.memory_space<hbm>> -> memref<320xi32, #tpu.memory_space<hbm>>
      tpu.enqueue_dma source(%dma_start3A_50 : memref<320xi32, #tpu.memory_space<hbm>>) target(%arg5 : memref<320xi32, #tpu.memory_space<vmem>>) target_semaphore(%run_scoped3A : memref<!tpu.dma_semaphore, #tpu.memory_space<semaphore_mem>>)
      %dma_wait3A_51 = tpu.memref_slice %arg3[%mul3A_2] : memref<10240xi32, #tpu.memory_space<hbm>> -> memref<320xi32, #tpu.memory_space<hbm>>
      %dma_wait3A_52 = tpu.memref_slice %arg3[%mul3A_2] : memref<10240xi32, #tpu.memory_space<hbm>> -> memref<320xi32, #tpu.memory_space<hbm>>
      tpu.wait_dma2 semaphore(%run_scoped3A : memref<!tpu.dma_semaphore, #tpu.memory_space<semaphore_mem>>) src(%dma_wait3A_52 : memref<320xi32, #tpu.memory_space<hbm>>) dst(%arg5 : memref<320xi32, #tpu.memory_space<vmem>>)
      tpu.yield
    }) : () -> ()
    %dma_start3A = arith.constant 0 : i32
    %dma_start3A_3 = arith.constant 0 : i32
    %dma_start3A_4 = tpu.memref_slice %arg6[%dma_start3A, %dma_start3A_3] : memref<320x128xi32, #tpu.memory_space<vmem>> -> memref<128x128xi32, #tpu.memory_space<vmem>>
    %dma_start3A_5 = arith.constant 0 : i32
    %dma_start3A_6 = tpu.memref_slice %arg5[%dma_start3A_5] : memref<320xi32, #tpu.memory_space<vmem>> -> memref<128xi32, #tpu.memory_space<vmem>>
    %dma_start3A_7 = arith.constant 0 : i32
    %dma_start3A_8 = arith.constant 0 : i32
    %dma_start3A_9 = tpu.memref_slice %arg2[%dma_start3A_7, %dma_start3A_8] : memref<100000x128xi32, #tpu.memory_space<hbm>> -> memref<100000x128xi32, #tpu.memory_space<hbm>>
    tpu.enqueue_indirect_dma source(%dma_start3A_9 : memref<100000x128xi32, #tpu.memory_space<hbm>>) target(%dma_start3A_4 : memref<128x128xi32, #tpu.memory_space<vmem>>) offsets(%dma_start3A_6 : memref<128xi32, #tpu.memory_space<vmem>>) semaphore(%arg7 : memref<!tpu.dma_semaphore, #tpu.memory_space<semaphore_mem>>)
    %dma_start3A_10 = arith.constant 128 : i32
    %dma_start3A_11 = arith.constant 0 : i32
    %dma_start3A_12 = tpu.memref_slice %arg6[%dma_start3A_10, %dma_start3A_11] : memref<320x128xi32, #tpu.memory_space<vmem>> -> memref<128x128xi32, #tpu.memory_space<vmem>>
    %dma_start3A_13 = arith.constant 128 : i32
    %dma_start3A_14 = tpu.memref_slice %arg5[%dma_start3A_13] : memref<320xi32, #tpu.memory_space<vmem>> -> memref<128xi32, #tpu.memory_space<vmem>>
    %dma_start3A_15 = arith.constant 0 : i32
    %dma_start3A_16 = arith.constant 0 : i32
    %dma_start3A_17 = tpu.memref_slice %arg2[%dma_start3A_15, %dma_start3A_16] : memref<100000x128xi32, #tpu.memory_space<hbm>> -> memref<100000x128xi32, #tpu.memory_space<hbm>>
    tpu.enqueue_indirect_dma source(%dma_start3A_17 : memref<100000x128xi32, #tpu.memory_space<hbm>>) target(%dma_start3A_12 : memref<128x128xi32, #tpu.memory_space<vmem>>) offsets(%dma_start3A_14 : memref<128xi32, #tpu.memory_space<vmem>>) semaphore(%arg7 : memref<!tpu.dma_semaphore, #tpu.memory_space<semaphore_mem>>)
    %dma_start3A_18 = arith.constant 256 : i32
    %dma_start3A_19 = arith.constant 0 : i32
    %dma_start3A_20 = tpu.memref_slice %arg6[%dma_start3A_18, %dma_start3A_19] : memref<320x128xi32, #tpu.memory_space<vmem>> -> memref<64x128xi32, #tpu.memory_space<vmem>>
    %dma_start3A_21 = arith.constant 256 : i32
    %dma_start3A_22 = tpu.memref_slice %arg5[%dma_start3A_21] : memref<320xi32, #tpu.memory_space<vmem>> -> memref<64xi32, #tpu.memory_space<vmem>>
    %dma_start3A_23 = arith.constant 0 : i32
    %dma_start3A_24 = arith.constant 0 : i32
    %dma_start3A_25 = tpu.memref_slice %arg2[%dma_start3A_23, %dma_start3A_24] : memref<100000x128xi32, #tpu.memory_space<hbm>> -> memref<100000x128xi32, #tpu.memory_space<hbm>>
    tpu.enqueue_indirect_dma source(%dma_start3A_25 : memref<100000x128xi32, #tpu.memory_space<hbm>>) target(%dma_start3A_20 : memref<64x128xi32, #tpu.memory_space<vmem>>) offsets(%dma_start3A_22 : memref<64xi32, #tpu.memory_space<vmem>>) semaphore(%arg7 : memref<!tpu.dma_semaphore, #tpu.memory_space<semaphore_mem>>)
    %dma_wait3A = arith.constant 0 : i32
    %dma_wait3A_26 = arith.constant 0 : i32
    %dma_wait3A_27 = tpu.memref_slice %arg6[%dma_wait3A, %dma_wait3A_26] : memref<320x128xi32, #tpu.memory_space<vmem>> -> memref<128x128xi32, #tpu.memory_space<vmem>>
    %dma_wait3A_28 = arith.constant 0 : i32
    %dma_wait3A_29 = tpu.memref_slice %arg5[%dma_wait3A_28] : memref<320xi32, #tpu.memory_space<vmem>> -> memref<128xi32, #tpu.memory_space<vmem>>
    %dma_wait3A_30 = arith.constant 0 : i32
    %dma_wait3A_31 = arith.constant 0 : i32
    %dma_wait3A_32 = tpu.memref_slice %arg2[%dma_wait3A_30, %dma_wait3A_31] : memref<100000x128xi32, #tpu.memory_space<hbm>> -> memref<100000x128xi32, #tpu.memory_space<hbm>>
    tpu.wait_indirect_dma semaphore(%arg7 : memref<!tpu.dma_semaphore, #tpu.memory_space<semaphore_mem>>) src(%dma_wait3A_32 : memref<100000x128xi32, #tpu.memory_space<hbm>>) dst(%dma_wait3A_27 : memref<128x128xi32, #tpu.memory_space<vmem>>)
    %dma_wait3A_33 = arith.constant 128 : i32
    %dma_wait3A_34 = arith.constant 0 : i32
    %dma_wait3A_35 = tpu.memref_slice %arg6[%dma_wait3A_33, %dma_wait3A_34] : memref<320x128xi32, #tpu.memory_space<vmem>> -> memref<128x128xi32, #tpu.memory_space<vmem>>
    %dma_wait3A_36 = arith.constant 128 : i32
    %dma_wait3A_37 = tpu.memref_slice %arg5[%dma_wait3A_36] : memref<320xi32, #tpu.memory_space<vmem>> -> memref<128xi32, #tpu.memory_space<vmem>>
    %dma_wait3A_38 = arith.constant 0 : i32
    %dma_wait3A_39 = arith.constant 0 : i32
    %dma_wait3A_40 = tpu.memref_slice %arg2[%dma_wait3A_38, %dma_wait3A_39] : memref<100000x128xi32, #tpu.memory_space<hbm>> -> memref<100000x128xi32, #tpu.memory_space<hbm>>
    tpu.wait_indirect_dma semaphore(%arg7 : memref<!tpu.dma_semaphore, #tpu.memory_space<semaphore_mem>>) src(%dma_wait3A_40 : memref<100000x128xi32, #tpu.memory_space<hbm>>) dst(%dma_wait3A_35 : memref<128x128xi32, #tpu.memory_space<vmem>>)
    %dma_wait3A_41 = arith.constant 256 : i32
    %dma_wait3A_42 = arith.constant 0 : i32
    %dma_wait3A_43 = tpu.memref_slice %arg6[%dma_wait3A_41, %dma_wait3A_42] : memref<320x128xi32, #tpu.memory_space<vmem>> -> memref<64x128xi32, #tpu.memory_space<vmem>>
    %dma_wait3A_44 = arith.constant 256 : i32
    %dma_wait3A_45 = tpu.memref_slice %arg5[%dma_wait3A_44] : memref<320xi32, #tpu.memory_space<vmem>> -> memref<64xi32, #tpu.memory_space<vmem>>
    %dma_wait3A_46 = arith.constant 0 : i32
    %dma_wait3A_47 = arith.constant 0 : i32
    %dma_wait3A_48 = tpu.memref_slice %arg2[%dma_wait3A_46, %dma_wait3A_47] : memref<100000x128xi32, #tpu.memory_space<hbm>> -> memref<100000x128xi32, #tpu.memory_space<hbm>>
    tpu.wait_indirect_dma semaphore(%arg7 : memref<!tpu.dma_semaphore, #tpu.memory_space<semaphore_mem>>) src(%dma_wait3A_48 : memref<100000x128xi32, #tpu.memory_space<hbm>>) dst(%dma_wait3A_43 : memref<64x128xi32, #tpu.memory_space<vmem>>)
    "tpu.region"() ({
      %run_scoped3A = tpu.sem_alloc : memref<!tpu.dma_semaphore, #tpu.memory_space<semaphore_mem>>
      %dma_start3A_49 = arith.constant 0 : i32
      %dma_start3A_50 = tpu.memref_slice %arg4[%mul3A_2, %dma_start3A_49] : memref<10240x128xi32, #tpu.memory_space<hbm>> -> memref<320x128xi32, #tpu.memory_space<hbm>>
      %dma_start3A_51 = arith.constant 0 : i32
      %dma_start3A_52 = tpu.memref_slice %arg4[%mul3A_2, %dma_start3A_51] : memref<10240x128xi32, #tpu.memory_space<hbm>> -> memref<320x128xi32, #tpu.memory_space<hbm>>
      tpu.enqueue_dma source(%arg6 : memref<320x128xi32, #tpu.memory_space<vmem>>) target(%dma_start3A_52 : memref<320x128xi32, #tpu.memory_space<hbm>>) target_semaphore(%run_scoped3A : memref<!tpu.dma_semaphore, #tpu.memory_space<semaphore_mem>>)
      %dma_wait3A_53 = arith.constant 0 : i32
      %dma_wait3A_54 = tpu.memref_slice %arg4[%mul3A_2, %dma_wait3A_53] : memref<10240x128xi32, #tpu.memory_space<hbm>> -> memref<320x128xi32, #tpu.memory_space<hbm>>
      %dma_wait3A_55 = arith.constant 0 : i32
      %dma_wait3A_56 = tpu.memref_slice %arg4[%mul3A_2, %dma_wait3A_55] : memref<10240x128xi32, #tpu.memory_space<hbm>> -> memref<320x128xi32, #tpu.memory_space<hbm>>
      tpu.wait_dma2 semaphore(%run_scoped3A : memref<!tpu.dma_semaphore, #tpu.memory_space<semaphore_mem>>) src(%arg6 : memref<320x128xi32, #tpu.memory_space<vmem>>) dst(%dma_wait3A_56 : memref<320x128xi32, #tpu.memory_space<hbm>>)
      tpu.yield
    }) : () -> ()
    return
  }
}

#map = affine_map<(d0, d1) -> (0, 0)>
#map1 = affine_map<(d0, d1) -> (0)>
module attributes {stable_mosaic.version = 14 : i64} {
  func.func @gather_k(%arg0: i32, %arg1: i32, %arg2: memref<100000x128xi32, #tpu.memory_space<hbm>>, %arg3: memref<10240xi32, #tpu.memory_space<hbm>>, %arg4: memref<10240x128xi32, #tpu.memory_space<hbm>>, %arg5: memref<320xi32, #tpu.memory_space<vmem>>, %arg6: memref<320x128xi32, #tpu.memory_space<vmem>>, %arg7: memref<!tpu.dma_semaphore, #tpu.memory_space<semaphore_mem>>) attributes {dimension_semantics = [#tpu.dimension_semantics<core_parallel>, #tpu.dimension_semantics<subcore_parallel>], iteration_bounds = array<i64: 2, 16>, scalar_prefetch = 0 : i64, scratch_operands = 3 : i64, tpu.core_type = #tpu.core_type<sc_vector_subcore>, window_params = [{transform_indices = #map}, {transform_indices = #map1}, {transform_indices = #map}]} {
    %mul3A = arith.constant 2 : i32
    %mul3A_0 = arith.muli %arg1, %mul3A : i32
    %add3A = arith.addi %mul3A_0, %arg0 : i32
    %mul3A_1 = arith.constant 320 : i32
    %mul3A_2 = arith.muli %add3A, %mul3A_1 : i32
    "tpu.region"() ({
      %run_scoped3A = tpu.sem_alloc : memref<!tpu.dma_semaphore, #tpu.memory_space<semaphore_mem>>
      %dma_start3A_49 = tpu.memref_slice %arg3[%mul3A_2] : memref<10240xi32, #tpu.memory_space<hbm>> -> memref<320xi32, #tpu.memory_space<hbm>>
      %dma_start3A_50 = tpu.memref_slice %arg3[%mul3A_2] : memref<10240xi32, #tpu.memory_space<hbm>> -> memref<320xi32, #tpu.memory_space<hbm>>
      tpu.enqueue_dma source(%dma_start3A_50 : memref<320xi32, #tpu.memory_space<hbm>>) target(%arg5 : memref<320xi32, #tpu.memory_space<vmem>>) target_semaphore(%run_scoped3A : memref<!tpu.dma_semaphore, #tpu.memory_space<semaphore_mem>>)
      %dma_wait3A_51 = tpu.memref_slice %arg3[%mul3A_2] : memref<10240xi32, #tpu.memory_space<hbm>> -> memref<320xi32, #tpu.memory_space<hbm>>
      %dma_wait3A_52 = tpu.memref_slice %arg3[%mul3A_2] : memref<10240xi32, #tpu.memory_space<hbm>> -> memref<320xi32, #tpu.memory_space<hbm>>
      tpu.wait_dma2 semaphore(%run_scoped3A : memref<!tpu.dma_semaphore, #tpu.memory_space<semaphore_mem>>) src(%dma_wait3A_52 : memref<320xi32, #tpu.memory_space<hbm>>) dst(%arg5 : memref<320xi32, #tpu.memory_space<vmem>>)
      tpu.yield
    }) : () -> ()
    %dma_start3A = arith.constant 0 : i32
    %dma_start3A_3 = arith.constant 0 : i32
    %dma_start3A_4 = tpu.memref_slice %arg6[%dma_start3A, %dma_start3A_3] : memref<320x128xi32, #tpu.memory_space<vmem>> -> memref<128x128xi32, #tpu.memory_space<vmem>>
    %dma_start3A_5 = arith.constant 0 : i32
    %dma_start3A_6 = tpu.memref_slice %arg5[%dma_start3A_5] : memref<320xi32, #tpu.memory_space<vmem>> -> memref<128xi32, #tpu.memory_space<vmem>>
    %dma_start3A_7 = arith.constant 0 : i32
    %dma_start3A_8 = arith.constant 0 : i32
    %dma_start3A_9 = tpu.memref_slice %arg2[%dma_start3A_7, %dma_start3A_8] : memref<100000x128xi32, #tpu.memory_space<hbm>> -> memref<100000x128xi32, #tpu.memory_space<hbm>>
    tpu.enqueue_indirect_dma source(%dma_start3A_9 : memref<100000x128xi32, #tpu.memory_space<hbm>>) target(%dma_start3A_4 : memref<128x128xi32, #tpu.memory_space<vmem>>) offsets(%dma_start3A_6 : memref<128xi32, #tpu.memory_space<vmem>>) semaphore(%arg7 : memref<!tpu.dma_semaphore, #tpu.memory_space<semaphore_mem>>)
    %dma_start3A_10 = arith.constant 128 : i32
    %dma_start3A_11 = arith.constant 0 : i32
    %dma_start3A_12 = tpu.memref_slice %arg6[%dma_start3A_10, %dma_start3A_11] : memref<320x128xi32, #tpu.memory_space<vmem>> -> memref<128x128xi32, #tpu.memory_space<vmem>>
    %dma_start3A_13 = arith.constant 128 : i32
    %dma_start3A_14 = tpu.memref_slice %arg5[%dma_start3A_13] : memref<320xi32, #tpu.memory_space<vmem>> -> memref<128xi32, #tpu.memory_space<vmem>>
    %dma_start3A_15 = arith.constant 0 : i32
    %dma_start3A_16 = arith.constant 0 : i32
    %dma_start3A_17 = tpu.memref_slice %arg2[%dma_start3A_15, %dma_start3A_16] : memref<100000x128xi32, #tpu.memory_space<hbm>> -> memref<100000x128xi32, #tpu.memory_space<hbm>>
    tpu.enqueue_indirect_dma source(%dma_start3A_17 : memref<100000x128xi32, #tpu.memory_space<hbm>>) target(%dma_start3A_12 : memref<128x128xi32, #tpu.memory_space<vmem>>) offsets(%dma_start3A_14 : memref<128xi32, #tpu.memory_space<vmem>>) semaphore(%arg7 : memref<!tpu.dma_semaphore, #tpu.memory_space<semaphore_mem>>)
    %dma_start3A_18 = arith.constant 256 : i32
    %dma_start3A_19 = arith.constant 0 : i32
    %dma_start3A_20 = tpu.memref_slice %arg6[%dma_start3A_18, %dma_start3A_19] : memref<320x128xi32, #tpu.memory_space<vmem>> -> memref<64x128xi32, #tpu.memory_space<vmem>>
    %dma_start3A_21 = arith.constant 256 : i32
    %dma_start3A_22 = tpu.memref_slice %arg5[%dma_start3A_21] : memref<320xi32, #tpu.memory_space<vmem>> -> memref<64xi32, #tpu.memory_space<vmem>>
    %dma_start3A_23 = arith.constant 0 : i32
    %dma_start3A_24 = arith.constant 0 : i32
    %dma_start3A_25 = tpu.memref_slice %arg2[%dma_start3A_23, %dma_start3A_24] : memref<100000x128xi32, #tpu.memory_space<hbm>> -> memref<100000x128xi32, #tpu.memory_space<hbm>>
    tpu.enqueue_indirect_dma source(%dma_start3A_25 : memref<100000x128xi32, #tpu.memory_space<hbm>>) target(%dma_start3A_20 : memref<64x128xi32, #tpu.memory_space<vmem>>) offsets(%dma_start3A_22 : memref<64xi32, #tpu.memory_space<vmem>>) semaphore(%arg7 : memref<!tpu.dma_semaphore, #tpu.memory_space<semaphore_mem>>)
    %dma_wait3A = arith.constant 0 : i32
    %dma_wait3A_26 = arith.constant 0 : i32
    %dma_wait3A_27 = tpu.memref_slice %arg6[%dma_wait3A, %dma_wait3A_26] : memref<320x128xi32, #tpu.memory_space<vmem>> -> memref<128x128xi32, #tpu.memory_space<vmem>>
    %dma_wait3A_28 = arith.constant 0 : i32
    %dma_wait3A_29 = tpu.memref_slice %arg5[%dma_wait3A_28] : memref<320xi32, #tpu.memory_space<vmem>> -> memref<128xi32, #tpu.memory_space<vmem>>
    %dma_wait3A_30 = arith.constant 0 : i32
    %dma_wait3A_31 = arith.constant 0 : i32
    %dma_wait3A_32 = tpu.memref_slice %arg2[%dma_wait3A_30, %dma_wait3A_31] : memref<100000x128xi32, #tpu.memory_space<hbm>> -> memref<100000x128xi32, #tpu.memory_space<hbm>>
    tpu.wait_indirect_dma semaphore(%arg7 : memref<!tpu.dma_semaphore, #tpu.memory_space<semaphore_mem>>) src(%dma_wait3A_32 : memref<100000x128xi32, #tpu.memory_space<hbm>>) dst(%dma_wait3A_27 : memref<128x128xi32, #tpu.memory_space<vmem>>)
    %dma_wait3A_33 = arith.constant 128 : i32
    %dma_wait3A_34 = arith.constant 0 : i32
    %dma_wait3A_35 = tpu.memref_slice %arg6[%dma_wait3A_33, %dma_wait3A_34] : memref<320x128xi32, #tpu.memory_space<vmem>> -> memref<128x128xi32, #tpu.memory_space<vmem>>
    %dma_wait3A_36 = arith.constant 128 : i32
    %dma_wait3A_37 = tpu.memref_slice %arg5[%dma_wait3A_36] : memref<320xi32, #tpu.memory_space<vmem>> -> memref<128xi32, #tpu.memory_space<vmem>>
    %dma_wait3A_38 = arith.constant 0 : i32
    %dma_wait3A_39 = arith.constant 0 : i32
    %dma_wait3A_40 = tpu.memref_slice %arg2[%dma_wait3A_38, %dma_wait3A_39] : memref<100000x128xi32, #tpu.memory_space<hbm>> -> memref<100000x128xi32, #tpu.memory_space<hbm>>
    tpu.wait_indirect_dma semaphore(%arg7 : memref<!tpu.dma_semaphore, #tpu.memory_space<semaphore_mem>>) src(%dma_wait3A_40 : memref<100000x128xi32, #tpu.memory_space<hbm>>) dst(%dma_wait3A_35 : memref<128x128xi32, #tpu.memory_space<vmem>>)
    %dma_wait3A_41 = arith.constant 256 : i32
    %dma_wait3A_42 = arith.constant 0 : i32
    %dma_wait3A_43 = tpu.memref_slice %arg6[%dma_wait3A_41, %dma_wait3A_42] : memref<320x128xi32, #tpu.memory_space<vmem>> -> memref<64x128xi32, #tpu.memory_space<vmem>>
    %dma_wait3A_44 = arith.constant 256 : i32
    %dma_wait3A_45 = tpu.memref_slice %arg5[%dma_wait3A_44] : memref<320xi32, #tpu.memory_space<vmem>> -> memref<64xi32, #tpu.memory_space<vmem>>
    %dma_wait3A_46 = arith.constant 0 : i32
    %dma_wait3A_47 = arith.constant 0 : i32
    %dma_wait3A_48 = tpu.memref_slice %arg2[%dma_wait3A_46, %dma_wait3A_47] : memref<100000x128xi32, #tpu.memory_space<hbm>> -> memref<100000x128xi32, #tpu.memory_space<hbm>>
    tpu.wait_indirect_dma semaphore(%arg7 : memref<!tpu.dma_semaphore, #tpu.memory_space<semaphore_mem>>) src(%dma_wait3A_48 : memref<100000x128xi32, #tpu.memory_space<hbm>>) dst(%dma_wait3A_43 : memref<64x128xi32, #tpu.memory_space<vmem>>)
    "tpu.region"() ({
      %run_scoped3A = tpu.sem_alloc : memref<!tpu.dma_semaphore, #tpu.memory_space<semaphore_mem>>
      %dma_start3A_49 = arith.constant 0 : i32
      %dma_start3A_50 = tpu.memref_slice %arg4[%mul3A_2, %dma_start3A_49] : memref<10240x128xi32, #tpu.memory_space<hbm>> -> memref<320x128xi32, #tpu.memory_space<hbm>>
      %dma_start3A_51 = arith.constant 0 : i32
      %dma_start3A_52 = tpu.memref_slice %arg4[%mul3A_2, %dma_start3A_51] : memref<10240x128xi32, #tpu.memory_space<hbm>> -> memref<320x128xi32, #tpu.memory_space<hbm>>
      tpu.enqueue_dma source(%arg6 : memref<320x128xi32, #tpu.memory_space<vmem>>) target(%dma_start3A_52 : memref<320x128xi32, #tpu.memory_space<hbm>>) target_semaphore(%run_scoped3A : memref<!tpu.dma_semaphore, #tpu.memory_space<semaphore_mem>>)
      %dma_wait3A_53 = arith.constant 0 : i32
      %dma_wait3A_54 = tpu.memref_slice %arg4[%mul3A_2, %dma_wait3A_53] : memref<10240x128xi32, #tpu.memory_space<hbm>> -> memref<320x128xi32, #tpu.memory_space<hbm>>
      %dma_wait3A_55 = arith.constant 0 : i32
      %dma_wait3A_56 = tpu.memref_slice %arg4[%mul3A_2, %dma_wait3A_55] : memref<10240x128xi32, #tpu.memory_space<hbm>> -> memref<320x128xi32, #tpu.memory_space<hbm>>
      tpu.wait_dma2 semaphore(%run_scoped3A : memref<!tpu.dma_semaphore, #tpu.memory_space<semaphore_mem>>) src(%arg6 : memref<320x128xi32, #tpu.memory_space<vmem>>) dst(%dma_wait3A_56 : memref<320x128xi32, #tpu.memory_space<hbm>>)
      tpu.yield
    }) : () -> ()
    return
  }
}

#map = affine_map<(d0, d1) -> (0, 0)>
#map1 = affine_map<(d0, d1) -> (0)>
module attributes {stable_mosaic.version = 14 : i64} {
  func.func @gather_k(%arg0: i32, %arg1: i32, %arg2: memref<100000x128xi32, #tpu.memory_space<hbm>>, %arg3: memref<10240xi32, #tpu.memory_space<hbm>>, %arg4: memref<10240x128xi32, #tpu.memory_space<hbm>>, %arg5: memref<320xi32, #tpu.memory_space<vmem>>, %arg6: memref<320x128xi32, #tpu.memory_space<vmem>>, %arg7: memref<!tpu.dma_semaphore, #tpu.memory_space<semaphore_mem>>) attributes {dimension_semantics = [#tpu.dimension_semantics<core_parallel>, #tpu.dimension_semantics<subcore_parallel>], iteration_bounds = array<i64: 2, 16>, scalar_prefetch = 0 : i64, scratch_operands = 3 : i64, tpu.core_type = #tpu.core_type<sc_vector_subcore>, window_params = [{transform_indices = #map}, {transform_indices = #map1}, {transform_indices = #map}]} {
    %mul3A = arith.constant 2 : i32
    %mul3A_0 = arith.muli %arg1, %mul3A : i32
    %add3A = arith.addi %mul3A_0, %arg0 : i32
    %mul3A_1 = arith.constant 320 : i32
    %mul3A_2 = arith.muli %add3A, %mul3A_1 : i32
    "tpu.region"() ({
      %run_scoped3A = tpu.sem_alloc : memref<!tpu.dma_semaphore, #tpu.memory_space<semaphore_mem>>
      %dma_start3A_49 = tpu.memref_slice %arg3[%mul3A_2] : memref<10240xi32, #tpu.memory_space<hbm>> -> memref<320xi32, #tpu.memory_space<hbm>>
      %dma_start3A_50 = tpu.memref_slice %arg3[%mul3A_2] : memref<10240xi32, #tpu.memory_space<hbm>> -> memref<320xi32, #tpu.memory_space<hbm>>
      tpu.enqueue_dma source(%dma_start3A_50 : memref<320xi32, #tpu.memory_space<hbm>>) target(%arg5 : memref<320xi32, #tpu.memory_space<vmem>>) target_semaphore(%run_scoped3A : memref<!tpu.dma_semaphore, #tpu.memory_space<semaphore_mem>>)
      %dma_wait3A_51 = tpu.memref_slice %arg3[%mul3A_2] : memref<10240xi32, #tpu.memory_space<hbm>> -> memref<320xi32, #tpu.memory_space<hbm>>
      %dma_wait3A_52 = tpu.memref_slice %arg3[%mul3A_2] : memref<10240xi32, #tpu.memory_space<hbm>> -> memref<320xi32, #tpu.memory_space<hbm>>
      tpu.wait_dma2 semaphore(%run_scoped3A : memref<!tpu.dma_semaphore, #tpu.memory_space<semaphore_mem>>) src(%dma_wait3A_52 : memref<320xi32, #tpu.memory_space<hbm>>) dst(%arg5 : memref<320xi32, #tpu.memory_space<vmem>>)
      tpu.yield
    }) : () -> ()
    %dma_start3A = arith.constant 0 : i32
    %dma_start3A_3 = arith.constant 0 : i32
    %dma_start3A_4 = tpu.memref_slice %arg6[%dma_start3A, %dma_start3A_3] : memref<320x128xi32, #tpu.memory_space<vmem>> -> memref<128x128xi32, #tpu.memory_space<vmem>>
    %dma_start3A_5 = arith.constant 0 : i32
    %dma_start3A_6 = tpu.memref_slice %arg5[%dma_start3A_5] : memref<320xi32, #tpu.memory_space<vmem>> -> memref<128xi32, #tpu.memory_space<vmem>>
    %dma_start3A_7 = arith.constant 0 : i32
    %dma_start3A_8 = arith.constant 0 : i32
    %dma_start3A_9 = tpu.memref_slice %arg2[%dma_start3A_7, %dma_start3A_8] : memref<100000x128xi32, #tpu.memory_space<hbm>> -> memref<100000x128xi32, #tpu.memory_space<hbm>>
    tpu.enqueue_indirect_dma source(%dma_start3A_9 : memref<100000x128xi32, #tpu.memory_space<hbm>>) target(%dma_start3A_4 : memref<128x128xi32, #tpu.memory_space<vmem>>) offsets(%dma_start3A_6 : memref<128xi32, #tpu.memory_space<vmem>>) semaphore(%arg7 : memref<!tpu.dma_semaphore, #tpu.memory_space<semaphore_mem>>)
    %dma_start3A_10 = arith.constant 128 : i32
    %dma_start3A_11 = arith.constant 0 : i32
    %dma_start3A_12 = tpu.memref_slice %arg6[%dma_start3A_10, %dma_start3A_11] : memref<320x128xi32, #tpu.memory_space<vmem>> -> memref<128x128xi32, #tpu.memory_space<vmem>>
    %dma_start3A_13 = arith.constant 128 : i32
    %dma_start3A_14 = tpu.memref_slice %arg5[%dma_start3A_13] : memref<320xi32, #tpu.memory_space<vmem>> -> memref<128xi32, #tpu.memory_space<vmem>>
    %dma_start3A_15 = arith.constant 0 : i32
    %dma_start3A_16 = arith.constant 0 : i32
    %dma_start3A_17 = tpu.memref_slice %arg2[%dma_start3A_15, %dma_start3A_16] : memref<100000x128xi32, #tpu.memory_space<hbm>> -> memref<100000x128xi32, #tpu.memory_space<hbm>>
    tpu.enqueue_indirect_dma source(%dma_start3A_17 : memref<100000x128xi32, #tpu.memory_space<hbm>>) target(%dma_start3A_12 : memref<128x128xi32, #tpu.memory_space<vmem>>) offsets(%dma_start3A_14 : memref<128xi32, #tpu.memory_space<vmem>>) semaphore(%arg7 : memref<!tpu.dma_semaphore, #tpu.memory_space<semaphore_mem>>)
    %dma_start3A_18 = arith.constant 256 : i32
    %dma_start3A_19 = arith.constant 0 : i32
    %dma_start3A_20 = tpu.memref_slice %arg6[%dma_start3A_18, %dma_start3A_19] : memref<320x128xi32, #tpu.memory_space<vmem>> -> memref<64x128xi32, #tpu.memory_space<vmem>>
    %dma_start3A_21 = arith.constant 256 : i32
    %dma_start3A_22 = tpu.memref_slice %arg5[%dma_start3A_21] : memref<320xi32, #tpu.memory_space<vmem>> -> memref<64xi32, #tpu.memory_space<vmem>>
    %dma_start3A_23 = arith.constant 0 : i32
    %dma_start3A_24 = arith.constant 0 : i32
    %dma_start3A_25 = tpu.memref_slice %arg2[%dma_start3A_23, %dma_start3A_24] : memref<100000x128xi32, #tpu.memory_space<hbm>> -> memref<100000x128xi32, #tpu.memory_space<hbm>>
    tpu.enqueue_indirect_dma source(%dma_start3A_25 : memref<100000x128xi32, #tpu.memory_space<hbm>>) target(%dma_start3A_20 : memref<64x128xi32, #tpu.memory_space<vmem>>) offsets(%dma_start3A_22 : memref<64xi32, #tpu.memory_space<vmem>>) semaphore(%arg7 : memref<!tpu.dma_semaphore, #tpu.memory_space<semaphore_mem>>)
    %dma_wait3A = arith.constant 0 : i32
    %dma_wait3A_26 = arith.constant 0 : i32
    %dma_wait3A_27 = tpu.memref_slice %arg6[%dma_wait3A, %dma_wait3A_26] : memref<320x128xi32, #tpu.memory_space<vmem>> -> memref<128x128xi32, #tpu.memory_space<vmem>>
    %dma_wait3A_28 = arith.constant 0 : i32
    %dma_wait3A_29 = tpu.memref_slice %arg5[%dma_wait3A_28] : memref<320xi32, #tpu.memory_space<vmem>> -> memref<128xi32, #tpu.memory_space<vmem>>
    %dma_wait3A_30 = arith.constant 0 : i32
    %dma_wait3A_31 = arith.constant 0 : i32
    %dma_wait3A_32 = tpu.memref_slice %arg2[%dma_wait3A_30, %dma_wait3A_31] : memref<100000x128xi32, #tpu.memory_space<hbm>> -> memref<100000x128xi32, #tpu.memory_space<hbm>>
    tpu.wait_indirect_dma semaphore(%arg7 : memref<!tpu.dma_semaphore, #tpu.memory_space<semaphore_mem>>) src(%dma_wait3A_32 : memref<100000x128xi32, #tpu.memory_space<hbm>>) dst(%dma_wait3A_27 : memref<128x128xi32, #tpu.memory_space<vmem>>)
    %dma_wait3A_33 = arith.constant 128 : i32
    %dma_wait3A_34 = arith.constant 0 : i32
    %dma_wait3A_35 = tpu.memref_slice %arg6[%dma_wait3A_33, %dma_wait3A_34] : memref<320x128xi32, #tpu.memory_space<vmem>> -> memref<128x128xi32, #tpu.memory_space<vmem>>
    %dma_wait3A_36 = arith.constant 128 : i32
    %dma_wait3A_37 = tpu.memref_slice %arg5[%dma_wait3A_36] : memref<320xi32, #tpu.memory_space<vmem>> -> memref<128xi32, #tpu.memory_space<vmem>>
    %dma_wait3A_38 = arith.constant 0 : i32
    %dma_wait3A_39 = arith.constant 0 : i32
    %dma_wait3A_40 = tpu.memref_slice %arg2[%dma_wait3A_38, %dma_wait3A_39] : memref<100000x128xi32, #tpu.memory_space<hbm>> -> memref<100000x128xi32, #tpu.memory_space<hbm>>
    tpu.wait_indirect_dma semaphore(%arg7 : memref<!tpu.dma_semaphore, #tpu.memory_space<semaphore_mem>>) src(%dma_wait3A_40 : memref<100000x128xi32, #tpu.memory_space<hbm>>) dst(%dma_wait3A_35 : memref<128x128xi32, #tpu.memory_space<vmem>>)
    %dma_wait3A_41 = arith.constant 256 : i32
    %dma_wait3A_42 = arith.constant 0 : i32
    %dma_wait3A_43 = tpu.memref_slice %arg6[%dma_wait3A_41, %dma_wait3A_42] : memref<320x128xi32, #tpu.memory_space<vmem>> -> memref<64x128xi32, #tpu.memory_space<vmem>>
    %dma_wait3A_44 = arith.constant 256 : i32
    %dma_wait3A_45 = tpu.memref_slice %arg5[%dma_wait3A_44] : memref<320xi32, #tpu.memory_space<vmem>> -> memref<64xi32, #tpu.memory_space<vmem>>
    %dma_wait3A_46 = arith.constant 0 : i32
    %dma_wait3A_47 = arith.constant 0 : i32
    %dma_wait3A_48 = tpu.memref_slice %arg2[%dma_wait3A_46, %dma_wait3A_47] : memref<100000x128xi32, #tpu.memory_space<hbm>> -> memref<100000x128xi32, #tpu.memory_space<hbm>>
    tpu.wait_indirect_dma semaphore(%arg7 : memref<!tpu.dma_semaphore, #tpu.memory_space<semaphore_mem>>) src(%dma_wait3A_48 : memref<100000x128xi32, #tpu.memory_space<hbm>>) dst(%dma_wait3A_43 : memref<64x128xi32, #tpu.memory_space<vmem>>)
    "tpu.region"() ({
      %run_scoped3A = tpu.sem_alloc : memref<!tpu.dma_semaphore, #tpu.memory_space<semaphore_mem>>
      %dma_start3A_49 = arith.constant 0 : i32
      %dma_start3A_50 = tpu.memref_slice %arg4[%mul3A_2, %dma_start3A_49] : memref<10240x128xi32, #tpu.memory_space<hbm>> -> memref<320x128xi32, #tpu.memory_space<hbm>>
      %dma_start3A_51 = arith.constant 0 : i32
      %dma_start3A_52 = tpu.memref_slice %arg4[%mul3A_2, %dma_start3A_51] : memref<10240x128xi32, #tpu.memory_space<hbm>> -> memref<320x128xi32, #tpu.memory_space<hbm>>
      tpu.enqueue_dma source(%arg6 : memref<320x128xi32, #tpu.memory_space<vmem>>) target(%dma_start3A_52 : memref<320x128xi32, #tpu.memory_space<hbm>>) target_semaphore(%run_scoped3A : memref<!tpu.dma_semaphore, #tpu.memory_space<semaphore_mem>>)
      %dma_wait3A_53 = arith.constant 0 : i32
      %dma_wait3A_54 = tpu.memref_slice %arg4[%mul3A_2, %dma_wait3A_53] : memref<10240x128xi32, #tpu.memory_space<hbm>> -> memref<320x128xi32, #tpu.memory_space<hbm>>
      %dma_wait3A_55 = arith.constant 0 : i32
      %dma_wait3A_56 = tpu.memref_slice %arg4[%mul3A_2, %dma_wait3A_55] : memref<10240x128xi32, #tpu.memory_space<hbm>> -> memref<320x128xi32, #tpu.memory_space<hbm>>
      tpu.wait_dma2 semaphore(%run_scoped3A : memref<!tpu.dma_semaphore, #tpu.memory_space<semaphore_mem>>) src(%arg6 : memref<320x128xi32, #tpu.memory_space<vmem>>) dst(%dma_wait3A_56 : memref<320x128xi32, #tpu.memory_space<hbm>>)
      tpu.yield
    }) : () -> ()
    return
  }
}

#map = affine_map<(d0, d1) -> (0, 0)>
#map1 = affine_map<(d0, d1) -> (0)>
module attributes {stable_mosaic.version = 14 : i64} {
  func.func @gather_k(%arg0: i32, %arg1: i32, %arg2: memref<100000x128xi32, #tpu.memory_space<hbm>>, %arg3: memref<10240xi32, #tpu.memory_space<hbm>>, %arg4: memref<10240x128xi32, #tpu.memory_space<hbm>>, %arg5: memref<320xi32, #tpu.memory_space<vmem>>, %arg6: memref<320x128xi32, #tpu.memory_space<vmem>>, %arg7: memref<!tpu.dma_semaphore, #tpu.memory_space<semaphore_mem>>) attributes {dimension_semantics = [#tpu.dimension_semantics<core_parallel>, #tpu.dimension_semantics<subcore_parallel>], iteration_bounds = array<i64: 2, 16>, scalar_prefetch = 0 : i64, scratch_operands = 3 : i64, tpu.core_type = #tpu.core_type<sc_vector_subcore>, window_params = [{transform_indices = #map}, {transform_indices = #map1}, {transform_indices = #map}]} {
    %mul3A = arith.constant 2 : i32
    %mul3A_0 = arith.muli %arg1, %mul3A : i32
    %add3A = arith.addi %mul3A_0, %arg0 : i32
    %mul3A_1 = arith.constant 320 : i32
    %mul3A_2 = arith.muli %add3A, %mul3A_1 : i32
    "tpu.region"() ({
      %run_scoped3A = tpu.sem_alloc : memref<!tpu.dma_semaphore, #tpu.memory_space<semaphore_mem>>
      %dma_start3A_49 = tpu.memref_slice %arg3[%mul3A_2] : memref<10240xi32, #tpu.memory_space<hbm>> -> memref<320xi32, #tpu.memory_space<hbm>>
      %dma_start3A_50 = tpu.memref_slice %arg3[%mul3A_2] : memref<10240xi32, #tpu.memory_space<hbm>> -> memref<320xi32, #tpu.memory_space<hbm>>
      tpu.enqueue_dma source(%dma_start3A_50 : memref<320xi32, #tpu.memory_space<hbm>>) target(%arg5 : memref<320xi32, #tpu.memory_space<vmem>>) target_semaphore(%run_scoped3A : memref<!tpu.dma_semaphore, #tpu.memory_space<semaphore_mem>>)
      %dma_wait3A_51 = tpu.memref_slice %arg3[%mul3A_2] : memref<10240xi32, #tpu.memory_space<hbm>> -> memref<320xi32, #tpu.memory_space<hbm>>
      %dma_wait3A_52 = tpu.memref_slice %arg3[%mul3A_2] : memref<10240xi32, #tpu.memory_space<hbm>> -> memref<320xi32, #tpu.memory_space<hbm>>
      tpu.wait_dma2 semaphore(%run_scoped3A : memref<!tpu.dma_semaphore, #tpu.memory_space<semaphore_mem>>) src(%dma_wait3A_52 : memref<320xi32, #tpu.memory_space<hbm>>) dst(%arg5 : memref<320xi32, #tpu.memory_space<vmem>>)
      tpu.yield
    }) : () -> ()
    %dma_start3A = arith.constant 0 : i32
    %dma_start3A_3 = arith.constant 0 : i32
    %dma_start3A_4 = tpu.memref_slice %arg6[%dma_start3A, %dma_start3A_3] : memref<320x128xi32, #tpu.memory_space<vmem>> -> memref<128x128xi32, #tpu.memory_space<vmem>>
    %dma_start3A_5 = arith.constant 0 : i32
    %dma_start3A_6 = tpu.memref_slice %arg5[%dma_start3A_5] : memref<320xi32, #tpu.memory_space<vmem>> -> memref<128xi32, #tpu.memory_space<vmem>>
    %dma_start3A_7 = arith.constant 0 : i32
    %dma_start3A_8 = arith.constant 0 : i32
    %dma_start3A_9 = tpu.memref_slice %arg2[%dma_start3A_7, %dma_start3A_8] : memref<100000x128xi32, #tpu.memory_space<hbm>> -> memref<100000x128xi32, #tpu.memory_space<hbm>>
    tpu.enqueue_indirect_dma source(%dma_start3A_9 : memref<100000x128xi32, #tpu.memory_space<hbm>>) target(%dma_start3A_4 : memref<128x128xi32, #tpu.memory_space<vmem>>) offsets(%dma_start3A_6 : memref<128xi32, #tpu.memory_space<vmem>>) semaphore(%arg7 : memref<!tpu.dma_semaphore, #tpu.memory_space<semaphore_mem>>)
    %dma_start3A_10 = arith.constant 128 : i32
    %dma_start3A_11 = arith.constant 0 : i32
    %dma_start3A_12 = tpu.memref_slice %arg6[%dma_start3A_10, %dma_start3A_11] : memref<320x128xi32, #tpu.memory_space<vmem>> -> memref<128x128xi32, #tpu.memory_space<vmem>>
    %dma_start3A_13 = arith.constant 128 : i32
    %dma_start3A_14 = tpu.memref_slice %arg5[%dma_start3A_13] : memref<320xi32, #tpu.memory_space<vmem>> -> memref<128xi32, #tpu.memory_space<vmem>>
    %dma_start3A_15 = arith.constant 0 : i32
    %dma_start3A_16 = arith.constant 0 : i32
    %dma_start3A_17 = tpu.memref_slice %arg2[%dma_start3A_15, %dma_start3A_16] : memref<100000x128xi32, #tpu.memory_space<hbm>> -> memref<100000x128xi32, #tpu.memory_space<hbm>>
    tpu.enqueue_indirect_dma source(%dma_start3A_17 : memref<100000x128xi32, #tpu.memory_space<hbm>>) target(%dma_start3A_12 : memref<128x128xi32, #tpu.memory_space<vmem>>) offsets(%dma_start3A_14 : memref<128xi32, #tpu.memory_space<vmem>>) semaphore(%arg7 : memref<!tpu.dma_semaphore, #tpu.memory_space<semaphore_mem>>)
    %dma_start3A_18 = arith.constant 256 : i32
    %dma_start3A_19 = arith.constant 0 : i32
    %dma_start3A_20 = tpu.memref_slice %arg6[%dma_start3A_18, %dma_start3A_19] : memref<320x128xi32, #tpu.memory_space<vmem>> -> memref<64x128xi32, #tpu.memory_space<vmem>>
    %dma_start3A_21 = arith.constant 256 : i32
    %dma_start3A_22 = tpu.memref_slice %arg5[%dma_start3A_21] : memref<320xi32, #tpu.memory_space<vmem>> -> memref<64xi32, #tpu.memory_space<vmem>>
    %dma_start3A_23 = arith.constant 0 : i32
    %dma_start3A_24 = arith.constant 0 : i32
    %dma_start3A_25 = tpu.memref_slice %arg2[%dma_start3A_23, %dma_start3A_24] : memref<100000x128xi32, #tpu.memory_space<hbm>> -> memref<100000x128xi32, #tpu.memory_space<hbm>>
    tpu.enqueue_indirect_dma source(%dma_start3A_25 : memref<100000x128xi32, #tpu.memory_space<hbm>>) target(%dma_start3A_20 : memref<64x128xi32, #tpu.memory_space<vmem>>) offsets(%dma_start3A_22 : memref<64xi32, #tpu.memory_space<vmem>>) semaphore(%arg7 : memref<!tpu.dma_semaphore, #tpu.memory_space<semaphore_mem>>)
    %dma_wait3A = arith.constant 0 : i32
    %dma_wait3A_26 = arith.constant 0 : i32
    %dma_wait3A_27 = tpu.memref_slice %arg6[%dma_wait3A, %dma_wait3A_26] : memref<320x128xi32, #tpu.memory_space<vmem>> -> memref<128x128xi32, #tpu.memory_space<vmem>>
    %dma_wait3A_28 = arith.constant 0 : i32
    %dma_wait3A_29 = tpu.memref_slice %arg5[%dma_wait3A_28] : memref<320xi32, #tpu.memory_space<vmem>> -> memref<128xi32, #tpu.memory_space<vmem>>
    %dma_wait3A_30 = arith.constant 0 : i32
    %dma_wait3A_31 = arith.constant 0 : i32
    %dma_wait3A_32 = tpu.memref_slice %arg2[%dma_wait3A_30, %dma_wait3A_31] : memref<100000x128xi32, #tpu.memory_space<hbm>> -> memref<100000x128xi32, #tpu.memory_space<hbm>>
    tpu.wait_indirect_dma semaphore(%arg7 : memref<!tpu.dma_semaphore, #tpu.memory_space<semaphore_mem>>) src(%dma_wait3A_32 : memref<100000x128xi32, #tpu.memory_space<hbm>>) dst(%dma_wait3A_27 : memref<128x128xi32, #tpu.memory_space<vmem>>)
    %dma_wait3A_33 = arith.constant 128 : i32
    %dma_wait3A_34 = arith.constant 0 : i32
    %dma_wait3A_35 = tpu.memref_slice %arg6[%dma_wait3A_33, %dma_wait3A_34] : memref<320x128xi32, #tpu.memory_space<vmem>> -> memref<128x128xi32, #tpu.memory_space<vmem>>
    %dma_wait3A_36 = arith.constant 128 : i32
    %dma_wait3A_37 = tpu.memref_slice %arg5[%dma_wait3A_36] : memref<320xi32, #tpu.memory_space<vmem>> -> memref<128xi32, #tpu.memory_space<vmem>>
    %dma_wait3A_38 = arith.constant 0 : i32
    %dma_wait3A_39 = arith.constant 0 : i32
    %dma_wait3A_40 = tpu.memref_slice %arg2[%dma_wait3A_38, %dma_wait3A_39] : memref<100000x128xi32, #tpu.memory_space<hbm>> -> memref<100000x128xi32, #tpu.memory_space<hbm>>
    tpu.wait_indirect_dma semaphore(%arg7 : memref<!tpu.dma_semaphore, #tpu.memory_space<semaphore_mem>>) src(%dma_wait3A_40 : memref<100000x128xi32, #tpu.memory_space<hbm>>) dst(%dma_wait3A_35 : memref<128x128xi32, #tpu.memory_space<vmem>>)
    %dma_wait3A_41 = arith.constant 256 : i32
    %dma_wait3A_42 = arith.constant 0 : i32
    %dma_wait3A_43 = tpu.memref_slice %arg6[%dma_wait3A_41, %dma_wait3A_42] : memref<320x128xi32, #tpu.memory_space<vmem>> -> memref<64x128xi32, #tpu.memory_space<vmem>>
    %dma_wait3A_44 = arith.constant 256 : i32
    %dma_wait3A_45 = tpu.memref_slice %arg5[%dma_wait3A_44] : memref<320xi32, #tpu.memory_space<vmem>> -> memref<64xi32, #tpu.memory_space<vmem>>
    %dma_wait3A_46 = arith.constant 0 : i32
    %dma_wait3A_47 = arith.constant 0 : i32
    %dma_wait3A_48 = tpu.memref_slice %arg2[%dma_wait3A_46, %dma_wait3A_47] : memref<100000x128xi32, #tpu.memory_space<hbm>> -> memref<100000x128xi32, #tpu.memory_space<hbm>>
    tpu.wait_indirect_dma semaphore(%arg7 : memref<!tpu.dma_semaphore, #tpu.memory_space<semaphore_mem>>) src(%dma_wait3A_48 : memref<100000x128xi32, #tpu.memory_space<hbm>>) dst(%dma_wait3A_43 : memref<64x128xi32, #tpu.memory_space<vmem>>)
    "tpu.region"() ({
      %run_scoped3A = tpu.sem_alloc : memref<!tpu.dma_semaphore, #tpu.memory_space<semaphore_mem>>
      %dma_start3A_49 = arith.constant 0 : i32
      %dma_start3A_50 = tpu.memref_slice %arg4[%mul3A_2, %dma_start3A_49] : memref<10240x128xi32, #tpu.memory_space<hbm>> -> memref<320x128xi32, #tpu.memory_space<hbm>>
      %dma_start3A_51 = arith.constant 0 : i32
      %dma_start3A_52 = tpu.memref_slice %arg4[%mul3A_2, %dma_start3A_51] : memref<10240x128xi32, #tpu.memory_space<hbm>> -> memref<320x128xi32, #tpu.memory_space<hbm>>
      tpu.enqueue_dma source(%arg6 : memref<320x128xi32, #tpu.memory_space<vmem>>) target(%dma_start3A_52 : memref<320x128xi32, #tpu.memory_space<hbm>>) target_semaphore(%run_scoped3A : memref<!tpu.dma_semaphore, #tpu.memory_space<semaphore_mem>>)
      %dma_wait3A_53 = arith.constant 0 : i32
      %dma_wait3A_54 = tpu.memref_slice %arg4[%mul3A_2, %dma_wait3A_53] : memref<10240x128xi32, #tpu.memory_space<hbm>> -> memref<320x128xi32, #tpu.memory_space<hbm>>
      %dma_wait3A_55 = arith.constant 0 : i32
      %dma_wait3A_56 = tpu.memref_slice %arg4[%mul3A_2, %dma_wait3A_55] : memref<10240x128xi32, #tpu.memory_space<hbm>> -> memref<320x128xi32, #tpu.memory_space<hbm>>
      tpu.wait_dma2 semaphore(%run_scoped3A : memref<!tpu.dma_semaphore, #tpu.memory_space<semaphore_mem>>) src(%arg6 : memref<320x128xi32, #tpu.memory_space<vmem>>) dst(%dma_wait3A_56 : memref<320x128xi32, #tpu.memory_space<hbm>>)
      tpu.yield
    }) : () -> ()
    return
  }
}

#map = affine_map<(d0, d1) -> (0, 0)>
#map1 = affine_map<(d0, d1) -> (0)>
module attributes {stable_mosaic.version = 14 : i64} {
  func.func @gather_k(%arg0: i32, %arg1: i32, %arg2: memref<100000x128xi32, #tpu.memory_space<hbm>>, %arg3: memref<10240xi32, #tpu.memory_space<hbm>>, %arg4: memref<10240x128xi32, #tpu.memory_space<hbm>>, %arg5: memref<320xi32, #tpu.memory_space<vmem>>, %arg6: memref<320x128xi32, #tpu.memory_space<vmem>>, %arg7: memref<!tpu.dma_semaphore, #tpu.memory_space<semaphore_mem>>) attributes {dimension_semantics = [#tpu.dimension_semantics<core_parallel>, #tpu.dimension_semantics<subcore_parallel>], iteration_bounds = array<i64: 2, 16>, scalar_prefetch = 0 : i64, scratch_operands = 3 : i64, tpu.core_type = #tpu.core_type<sc_vector_subcore>, window_params = [{transform_indices = #map}, {transform_indices = #map1}, {transform_indices = #map}]} {
    %mul3A = arith.constant 2 : i32
    %mul3A_0 = arith.muli %arg1, %mul3A : i32
    %add3A = arith.addi %mul3A_0, %arg0 : i32
    %mul3A_1 = arith.constant 320 : i32
    %mul3A_2 = arith.muli %add3A, %mul3A_1 : i32
    "tpu.region"() ({
      %run_scoped3A = tpu.sem_alloc : memref<!tpu.dma_semaphore, #tpu.memory_space<semaphore_mem>>
      %dma_start3A_49 = tpu.memref_slice %arg3[%mul3A_2] : memref<10240xi32, #tpu.memory_space<hbm>> -> memref<320xi32, #tpu.memory_space<hbm>>
      %dma_start3A_50 = tpu.memref_slice %arg3[%mul3A_2] : memref<10240xi32, #tpu.memory_space<hbm>> -> memref<320xi32, #tpu.memory_space<hbm>>
      tpu.enqueue_dma source(%dma_start3A_50 : memref<320xi32, #tpu.memory_space<hbm>>) target(%arg5 : memref<320xi32, #tpu.memory_space<vmem>>) target_semaphore(%run_scoped3A : memref<!tpu.dma_semaphore, #tpu.memory_space<semaphore_mem>>)
      %dma_wait3A_51 = tpu.memref_slice %arg3[%mul3A_2] : memref<10240xi32, #tpu.memory_space<hbm>> -> memref<320xi32, #tpu.memory_space<hbm>>
      %dma_wait3A_52 = tpu.memref_slice %arg3[%mul3A_2] : memref<10240xi32, #tpu.memory_space<hbm>> -> memref<320xi32, #tpu.memory_space<hbm>>
      tpu.wait_dma2 semaphore(%run_scoped3A : memref<!tpu.dma_semaphore, #tpu.memory_space<semaphore_mem>>) src(%dma_wait3A_52 : memref<320xi32, #tpu.memory_space<hbm>>) dst(%arg5 : memref<320xi32, #tpu.memory_space<vmem>>)
      tpu.yield
    }) : () -> ()
    %dma_start3A = arith.constant 0 : i32
    %dma_start3A_3 = arith.constant 0 : i32
    %dma_start3A_4 = tpu.memref_slice %arg6[%dma_start3A, %dma_start3A_3] : memref<320x128xi32, #tpu.memory_space<vmem>> -> memref<128x128xi32, #tpu.memory_space<vmem>>
    %dma_start3A_5 = arith.constant 0 : i32
    %dma_start3A_6 = tpu.memref_slice %arg5[%dma_start3A_5] : memref<320xi32, #tpu.memory_space<vmem>> -> memref<128xi32, #tpu.memory_space<vmem>>
    %dma_start3A_7 = arith.constant 0 : i32
    %dma_start3A_8 = arith.constant 0 : i32
    %dma_start3A_9 = tpu.memref_slice %arg2[%dma_start3A_7, %dma_start3A_8] : memref<100000x128xi32, #tpu.memory_space<hbm>> -> memref<100000x128xi32, #tpu.memory_space<hbm>>
    tpu.enqueue_indirect_dma source(%dma_start3A_9 : memref<100000x128xi32, #tpu.memory_space<hbm>>) target(%dma_start3A_4 : memref<128x128xi32, #tpu.memory_space<vmem>>) offsets(%dma_start3A_6 : memref<128xi32, #tpu.memory_space<vmem>>) semaphore(%arg7 : memref<!tpu.dma_semaphore, #tpu.memory_space<semaphore_mem>>)
    %dma_start3A_10 = arith.constant 128 : i32
    %dma_start3A_11 = arith.constant 0 : i32
    %dma_start3A_12 = tpu.memref_slice %arg6[%dma_start3A_10, %dma_start3A_11] : memref<320x128xi32, #tpu.memory_space<vmem>> -> memref<128x128xi32, #tpu.memory_space<vmem>>
    %dma_start3A_13 = arith.constant 128 : i32
    %dma_start3A_14 = tpu.memref_slice %arg5[%dma_start3A_13] : memref<320xi32, #tpu.memory_space<vmem>> -> memref<128xi32, #tpu.memory_space<vmem>>
    %dma_start3A_15 = arith.constant 0 : i32
    %dma_start3A_16 = arith.constant 0 : i32
    %dma_start3A_17 = tpu.memref_slice %arg2[%dma_start3A_15, %dma_start3A_16] : memref<100000x128xi32, #tpu.memory_space<hbm>> -> memref<100000x128xi32, #tpu.memory_space<hbm>>
    tpu.enqueue_indirect_dma source(%dma_start3A_17 : memref<100000x128xi32, #tpu.memory_space<hbm>>) target(%dma_start3A_12 : memref<128x128xi32, #tpu.memory_space<vmem>>) offsets(%dma_start3A_14 : memref<128xi32, #tpu.memory_space<vmem>>) semaphore(%arg7 : memref<!tpu.dma_semaphore, #tpu.memory_space<semaphore_mem>>)
    %dma_start3A_18 = arith.constant 256 : i32
    %dma_start3A_19 = arith.constant 0 : i32
    %dma_start3A_20 = tpu.memref_slice %arg6[%dma_start3A_18, %dma_start3A_19] : memref<320x128xi32, #tpu.memory_space<vmem>> -> memref<64x128xi32, #tpu.memory_space<vmem>>
    %dma_start3A_21 = arith.constant 256 : i32
    %dma_start3A_22 = tpu.memref_slice %arg5[%dma_start3A_21] : memref<320xi32, #tpu.memory_space<vmem>> -> memref<64xi32, #tpu.memory_space<vmem>>
    %dma_start3A_23 = arith.constant 0 : i32
    %dma_start3A_24 = arith.constant 0 : i32
    %dma_start3A_25 = tpu.memref_slice %arg2[%dma_start3A_23, %dma_start3A_24] : memref<100000x128xi32, #tpu.memory_space<hbm>> -> memref<100000x128xi32, #tpu.memory_space<hbm>>
    tpu.enqueue_indirect_dma source(%dma_start3A_25 : memref<100000x128xi32, #tpu.memory_space<hbm>>) target(%dma_start3A_20 : memref<64x128xi32, #tpu.memory_space<vmem>>) offsets(%dma_start3A_22 : memref<64xi32, #tpu.memory_space<vmem>>) semaphore(%arg7 : memref<!tpu.dma_semaphore, #tpu.memory_space<semaphore_mem>>)
    %dma_wait3A = arith.constant 0 : i32
    %dma_wait3A_26 = arith.constant 0 : i32
    %dma_wait3A_27 = tpu.memref_slice %arg6[%dma_wait3A, %dma_wait3A_26] : memref<320x128xi32, #tpu.memory_space<vmem>> -> memref<128x128xi32, #tpu.memory_space<vmem>>
    %dma_wait3A_28 = arith.constant 0 : i32
    %dma_wait3A_29 = tpu.memref_slice %arg5[%dma_wait3A_28] : memref<320xi32, #tpu.memory_space<vmem>> -> memref<128xi32, #tpu.memory_space<vmem>>
    %dma_wait3A_30 = arith.constant 0 : i32
    %dma_wait3A_31 = arith.constant 0 : i32
    %dma_wait3A_32 = tpu.memref_slice %arg2[%dma_wait3A_30, %dma_wait3A_31] : memref<100000x128xi32, #tpu.memory_space<hbm>> -> memref<100000x128xi32, #tpu.memory_space<hbm>>
    tpu.wait_indirect_dma semaphore(%arg7 : memref<!tpu.dma_semaphore, #tpu.memory_space<semaphore_mem>>) src(%dma_wait3A_32 : memref<100000x128xi32, #tpu.memory_space<hbm>>) dst(%dma_wait3A_27 : memref<128x128xi32, #tpu.memory_space<vmem>>)
    %dma_wait3A_33 = arith.constant 128 : i32
    %dma_wait3A_34 = arith.constant 0 : i32
    %dma_wait3A_35 = tpu.memref_slice %arg6[%dma_wait3A_33, %dma_wait3A_34] : memref<320x128xi32, #tpu.memory_space<vmem>> -> memref<128x128xi32, #tpu.memory_space<vmem>>
    %dma_wait3A_36 = arith.constant 128 : i32
    %dma_wait3A_37 = tpu.memref_slice %arg5[%dma_wait3A_36] : memref<320xi32, #tpu.memory_space<vmem>> -> memref<128xi32, #tpu.memory_space<vmem>>
    %dma_wait3A_38 = arith.constant 0 : i32
    %dma_wait3A_39 = arith.constant 0 : i32
    %dma_wait3A_40 = tpu.memref_slice %arg2[%dma_wait3A_38, %dma_wait3A_39] : memref<100000x128xi32, #tpu.memory_space<hbm>> -> memref<100000x128xi32, #tpu.memory_space<hbm>>
    tpu.wait_indirect_dma semaphore(%arg7 : memref<!tpu.dma_semaphore, #tpu.memory_space<semaphore_mem>>) src(%dma_wait3A_40 : memref<100000x128xi32, #tpu.memory_space<hbm>>) dst(%dma_wait3A_35 : memref<128x128xi32, #tpu.memory_space<vmem>>)
    %dma_wait3A_41 = arith.constant 256 : i32
    %dma_wait3A_42 = arith.constant 0 : i32
    %dma_wait3A_43 = tpu.memref_slice %arg6[%dma_wait3A_41, %dma_wait3A_42] : memref<320x128xi32, #tpu.memory_space<vmem>> -> memref<64x128xi32, #tpu.memory_space<vmem>>
    %dma_wait3A_44 = arith.constant 256 : i32
    %dma_wait3A_45 = tpu.memref_slice %arg5[%dma_wait3A_44] : memref<320xi32, #tpu.memory_space<vmem>> -> memref<64xi32, #tpu.memory_space<vmem>>
    %dma_wait3A_46 = arith.constant 0 : i32
    %dma_wait3A_47 = arith.constant 0 : i32
    %dma_wait3A_48 = tpu.memref_slice %arg2[%dma_wait3A_46, %dma_wait3A_47] : memref<100000x128xi32, #tpu.memory_space<hbm>> -> memref<100000x128xi32, #tpu.memory_space<hbm>>
    tpu.wait_indirect_dma semaphore(%arg7 : memref<!tpu.dma_semaphore, #tpu.memory_space<semaphore_mem>>) src(%dma_wait3A_48 : memref<100000x128xi32, #tpu.memory_space<hbm>>) dst(%dma_wait3A_43 : memref<64x128xi32, #tpu.memory_space<vmem>>)
    "tpu.region"() ({
      %run_scoped3A = tpu.sem_alloc : memref<!tpu.dma_semaphore, #tpu.memory_space<semaphore_mem>>
      %dma_start3A_49 = arith.constant 0 : i32
      %dma_start3A_50 = tpu.memref_slice %arg4[%mul3A_2, %dma_start3A_49] : memref<10240x128xi32, #tpu.memory_space<hbm>> -> memref<320x128xi32, #tpu.memory_space<hbm>>
      %dma_start3A_51 = arith.constant 0 : i32
      %dma_start3A_52 = tpu.memref_slice %arg4[%mul3A_2, %dma_start3A_51] : memref<10240x128xi32, #tpu.memory_space<hbm>> -> memref<320x128xi32, #tpu.memory_space<hbm>>
      tpu.enqueue_dma source(%arg6 : memref<320x128xi32, #tpu.memory_space<vmem>>) target(%dma_start3A_52 : memref<320x128xi32, #tpu.memory_space<hbm>>) target_semaphore(%run_scoped3A : memref<!tpu.dma_semaphore, #tpu.memory_space<semaphore_mem>>)
      %dma_wait3A_53 = arith.constant 0 : i32
      %dma_wait3A_54 = tpu.memref_slice %arg4[%mul3A_2, %dma_wait3A_53] : memref<10240x128xi32, #tpu.memory_space<hbm>> -> memref<320x128xi32, #tpu.memory_space<hbm>>
      %dma_wait3A_55 = arith.constant 0 : i32
      %dma_wait3A_56 = tpu.memref_slice %arg4[%mul3A_2, %dma_wait3A_55] : memref<10240x128xi32, #tpu.memory_space<hbm>> -> memref<320x128xi32, #tpu.memory_space<hbm>>
      tpu.wait_dma2 semaphore(%run_scoped3A : memref<!tpu.dma_semaphore, #tpu.memory_space<semaphore_mem>>) src(%arg6 : memref<320x128xi32, #tpu.memory_space<vmem>>) dst(%dma_wait3A_56 : memref<320x128xi32, #tpu.memory_space<hbm>>)
      tpu.yield
    }) : () -> ()
    return
  }
}

#map = affine_map<(d0, d1) -> (0, 0)>
#map1 = affine_map<(d0, d1) -> (0)>
module attributes {stable_mosaic.version = 14 : i64} {
  func.func @gather_k(%arg0: i32, %arg1: i32, %arg2: memref<100000x128xi32, #tpu.memory_space<hbm>>, %arg3: memref<10240xi32, #tpu.memory_space<hbm>>, %arg4: memref<10240x128xi32, #tpu.memory_space<hbm>>, %arg5: memref<320xi32, #tpu.memory_space<vmem>>, %arg6: memref<320x128xi32, #tpu.memory_space<vmem>>, %arg7: memref<!tpu.dma_semaphore, #tpu.memory_space<semaphore_mem>>) attributes {dimension_semantics = [#tpu.dimension_semantics<core_parallel>, #tpu.dimension_semantics<subcore_parallel>], iteration_bounds = array<i64: 2, 16>, scalar_prefetch = 0 : i64, scratch_operands = 3 : i64, tpu.core_type = #tpu.core_type<sc_vector_subcore>, window_params = [{transform_indices = #map}, {transform_indices = #map1}, {transform_indices = #map}]} {
    %mul3A = arith.constant 2 : i32
    %mul3A_0 = arith.muli %arg1, %mul3A : i32
    %add3A = arith.addi %mul3A_0, %arg0 : i32
    %mul3A_1 = arith.constant 320 : i32
    %mul3A_2 = arith.muli %add3A, %mul3A_1 : i32
    "tpu.region"() ({
      %run_scoped3A = tpu.sem_alloc : memref<!tpu.dma_semaphore, #tpu.memory_space<semaphore_mem>>
      %dma_start3A_49 = tpu.memref_slice %arg3[%mul3A_2] : memref<10240xi32, #tpu.memory_space<hbm>> -> memref<320xi32, #tpu.memory_space<hbm>>
      %dma_start3A_50 = tpu.memref_slice %arg3[%mul3A_2] : memref<10240xi32, #tpu.memory_space<hbm>> -> memref<320xi32, #tpu.memory_space<hbm>>
      tpu.enqueue_dma source(%dma_start3A_50 : memref<320xi32, #tpu.memory_space<hbm>>) target(%arg5 : memref<320xi32, #tpu.memory_space<vmem>>) target_semaphore(%run_scoped3A : memref<!tpu.dma_semaphore, #tpu.memory_space<semaphore_mem>>)
      %dma_wait3A_51 = tpu.memref_slice %arg3[%mul3A_2] : memref<10240xi32, #tpu.memory_space<hbm>> -> memref<320xi32, #tpu.memory_space<hbm>>
      %dma_wait3A_52 = tpu.memref_slice %arg3[%mul3A_2] : memref<10240xi32, #tpu.memory_space<hbm>> -> memref<320xi32, #tpu.memory_space<hbm>>
      tpu.wait_dma2 semaphore(%run_scoped3A : memref<!tpu.dma_semaphore, #tpu.memory_space<semaphore_mem>>) src(%dma_wait3A_52 : memref<320xi32, #tpu.memory_space<hbm>>) dst(%arg5 : memref<320xi32, #tpu.memory_space<vmem>>)
      tpu.yield
    }) : () -> ()
    %dma_start3A = arith.constant 0 : i32
    %dma_start3A_3 = arith.constant 0 : i32
    %dma_start3A_4 = tpu.memref_slice %arg6[%dma_start3A, %dma_start3A_3] : memref<320x128xi32, #tpu.memory_space<vmem>> -> memref<128x128xi32, #tpu.memory_space<vmem>>
    %dma_start3A_5 = arith.constant 0 : i32
    %dma_start3A_6 = tpu.memref_slice %arg5[%dma_start3A_5] : memref<320xi32, #tpu.memory_space<vmem>> -> memref<128xi32, #tpu.memory_space<vmem>>
    %dma_start3A_7 = arith.constant 0 : i32
    %dma_start3A_8 = arith.constant 0 : i32
    %dma_start3A_9 = tpu.memref_slice %arg2[%dma_start3A_7, %dma_start3A_8] : memref<100000x128xi32, #tpu.memory_space<hbm>> -> memref<100000x128xi32, #tpu.memory_space<hbm>>
    tpu.enqueue_indirect_dma source(%dma_start3A_9 : memref<100000x128xi32, #tpu.memory_space<hbm>>) target(%dma_start3A_4 : memref<128x128xi32, #tpu.memory_space<vmem>>) offsets(%dma_start3A_6 : memref<128xi32, #tpu.memory_space<vmem>>) semaphore(%arg7 : memref<!tpu.dma_semaphore, #tpu.memory_space<semaphore_mem>>)
    %dma_start3A_10 = arith.constant 128 : i32
    %dma_start3A_11 = arith.constant 0 : i32
    %dma_start3A_12 = tpu.memref_slice %arg6[%dma_start3A_10, %dma_start3A_11] : memref<320x128xi32, #tpu.memory_space<vmem>> -> memref<128x128xi32, #tpu.memory_space<vmem>>
    %dma_start3A_13 = arith.constant 128 : i32
    %dma_start3A_14 = tpu.memref_slice %arg5[%dma_start3A_13] : memref<320xi32, #tpu.memory_space<vmem>> -> memref<128xi32, #tpu.memory_space<vmem>>
    %dma_start3A_15 = arith.constant 0 : i32
    %dma_start3A_16 = arith.constant 0 : i32
    %dma_start3A_17 = tpu.memref_slice %arg2[%dma_start3A_15, %dma_start3A_16] : memref<100000x128xi32, #tpu.memory_space<hbm>> -> memref<100000x128xi32, #tpu.memory_space<hbm>>
    tpu.enqueue_indirect_dma source(%dma_start3A_17 : memref<100000x128xi32, #tpu.memory_space<hbm>>) target(%dma_start3A_12 : memref<128x128xi32, #tpu.memory_space<vmem>>) offsets(%dma_start3A_14 : memref<128xi32, #tpu.memory_space<vmem>>) semaphore(%arg7 : memref<!tpu.dma_semaphore, #tpu.memory_space<semaphore_mem>>)
    %dma_start3A_18 = arith.constant 256 : i32
    %dma_start3A_19 = arith.constant 0 : i32
    %dma_start3A_20 = tpu.memref_slice %arg6[%dma_start3A_18, %dma_start3A_19] : memref<320x128xi32, #tpu.memory_space<vmem>> -> memref<64x128xi32, #tpu.memory_space<vmem>>
    %dma_start3A_21 = arith.constant 256 : i32
    %dma_start3A_22 = tpu.memref_slice %arg5[%dma_start3A_21] : memref<320xi32, #tpu.memory_space<vmem>> -> memref<64xi32, #tpu.memory_space<vmem>>
    %dma_start3A_23 = arith.constant 0 : i32
    %dma_start3A_24 = arith.constant 0 : i32
    %dma_start3A_25 = tpu.memref_slice %arg2[%dma_start3A_23, %dma_start3A_24] : memref<100000x128xi32, #tpu.memory_space<hbm>> -> memref<100000x128xi32, #tpu.memory_space<hbm>>
    tpu.enqueue_indirect_dma source(%dma_start3A_25 : memref<100000x128xi32, #tpu.memory_space<hbm>>) target(%dma_start3A_20 : memref<64x128xi32, #tpu.memory_space<vmem>>) offsets(%dma_start3A_22 : memref<64xi32, #tpu.memory_space<vmem>>) semaphore(%arg7 : memref<!tpu.dma_semaphore, #tpu.memory_space<semaphore_mem>>)
    %dma_wait3A = arith.constant 0 : i32
    %dma_wait3A_26 = arith.constant 0 : i32
    %dma_wait3A_27 = tpu.memref_slice %arg6[%dma_wait3A, %dma_wait3A_26] : memref<320x128xi32, #tpu.memory_space<vmem>> -> memref<128x128xi32, #tpu.memory_space<vmem>>
    %dma_wait3A_28 = arith.constant 0 : i32
    %dma_wait3A_29 = tpu.memref_slice %arg5[%dma_wait3A_28] : memref<320xi32, #tpu.memory_space<vmem>> -> memref<128xi32, #tpu.memory_space<vmem>>
    %dma_wait3A_30 = arith.constant 0 : i32
    %dma_wait3A_31 = arith.constant 0 : i32
    %dma_wait3A_32 = tpu.memref_slice %arg2[%dma_wait3A_30, %dma_wait3A_31] : memref<100000x128xi32, #tpu.memory_space<hbm>> -> memref<100000x128xi32, #tpu.memory_space<hbm>>
    tpu.wait_indirect_dma semaphore(%arg7 : memref<!tpu.dma_semaphore, #tpu.memory_space<semaphore_mem>>) src(%dma_wait3A_32 : memref<100000x128xi32, #tpu.memory_space<hbm>>) dst(%dma_wait3A_27 : memref<128x128xi32, #tpu.memory_space<vmem>>)
    %dma_wait3A_33 = arith.constant 128 : i32
    %dma_wait3A_34 = arith.constant 0 : i32
    %dma_wait3A_35 = tpu.memref_slice %arg6[%dma_wait3A_33, %dma_wait3A_34] : memref<320x128xi32, #tpu.memory_space<vmem>> -> memref<128x128xi32, #tpu.memory_space<vmem>>
    %dma_wait3A_36 = arith.constant 128 : i32
    %dma_wait3A_37 = tpu.memref_slice %arg5[%dma_wait3A_36] : memref<320xi32, #tpu.memory_space<vmem>> -> memref<128xi32, #tpu.memory_space<vmem>>
    %dma_wait3A_38 = arith.constant 0 : i32
    %dma_wait3A_39 = arith.constant 0 : i32
    %dma_wait3A_40 = tpu.memref_slice %arg2[%dma_wait3A_38, %dma_wait3A_39] : memref<100000x128xi32, #tpu.memory_space<hbm>> -> memref<100000x128xi32, #tpu.memory_space<hbm>>
    tpu.wait_indirect_dma semaphore(%arg7 : memref<!tpu.dma_semaphore, #tpu.memory_space<semaphore_mem>>) src(%dma_wait3A_40 : memref<100000x128xi32, #tpu.memory_space<hbm>>) dst(%dma_wait3A_35 : memref<128x128xi32, #tpu.memory_space<vmem>>)
    %dma_wait3A_41 = arith.constant 256 : i32
    %dma_wait3A_42 = arith.constant 0 : i32
    %dma_wait3A_43 = tpu.memref_slice %arg6[%dma_wait3A_41, %dma_wait3A_42] : memref<320x128xi32, #tpu.memory_space<vmem>> -> memref<64x128xi32, #tpu.memory_space<vmem>>
    %dma_wait3A_44 = arith.constant 256 : i32
    %dma_wait3A_45 = tpu.memref_slice %arg5[%dma_wait3A_44] : memref<320xi32, #tpu.memory_space<vmem>> -> memref<64xi32, #tpu.memory_space<vmem>>
    %dma_wait3A_46 = arith.constant 0 : i32
    %dma_wait3A_47 = arith.constant 0 : i32
    %dma_wait3A_48 = tpu.memref_slice %arg2[%dma_wait3A_46, %dma_wait3A_47] : memref<100000x128xi32, #tpu.memory_space<hbm>> -> memref<100000x128xi32, #tpu.memory_space<hbm>>
    tpu.wait_indirect_dma semaphore(%arg7 : memref<!tpu.dma_semaphore, #tpu.memory_space<semaphore_mem>>) src(%dma_wait3A_48 : memref<100000x128xi32, #tpu.memory_space<hbm>>) dst(%dma_wait3A_43 : memref<64x128xi32, #tpu.memory_space<vmem>>)
    "tpu.region"() ({
      %run_scoped3A = tpu.sem_alloc : memref<!tpu.dma_semaphore, #tpu.memory_space<semaphore_mem>>
      %dma_start3A_49 = arith.constant 0 : i32
      %dma_start3A_50 = tpu.memref_slice %arg4[%mul3A_2, %dma_start3A_49] : memref<10240x128xi32, #tpu.memory_space<hbm>> -> memref<320x128xi32, #tpu.memory_space<hbm>>
      %dma_start3A_51 = arith.constant 0 : i32
      %dma_start3A_52 = tpu.memref_slice %arg4[%mul3A_2, %dma_start3A_51] : memref<10240x128xi32, #tpu.memory_space<hbm>> -> memref<320x128xi32, #tpu.memory_space<hbm>>
      tpu.enqueue_dma source(%arg6 : memref<320x128xi32, #tpu.memory_space<vmem>>) target(%dma_start3A_52 : memref<320x128xi32, #tpu.memory_space<hbm>>) target_semaphore(%run_scoped3A : memref<!tpu.dma_semaphore, #tpu.memory_space<semaphore_mem>>)
      %dma_wait3A_53 = arith.constant 0 : i32
      %dma_wait3A_54 = tpu.memref_slice %arg4[%mul3A_2, %dma_wait3A_53] : memref<10240x128xi32, #tpu.memory_space<hbm>> -> memref<320x128xi32, #tpu.memory_space<hbm>>
      %dma_wait3A_55 = arith.constant 0 : i32
      %dma_wait3A_56 = tpu.memref_slice %arg4[%mul3A_2, %dma_wait3A_55] : memref<10240x128xi32, #tpu.memory_space<hbm>> -> memref<320x128xi32, #tpu.memory_space<hbm>>
      tpu.wait_dma2 semaphore(%run_scoped3A : memref<!tpu.dma_semaphore, #tpu.memory_space<semaphore_mem>>) src(%arg6 : memref<320x128xi32, #tpu.memory_space<vmem>>) dst(%dma_wait3A_56 : memref<320x128xi32, #tpu.memory_space<hbm>>)
      tpu.yield
    }) : () -> ()
    return
  }
}

#map = affine_map<(d0, d1) -> (0, 0)>
#map1 = affine_map<(d0, d1) -> (0)>
module attributes {stable_mosaic.version = 14 : i64} {
  func.func @gather_k(%arg0: i32, %arg1: i32, %arg2: memref<100000x128xi32, #tpu.memory_space<hbm>>, %arg3: memref<10240xi32, #tpu.memory_space<hbm>>, %arg4: memref<10240x128xi32, #tpu.memory_space<hbm>>, %arg5: memref<320xi32, #tpu.memory_space<vmem>>, %arg6: memref<320x128xi32, #tpu.memory_space<vmem>>, %arg7: memref<!tpu.dma_semaphore, #tpu.memory_space<semaphore_mem>>) attributes {dimension_semantics = [#tpu.dimension_semantics<core_parallel>, #tpu.dimension_semantics<subcore_parallel>], iteration_bounds = array<i64: 2, 16>, scalar_prefetch = 0 : i64, scratch_operands = 3 : i64, tpu.core_type = #tpu.core_type<sc_vector_subcore>, window_params = [{transform_indices = #map}, {transform_indices = #map1}, {transform_indices = #map}]} {
    %mul3A = arith.constant 2 : i32
    %mul3A_0 = arith.muli %arg1, %mul3A : i32
    %add3A = arith.addi %mul3A_0, %arg0 : i32
    %mul3A_1 = arith.constant 320 : i32
    %mul3A_2 = arith.muli %add3A, %mul3A_1 : i32
    "tpu.region"() ({
      %run_scoped3A = tpu.sem_alloc : memref<!tpu.dma_semaphore, #tpu.memory_space<semaphore_mem>>
      %dma_start3A_49 = tpu.memref_slice %arg3[%mul3A_2] : memref<10240xi32, #tpu.memory_space<hbm>> -> memref<320xi32, #tpu.memory_space<hbm>>
      %dma_start3A_50 = tpu.memref_slice %arg3[%mul3A_2] : memref<10240xi32, #tpu.memory_space<hbm>> -> memref<320xi32, #tpu.memory_space<hbm>>
      tpu.enqueue_dma source(%dma_start3A_50 : memref<320xi32, #tpu.memory_space<hbm>>) target(%arg5 : memref<320xi32, #tpu.memory_space<vmem>>) target_semaphore(%run_scoped3A : memref<!tpu.dma_semaphore, #tpu.memory_space<semaphore_mem>>)
      %dma_wait3A_51 = tpu.memref_slice %arg3[%mul3A_2] : memref<10240xi32, #tpu.memory_space<hbm>> -> memref<320xi32, #tpu.memory_space<hbm>>
      %dma_wait3A_52 = tpu.memref_slice %arg3[%mul3A_2] : memref<10240xi32, #tpu.memory_space<hbm>> -> memref<320xi32, #tpu.memory_space<hbm>>
      tpu.wait_dma2 semaphore(%run_scoped3A : memref<!tpu.dma_semaphore, #tpu.memory_space<semaphore_mem>>) src(%dma_wait3A_52 : memref<320xi32, #tpu.memory_space<hbm>>) dst(%arg5 : memref<320xi32, #tpu.memory_space<vmem>>)
      tpu.yield
    }) : () -> ()
    %dma_start3A = arith.constant 0 : i32
    %dma_start3A_3 = arith.constant 0 : i32
    %dma_start3A_4 = tpu.memref_slice %arg6[%dma_start3A, %dma_start3A_3] : memref<320x128xi32, #tpu.memory_space<vmem>> -> memref<128x128xi32, #tpu.memory_space<vmem>>
    %dma_start3A_5 = arith.constant 0 : i32
    %dma_start3A_6 = tpu.memref_slice %arg5[%dma_start3A_5] : memref<320xi32, #tpu.memory_space<vmem>> -> memref<128xi32, #tpu.memory_space<vmem>>
    %dma_start3A_7 = arith.constant 0 : i32
    %dma_start3A_8 = arith.constant 0 : i32
    %dma_start3A_9 = tpu.memref_slice %arg2[%dma_start3A_7, %dma_start3A_8] : memref<100000x128xi32, #tpu.memory_space<hbm>> -> memref<100000x128xi32, #tpu.memory_space<hbm>>
    tpu.enqueue_indirect_dma source(%dma_start3A_9 : memref<100000x128xi32, #tpu.memory_space<hbm>>) target(%dma_start3A_4 : memref<128x128xi32, #tpu.memory_space<vmem>>) offsets(%dma_start3A_6 : memref<128xi32, #tpu.memory_space<vmem>>) semaphore(%arg7 : memref<!tpu.dma_semaphore, #tpu.memory_space<semaphore_mem>>)
    %dma_start3A_10 = arith.constant 128 : i32
    %dma_start3A_11 = arith.constant 0 : i32
    %dma_start3A_12 = tpu.memref_slice %arg6[%dma_start3A_10, %dma_start3A_11] : memref<320x128xi32, #tpu.memory_space<vmem>> -> memref<128x128xi32, #tpu.memory_space<vmem>>
    %dma_start3A_13 = arith.constant 128 : i32
    %dma_start3A_14 = tpu.memref_slice %arg5[%dma_start3A_13] : memref<320xi32, #tpu.memory_space<vmem>> -> memref<128xi32, #tpu.memory_space<vmem>>
    %dma_start3A_15 = arith.constant 0 : i32
    %dma_start3A_16 = arith.constant 0 : i32
    %dma_start3A_17 = tpu.memref_slice %arg2[%dma_start3A_15, %dma_start3A_16] : memref<100000x128xi32, #tpu.memory_space<hbm>> -> memref<100000x128xi32, #tpu.memory_space<hbm>>
    tpu.enqueue_indirect_dma source(%dma_start3A_17 : memref<100000x128xi32, #tpu.memory_space<hbm>>) target(%dma_start3A_12 : memref<128x128xi32, #tpu.memory_space<vmem>>) offsets(%dma_start3A_14 : memref<128xi32, #tpu.memory_space<vmem>>) semaphore(%arg7 : memref<!tpu.dma_semaphore, #tpu.memory_space<semaphore_mem>>)
    %dma_start3A_18 = arith.constant 256 : i32
    %dma_start3A_19 = arith.constant 0 : i32
    %dma_start3A_20 = tpu.memref_slice %arg6[%dma_start3A_18, %dma_start3A_19] : memref<320x128xi32, #tpu.memory_space<vmem>> -> memref<64x128xi32, #tpu.memory_space<vmem>>
    %dma_start3A_21 = arith.constant 256 : i32
    %dma_start3A_22 = tpu.memref_slice %arg5[%dma_start3A_21] : memref<320xi32, #tpu.memory_space<vmem>> -> memref<64xi32, #tpu.memory_space<vmem>>
    %dma_start3A_23 = arith.constant 0 : i32
    %dma_start3A_24 = arith.constant 0 : i32
    %dma_start3A_25 = tpu.memref_slice %arg2[%dma_start3A_23, %dma_start3A_24] : memref<100000x128xi32, #tpu.memory_space<hbm>> -> memref<100000x128xi32, #tpu.memory_space<hbm>>
    tpu.enqueue_indirect_dma source(%dma_start3A_25 : memref<100000x128xi32, #tpu.memory_space<hbm>>) target(%dma_start3A_20 : memref<64x128xi32, #tpu.memory_space<vmem>>) offsets(%dma_start3A_22 : memref<64xi32, #tpu.memory_space<vmem>>) semaphore(%arg7 : memref<!tpu.dma_semaphore, #tpu.memory_space<semaphore_mem>>)
    %dma_wait3A = arith.constant 0 : i32
    %dma_wait3A_26 = arith.constant 0 : i32
    %dma_wait3A_27 = tpu.memref_slice %arg6[%dma_wait3A, %dma_wait3A_26] : memref<320x128xi32, #tpu.memory_space<vmem>> -> memref<128x128xi32, #tpu.memory_space<vmem>>
    %dma_wait3A_28 = arith.constant 0 : i32
    %dma_wait3A_29 = tpu.memref_slice %arg5[%dma_wait3A_28] : memref<320xi32, #tpu.memory_space<vmem>> -> memref<128xi32, #tpu.memory_space<vmem>>
    %dma_wait3A_30 = arith.constant 0 : i32
    %dma_wait3A_31 = arith.constant 0 : i32
    %dma_wait3A_32 = tpu.memref_slice %arg2[%dma_wait3A_30, %dma_wait3A_31] : memref<100000x128xi32, #tpu.memory_space<hbm>> -> memref<100000x128xi32, #tpu.memory_space<hbm>>
    tpu.wait_indirect_dma semaphore(%arg7 : memref<!tpu.dma_semaphore, #tpu.memory_space<semaphore_mem>>) src(%dma_wait3A_32 : memref<100000x128xi32, #tpu.memory_space<hbm>>) dst(%dma_wait3A_27 : memref<128x128xi32, #tpu.memory_space<vmem>>)
    %dma_wait3A_33 = arith.constant 128 : i32
    %dma_wait3A_34 = arith.constant 0 : i32
    %dma_wait3A_35 = tpu.memref_slice %arg6[%dma_wait3A_33, %dma_wait3A_34] : memref<320x128xi32, #tpu.memory_space<vmem>> -> memref<128x128xi32, #tpu.memory_space<vmem>>
    %dma_wait3A_36 = arith.constant 128 : i32
    %dma_wait3A_37 = tpu.memref_slice %arg5[%dma_wait3A_36] : memref<320xi32, #tpu.memory_space<vmem>> -> memref<128xi32, #tpu.memory_space<vmem>>
    %dma_wait3A_38 = arith.constant 0 : i32
    %dma_wait3A_39 = arith.constant 0 : i32
    %dma_wait3A_40 = tpu.memref_slice %arg2[%dma_wait3A_38, %dma_wait3A_39] : memref<100000x128xi32, #tpu.memory_space<hbm>> -> memref<100000x128xi32, #tpu.memory_space<hbm>>
    tpu.wait_indirect_dma semaphore(%arg7 : memref<!tpu.dma_semaphore, #tpu.memory_space<semaphore_mem>>) src(%dma_wait3A_40 : memref<100000x128xi32, #tpu.memory_space<hbm>>) dst(%dma_wait3A_35 : memref<128x128xi32, #tpu.memory_space<vmem>>)
    %dma_wait3A_41 = arith.constant 256 : i32
    %dma_wait3A_42 = arith.constant 0 : i32
    %dma_wait3A_43 = tpu.memref_slice %arg6[%dma_wait3A_41, %dma_wait3A_42] : memref<320x128xi32, #tpu.memory_space<vmem>> -> memref<64x128xi32, #tpu.memory_space<vmem>>
    %dma_wait3A_44 = arith.constant 256 : i32
    %dma_wait3A_45 = tpu.memref_slice %arg5[%dma_wait3A_44] : memref<320xi32, #tpu.memory_space<vmem>> -> memref<64xi32, #tpu.memory_space<vmem>>
    %dma_wait3A_46 = arith.constant 0 : i32
    %dma_wait3A_47 = arith.constant 0 : i32
    %dma_wait3A_48 = tpu.memref_slice %arg2[%dma_wait3A_46, %dma_wait3A_47] : memref<100000x128xi32, #tpu.memory_space<hbm>> -> memref<100000x128xi32, #tpu.memory_space<hbm>>
    tpu.wait_indirect_dma semaphore(%arg7 : memref<!tpu.dma_semaphore, #tpu.memory_space<semaphore_mem>>) src(%dma_wait3A_48 : memref<100000x128xi32, #tpu.memory_space<hbm>>) dst(%dma_wait3A_43 : memref<64x128xi32, #tpu.memory_space<vmem>>)
    "tpu.region"() ({
      %run_scoped3A = tpu.sem_alloc : memref<!tpu.dma_semaphore, #tpu.memory_space<semaphore_mem>>
      %dma_start3A_49 = arith.constant 0 : i32
      %dma_start3A_50 = tpu.memref_slice %arg4[%mul3A_2, %dma_start3A_49] : memref<10240x128xi32, #tpu.memory_space<hbm>> -> memref<320x128xi32, #tpu.memory_space<hbm>>
      %dma_start3A_51 = arith.constant 0 : i32
      %dma_start3A_52 = tpu.memref_slice %arg4[%mul3A_2, %dma_start3A_51] : memref<10240x128xi32, #tpu.memory_space<hbm>> -> memref<320x128xi32, #tpu.memory_space<hbm>>
      tpu.enqueue_dma source(%arg6 : memref<320x128xi32, #tpu.memory_space<vmem>>) target(%dma_start3A_52 : memref<320x128xi32, #tpu.memory_space<hbm>>) target_semaphore(%run_scoped3A : memref<!tpu.dma_semaphore, #tpu.memory_space<semaphore_mem>>)
      %dma_wait3A_53 = arith.constant 0 : i32
      %dma_wait3A_54 = tpu.memref_slice %arg4[%mul3A_2, %dma_wait3A_53] : memref<10240x128xi32, #tpu.memory_space<hbm>> -> memref<320x128xi32, #tpu.memory_space<hbm>>
      %dma_wait3A_55 = arith.constant 0 : i32
      %dma_wait3A_56 = tpu.memref_slice %arg4[%mul3A_2, %dma_wait3A_55] : memref<10240x128xi32, #tpu.memory_space<hbm>> -> memref<320x128xi32, #tpu.memory_space<hbm>>
      tpu.wait_dma2 semaphore(%run_scoped3A : memref<!tpu.dma_semaphore, #tpu.memory_space<semaphore_mem>>) src(%arg6 : memref<320x128xi32, #tpu.memory_space<vmem>>) dst(%dma_wait3A_56 : memref<320x128xi32, #tpu.memory_space<hbm>>)
      tpu.yield
    }) : () -> ()
    return
  }
}

#map = affine_map<(d0, d1) -> (0, 0)>
#map1 = affine_map<(d0, d1) -> (0)>
module attributes {stable_mosaic.version = 14 : i64} {
  func.func @gather_k(%arg0: i32, %arg1: i32, %arg2: memref<100000x128xi32, #tpu.memory_space<hbm>>, %arg3: memref<10240xi32, #tpu.memory_space<hbm>>, %arg4: memref<10240x128xi32, #tpu.memory_space<hbm>>, %arg5: memref<320xi32, #tpu.memory_space<vmem>>, %arg6: memref<320x128xi32, #tpu.memory_space<vmem>>, %arg7: memref<!tpu.dma_semaphore, #tpu.memory_space<semaphore_mem>>) attributes {dimension_semantics = [#tpu.dimension_semantics<core_parallel>, #tpu.dimension_semantics<subcore_parallel>], iteration_bounds = array<i64: 2, 16>, scalar_prefetch = 0 : i64, scratch_operands = 3 : i64, tpu.core_type = #tpu.core_type<sc_vector_subcore>, window_params = [{transform_indices = #map}, {transform_indices = #map1}, {transform_indices = #map}]} {
    %mul3A = arith.constant 2 : i32
    %mul3A_0 = arith.muli %arg1, %mul3A : i32
    %add3A = arith.addi %mul3A_0, %arg0 : i32
    %mul3A_1 = arith.constant 320 : i32
    %mul3A_2 = arith.muli %add3A, %mul3A_1 : i32
    "tpu.region"() ({
      %run_scoped3A = tpu.sem_alloc : memref<!tpu.dma_semaphore, #tpu.memory_space<semaphore_mem>>
      %dma_start3A_49 = tpu.memref_slice %arg3[%mul3A_2] : memref<10240xi32, #tpu.memory_space<hbm>> -> memref<320xi32, #tpu.memory_space<hbm>>
      %dma_start3A_50 = tpu.memref_slice %arg3[%mul3A_2] : memref<10240xi32, #tpu.memory_space<hbm>> -> memref<320xi32, #tpu.memory_space<hbm>>
      tpu.enqueue_dma source(%dma_start3A_50 : memref<320xi32, #tpu.memory_space<hbm>>) target(%arg5 : memref<320xi32, #tpu.memory_space<vmem>>) target_semaphore(%run_scoped3A : memref<!tpu.dma_semaphore, #tpu.memory_space<semaphore_mem>>)
      %dma_wait3A_51 = tpu.memref_slice %arg3[%mul3A_2] : memref<10240xi32, #tpu.memory_space<hbm>> -> memref<320xi32, #tpu.memory_space<hbm>>
      %dma_wait3A_52 = tpu.memref_slice %arg3[%mul3A_2] : memref<10240xi32, #tpu.memory_space<hbm>> -> memref<320xi32, #tpu.memory_space<hbm>>
      tpu.wait_dma2 semaphore(%run_scoped3A : memref<!tpu.dma_semaphore, #tpu.memory_space<semaphore_mem>>) src(%dma_wait3A_52 : memref<320xi32, #tpu.memory_space<hbm>>) dst(%arg5 : memref<320xi32, #tpu.memory_space<vmem>>)
      tpu.yield
    }) : () -> ()
    %dma_start3A = arith.constant 0 : i32
    %dma_start3A_3 = arith.constant 0 : i32
    %dma_start3A_4 = tpu.memref_slice %arg6[%dma_start3A, %dma_start3A_3] : memref<320x128xi32, #tpu.memory_space<vmem>> -> memref<128x128xi32, #tpu.memory_space<vmem>>
    %dma_start3A_5 = arith.constant 0 : i32
    %dma_start3A_6 = tpu.memref_slice %arg5[%dma_start3A_5] : memref<320xi32, #tpu.memory_space<vmem>> -> memref<128xi32, #tpu.memory_space<vmem>>
    %dma_start3A_7 = arith.constant 0 : i32
    %dma_start3A_8 = arith.constant 0 : i32
    %dma_start3A_9 = tpu.memref_slice %arg2[%dma_start3A_7, %dma_start3A_8] : memref<100000x128xi32, #tpu.memory_space<hbm>> -> memref<100000x128xi32, #tpu.memory_space<hbm>>
    tpu.enqueue_indirect_dma source(%dma_start3A_9 : memref<100000x128xi32, #tpu.memory_space<hbm>>) target(%dma_start3A_4 : memref<128x128xi32, #tpu.memory_space<vmem>>) offsets(%dma_start3A_6 : memref<128xi32, #tpu.memory_space<vmem>>) semaphore(%arg7 : memref<!tpu.dma_semaphore, #tpu.memory_space<semaphore_mem>>)
    %dma_start3A_10 = arith.constant 128 : i32
    %dma_start3A_11 = arith.constant 0 : i32
    %dma_start3A_12 = tpu.memref_slice %arg6[%dma_start3A_10, %dma_start3A_11] : memref<320x128xi32, #tpu.memory_space<vmem>> -> memref<128x128xi32, #tpu.memory_space<vmem>>
    %dma_start3A_13 = arith.constant 128 : i32
    %dma_start3A_14 = tpu.memref_slice %arg5[%dma_start3A_13] : memref<320xi32, #tpu.memory_space<vmem>> -> memref<128xi32, #tpu.memory_space<vmem>>
    %dma_start3A_15 = arith.constant 0 : i32
    %dma_start3A_16 = arith.constant 0 : i32
    %dma_start3A_17 = tpu.memref_slice %arg2[%dma_start3A_15, %dma_start3A_16] : memref<100000x128xi32, #tpu.memory_space<hbm>> -> memref<100000x128xi32, #tpu.memory_space<hbm>>
    tpu.enqueue_indirect_dma source(%dma_start3A_17 : memref<100000x128xi32, #tpu.memory_space<hbm>>) target(%dma_start3A_12 : memref<128x128xi32, #tpu.memory_space<vmem>>) offsets(%dma_start3A_14 : memref<128xi32, #tpu.memory_space<vmem>>) semaphore(%arg7 : memref<!tpu.dma_semaphore, #tpu.memory_space<semaphore_mem>>)
    %dma_start3A_18 = arith.constant 256 : i32
    %dma_start3A_19 = arith.constant 0 : i32
    %dma_start3A_20 = tpu.memref_slice %arg6[%dma_start3A_18, %dma_start3A_19] : memref<320x128xi32, #tpu.memory_space<vmem>> -> memref<64x128xi32, #tpu.memory_space<vmem>>
    %dma_start3A_21 = arith.constant 256 : i32
    %dma_start3A_22 = tpu.memref_slice %arg5[%dma_start3A_21] : memref<320xi32, #tpu.memory_space<vmem>> -> memref<64xi32, #tpu.memory_space<vmem>>
    %dma_start3A_23 = arith.constant 0 : i32
    %dma_start3A_24 = arith.constant 0 : i32
    %dma_start3A_25 = tpu.memref_slice %arg2[%dma_start3A_23, %dma_start3A_24] : memref<100000x128xi32, #tpu.memory_space<hbm>> -> memref<100000x128xi32, #tpu.memory_space<hbm>>
    tpu.enqueue_indirect_dma source(%dma_start3A_25 : memref<100000x128xi32, #tpu.memory_space<hbm>>) target(%dma_start3A_20 : memref<64x128xi32, #tpu.memory_space<vmem>>) offsets(%dma_start3A_22 : memref<64xi32, #tpu.memory_space<vmem>>) semaphore(%arg7 : memref<!tpu.dma_semaphore, #tpu.memory_space<semaphore_mem>>)
    %dma_wait3A = arith.constant 0 : i32
    %dma_wait3A_26 = arith.constant 0 : i32
    %dma_wait3A_27 = tpu.memref_slice %arg6[%dma_wait3A, %dma_wait3A_26] : memref<320x128xi32, #tpu.memory_space<vmem>> -> memref<128x128xi32, #tpu.memory_space<vmem>>
    %dma_wait3A_28 = arith.constant 0 : i32
    %dma_wait3A_29 = tpu.memref_slice %arg5[%dma_wait3A_28] : memref<320xi32, #tpu.memory_space<vmem>> -> memref<128xi32, #tpu.memory_space<vmem>>
    %dma_wait3A_30 = arith.constant 0 : i32
    %dma_wait3A_31 = arith.constant 0 : i32
    %dma_wait3A_32 = tpu.memref_slice %arg2[%dma_wait3A_30, %dma_wait3A_31] : memref<100000x128xi32, #tpu.memory_space<hbm>> -> memref<100000x128xi32, #tpu.memory_space<hbm>>
    tpu.wait_indirect_dma semaphore(%arg7 : memref<!tpu.dma_semaphore, #tpu.memory_space<semaphore_mem>>) src(%dma_wait3A_32 : memref<100000x128xi32, #tpu.memory_space<hbm>>) dst(%dma_wait3A_27 : memref<128x128xi32, #tpu.memory_space<vmem>>)
    %dma_wait3A_33 = arith.constant 128 : i32
    %dma_wait3A_34 = arith.constant 0 : i32
    %dma_wait3A_35 = tpu.memref_slice %arg6[%dma_wait3A_33, %dma_wait3A_34] : memref<320x128xi32, #tpu.memory_space<vmem>> -> memref<128x128xi32, #tpu.memory_space<vmem>>
    %dma_wait3A_36 = arith.constant 128 : i32
    %dma_wait3A_37 = tpu.memref_slice %arg5[%dma_wait3A_36] : memref<320xi32, #tpu.memory_space<vmem>> -> memref<128xi32, #tpu.memory_space<vmem>>
    %dma_wait3A_38 = arith.constant 0 : i32
    %dma_wait3A_39 = arith.constant 0 : i32
    %dma_wait3A_40 = tpu.memref_slice %arg2[%dma_wait3A_38, %dma_wait3A_39] : memref<100000x128xi32, #tpu.memory_space<hbm>> -> memref<100000x128xi32, #tpu.memory_space<hbm>>
    tpu.wait_indirect_dma semaphore(%arg7 : memref<!tpu.dma_semaphore, #tpu.memory_space<semaphore_mem>>) src(%dma_wait3A_40 : memref<100000x128xi32, #tpu.memory_space<hbm>>) dst(%dma_wait3A_35 : memref<128x128xi32, #tpu.memory_space<vmem>>)
    %dma_wait3A_41 = arith.constant 256 : i32
    %dma_wait3A_42 = arith.constant 0 : i32
    %dma_wait3A_43 = tpu.memref_slice %arg6[%dma_wait3A_41, %dma_wait3A_42] : memref<320x128xi32, #tpu.memory_space<vmem>> -> memref<64x128xi32, #tpu.memory_space<vmem>>
    %dma_wait3A_44 = arith.constant 256 : i32
    %dma_wait3A_45 = tpu.memref_slice %arg5[%dma_wait3A_44] : memref<320xi32, #tpu.memory_space<vmem>> -> memref<64xi32, #tpu.memory_space<vmem>>
    %dma_wait3A_46 = arith.constant 0 : i32
    %dma_wait3A_47 = arith.constant 0 : i32
    %dma_wait3A_48 = tpu.memref_slice %arg2[%dma_wait3A_46, %dma_wait3A_47] : memref<100000x128xi32, #tpu.memory_space<hbm>> -> memref<100000x128xi32, #tpu.memory_space<hbm>>
    tpu.wait_indirect_dma semaphore(%arg7 : memref<!tpu.dma_semaphore, #tpu.memory_space<semaphore_mem>>) src(%dma_wait3A_48 : memref<100000x128xi32, #tpu.memory_space<hbm>>) dst(%dma_wait3A_43 : memref<64x128xi32, #tpu.memory_space<vmem>>)
    "tpu.region"() ({
      %run_scoped3A = tpu.sem_alloc : memref<!tpu.dma_semaphore, #tpu.memory_space<semaphore_mem>>
      %dma_start3A_49 = arith.constant 0 : i32
      %dma_start3A_50 = tpu.memref_slice %arg4[%mul3A_2, %dma_start3A_49] : memref<10240x128xi32, #tpu.memory_space<hbm>> -> memref<320x128xi32, #tpu.memory_space<hbm>>
      %dma_start3A_51 = arith.constant 0 : i32
      %dma_start3A_52 = tpu.memref_slice %arg4[%mul3A_2, %dma_start3A_51] : memref<10240x128xi32, #tpu.memory_space<hbm>> -> memref<320x128xi32, #tpu.memory_space<hbm>>
      tpu.enqueue_dma source(%arg6 : memref<320x128xi32, #tpu.memory_space<vmem>>) target(%dma_start3A_52 : memref<320x128xi32, #tpu.memory_space<hbm>>) target_semaphore(%run_scoped3A : memref<!tpu.dma_semaphore, #tpu.memory_space<semaphore_mem>>)
      %dma_wait3A_53 = arith.constant 0 : i32
      %dma_wait3A_54 = tpu.memref_slice %arg4[%mul3A_2, %dma_wait3A_53] : memref<10240x128xi32, #tpu.memory_space<hbm>> -> memref<320x128xi32, #tpu.memory_space<hbm>>
      %dma_wait3A_55 = arith.constant 0 : i32
      %dma_wait3A_56 = tpu.memref_slice %arg4[%mul3A_2, %dma_wait3A_55] : memref<10240x128xi32, #tpu.memory_space<hbm>> -> memref<320x128xi32, #tpu.memory_space<hbm>>
      tpu.wait_dma2 semaphore(%run_scoped3A : memref<!tpu.dma_semaphore, #tpu.memory_space<semaphore_mem>>) src(%arg6 : memref<320x128xi32, #tpu.memory_space<vmem>>) dst(%dma_wait3A_56 : memref<320x128xi32, #tpu.memory_space<hbm>>)
      tpu.yield
    }) : () -> ()
    return
  }
}

#map = affine_map<(d0, d1) -> (0, 0)>
#map1 = affine_map<(d0, d1) -> (0)>
module attributes {stable_mosaic.version = 14 : i64} {
  func.func @gather_k(%arg0: i32, %arg1: i32, %arg2: memref<100000x128xi32, #tpu.memory_space<hbm>>, %arg3: memref<10240xi32, #tpu.memory_space<hbm>>, %arg4: memref<10240x128xi32, #tpu.memory_space<hbm>>, %arg5: memref<320xi32, #tpu.memory_space<vmem>>, %arg6: memref<320x128xi32, #tpu.memory_space<vmem>>, %arg7: memref<!tpu.dma_semaphore, #tpu.memory_space<semaphore_mem>>) attributes {dimension_semantics = [#tpu.dimension_semantics<core_parallel>, #tpu.dimension_semantics<subcore_parallel>], iteration_bounds = array<i64: 2, 16>, scalar_prefetch = 0 : i64, scratch_operands = 3 : i64, tpu.core_type = #tpu.core_type<sc_vector_subcore>, window_params = [{transform_indices = #map}, {transform_indices = #map1}, {transform_indices = #map}]} {
    %mul3A = arith.constant 2 : i32
    %mul3A_0 = arith.muli %arg1, %mul3A : i32
    %add3A = arith.addi %mul3A_0, %arg0 : i32
    %mul3A_1 = arith.constant 320 : i32
    %mul3A_2 = arith.muli %add3A, %mul3A_1 : i32
    "tpu.region"() ({
      %run_scoped3A = tpu.sem_alloc : memref<!tpu.dma_semaphore, #tpu.memory_space<semaphore_mem>>
      %dma_start3A_49 = tpu.memref_slice %arg3[%mul3A_2] : memref<10240xi32, #tpu.memory_space<hbm>> -> memref<320xi32, #tpu.memory_space<hbm>>
      %dma_start3A_50 = tpu.memref_slice %arg3[%mul3A_2] : memref<10240xi32, #tpu.memory_space<hbm>> -> memref<320xi32, #tpu.memory_space<hbm>>
      tpu.enqueue_dma source(%dma_start3A_50 : memref<320xi32, #tpu.memory_space<hbm>>) target(%arg5 : memref<320xi32, #tpu.memory_space<vmem>>) target_semaphore(%run_scoped3A : memref<!tpu.dma_semaphore, #tpu.memory_space<semaphore_mem>>)
      %dma_wait3A_51 = tpu.memref_slice %arg3[%mul3A_2] : memref<10240xi32, #tpu.memory_space<hbm>> -> memref<320xi32, #tpu.memory_space<hbm>>
      %dma_wait3A_52 = tpu.memref_slice %arg3[%mul3A_2] : memref<10240xi32, #tpu.memory_space<hbm>> -> memref<320xi32, #tpu.memory_space<hbm>>
      tpu.wait_dma2 semaphore(%run_scoped3A : memref<!tpu.dma_semaphore, #tpu.memory_space<semaphore_mem>>) src(%dma_wait3A_52 : memref<320xi32, #tpu.memory_space<hbm>>) dst(%arg5 : memref<320xi32, #tpu.memory_space<vmem>>)
      tpu.yield
    }) : () -> ()
    %dma_start3A = arith.constant 0 : i32
    %dma_start3A_3 = arith.constant 0 : i32
    %dma_start3A_4 = tpu.memref_slice %arg6[%dma_start3A, %dma_start3A_3] : memref<320x128xi32, #tpu.memory_space<vmem>> -> memref<128x128xi32, #tpu.memory_space<vmem>>
    %dma_start3A_5 = arith.constant 0 : i32
    %dma_start3A_6 = tpu.memref_slice %arg5[%dma_start3A_5] : memref<320xi32, #tpu.memory_space<vmem>> -> memref<128xi32, #tpu.memory_space<vmem>>
    %dma_start3A_7 = arith.constant 0 : i32
    %dma_start3A_8 = arith.constant 0 : i32
    %dma_start3A_9 = tpu.memref_slice %arg2[%dma_start3A_7, %dma_start3A_8] : memref<100000x128xi32, #tpu.memory_space<hbm>> -> memref<100000x128xi32, #tpu.memory_space<hbm>>
    tpu.enqueue_indirect_dma source(%dma_start3A_9 : memref<100000x128xi32, #tpu.memory_space<hbm>>) target(%dma_start3A_4 : memref<128x128xi32, #tpu.memory_space<vmem>>) offsets(%dma_start3A_6 : memref<128xi32, #tpu.memory_space<vmem>>) semaphore(%arg7 : memref<!tpu.dma_semaphore, #tpu.memory_space<semaphore_mem>>)
    %dma_start3A_10 = arith.constant 128 : i32
    %dma_start3A_11 = arith.constant 0 : i32
    %dma_start3A_12 = tpu.memref_slice %arg6[%dma_start3A_10, %dma_start3A_11] : memref<320x128xi32, #tpu.memory_space<vmem>> -> memref<128x128xi32, #tpu.memory_space<vmem>>
    %dma_start3A_13 = arith.constant 128 : i32
    %dma_start3A_14 = tpu.memref_slice %arg5[%dma_start3A_13] : memref<320xi32, #tpu.memory_space<vmem>> -> memref<128xi32, #tpu.memory_space<vmem>>
    %dma_start3A_15 = arith.constant 0 : i32
    %dma_start3A_16 = arith.constant 0 : i32
    %dma_start3A_17 = tpu.memref_slice %arg2[%dma_start3A_15, %dma_start3A_16] : memref<100000x128xi32, #tpu.memory_space<hbm>> -> memref<100000x128xi32, #tpu.memory_space<hbm>>
    tpu.enqueue_indirect_dma source(%dma_start3A_17 : memref<100000x128xi32, #tpu.memory_space<hbm>>) target(%dma_start3A_12 : memref<128x128xi32, #tpu.memory_space<vmem>>) offsets(%dma_start3A_14 : memref<128xi32, #tpu.memory_space<vmem>>) semaphore(%arg7 : memref<!tpu.dma_semaphore, #tpu.memory_space<semaphore_mem>>)
    %dma_start3A_18 = arith.constant 256 : i32
    %dma_start3A_19 = arith.constant 0 : i32
    %dma_start3A_20 = tpu.memref_slice %arg6[%dma_start3A_18, %dma_start3A_19] : memref<320x128xi32, #tpu.memory_space<vmem>> -> memref<64x128xi32, #tpu.memory_space<vmem>>
    %dma_start3A_21 = arith.constant 256 : i32
    %dma_start3A_22 = tpu.memref_slice %arg5[%dma_start3A_21] : memref<320xi32, #tpu.memory_space<vmem>> -> memref<64xi32, #tpu.memory_space<vmem>>
    %dma_start3A_23 = arith.constant 0 : i32
    %dma_start3A_24 = arith.constant 0 : i32
    %dma_start3A_25 = tpu.memref_slice %arg2[%dma_start3A_23, %dma_start3A_24] : memref<100000x128xi32, #tpu.memory_space<hbm>> -> memref<100000x128xi32, #tpu.memory_space<hbm>>
    tpu.enqueue_indirect_dma source(%dma_start3A_25 : memref<100000x128xi32, #tpu.memory_space<hbm>>) target(%dma_start3A_20 : memref<64x128xi32, #tpu.memory_space<vmem>>) offsets(%dma_start3A_22 : memref<64xi32, #tpu.memory_space<vmem>>) semaphore(%arg7 : memref<!tpu.dma_semaphore, #tpu.memory_space<semaphore_mem>>)
    %dma_wait3A = arith.constant 0 : i32
    %dma_wait3A_26 = arith.constant 0 : i32
    %dma_wait3A_27 = tpu.memref_slice %arg6[%dma_wait3A, %dma_wait3A_26] : memref<320x128xi32, #tpu.memory_space<vmem>> -> memref<128x128xi32, #tpu.memory_space<vmem>>
    %dma_wait3A_28 = arith.constant 0 : i32
    %dma_wait3A_29 = tpu.memref_slice %arg5[%dma_wait3A_28] : memref<320xi32, #tpu.memory_space<vmem>> -> memref<128xi32, #tpu.memory_space<vmem>>
    %dma_wait3A_30 = arith.constant 0 : i32
    %dma_wait3A_31 = arith.constant 0 : i32
    %dma_wait3A_32 = tpu.memref_slice %arg2[%dma_wait3A_30, %dma_wait3A_31] : memref<100000x128xi32, #tpu.memory_space<hbm>> -> memref<100000x128xi32, #tpu.memory_space<hbm>>
    tpu.wait_indirect_dma semaphore(%arg7 : memref<!tpu.dma_semaphore, #tpu.memory_space<semaphore_mem>>) src(%dma_wait3A_32 : memref<100000x128xi32, #tpu.memory_space<hbm>>) dst(%dma_wait3A_27 : memref<128x128xi32, #tpu.memory_space<vmem>>)
    %dma_wait3A_33 = arith.constant 128 : i32
    %dma_wait3A_34 = arith.constant 0 : i32
    %dma_wait3A_35 = tpu.memref_slice %arg6[%dma_wait3A_33, %dma_wait3A_34] : memref<320x128xi32, #tpu.memory_space<vmem>> -> memref<128x128xi32, #tpu.memory_space<vmem>>
    %dma_wait3A_36 = arith.constant 128 : i32
    %dma_wait3A_37 = tpu.memref_slice %arg5[%dma_wait3A_36] : memref<320xi32, #tpu.memory_space<vmem>> -> memref<128xi32, #tpu.memory_space<vmem>>
    %dma_wait3A_38 = arith.constant 0 : i32
    %dma_wait3A_39 = arith.constant 0 : i32
    %dma_wait3A_40 = tpu.memref_slice %arg2[%dma_wait3A_38, %dma_wait3A_39] : memref<100000x128xi32, #tpu.memory_space<hbm>> -> memref<100000x128xi32, #tpu.memory_space<hbm>>
    tpu.wait_indirect_dma semaphore(%arg7 : memref<!tpu.dma_semaphore, #tpu.memory_space<semaphore_mem>>) src(%dma_wait3A_40 : memref<100000x128xi32, #tpu.memory_space<hbm>>) dst(%dma_wait3A_35 : memref<128x128xi32, #tpu.memory_space<vmem>>)
    %dma_wait3A_41 = arith.constant 256 : i32
    %dma_wait3A_42 = arith.constant 0 : i32
    %dma_wait3A_43 = tpu.memref_slice %arg6[%dma_wait3A_41, %dma_wait3A_42] : memref<320x128xi32, #tpu.memory_space<vmem>> -> memref<64x128xi32, #tpu.memory_space<vmem>>
    %dma_wait3A_44 = arith.constant 256 : i32
    %dma_wait3A_45 = tpu.memref_slice %arg5[%dma_wait3A_44] : memref<320xi32, #tpu.memory_space<vmem>> -> memref<64xi32, #tpu.memory_space<vmem>>
    %dma_wait3A_46 = arith.constant 0 : i32
    %dma_wait3A_47 = arith.constant 0 : i32
    %dma_wait3A_48 = tpu.memref_slice %arg2[%dma_wait3A_46, %dma_wait3A_47] : memref<100000x128xi32, #tpu.memory_space<hbm>> -> memref<100000x128xi32, #tpu.memory_space<hbm>>
    tpu.wait_indirect_dma semaphore(%arg7 : memref<!tpu.dma_semaphore, #tpu.memory_space<semaphore_mem>>) src(%dma_wait3A_48 : memref<100000x128xi32, #tpu.memory_space<hbm>>) dst(%dma_wait3A_43 : memref<64x128xi32, #tpu.memory_space<vmem>>)
    "tpu.region"() ({
      %run_scoped3A = tpu.sem_alloc : memref<!tpu.dma_semaphore, #tpu.memory_space<semaphore_mem>>
      %dma_start3A_49 = arith.constant 0 : i32
      %dma_start3A_50 = tpu.memref_slice %arg4[%mul3A_2, %dma_start3A_49] : memref<10240x128xi32, #tpu.memory_space<hbm>> -> memref<320x128xi32, #tpu.memory_space<hbm>>
      %dma_start3A_51 = arith.constant 0 : i32
      %dma_start3A_52 = tpu.memref_slice %arg4[%mul3A_2, %dma_start3A_51] : memref<10240x128xi32, #tpu.memory_space<hbm>> -> memref<320x128xi32, #tpu.memory_space<hbm>>
      tpu.enqueue_dma source(%arg6 : memref<320x128xi32, #tpu.memory_space<vmem>>) target(%dma_start3A_52 : memref<320x128xi32, #tpu.memory_space<hbm>>) target_semaphore(%run_scoped3A : memref<!tpu.dma_semaphore, #tpu.memory_space<semaphore_mem>>)
      %dma_wait3A_53 = arith.constant 0 : i32
      %dma_wait3A_54 = tpu.memref_slice %arg4[%mul3A_2, %dma_wait3A_53] : memref<10240x128xi32, #tpu.memory_space<hbm>> -> memref<320x128xi32, #tpu.memory_space<hbm>>
      %dma_wait3A_55 = arith.constant 0 : i32
      %dma_wait3A_56 = tpu.memref_slice %arg4[%mul3A_2, %dma_wait3A_55] : memref<10240x128xi32, #tpu.memory_space<hbm>> -> memref<320x128xi32, #tpu.memory_space<hbm>>
      tpu.wait_dma2 semaphore(%run_scoped3A : memref<!tpu.dma_semaphore, #tpu.memory_space<semaphore_mem>>) src(%arg6 : memref<320x128xi32, #tpu.memory_space<vmem>>) dst(%dma_wait3A_56 : memref<320x128xi32, #tpu.memory_space<hbm>>)
      tpu.yield
    }) : () -> ()
    return
  }
}

#map = affine_map<(d0, d1) -> (0, 0)>
#map1 = affine_map<(d0, d1) -> (0)>
module attributes {stable_mosaic.version = 14 : i64} {
  func.func @gather_k(%arg0: i32, %arg1: i32, %arg2: memref<100000x128xi32, #tpu.memory_space<hbm>>, %arg3: memref<10240xi32, #tpu.memory_space<hbm>>, %arg4: memref<10240x128xi32, #tpu.memory_space<hbm>>, %arg5: memref<320xi32, #tpu.memory_space<vmem>>, %arg6: memref<320x128xi32, #tpu.memory_space<vmem>>, %arg7: memref<!tpu.dma_semaphore, #tpu.memory_space<semaphore_mem>>) attributes {dimension_semantics = [#tpu.dimension_semantics<core_parallel>, #tpu.dimension_semantics<subcore_parallel>], iteration_bounds = array<i64: 2, 16>, scalar_prefetch = 0 : i64, scratch_operands = 3 : i64, tpu.core_type = #tpu.core_type<sc_vector_subcore>, window_params = [{transform_indices = #map}, {transform_indices = #map1}, {transform_indices = #map}]} {
    %mul3A = arith.constant 2 : i32
    %mul3A_0 = arith.muli %arg1, %mul3A : i32
    %add3A = arith.addi %mul3A_0, %arg0 : i32
    %mul3A_1 = arith.constant 320 : i32
    %mul3A_2 = arith.muli %add3A, %mul3A_1 : i32
    "tpu.region"() ({
      %run_scoped3A = tpu.sem_alloc : memref<!tpu.dma_semaphore, #tpu.memory_space<semaphore_mem>>
      %dma_start3A_49 = tpu.memref_slice %arg3[%mul3A_2] : memref<10240xi32, #tpu.memory_space<hbm>> -> memref<320xi32, #tpu.memory_space<hbm>>
      %dma_start3A_50 = tpu.memref_slice %arg3[%mul3A_2] : memref<10240xi32, #tpu.memory_space<hbm>> -> memref<320xi32, #tpu.memory_space<hbm>>
      tpu.enqueue_dma source(%dma_start3A_50 : memref<320xi32, #tpu.memory_space<hbm>>) target(%arg5 : memref<320xi32, #tpu.memory_space<vmem>>) target_semaphore(%run_scoped3A : memref<!tpu.dma_semaphore, #tpu.memory_space<semaphore_mem>>)
      %dma_wait3A_51 = tpu.memref_slice %arg3[%mul3A_2] : memref<10240xi32, #tpu.memory_space<hbm>> -> memref<320xi32, #tpu.memory_space<hbm>>
      %dma_wait3A_52 = tpu.memref_slice %arg3[%mul3A_2] : memref<10240xi32, #tpu.memory_space<hbm>> -> memref<320xi32, #tpu.memory_space<hbm>>
      tpu.wait_dma2 semaphore(%run_scoped3A : memref<!tpu.dma_semaphore, #tpu.memory_space<semaphore_mem>>) src(%dma_wait3A_52 : memref<320xi32, #tpu.memory_space<hbm>>) dst(%arg5 : memref<320xi32, #tpu.memory_space<vmem>>)
      tpu.yield
    }) : () -> ()
    %dma_start3A = arith.constant 0 : i32
    %dma_start3A_3 = arith.constant 0 : i32
    %dma_start3A_4 = tpu.memref_slice %arg6[%dma_start3A, %dma_start3A_3] : memref<320x128xi32, #tpu.memory_space<vmem>> -> memref<128x128xi32, #tpu.memory_space<vmem>>
    %dma_start3A_5 = arith.constant 0 : i32
    %dma_start3A_6 = tpu.memref_slice %arg5[%dma_start3A_5] : memref<320xi32, #tpu.memory_space<vmem>> -> memref<128xi32, #tpu.memory_space<vmem>>
    %dma_start3A_7 = arith.constant 0 : i32
    %dma_start3A_8 = arith.constant 0 : i32
    %dma_start3A_9 = tpu.memref_slice %arg2[%dma_start3A_7, %dma_start3A_8] : memref<100000x128xi32, #tpu.memory_space<hbm>> -> memref<100000x128xi32, #tpu.memory_space<hbm>>
    tpu.enqueue_indirect_dma source(%dma_start3A_9 : memref<100000x128xi32, #tpu.memory_space<hbm>>) target(%dma_start3A_4 : memref<128x128xi32, #tpu.memory_space<vmem>>) offsets(%dma_start3A_6 : memref<128xi32, #tpu.memory_space<vmem>>) semaphore(%arg7 : memref<!tpu.dma_semaphore, #tpu.memory_space<semaphore_mem>>)
    %dma_start3A_10 = arith.constant 128 : i32
    %dma_start3A_11 = arith.constant 0 : i32
    %dma_start3A_12 = tpu.memref_slice %arg6[%dma_start3A_10, %dma_start3A_11] : memref<320x128xi32, #tpu.memory_space<vmem>> -> memref<128x128xi32, #tpu.memory_space<vmem>>
    %dma_start3A_13 = arith.constant 128 : i32
    %dma_start3A_14 = tpu.memref_slice %arg5[%dma_start3A_13] : memref<320xi32, #tpu.memory_space<vmem>> -> memref<128xi32, #tpu.memory_space<vmem>>
    %dma_start3A_15 = arith.constant 0 : i32
    %dma_start3A_16 = arith.constant 0 : i32
    %dma_start3A_17 = tpu.memref_slice %arg2[%dma_start3A_15, %dma_start3A_16] : memref<100000x128xi32, #tpu.memory_space<hbm>> -> memref<100000x128xi32, #tpu.memory_space<hbm>>
    tpu.enqueue_indirect_dma source(%dma_start3A_17 : memref<100000x128xi32, #tpu.memory_space<hbm>>) target(%dma_start3A_12 : memref<128x128xi32, #tpu.memory_space<vmem>>) offsets(%dma_start3A_14 : memref<128xi32, #tpu.memory_space<vmem>>) semaphore(%arg7 : memref<!tpu.dma_semaphore, #tpu.memory_space<semaphore_mem>>)
    %dma_start3A_18 = arith.constant 256 : i32
    %dma_start3A_19 = arith.constant 0 : i32
    %dma_start3A_20 = tpu.memref_slice %arg6[%dma_start3A_18, %dma_start3A_19] : memref<320x128xi32, #tpu.memory_space<vmem>> -> memref<64x128xi32, #tpu.memory_space<vmem>>
    %dma_start3A_21 = arith.constant 256 : i32
    %dma_start3A_22 = tpu.memref_slice %arg5[%dma_start3A_21] : memref<320xi32, #tpu.memory_space<vmem>> -> memref<64xi32, #tpu.memory_space<vmem>>
    %dma_start3A_23 = arith.constant 0 : i32
    %dma_start3A_24 = arith.constant 0 : i32
    %dma_start3A_25 = tpu.memref_slice %arg2[%dma_start3A_23, %dma_start3A_24] : memref<100000x128xi32, #tpu.memory_space<hbm>> -> memref<100000x128xi32, #tpu.memory_space<hbm>>
    tpu.enqueue_indirect_dma source(%dma_start3A_25 : memref<100000x128xi32, #tpu.memory_space<hbm>>) target(%dma_start3A_20 : memref<64x128xi32, #tpu.memory_space<vmem>>) offsets(%dma_start3A_22 : memref<64xi32, #tpu.memory_space<vmem>>) semaphore(%arg7 : memref<!tpu.dma_semaphore, #tpu.memory_space<semaphore_mem>>)
    %dma_wait3A = arith.constant 0 : i32
    %dma_wait3A_26 = arith.constant 0 : i32
    %dma_wait3A_27 = tpu.memref_slice %arg6[%dma_wait3A, %dma_wait3A_26] : memref<320x128xi32, #tpu.memory_space<vmem>> -> memref<128x128xi32, #tpu.memory_space<vmem>>
    %dma_wait3A_28 = arith.constant 0 : i32
    %dma_wait3A_29 = tpu.memref_slice %arg5[%dma_wait3A_28] : memref<320xi32, #tpu.memory_space<vmem>> -> memref<128xi32, #tpu.memory_space<vmem>>
    %dma_wait3A_30 = arith.constant 0 : i32
    %dma_wait3A_31 = arith.constant 0 : i32
    %dma_wait3A_32 = tpu.memref_slice %arg2[%dma_wait3A_30, %dma_wait3A_31] : memref<100000x128xi32, #tpu.memory_space<hbm>> -> memref<100000x128xi32, #tpu.memory_space<hbm>>
    tpu.wait_indirect_dma semaphore(%arg7 : memref<!tpu.dma_semaphore, #tpu.memory_space<semaphore_mem>>) src(%dma_wait3A_32 : memref<100000x128xi32, #tpu.memory_space<hbm>>) dst(%dma_wait3A_27 : memref<128x128xi32, #tpu.memory_space<vmem>>)
    %dma_wait3A_33 = arith.constant 128 : i32
    %dma_wait3A_34 = arith.constant 0 : i32
    %dma_wait3A_35 = tpu.memref_slice %arg6[%dma_wait3A_33, %dma_wait3A_34] : memref<320x128xi32, #tpu.memory_space<vmem>> -> memref<128x128xi32, #tpu.memory_space<vmem>>
    %dma_wait3A_36 = arith.constant 128 : i32
    %dma_wait3A_37 = tpu.memref_slice %arg5[%dma_wait3A_36] : memref<320xi32, #tpu.memory_space<vmem>> -> memref<128xi32, #tpu.memory_space<vmem>>
    %dma_wait3A_38 = arith.constant 0 : i32
    %dma_wait3A_39 = arith.constant 0 : i32
    %dma_wait3A_40 = tpu.memref_slice %arg2[%dma_wait3A_38, %dma_wait3A_39] : memref<100000x128xi32, #tpu.memory_space<hbm>> -> memref<100000x128xi32, #tpu.memory_space<hbm>>
    tpu.wait_indirect_dma semaphore(%arg7 : memref<!tpu.dma_semaphore, #tpu.memory_space<semaphore_mem>>) src(%dma_wait3A_40 : memref<100000x128xi32, #tpu.memory_space<hbm>>) dst(%dma_wait3A_35 : memref<128x128xi32, #tpu.memory_space<vmem>>)
    %dma_wait3A_41 = arith.constant 256 : i32
    %dma_wait3A_42 = arith.constant 0 : i32
    %dma_wait3A_43 = tpu.memref_slice %arg6[%dma_wait3A_41, %dma_wait3A_42] : memref<320x128xi32, #tpu.memory_space<vmem>> -> memref<64x128xi32, #tpu.memory_space<vmem>>
    %dma_wait3A_44 = arith.constant 256 : i32
    %dma_wait3A_45 = tpu.memref_slice %arg5[%dma_wait3A_44] : memref<320xi32, #tpu.memory_space<vmem>> -> memref<64xi32, #tpu.memory_space<vmem>>
    %dma_wait3A_46 = arith.constant 0 : i32
    %dma_wait3A_47 = arith.constant 0 : i32
    %dma_wait3A_48 = tpu.memref_slice %arg2[%dma_wait3A_46, %dma_wait3A_47] : memref<100000x128xi32, #tpu.memory_space<hbm>> -> memref<100000x128xi32, #tpu.memory_space<hbm>>
    tpu.wait_indirect_dma semaphore(%arg7 : memref<!tpu.dma_semaphore, #tpu.memory_space<semaphore_mem>>) src(%dma_wait3A_48 : memref<100000x128xi32, #tpu.memory_space<hbm>>) dst(%dma_wait3A_43 : memref<64x128xi32, #tpu.memory_space<vmem>>)
    "tpu.region"() ({
      %run_scoped3A = tpu.sem_alloc : memref<!tpu.dma_semaphore, #tpu.memory_space<semaphore_mem>>
      %dma_start3A_49 = arith.constant 0 : i32
      %dma_start3A_50 = tpu.memref_slice %arg4[%mul3A_2, %dma_start3A_49] : memref<10240x128xi32, #tpu.memory_space<hbm>> -> memref<320x128xi32, #tpu.memory_space<hbm>>
      %dma_start3A_51 = arith.constant 0 : i32
      %dma_start3A_52 = tpu.memref_slice %arg4[%mul3A_2, %dma_start3A_51] : memref<10240x128xi32, #tpu.memory_space<hbm>> -> memref<320x128xi32, #tpu.memory_space<hbm>>
      tpu.enqueue_dma source(%arg6 : memref<320x128xi32, #tpu.memory_space<vmem>>) target(%dma_start3A_52 : memref<320x128xi32, #tpu.memory_space<hbm>>) target_semaphore(%run_scoped3A : memref<!tpu.dma_semaphore, #tpu.memory_space<semaphore_mem>>)
      %dma_wait3A_53 = arith.constant 0 : i32
      %dma_wait3A_54 = tpu.memref_slice %arg4[%mul3A_2, %dma_wait3A_53] : memref<10240x128xi32, #tpu.memory_space<hbm>> -> memref<320x128xi32, #tpu.memory_space<hbm>>
      %dma_wait3A_55 = arith.constant 0 : i32
      %dma_wait3A_56 = tpu.memref_slice %arg4[%mul3A_2, %dma_wait3A_55] : memref<10240x128xi32, #tpu.memory_space<hbm>> -> memref<320x128xi32, #tpu.memory_space<hbm>>
      tpu.wait_dma2 semaphore(%run_scoped3A : memref<!tpu.dma_semaphore, #tpu.memory_space<semaphore_mem>>) src(%arg6 : memref<320x128xi32, #tpu.memory_space<vmem>>) dst(%dma_wait3A_56 : memref<320x128xi32, #tpu.memory_space<hbm>>)
      tpu.yield
    }) : () -> ()
    return
  }
}

#map = affine_map<(d0, d1) -> (0, 0)>
#map1 = affine_map<(d0, d1) -> (0)>
module attributes {stable_mosaic.version = 14 : i64} {
  func.func @gather_k(%arg0: i32, %arg1: i32, %arg2: memref<100000x128xi32, #tpu.memory_space<hbm>>, %arg3: memref<10240xi32, #tpu.memory_space<hbm>>, %arg4: memref<10240x128xi32, #tpu.memory_space<hbm>>, %arg5: memref<320xi32, #tpu.memory_space<vmem>>, %arg6: memref<320x128xi32, #tpu.memory_space<vmem>>, %arg7: memref<!tpu.dma_semaphore, #tpu.memory_space<semaphore_mem>>) attributes {dimension_semantics = [#tpu.dimension_semantics<core_parallel>, #tpu.dimension_semantics<subcore_parallel>], iteration_bounds = array<i64: 2, 16>, scalar_prefetch = 0 : i64, scratch_operands = 3 : i64, tpu.core_type = #tpu.core_type<sc_vector_subcore>, window_params = [{transform_indices = #map}, {transform_indices = #map1}, {transform_indices = #map}]} {
    %mul3A = arith.constant 2 : i32
    %mul3A_0 = arith.muli %arg1, %mul3A : i32
    %add3A = arith.addi %mul3A_0, %arg0 : i32
    %mul3A_1 = arith.constant 320 : i32
    %mul3A_2 = arith.muli %add3A, %mul3A_1 : i32
    "tpu.region"() ({
      %run_scoped3A = tpu.sem_alloc : memref<!tpu.dma_semaphore, #tpu.memory_space<semaphore_mem>>
      %dma_start3A_49 = tpu.memref_slice %arg3[%mul3A_2] : memref<10240xi32, #tpu.memory_space<hbm>> -> memref<320xi32, #tpu.memory_space<hbm>>
      %dma_start3A_50 = tpu.memref_slice %arg3[%mul3A_2] : memref<10240xi32, #tpu.memory_space<hbm>> -> memref<320xi32, #tpu.memory_space<hbm>>
      tpu.enqueue_dma source(%dma_start3A_50 : memref<320xi32, #tpu.memory_space<hbm>>) target(%arg5 : memref<320xi32, #tpu.memory_space<vmem>>) target_semaphore(%run_scoped3A : memref<!tpu.dma_semaphore, #tpu.memory_space<semaphore_mem>>)
      %dma_wait3A_51 = tpu.memref_slice %arg3[%mul3A_2] : memref<10240xi32, #tpu.memory_space<hbm>> -> memref<320xi32, #tpu.memory_space<hbm>>
      %dma_wait3A_52 = tpu.memref_slice %arg3[%mul3A_2] : memref<10240xi32, #tpu.memory_space<hbm>> -> memref<320xi32, #tpu.memory_space<hbm>>
      tpu.wait_dma2 semaphore(%run_scoped3A : memref<!tpu.dma_semaphore, #tpu.memory_space<semaphore_mem>>) src(%dma_wait3A_52 : memref<320xi32, #tpu.memory_space<hbm>>) dst(%arg5 : memref<320xi32, #tpu.memory_space<vmem>>)
      tpu.yield
    }) : () -> ()
    %dma_start3A = arith.constant 0 : i32
    %dma_start3A_3 = arith.constant 0 : i32
    %dma_start3A_4 = tpu.memref_slice %arg6[%dma_start3A, %dma_start3A_3] : memref<320x128xi32, #tpu.memory_space<vmem>> -> memref<128x128xi32, #tpu.memory_space<vmem>>
    %dma_start3A_5 = arith.constant 0 : i32
    %dma_start3A_6 = tpu.memref_slice %arg5[%dma_start3A_5] : memref<320xi32, #tpu.memory_space<vmem>> -> memref<128xi32, #tpu.memory_space<vmem>>
    %dma_start3A_7 = arith.constant 0 : i32
    %dma_start3A_8 = arith.constant 0 : i32
    %dma_start3A_9 = tpu.memref_slice %arg2[%dma_start3A_7, %dma_start3A_8] : memref<100000x128xi32, #tpu.memory_space<hbm>> -> memref<100000x128xi32, #tpu.memory_space<hbm>>
    tpu.enqueue_indirect_dma source(%dma_start3A_9 : memref<100000x128xi32, #tpu.memory_space<hbm>>) target(%dma_start3A_4 : memref<128x128xi32, #tpu.memory_space<vmem>>) offsets(%dma_start3A_6 : memref<128xi32, #tpu.memory_space<vmem>>) semaphore(%arg7 : memref<!tpu.dma_semaphore, #tpu.memory_space<semaphore_mem>>)
    %dma_start3A_10 = arith.constant 128 : i32
    %dma_start3A_11 = arith.constant 0 : i32
    %dma_start3A_12 = tpu.memref_slice %arg6[%dma_start3A_10, %dma_start3A_11] : memref<320x128xi32, #tpu.memory_space<vmem>> -> memref<128x128xi32, #tpu.memory_space<vmem>>
    %dma_start3A_13 = arith.constant 128 : i32
    %dma_start3A_14 = tpu.memref_slice %arg5[%dma_start3A_13] : memref<320xi32, #tpu.memory_space<vmem>> -> memref<128xi32, #tpu.memory_space<vmem>>
    %dma_start3A_15 = arith.constant 0 : i32
    %dma_start3A_16 = arith.constant 0 : i32
    %dma_start3A_17 = tpu.memref_slice %arg2[%dma_start3A_15, %dma_start3A_16] : memref<100000x128xi32, #tpu.memory_space<hbm>> -> memref<100000x128xi32, #tpu.memory_space<hbm>>
    tpu.enqueue_indirect_dma source(%dma_start3A_17 : memref<100000x128xi32, #tpu.memory_space<hbm>>) target(%dma_start3A_12 : memref<128x128xi32, #tpu.memory_space<vmem>>) offsets(%dma_start3A_14 : memref<128xi32, #tpu.memory_space<vmem>>) semaphore(%arg7 : memref<!tpu.dma_semaphore, #tpu.memory_space<semaphore_mem>>)
    %dma_start3A_18 = arith.constant 256 : i32
    %dma_start3A_19 = arith.constant 0 : i32
    %dma_start3A_20 = tpu.memref_slice %arg6[%dma_start3A_18, %dma_start3A_19] : memref<320x128xi32, #tpu.memory_space<vmem>> -> memref<64x128xi32, #tpu.memory_space<vmem>>
    %dma_start3A_21 = arith.constant 256 : i32
    %dma_start3A_22 = tpu.memref_slice %arg5[%dma_start3A_21] : memref<320xi32, #tpu.memory_space<vmem>> -> memref<64xi32, #tpu.memory_space<vmem>>
    %dma_start3A_23 = arith.constant 0 : i32
    %dma_start3A_24 = arith.constant 0 : i32
    %dma_start3A_25 = tpu.memref_slice %arg2[%dma_start3A_23, %dma_start3A_24] : memref<100000x128xi32, #tpu.memory_space<hbm>> -> memref<100000x128xi32, #tpu.memory_space<hbm>>
    tpu.enqueue_indirect_dma source(%dma_start3A_25 : memref<100000x128xi32, #tpu.memory_space<hbm>>) target(%dma_start3A_20 : memref<64x128xi32, #tpu.memory_space<vmem>>) offsets(%dma_start3A_22 : memref<64xi32, #tpu.memory_space<vmem>>) semaphore(%arg7 : memref<!tpu.dma_semaphore, #tpu.memory_space<semaphore_mem>>)
    %dma_wait3A = arith.constant 0 : i32
    %dma_wait3A_26 = arith.constant 0 : i32
    %dma_wait3A_27 = tpu.memref_slice %arg6[%dma_wait3A, %dma_wait3A_26] : memref<320x128xi32, #tpu.memory_space<vmem>> -> memref<128x128xi32, #tpu.memory_space<vmem>>
    %dma_wait3A_28 = arith.constant 0 : i32
    %dma_wait3A_29 = tpu.memref_slice %arg5[%dma_wait3A_28] : memref<320xi32, #tpu.memory_space<vmem>> -> memref<128xi32, #tpu.memory_space<vmem>>
    %dma_wait3A_30 = arith.constant 0 : i32
    %dma_wait3A_31 = arith.constant 0 : i32
    %dma_wait3A_32 = tpu.memref_slice %arg2[%dma_wait3A_30, %dma_wait3A_31] : memref<100000x128xi32, #tpu.memory_space<hbm>> -> memref<100000x128xi32, #tpu.memory_space<hbm>>
    tpu.wait_indirect_dma semaphore(%arg7 : memref<!tpu.dma_semaphore, #tpu.memory_space<semaphore_mem>>) src(%dma_wait3A_32 : memref<100000x128xi32, #tpu.memory_space<hbm>>) dst(%dma_wait3A_27 : memref<128x128xi32, #tpu.memory_space<vmem>>)
    %dma_wait3A_33 = arith.constant 128 : i32
    %dma_wait3A_34 = arith.constant 0 : i32
    %dma_wait3A_35 = tpu.memref_slice %arg6[%dma_wait3A_33, %dma_wait3A_34] : memref<320x128xi32, #tpu.memory_space<vmem>> -> memref<128x128xi32, #tpu.memory_space<vmem>>
    %dma_wait3A_36 = arith.constant 128 : i32
    %dma_wait3A_37 = tpu.memref_slice %arg5[%dma_wait3A_36] : memref<320xi32, #tpu.memory_space<vmem>> -> memref<128xi32, #tpu.memory_space<vmem>>
    %dma_wait3A_38 = arith.constant 0 : i32
    %dma_wait3A_39 = arith.constant 0 : i32
    %dma_wait3A_40 = tpu.memref_slice %arg2[%dma_wait3A_38, %dma_wait3A_39] : memref<100000x128xi32, #tpu.memory_space<hbm>> -> memref<100000x128xi32, #tpu.memory_space<hbm>>
    tpu.wait_indirect_dma semaphore(%arg7 : memref<!tpu.dma_semaphore, #tpu.memory_space<semaphore_mem>>) src(%dma_wait3A_40 : memref<100000x128xi32, #tpu.memory_space<hbm>>) dst(%dma_wait3A_35 : memref<128x128xi32, #tpu.memory_space<vmem>>)
    %dma_wait3A_41 = arith.constant 256 : i32
    %dma_wait3A_42 = arith.constant 0 : i32
    %dma_wait3A_43 = tpu.memref_slice %arg6[%dma_wait3A_41, %dma_wait3A_42] : memref<320x128xi32, #tpu.memory_space<vmem>> -> memref<64x128xi32, #tpu.memory_space<vmem>>
    %dma_wait3A_44 = arith.constant 256 : i32
    %dma_wait3A_45 = tpu.memref_slice %arg5[%dma_wait3A_44] : memref<320xi32, #tpu.memory_space<vmem>> -> memref<64xi32, #tpu.memory_space<vmem>>
    %dma_wait3A_46 = arith.constant 0 : i32
    %dma_wait3A_47 = arith.constant 0 : i32
    %dma_wait3A_48 = tpu.memref_slice %arg2[%dma_wait3A_46, %dma_wait3A_47] : memref<100000x128xi32, #tpu.memory_space<hbm>> -> memref<100000x128xi32, #tpu.memory_space<hbm>>
    tpu.wait_indirect_dma semaphore(%arg7 : memref<!tpu.dma_semaphore, #tpu.memory_space<semaphore_mem>>) src(%dma_wait3A_48 : memref<100000x128xi32, #tpu.memory_space<hbm>>) dst(%dma_wait3A_43 : memref<64x128xi32, #tpu.memory_space<vmem>>)
    "tpu.region"() ({
      %run_scoped3A = tpu.sem_alloc : memref<!tpu.dma_semaphore, #tpu.memory_space<semaphore_mem>>
      %dma_start3A_49 = arith.constant 0 : i32
      %dma_start3A_50 = tpu.memref_slice %arg4[%mul3A_2, %dma_start3A_49] : memref<10240x128xi32, #tpu.memory_space<hbm>> -> memref<320x128xi32, #tpu.memory_space<hbm>>
      %dma_start3A_51 = arith.constant 0 : i32
      %dma_start3A_52 = tpu.memref_slice %arg4[%mul3A_2, %dma_start3A_51] : memref<10240x128xi32, #tpu.memory_space<hbm>> -> memref<320x128xi32, #tpu.memory_space<hbm>>
      tpu.enqueue_dma source(%arg6 : memref<320x128xi32, #tpu.memory_space<vmem>>) target(%dma_start3A_52 : memref<320x128xi32, #tpu.memory_space<hbm>>) target_semaphore(%run_scoped3A : memref<!tpu.dma_semaphore, #tpu.memory_space<semaphore_mem>>)
      %dma_wait3A_53 = arith.constant 0 : i32
      %dma_wait3A_54 = tpu.memref_slice %arg4[%mul3A_2, %dma_wait3A_53] : memref<10240x128xi32, #tpu.memory_space<hbm>> -> memref<320x128xi32, #tpu.memory_space<hbm>>
      %dma_wait3A_55 = arith.constant 0 : i32
      %dma_wait3A_56 = tpu.memref_slice %arg4[%mul3A_2, %dma_wait3A_55] : memref<10240x128xi32, #tpu.memory_space<hbm>> -> memref<320x128xi32, #tpu.memory_space<hbm>>
      tpu.wait_dma2 semaphore(%run_scoped3A : memref<!tpu.dma_semaphore, #tpu.memory_space<semaphore_mem>>) src(%arg6 : memref<320x128xi32, #tpu.memory_space<vmem>>) dst(%dma_wait3A_56 : memref<320x128xi32, #tpu.memory_space<hbm>>)
      tpu.yield
    }) : () -> ()
    return
  }
}

#map = affine_map<(d0, d1) -> (0, 0)>
#map1 = affine_map<(d0, d1) -> (0)>
module attributes {stable_mosaic.version = 14 : i64} {
  func.func @gather_k(%arg0: i32, %arg1: i32, %arg2: memref<100000x128xi32, #tpu.memory_space<hbm>>, %arg3: memref<10240xi32, #tpu.memory_space<hbm>>, %arg4: memref<10240x128xi32, #tpu.memory_space<hbm>>, %arg5: memref<320xi32, #tpu.memory_space<vmem>>, %arg6: memref<320x128xi32, #tpu.memory_space<vmem>>, %arg7: memref<!tpu.dma_semaphore, #tpu.memory_space<semaphore_mem>>) attributes {dimension_semantics = [#tpu.dimension_semantics<core_parallel>, #tpu.dimension_semantics<subcore_parallel>], iteration_bounds = array<i64: 2, 16>, scalar_prefetch = 0 : i64, scratch_operands = 3 : i64, tpu.core_type = #tpu.core_type<sc_vector_subcore>, window_params = [{transform_indices = #map}, {transform_indices = #map1}, {transform_indices = #map}]} {
    %mul3A = arith.constant 2 : i32
    %mul3A_0 = arith.muli %arg1, %mul3A : i32
    %add3A = arith.addi %mul3A_0, %arg0 : i32
    %mul3A_1 = arith.constant 320 : i32
    %mul3A_2 = arith.muli %add3A, %mul3A_1 : i32
    "tpu.region"() ({
      %run_scoped3A = tpu.sem_alloc : memref<!tpu.dma_semaphore, #tpu.memory_space<semaphore_mem>>
      %dma_start3A_49 = tpu.memref_slice %arg3[%mul3A_2] : memref<10240xi32, #tpu.memory_space<hbm>> -> memref<320xi32, #tpu.memory_space<hbm>>
      %dma_start3A_50 = tpu.memref_slice %arg3[%mul3A_2] : memref<10240xi32, #tpu.memory_space<hbm>> -> memref<320xi32, #tpu.memory_space<hbm>>
      tpu.enqueue_dma source(%dma_start3A_50 : memref<320xi32, #tpu.memory_space<hbm>>) target(%arg5 : memref<320xi32, #tpu.memory_space<vmem>>) target_semaphore(%run_scoped3A : memref<!tpu.dma_semaphore, #tpu.memory_space<semaphore_mem>>)
      %dma_wait3A_51 = tpu.memref_slice %arg3[%mul3A_2] : memref<10240xi32, #tpu.memory_space<hbm>> -> memref<320xi32, #tpu.memory_space<hbm>>
      %dma_wait3A_52 = tpu.memref_slice %arg3[%mul3A_2] : memref<10240xi32, #tpu.memory_space<hbm>> -> memref<320xi32, #tpu.memory_space<hbm>>
      tpu.wait_dma2 semaphore(%run_scoped3A : memref<!tpu.dma_semaphore, #tpu.memory_space<semaphore_mem>>) src(%dma_wait3A_52 : memref<320xi32, #tpu.memory_space<hbm>>) dst(%arg5 : memref<320xi32, #tpu.memory_space<vmem>>)
      tpu.yield
    }) : () -> ()
    %dma_start3A = arith.constant 0 : i32
    %dma_start3A_3 = arith.constant 0 : i32
    %dma_start3A_4 = tpu.memref_slice %arg6[%dma_start3A, %dma_start3A_3] : memref<320x128xi32, #tpu.memory_space<vmem>> -> memref<128x128xi32, #tpu.memory_space<vmem>>
    %dma_start3A_5 = arith.constant 0 : i32
    %dma_start3A_6 = tpu.memref_slice %arg5[%dma_start3A_5] : memref<320xi32, #tpu.memory_space<vmem>> -> memref<128xi32, #tpu.memory_space<vmem>>
    %dma_start3A_7 = arith.constant 0 : i32
    %dma_start3A_8 = arith.constant 0 : i32
    %dma_start3A_9 = tpu.memref_slice %arg2[%dma_start3A_7, %dma_start3A_8] : memref<100000x128xi32, #tpu.memory_space<hbm>> -> memref<100000x128xi32, #tpu.memory_space<hbm>>
    tpu.enqueue_indirect_dma source(%dma_start3A_9 : memref<100000x128xi32, #tpu.memory_space<hbm>>) target(%dma_start3A_4 : memref<128x128xi32, #tpu.memory_space<vmem>>) offsets(%dma_start3A_6 : memref<128xi32, #tpu.memory_space<vmem>>) semaphore(%arg7 : memref<!tpu.dma_semaphore, #tpu.memory_space<semaphore_mem>>)
    %dma_start3A_10 = arith.constant 128 : i32
    %dma_start3A_11 = arith.constant 0 : i32
    %dma_start3A_12 = tpu.memref_slice %arg6[%dma_start3A_10, %dma_start3A_11] : memref<320x128xi32, #tpu.memory_space<vmem>> -> memref<128x128xi32, #tpu.memory_space<vmem>>
    %dma_start3A_13 = arith.constant 128 : i32
    %dma_start3A_14 = tpu.memref_slice %arg5[%dma_start3A_13] : memref<320xi32, #tpu.memory_space<vmem>> -> memref<128xi32, #tpu.memory_space<vmem>>
    %dma_start3A_15 = arith.constant 0 : i32
    %dma_start3A_16 = arith.constant 0 : i32
    %dma_start3A_17 = tpu.memref_slice %arg2[%dma_start3A_15, %dma_start3A_16] : memref<100000x128xi32, #tpu.memory_space<hbm>> -> memref<100000x128xi32, #tpu.memory_space<hbm>>
    tpu.enqueue_indirect_dma source(%dma_start3A_17 : memref<100000x128xi32, #tpu.memory_space<hbm>>) target(%dma_start3A_12 : memref<128x128xi32, #tpu.memory_space<vmem>>) offsets(%dma_start3A_14 : memref<128xi32, #tpu.memory_space<vmem>>) semaphore(%arg7 : memref<!tpu.dma_semaphore, #tpu.memory_space<semaphore_mem>>)
    %dma_start3A_18 = arith.constant 256 : i32
    %dma_start3A_19 = arith.constant 0 : i32
    %dma_start3A_20 = tpu.memref_slice %arg6[%dma_start3A_18, %dma_start3A_19] : memref<320x128xi32, #tpu.memory_space<vmem>> -> memref<64x128xi32, #tpu.memory_space<vmem>>
    %dma_start3A_21 = arith.constant 256 : i32
    %dma_start3A_22 = tpu.memref_slice %arg5[%dma_start3A_21] : memref<320xi32, #tpu.memory_space<vmem>> -> memref<64xi32, #tpu.memory_space<vmem>>
    %dma_start3A_23 = arith.constant 0 : i32
    %dma_start3A_24 = arith.constant 0 : i32
    %dma_start3A_25 = tpu.memref_slice %arg2[%dma_start3A_23, %dma_start3A_24] : memref<100000x128xi32, #tpu.memory_space<hbm>> -> memref<100000x128xi32, #tpu.memory_space<hbm>>
    tpu.enqueue_indirect_dma source(%dma_start3A_25 : memref<100000x128xi32, #tpu.memory_space<hbm>>) target(%dma_start3A_20 : memref<64x128xi32, #tpu.memory_space<vmem>>) offsets(%dma_start3A_22 : memref<64xi32, #tpu.memory_space<vmem>>) semaphore(%arg7 : memref<!tpu.dma_semaphore, #tpu.memory_space<semaphore_mem>>)
    %dma_wait3A = arith.constant 0 : i32
    %dma_wait3A_26 = arith.constant 0 : i32
    %dma_wait3A_27 = tpu.memref_slice %arg6[%dma_wait3A, %dma_wait3A_26] : memref<320x128xi32, #tpu.memory_space<vmem>> -> memref<128x128xi32, #tpu.memory_space<vmem>>
    %dma_wait3A_28 = arith.constant 0 : i32
    %dma_wait3A_29 = tpu.memref_slice %arg5[%dma_wait3A_28] : memref<320xi32, #tpu.memory_space<vmem>> -> memref<128xi32, #tpu.memory_space<vmem>>
    %dma_wait3A_30 = arith.constant 0 : i32
    %dma_wait3A_31 = arith.constant 0 : i32
    %dma_wait3A_32 = tpu.memref_slice %arg2[%dma_wait3A_30, %dma_wait3A_31] : memref<100000x128xi32, #tpu.memory_space<hbm>> -> memref<100000x128xi32, #tpu.memory_space<hbm>>
    tpu.wait_indirect_dma semaphore(%arg7 : memref<!tpu.dma_semaphore, #tpu.memory_space<semaphore_mem>>) src(%dma_wait3A_32 : memref<100000x128xi32, #tpu.memory_space<hbm>>) dst(%dma_wait3A_27 : memref<128x128xi32, #tpu.memory_space<vmem>>)
    %dma_wait3A_33 = arith.constant 128 : i32
    %dma_wait3A_34 = arith.constant 0 : i32
    %dma_wait3A_35 = tpu.memref_slice %arg6[%dma_wait3A_33, %dma_wait3A_34] : memref<320x128xi32, #tpu.memory_space<vmem>> -> memref<128x128xi32, #tpu.memory_space<vmem>>
    %dma_wait3A_36 = arith.constant 128 : i32
    %dma_wait3A_37 = tpu.memref_slice %arg5[%dma_wait3A_36] : memref<320xi32, #tpu.memory_space<vmem>> -> memref<128xi32, #tpu.memory_space<vmem>>
    %dma_wait3A_38 = arith.constant 0 : i32
    %dma_wait3A_39 = arith.constant 0 : i32
    %dma_wait3A_40 = tpu.memref_slice %arg2[%dma_wait3A_38, %dma_wait3A_39] : memref<100000x128xi32, #tpu.memory_space<hbm>> -> memref<100000x128xi32, #tpu.memory_space<hbm>>
    tpu.wait_indirect_dma semaphore(%arg7 : memref<!tpu.dma_semaphore, #tpu.memory_space<semaphore_mem>>) src(%dma_wait3A_40 : memref<100000x128xi32, #tpu.memory_space<hbm>>) dst(%dma_wait3A_35 : memref<128x128xi32, #tpu.memory_space<vmem>>)
    %dma_wait3A_41 = arith.constant 256 : i32
    %dma_wait3A_42 = arith.constant 0 : i32
    %dma_wait3A_43 = tpu.memref_slice %arg6[%dma_wait3A_41, %dma_wait3A_42] : memref<320x128xi32, #tpu.memory_space<vmem>> -> memref<64x128xi32, #tpu.memory_space<vmem>>
    %dma_wait3A_44 = arith.constant 256 : i32
    %dma_wait3A_45 = tpu.memref_slice %arg5[%dma_wait3A_44] : memref<320xi32, #tpu.memory_space<vmem>> -> memref<64xi32, #tpu.memory_space<vmem>>
    %dma_wait3A_46 = arith.constant 0 : i32
    %dma_wait3A_47 = arith.constant 0 : i32
    %dma_wait3A_48 = tpu.memref_slice %arg2[%dma_wait3A_46, %dma_wait3A_47] : memref<100000x128xi32, #tpu.memory_space<hbm>> -> memref<100000x128xi32, #tpu.memory_space<hbm>>
    tpu.wait_indirect_dma semaphore(%arg7 : memref<!tpu.dma_semaphore, #tpu.memory_space<semaphore_mem>>) src(%dma_wait3A_48 : memref<100000x128xi32, #tpu.memory_space<hbm>>) dst(%dma_wait3A_43 : memref<64x128xi32, #tpu.memory_space<vmem>>)
    "tpu.region"() ({
      %run_scoped3A = tpu.sem_alloc : memref<!tpu.dma_semaphore, #tpu.memory_space<semaphore_mem>>
      %dma_start3A_49 = arith.constant 0 : i32
      %dma_start3A_50 = tpu.memref_slice %arg4[%mul3A_2, %dma_start3A_49] : memref<10240x128xi32, #tpu.memory_space<hbm>> -> memref<320x128xi32, #tpu.memory_space<hbm>>
      %dma_start3A_51 = arith.constant 0 : i32
      %dma_start3A_52 = tpu.memref_slice %arg4[%mul3A_2, %dma_start3A_51] : memref<10240x128xi32, #tpu.memory_space<hbm>> -> memref<320x128xi32, #tpu.memory_space<hbm>>
      tpu.enqueue_dma source(%arg6 : memref<320x128xi32, #tpu.memory_space<vmem>>) target(%dma_start3A_52 : memref<320x128xi32, #tpu.memory_space<hbm>>) target_semaphore(%run_scoped3A : memref<!tpu.dma_semaphore, #tpu.memory_space<semaphore_mem>>)
      %dma_wait3A_53 = arith.constant 0 : i32
      %dma_wait3A_54 = tpu.memref_slice %arg4[%mul3A_2, %dma_wait3A_53] : memref<10240x128xi32, #tpu.memory_space<hbm>> -> memref<320x128xi32, #tpu.memory_space<hbm>>
      %dma_wait3A_55 = arith.constant 0 : i32
      %dma_wait3A_56 = tpu.memref_slice %arg4[%mul3A_2, %dma_wait3A_55] : memref<10240x128xi32, #tpu.memory_space<hbm>> -> memref<320x128xi32, #tpu.memory_space<hbm>>
      tpu.wait_dma2 semaphore(%run_scoped3A : memref<!tpu.dma_semaphore, #tpu.memory_space<semaphore_mem>>) src(%arg6 : memref<320x128xi32, #tpu.memory_space<vmem>>) dst(%dma_wait3A_56 : memref<320x128xi32, #tpu.memory_space<hbm>>)
      tpu.yield
    }) : () -> ()
    return
  }
}

#map = affine_map<(d0, d1) -> (0, 0)>
#map1 = affine_map<(d0, d1) -> (0)>
module attributes {stable_mosaic.version = 14 : i64} {
  func.func @gather_k(%arg0: i32, %arg1: i32, %arg2: memref<100000x128xi32, #tpu.memory_space<hbm>>, %arg3: memref<10240xi32, #tpu.memory_space<hbm>>, %arg4: memref<10240x128xi32, #tpu.memory_space<hbm>>, %arg5: memref<320xi32, #tpu.memory_space<vmem>>, %arg6: memref<320x128xi32, #tpu.memory_space<vmem>>, %arg7: memref<!tpu.dma_semaphore, #tpu.memory_space<semaphore_mem>>) attributes {dimension_semantics = [#tpu.dimension_semantics<core_parallel>, #tpu.dimension_semantics<subcore_parallel>], iteration_bounds = array<i64: 2, 16>, scalar_prefetch = 0 : i64, scratch_operands = 3 : i64, tpu.core_type = #tpu.core_type<sc_vector_subcore>, window_params = [{transform_indices = #map}, {transform_indices = #map1}, {transform_indices = #map}]} {
    %mul3A = arith.constant 2 : i32
    %mul3A_0 = arith.muli %arg1, %mul3A : i32
    %add3A = arith.addi %mul3A_0, %arg0 : i32
    %mul3A_1 = arith.constant 320 : i32
    %mul3A_2 = arith.muli %add3A, %mul3A_1 : i32
    "tpu.region"() ({
      %run_scoped3A = tpu.sem_alloc : memref<!tpu.dma_semaphore, #tpu.memory_space<semaphore_mem>>
      %dma_start3A_49 = tpu.memref_slice %arg3[%mul3A_2] : memref<10240xi32, #tpu.memory_space<hbm>> -> memref<320xi32, #tpu.memory_space<hbm>>
      %dma_start3A_50 = tpu.memref_slice %arg3[%mul3A_2] : memref<10240xi32, #tpu.memory_space<hbm>> -> memref<320xi32, #tpu.memory_space<hbm>>
      tpu.enqueue_dma source(%dma_start3A_50 : memref<320xi32, #tpu.memory_space<hbm>>) target(%arg5 : memref<320xi32, #tpu.memory_space<vmem>>) target_semaphore(%run_scoped3A : memref<!tpu.dma_semaphore, #tpu.memory_space<semaphore_mem>>)
      %dma_wait3A_51 = tpu.memref_slice %arg3[%mul3A_2] : memref<10240xi32, #tpu.memory_space<hbm>> -> memref<320xi32, #tpu.memory_space<hbm>>
      %dma_wait3A_52 = tpu.memref_slice %arg3[%mul3A_2] : memref<10240xi32, #tpu.memory_space<hbm>> -> memref<320xi32, #tpu.memory_space<hbm>>
      tpu.wait_dma2 semaphore(%run_scoped3A : memref<!tpu.dma_semaphore, #tpu.memory_space<semaphore_mem>>) src(%dma_wait3A_52 : memref<320xi32, #tpu.memory_space<hbm>>) dst(%arg5 : memref<320xi32, #tpu.memory_space<vmem>>)
      tpu.yield
    }) : () -> ()
    %dma_start3A = arith.constant 0 : i32
    %dma_start3A_3 = arith.constant 0 : i32
    %dma_start3A_4 = tpu.memref_slice %arg6[%dma_start3A, %dma_start3A_3] : memref<320x128xi32, #tpu.memory_space<vmem>> -> memref<128x128xi32, #tpu.memory_space<vmem>>
    %dma_start3A_5 = arith.constant 0 : i32
    %dma_start3A_6 = tpu.memref_slice %arg5[%dma_start3A_5] : memref<320xi32, #tpu.memory_space<vmem>> -> memref<128xi32, #tpu.memory_space<vmem>>
    %dma_start3A_7 = arith.constant 0 : i32
    %dma_start3A_8 = arith.constant 0 : i32
    %dma_start3A_9 = tpu.memref_slice %arg2[%dma_start3A_7, %dma_start3A_8] : memref<100000x128xi32, #tpu.memory_space<hbm>> -> memref<100000x128xi32, #tpu.memory_space<hbm>>
    tpu.enqueue_indirect_dma source(%dma_start3A_9 : memref<100000x128xi32, #tpu.memory_space<hbm>>) target(%dma_start3A_4 : memref<128x128xi32, #tpu.memory_space<vmem>>) offsets(%dma_start3A_6 : memref<128xi32, #tpu.memory_space<vmem>>) semaphore(%arg7 : memref<!tpu.dma_semaphore, #tpu.memory_space<semaphore_mem>>)
    %dma_start3A_10 = arith.constant 128 : i32
    %dma_start3A_11 = arith.constant 0 : i32
    %dma_start3A_12 = tpu.memref_slice %arg6[%dma_start3A_10, %dma_start3A_11] : memref<320x128xi32, #tpu.memory_space<vmem>> -> memref<128x128xi32, #tpu.memory_space<vmem>>
    %dma_start3A_13 = arith.constant 128 : i32
    %dma_start3A_14 = tpu.memref_slice %arg5[%dma_start3A_13] : memref<320xi32, #tpu.memory_space<vmem>> -> memref<128xi32, #tpu.memory_space<vmem>>
    %dma_start3A_15 = arith.constant 0 : i32
    %dma_start3A_16 = arith.constant 0 : i32
    %dma_start3A_17 = tpu.memref_slice %arg2[%dma_start3A_15, %dma_start3A_16] : memref<100000x128xi32, #tpu.memory_space<hbm>> -> memref<100000x128xi32, #tpu.memory_space<hbm>>
    tpu.enqueue_indirect_dma source(%dma_start3A_17 : memref<100000x128xi32, #tpu.memory_space<hbm>>) target(%dma_start3A_12 : memref<128x128xi32, #tpu.memory_space<vmem>>) offsets(%dma_start3A_14 : memref<128xi32, #tpu.memory_space<vmem>>) semaphore(%arg7 : memref<!tpu.dma_semaphore, #tpu.memory_space<semaphore_mem>>)
    %dma_start3A_18 = arith.constant 256 : i32
    %dma_start3A_19 = arith.constant 0 : i32
    %dma_start3A_20 = tpu.memref_slice %arg6[%dma_start3A_18, %dma_start3A_19] : memref<320x128xi32, #tpu.memory_space<vmem>> -> memref<64x128xi32, #tpu.memory_space<vmem>>
    %dma_start3A_21 = arith.constant 256 : i32
    %dma_start3A_22 = tpu.memref_slice %arg5[%dma_start3A_21] : memref<320xi32, #tpu.memory_space<vmem>> -> memref<64xi32, #tpu.memory_space<vmem>>
    %dma_start3A_23 = arith.constant 0 : i32
    %dma_start3A_24 = arith.constant 0 : i32
    %dma_start3A_25 = tpu.memref_slice %arg2[%dma_start3A_23, %dma_start3A_24] : memref<100000x128xi32, #tpu.memory_space<hbm>> -> memref<100000x128xi32, #tpu.memory_space<hbm>>
    tpu.enqueue_indirect_dma source(%dma_start3A_25 : memref<100000x128xi32, #tpu.memory_space<hbm>>) target(%dma_start3A_20 : memref<64x128xi32, #tpu.memory_space<vmem>>) offsets(%dma_start3A_22 : memref<64xi32, #tpu.memory_space<vmem>>) semaphore(%arg7 : memref<!tpu.dma_semaphore, #tpu.memory_space<semaphore_mem>>)
    %dma_wait3A = arith.constant 0 : i32
    %dma_wait3A_26 = arith.constant 0 : i32
    %dma_wait3A_27 = tpu.memref_slice %arg6[%dma_wait3A, %dma_wait3A_26] : memref<320x128xi32, #tpu.memory_space<vmem>> -> memref<128x128xi32, #tpu.memory_space<vmem>>
    %dma_wait3A_28 = arith.constant 0 : i32
    %dma_wait3A_29 = tpu.memref_slice %arg5[%dma_wait3A_28] : memref<320xi32, #tpu.memory_space<vmem>> -> memref<128xi32, #tpu.memory_space<vmem>>
    %dma_wait3A_30 = arith.constant 0 : i32
    %dma_wait3A_31 = arith.constant 0 : i32
    %dma_wait3A_32 = tpu.memref_slice %arg2[%dma_wait3A_30, %dma_wait3A_31] : memref<100000x128xi32, #tpu.memory_space<hbm>> -> memref<100000x128xi32, #tpu.memory_space<hbm>>
    tpu.wait_indirect_dma semaphore(%arg7 : memref<!tpu.dma_semaphore, #tpu.memory_space<semaphore_mem>>) src(%dma_wait3A_32 : memref<100000x128xi32, #tpu.memory_space<hbm>>) dst(%dma_wait3A_27 : memref<128x128xi32, #tpu.memory_space<vmem>>)
    %dma_wait3A_33 = arith.constant 128 : i32
    %dma_wait3A_34 = arith.constant 0 : i32
    %dma_wait3A_35 = tpu.memref_slice %arg6[%dma_wait3A_33, %dma_wait3A_34] : memref<320x128xi32, #tpu.memory_space<vmem>> -> memref<128x128xi32, #tpu.memory_space<vmem>>
    %dma_wait3A_36 = arith.constant 128 : i32
    %dma_wait3A_37 = tpu.memref_slice %arg5[%dma_wait3A_36] : memref<320xi32, #tpu.memory_space<vmem>> -> memref<128xi32, #tpu.memory_space<vmem>>
    %dma_wait3A_38 = arith.constant 0 : i32
    %dma_wait3A_39 = arith.constant 0 : i32
    %dma_wait3A_40 = tpu.memref_slice %arg2[%dma_wait3A_38, %dma_wait3A_39] : memref<100000x128xi32, #tpu.memory_space<hbm>> -> memref<100000x128xi32, #tpu.memory_space<hbm>>
    tpu.wait_indirect_dma semaphore(%arg7 : memref<!tpu.dma_semaphore, #tpu.memory_space<semaphore_mem>>) src(%dma_wait3A_40 : memref<100000x128xi32, #tpu.memory_space<hbm>>) dst(%dma_wait3A_35 : memref<128x128xi32, #tpu.memory_space<vmem>>)
    %dma_wait3A_41 = arith.constant 256 : i32
    %dma_wait3A_42 = arith.constant 0 : i32
    %dma_wait3A_43 = tpu.memref_slice %arg6[%dma_wait3A_41, %dma_wait3A_42] : memref<320x128xi32, #tpu.memory_space<vmem>> -> memref<64x128xi32, #tpu.memory_space<vmem>>
    %dma_wait3A_44 = arith.constant 256 : i32
    %dma_wait3A_45 = tpu.memref_slice %arg5[%dma_wait3A_44] : memref<320xi32, #tpu.memory_space<vmem>> -> memref<64xi32, #tpu.memory_space<vmem>>
    %dma_wait3A_46 = arith.constant 0 : i32
    %dma_wait3A_47 = arith.constant 0 : i32
    %dma_wait3A_48 = tpu.memref_slice %arg2[%dma_wait3A_46, %dma_wait3A_47] : memref<100000x128xi32, #tpu.memory_space<hbm>> -> memref<100000x128xi32, #tpu.memory_space<hbm>>
    tpu.wait_indirect_dma semaphore(%arg7 : memref<!tpu.dma_semaphore, #tpu.memory_space<semaphore_mem>>) src(%dma_wait3A_48 : memref<100000x128xi32, #tpu.memory_space<hbm>>) dst(%dma_wait3A_43 : memref<64x128xi32, #tpu.memory_space<vmem>>)
    "tpu.region"() ({
      %run_scoped3A = tpu.sem_alloc : memref<!tpu.dma_semaphore, #tpu.memory_space<semaphore_mem>>
      %dma_start3A_49 = arith.constant 0 : i32
      %dma_start3A_50 = tpu.memref_slice %arg4[%mul3A_2, %dma_start3A_49] : memref<10240x128xi32, #tpu.memory_space<hbm>> -> memref<320x128xi32, #tpu.memory_space<hbm>>
      %dma_start3A_51 = arith.constant 0 : i32
      %dma_start3A_52 = tpu.memref_slice %arg4[%mul3A_2, %dma_start3A_51] : memref<10240x128xi32, #tpu.memory_space<hbm>> -> memref<320x128xi32, #tpu.memory_space<hbm>>
      tpu.enqueue_dma source(%arg6 : memref<320x128xi32, #tpu.memory_space<vmem>>) target(%dma_start3A_52 : memref<320x128xi32, #tpu.memory_space<hbm>>) target_semaphore(%run_scoped3A : memref<!tpu.dma_semaphore, #tpu.memory_space<semaphore_mem>>)
      %dma_wait3A_53 = arith.constant 0 : i32
      %dma_wait3A_54 = tpu.memref_slice %arg4[%mul3A_2, %dma_wait3A_53] : memref<10240x128xi32, #tpu.memory_space<hbm>> -> memref<320x128xi32, #tpu.memory_space<hbm>>
      %dma_wait3A_55 = arith.constant 0 : i32
      %dma_wait3A_56 = tpu.memref_slice %arg4[%mul3A_2, %dma_wait3A_55] : memref<10240x128xi32, #tpu.memory_space<hbm>> -> memref<320x128xi32, #tpu.memory_space<hbm>>
      tpu.wait_dma2 semaphore(%run_scoped3A : memref<!tpu.dma_semaphore, #tpu.memory_space<semaphore_mem>>) src(%arg6 : memref<320x128xi32, #tpu.memory_space<vmem>>) dst(%dma_wait3A_56 : memref<320x128xi32, #tpu.memory_space<hbm>>)
      tpu.yield
    }) : () -> ()
    return
  }
}

#map = affine_map<(d0, d1) -> (0, 0)>
#map1 = affine_map<(d0, d1) -> (0)>
module attributes {stable_mosaic.version = 14 : i64} {
  func.func @gather_k(%arg0: i32, %arg1: i32, %arg2: memref<100000x128xi32, #tpu.memory_space<hbm>>, %arg3: memref<10240xi32, #tpu.memory_space<hbm>>, %arg4: memref<10240x128xi32, #tpu.memory_space<hbm>>, %arg5: memref<320xi32, #tpu.memory_space<vmem>>, %arg6: memref<320x128xi32, #tpu.memory_space<vmem>>, %arg7: memref<!tpu.dma_semaphore, #tpu.memory_space<semaphore_mem>>) attributes {dimension_semantics = [#tpu.dimension_semantics<core_parallel>, #tpu.dimension_semantics<subcore_parallel>], iteration_bounds = array<i64: 2, 16>, scalar_prefetch = 0 : i64, scratch_operands = 3 : i64, tpu.core_type = #tpu.core_type<sc_vector_subcore>, window_params = [{transform_indices = #map}, {transform_indices = #map1}, {transform_indices = #map}]} {
    %mul3A = arith.constant 2 : i32
    %mul3A_0 = arith.muli %arg1, %mul3A : i32
    %add3A = arith.addi %mul3A_0, %arg0 : i32
    %mul3A_1 = arith.constant 320 : i32
    %mul3A_2 = arith.muli %add3A, %mul3A_1 : i32
    "tpu.region"() ({
      %run_scoped3A = tpu.sem_alloc : memref<!tpu.dma_semaphore, #tpu.memory_space<semaphore_mem>>
      %dma_start3A_49 = tpu.memref_slice %arg3[%mul3A_2] : memref<10240xi32, #tpu.memory_space<hbm>> -> memref<320xi32, #tpu.memory_space<hbm>>
      %dma_start3A_50 = tpu.memref_slice %arg3[%mul3A_2] : memref<10240xi32, #tpu.memory_space<hbm>> -> memref<320xi32, #tpu.memory_space<hbm>>
      tpu.enqueue_dma source(%dma_start3A_50 : memref<320xi32, #tpu.memory_space<hbm>>) target(%arg5 : memref<320xi32, #tpu.memory_space<vmem>>) target_semaphore(%run_scoped3A : memref<!tpu.dma_semaphore, #tpu.memory_space<semaphore_mem>>)
      %dma_wait3A_51 = tpu.memref_slice %arg3[%mul3A_2] : memref<10240xi32, #tpu.memory_space<hbm>> -> memref<320xi32, #tpu.memory_space<hbm>>
      %dma_wait3A_52 = tpu.memref_slice %arg3[%mul3A_2] : memref<10240xi32, #tpu.memory_space<hbm>> -> memref<320xi32, #tpu.memory_space<hbm>>
      tpu.wait_dma2 semaphore(%run_scoped3A : memref<!tpu.dma_semaphore, #tpu.memory_space<semaphore_mem>>) src(%dma_wait3A_52 : memref<320xi32, #tpu.memory_space<hbm>>) dst(%arg5 : memref<320xi32, #tpu.memory_space<vmem>>)
      tpu.yield
    }) : () -> ()
    %dma_start3A = arith.constant 0 : i32
    %dma_start3A_3 = arith.constant 0 : i32
    %dma_start3A_4 = tpu.memref_slice %arg6[%dma_start3A, %dma_start3A_3] : memref<320x128xi32, #tpu.memory_space<vmem>> -> memref<128x128xi32, #tpu.memory_space<vmem>>
    %dma_start3A_5 = arith.constant 0 : i32
    %dma_start3A_6 = tpu.memref_slice %arg5[%dma_start3A_5] : memref<320xi32, #tpu.memory_space<vmem>> -> memref<128xi32, #tpu.memory_space<vmem>>
    %dma_start3A_7 = arith.constant 0 : i32
    %dma_start3A_8 = arith.constant 0 : i32
    %dma_start3A_9 = tpu.memref_slice %arg2[%dma_start3A_7, %dma_start3A_8] : memref<100000x128xi32, #tpu.memory_space<hbm>> -> memref<100000x128xi32, #tpu.memory_space<hbm>>
    tpu.enqueue_indirect_dma source(%dma_start3A_9 : memref<100000x128xi32, #tpu.memory_space<hbm>>) target(%dma_start3A_4 : memref<128x128xi32, #tpu.memory_space<vmem>>) offsets(%dma_start3A_6 : memref<128xi32, #tpu.memory_space<vmem>>) semaphore(%arg7 : memref<!tpu.dma_semaphore, #tpu.memory_space<semaphore_mem>>)
    %dma_start3A_10 = arith.constant 128 : i32
    %dma_start3A_11 = arith.constant 0 : i32
    %dma_start3A_12 = tpu.memref_slice %arg6[%dma_start3A_10, %dma_start3A_11] : memref<320x128xi32, #tpu.memory_space<vmem>> -> memref<128x128xi32, #tpu.memory_space<vmem>>
    %dma_start3A_13 = arith.constant 128 : i32
    %dma_start3A_14 = tpu.memref_slice %arg5[%dma_start3A_13] : memref<320xi32, #tpu.memory_space<vmem>> -> memref<128xi32, #tpu.memory_space<vmem>>
    %dma_start3A_15 = arith.constant 0 : i32
    %dma_start3A_16 = arith.constant 0 : i32
    %dma_start3A_17 = tpu.memref_slice %arg2[%dma_start3A_15, %dma_start3A_16] : memref<100000x128xi32, #tpu.memory_space<hbm>> -> memref<100000x128xi32, #tpu.memory_space<hbm>>
    tpu.enqueue_indirect_dma source(%dma_start3A_17 : memref<100000x128xi32, #tpu.memory_space<hbm>>) target(%dma_start3A_12 : memref<128x128xi32, #tpu.memory_space<vmem>>) offsets(%dma_start3A_14 : memref<128xi32, #tpu.memory_space<vmem>>) semaphore(%arg7 : memref<!tpu.dma_semaphore, #tpu.memory_space<semaphore_mem>>)
    %dma_start3A_18 = arith.constant 256 : i32
    %dma_start3A_19 = arith.constant 0 : i32
    %dma_start3A_20 = tpu.memref_slice %arg6[%dma_start3A_18, %dma_start3A_19] : memref<320x128xi32, #tpu.memory_space<vmem>> -> memref<64x128xi32, #tpu.memory_space<vmem>>
    %dma_start3A_21 = arith.constant 256 : i32
    %dma_start3A_22 = tpu.memref_slice %arg5[%dma_start3A_21] : memref<320xi32, #tpu.memory_space<vmem>> -> memref<64xi32, #tpu.memory_space<vmem>>
    %dma_start3A_23 = arith.constant 0 : i32
    %dma_start3A_24 = arith.constant 0 : i32
    %dma_start3A_25 = tpu.memref_slice %arg2[%dma_start3A_23, %dma_start3A_24] : memref<100000x128xi32, #tpu.memory_space<hbm>> -> memref<100000x128xi32, #tpu.memory_space<hbm>>
    tpu.enqueue_indirect_dma source(%dma_start3A_25 : memref<100000x128xi32, #tpu.memory_space<hbm>>) target(%dma_start3A_20 : memref<64x128xi32, #tpu.memory_space<vmem>>) offsets(%dma_start3A_22 : memref<64xi32, #tpu.memory_space<vmem>>) semaphore(%arg7 : memref<!tpu.dma_semaphore, #tpu.memory_space<semaphore_mem>>)
    %dma_wait3A = arith.constant 0 : i32
    %dma_wait3A_26 = arith.constant 0 : i32
    %dma_wait3A_27 = tpu.memref_slice %arg6[%dma_wait3A, %dma_wait3A_26] : memref<320x128xi32, #tpu.memory_space<vmem>> -> memref<128x128xi32, #tpu.memory_space<vmem>>
    %dma_wait3A_28 = arith.constant 0 : i32
    %dma_wait3A_29 = tpu.memref_slice %arg5[%dma_wait3A_28] : memref<320xi32, #tpu.memory_space<vmem>> -> memref<128xi32, #tpu.memory_space<vmem>>
    %dma_wait3A_30 = arith.constant 0 : i32
    %dma_wait3A_31 = arith.constant 0 : i32
    %dma_wait3A_32 = tpu.memref_slice %arg2[%dma_wait3A_30, %dma_wait3A_31] : memref<100000x128xi32, #tpu.memory_space<hbm>> -> memref<100000x128xi32, #tpu.memory_space<hbm>>
    tpu.wait_indirect_dma semaphore(%arg7 : memref<!tpu.dma_semaphore, #tpu.memory_space<semaphore_mem>>) src(%dma_wait3A_32 : memref<100000x128xi32, #tpu.memory_space<hbm>>) dst(%dma_wait3A_27 : memref<128x128xi32, #tpu.memory_space<vmem>>)
    %dma_wait3A_33 = arith.constant 128 : i32
    %dma_wait3A_34 = arith.constant 0 : i32
    %dma_wait3A_35 = tpu.memref_slice %arg6[%dma_wait3A_33, %dma_wait3A_34] : memref<320x128xi32, #tpu.memory_space<vmem>> -> memref<128x128xi32, #tpu.memory_space<vmem>>
    %dma_wait3A_36 = arith.constant 128 : i32
    %dma_wait3A_37 = tpu.memref_slice %arg5[%dma_wait3A_36] : memref<320xi32, #tpu.memory_space<vmem>> -> memref<128xi32, #tpu.memory_space<vmem>>
    %dma_wait3A_38 = arith.constant 0 : i32
    %dma_wait3A_39 = arith.constant 0 : i32
    %dma_wait3A_40 = tpu.memref_slice %arg2[%dma_wait3A_38, %dma_wait3A_39] : memref<100000x128xi32, #tpu.memory_space<hbm>> -> memref<100000x128xi32, #tpu.memory_space<hbm>>
    tpu.wait_indirect_dma semaphore(%arg7 : memref<!tpu.dma_semaphore, #tpu.memory_space<semaphore_mem>>) src(%dma_wait3A_40 : memref<100000x128xi32, #tpu.memory_space<hbm>>) dst(%dma_wait3A_35 : memref<128x128xi32, #tpu.memory_space<vmem>>)
    %dma_wait3A_41 = arith.constant 256 : i32
    %dma_wait3A_42 = arith.constant 0 : i32
    %dma_wait3A_43 = tpu.memref_slice %arg6[%dma_wait3A_41, %dma_wait3A_42] : memref<320x128xi32, #tpu.memory_space<vmem>> -> memref<64x128xi32, #tpu.memory_space<vmem>>
    %dma_wait3A_44 = arith.constant 256 : i32
    %dma_wait3A_45 = tpu.memref_slice %arg5[%dma_wait3A_44] : memref<320xi32, #tpu.memory_space<vmem>> -> memref<64xi32, #tpu.memory_space<vmem>>
    %dma_wait3A_46 = arith.constant 0 : i32
    %dma_wait3A_47 = arith.constant 0 : i32
    %dma_wait3A_48 = tpu.memref_slice %arg2[%dma_wait3A_46, %dma_wait3A_47] : memref<100000x128xi32, #tpu.memory_space<hbm>> -> memref<100000x128xi32, #tpu.memory_space<hbm>>
    tpu.wait_indirect_dma semaphore(%arg7 : memref<!tpu.dma_semaphore, #tpu.memory_space<semaphore_mem>>) src(%dma_wait3A_48 : memref<100000x128xi32, #tpu.memory_space<hbm>>) dst(%dma_wait3A_43 : memref<64x128xi32, #tpu.memory_space<vmem>>)
    "tpu.region"() ({
      %run_scoped3A = tpu.sem_alloc : memref<!tpu.dma_semaphore, #tpu.memory_space<semaphore_mem>>
      %dma_start3A_49 = arith.constant 0 : i32
      %dma_start3A_50 = tpu.memref_slice %arg4[%mul3A_2, %dma_start3A_49] : memref<10240x128xi32, #tpu.memory_space<hbm>> -> memref<320x128xi32, #tpu.memory_space<hbm>>
      %dma_start3A_51 = arith.constant 0 : i32
      %dma_start3A_52 = tpu.memref_slice %arg4[%mul3A_2, %dma_start3A_51] : memref<10240x128xi32, #tpu.memory_space<hbm>> -> memref<320x128xi32, #tpu.memory_space<hbm>>
      tpu.enqueue_dma source(%arg6 : memref<320x128xi32, #tpu.memory_space<vmem>>) target(%dma_start3A_52 : memref<320x128xi32, #tpu.memory_space<hbm>>) target_semaphore(%run_scoped3A : memref<!tpu.dma_semaphore, #tpu.memory_space<semaphore_mem>>)
      %dma_wait3A_53 = arith.constant 0 : i32
      %dma_wait3A_54 = tpu.memref_slice %arg4[%mul3A_2, %dma_wait3A_53] : memref<10240x128xi32, #tpu.memory_space<hbm>> -> memref<320x128xi32, #tpu.memory_space<hbm>>
      %dma_wait3A_55 = arith.constant 0 : i32
      %dma_wait3A_56 = tpu.memref_slice %arg4[%mul3A_2, %dma_wait3A_55] : memref<10240x128xi32, #tpu.memory_space<hbm>> -> memref<320x128xi32, #tpu.memory_space<hbm>>
      tpu.wait_dma2 semaphore(%run_scoped3A : memref<!tpu.dma_semaphore, #tpu.memory_space<semaphore_mem>>) src(%arg6 : memref<320x128xi32, #tpu.memory_space<vmem>>) dst(%dma_wait3A_56 : memref<320x128xi32, #tpu.memory_space<hbm>>)
      tpu.yield
    }) : () -> ()
    return
  }
}

module attributes {stable_mosaic.version = 14 : i64} {
  func.func @_pre_body(%arg0: i32, %arg1: memref<2000x32xi32, #tpu.memory_space<vmem>>, %arg2: memref<2000x32xf32, #tpu.memory_space<vmem>>, %arg3: memref<2000x1xi32, #tpu.memory_space<vmem>>, %arg4: memref<2000x128xf32, #tpu.memory_space<vmem>>, %arg5: memref<128xf32, #tpu.memory_space<vmem>>, %arg6: memref<2000x128xi32, #tpu.memory_space<vmem>>) attributes {dimension_semantics = [#tpu.dimension_semantics<arbitrary>], iteration_bounds = array<i64: 50>, scalar_prefetch = 0 : i64, scratch_operands = 0 : i64, tpu.core_type = #tpu.core_type<tc>, window_params = [{transform_indices = @transform_0, window_bounds = array<i64: 2000, 32>}, {transform_indices = @transform_1, window_bounds = array<i64: 2000, 32>}, {transform_indices = @transform_2, window_bounds = array<i64: 2000, 1>}, {transform_indices = @transform_3, window_bounds = array<i64: 2000, 128>}, {pipeline_mode = #tpu.pipeline_mode<synchronous>, transform_indices = @transform_4, window_bounds = array<i64: 128>}, {transform_indices = @transform_5, window_bounds = array<i64: 2000, 128>}]} {
    %get3A = arith.constant 0 : index
    %get3A_0 = arith.constant 0 : index
    %get3A_1 = vector.load %arg2[%get3A, %get3A_0] : memref<2000x32xf32, #tpu.memory_space<vmem>>, vector<2000x32xf32>
    %get3A_2 = arith.constant 0 : index
    %get3A_3 = arith.constant 0 : index
    %get3A_4 = vector.load %arg3[%get3A_2, %get3A_3] : memref<2000x1xi32, #tpu.memory_space<vmem>>, vector<2000x1xi32>
    %iota3A = tpu.iota {dimensions = array<i32: 1>} : vector<2000x32xi32>
    %lt3A = vector.broadcast %get3A_4 : vector<2000x1xi32> to vector<2000x32xi32>
    %lt3A_5 = arith.cmpi slt, %iota3A, %lt3A : vector<2000x32xi32>
    %jit3A = arith.constant 2.000000e+00 : f32
    %broadcast_in_dim3A = vector.broadcast %jit3A : f32 to vector<2000x32xf32>
    %select_n3A = arith.select %lt3A_5, %get3A_1, %broadcast_in_dim3A : vector<2000x32xi1>, vector<2000x32xf32>
    %get3A_6 = arith.constant 0 : index
    %get3A_7 = arith.constant 0 : index
    %get3A_8 = vector.load %arg4[%get3A_6, %get3A_7] : memref<2000x128xf32, #tpu.memory_space<vmem>>, vector<2000x128xf32>
    %convert_element_type3A = arith.truncf %get3A_8 : vector<2000x128xf32> to vector<2000x128xbf16>
    %convert_element_type3A_9 = arith.extf %convert_element_type3A : vector<2000x128xbf16> to vector<2000x128xf32>
    %get3A_10 = arith.constant 0 : index
    %get3A_11 = vector.load %arg5[%get3A_10] : memref<128xf32, #tpu.memory_space<vmem>>, vector<128xf32>
    %convert_element_type3A_12 = arith.truncf %get3A_11 : vector<128xf32> to vector<128xbf16>
    %convert_element_type3A_13 = arith.extf %convert_element_type3A_12 : vector<128xbf16> to vector<128xf32>
    %broadcast_in_dim3A_14 = vector.shape_cast %convert_element_type3A_13 : vector<128xf32> to vector<1x128xf32>
    %mul3A = vector.broadcast %broadcast_in_dim3A_14 : vector<1x128xf32> to vector<2000x128xf32>
    %mul3A_15 = arith.mulf %convert_element_type3A_9, %mul3A : vector<2000x128xf32>
    %reduce_sum3A = arith.constant dense<0.000000e+00> : vector<2000xf32>
    %reduce_sum3A_16 = vector.multi_reduction <add>, %mul3A_15, %reduce_sum3A [1] : vector<2000x128xf32> to vector<2000xf32>
    %broadcast_in_dim3A_17 = vector.shape_cast %reduce_sum3A_16 : vector<2000xf32> to vector<2000x1xf32>
    %broadcast_in_dim3A_18 = vector.shape_cast %broadcast_in_dim3A_17 : vector<2000x1xf32> to vector<2000x1xf32>
    %broadcast_in_dim3A_19 = vector.broadcast %broadcast_in_dim3A_18 : vector<2000x1xf32> to vector<2000x16xf32>
    %broadcast_in_dim3A_20 = arith.constant 0.000000e+00 : f32
    %broadcast_in_dim3A_21 = vector.broadcast %broadcast_in_dim3A_20 : f32 to vector<2000x48xf32>
    %concatenate3A = tpu.concatenate %select_n3A, %broadcast_in_dim3A_19, %broadcast_in_dim3A_21 in 1 : vector<2000x32xf32>, vector<2000x16xf32>, vector<2000x48xf32> -> vector<2000x96xf32>
    %get3A_22 = arith.constant 0 : index
    %get3A_23 = arith.constant 0 : index
    %get3A_24 = vector.load %arg1[%get3A_22, %get3A_23] : memref<2000x32xi32, #tpu.memory_space<vmem>>, vector<2000x32xi32>
    %bitcast_convert_type3A = tpu.bitcast %concatenate3A : vector<2000x96xf32> -> vector<2000x96xi32>
    %concatenate3A_25 = tpu.concatenate %get3A_24, %bitcast_convert_type3A in 1 : vector<2000x32xi32>, vector<2000x96xi32> -> vector<2000x128xi32>
    %swap3A = arith.constant 0 : index
    %swap3A_26 = arith.constant 0 : index
    %swap3A_27 = vector.load %arg6[%swap3A, %swap3A_26] : memref<2000x128xi32, #tpu.memory_space<vmem>>, vector<2000x128xi32>
    tpu.vector_store %arg6[%swap3A, %swap3A_26], %concatenate3A_25 {strides = array<i32>} : memref<2000x128xi32, #tpu.memory_space<vmem>>, vector<2000x128xi32>,
    return
  }
  func.func @transform_0(%arg0: i32) -> (i32, i32) {
    %c0_i32 = arith.constant 0 : i32
    %c0_i32_0 = arith.constant 0 : i32
    return %arg0, %c0_i32 : i32, i32
  }
  func.func @transform_1(%arg0: i32) -> (i32, i32) {
    %c0_i32 = arith.constant 0 : i32
    %c0_i32_0 = arith.constant 0 : i32
    return %arg0, %c0_i32 : i32, i32
  }
  func.func @transform_2(%arg0: i32) -> (i32, i32) {
    %c0_i32 = arith.constant 0 : i32
    %c0_i32_0 = arith.constant 0 : i32
    return %arg0, %c0_i32 : i32, i32
  }
  func.func @transform_3(%arg0: i32) -> (i32, i32) {
    %c0_i32 = arith.constant 0 : i32
    %c0_i32_0 = arith.constant 0 : i32
    return %arg0, %c0_i32 : i32, i32
  }
  func.func @transform_4(%arg0: i32) -> i32 {
    %c0_i32 = arith.constant 0 : i32
    %c0_i32_0 = arith.constant 0 : i32
    return %c0_i32 : i32
  }
  func.func @transform_5(%arg0: i32) -> (i32, i32) {
    %c0_i32 = arith.constant 0 : i32
    %c0_i32_0 = arith.constant 0 : i32
    return %arg0, %c0_i32 : i32, i32
  }
}

module attributes {stable_mosaic.version = 14 : i64} {
  func.func @_step_body(%arg0: i32, %arg1: memref<2048x128xi32, #tpu.memory_space<vmem>>, %arg2: memref<2048xf32, #tpu.memory_space<vmem>>, %arg3: memref<2048xi32, #tpu.memory_space<vmem>>, %arg4: memref<2048xf32, #tpu.memory_space<vmem>>, %arg5: memref<2048xf32, #tpu.memory_space<vmem>>, %arg6: memref<32x2048xf32, #tpu.memory_space<vmem>>, %arg7: memref<2048xf32, #tpu.memory_space<vmem>>, %arg8: memref<64x1xf32, #tpu.memory_space<vmem>>, %arg9: memref<64x1xf32, #tpu.memory_space<vmem>>, %arg10: memref<64x1xf32, #tpu.memory_space<vmem>>, %arg11: memref<1xf32, #tpu.memory_space<vmem>>, %arg12: memref<2048xi32, #tpu.memory_space<vmem>>, %arg13: memref<2048xf32, #tpu.memory_space<vmem>>, %arg14: memref<2048xf32, #tpu.memory_space<vmem>>) attributes {dimension_semantics = [#tpu.dimension_semantics<arbitrary>], iteration_bounds = array<i64: 5>, scalar_prefetch = 0 : i64, scratch_operands = 0 : i64, tpu.core_type = #tpu.core_type<tc>, window_params = [{transform_indices = @transform_0, window_bounds = array<i64: 2048, 128>}, {transform_indices = @transform_1, window_bounds = array<i64: 2048>}, {transform_indices = @transform_2, window_bounds = array<i64: 2048>}, {transform_indices = @transform_3, window_bounds = array<i64: 2048>}, {transform_indices = @transform_4, window_bounds = array<i64: 2048>}, {transform_indices = @transform_5, window_bounds = array<i64: 32, 2048>}, {transform_indices = @transform_6, window_bounds = array<i64: 2048>}, {pipeline_mode = #tpu.pipeline_mode<synchronous>, transform_indices = @transform_7, window_bounds = array<i64: 64, 1>}, {pipeline_mode = #tpu.pipeline_mode<synchronous>, transform_indices = @transform_8, window_bounds = array<i64: 64, 1>}, {pipeline_mode = #tpu.pipeline_mode<synchronous>, transform_indices = @transform_9, window_bounds = array<i64: 64, 1>}, {pipeline_mode = #tpu.pipeline_mode<synchronous>, transform_indices = @transform_10, window_bounds = array<i64: 1>}, {transform_indices = @transform_11, window_bounds = array<i64: 2048>}, {transform_indices = @transform_12, window_bounds = array<i64: 2048>}, {transform_indices = @transform_13, window_bounds = array<i64: 2048>}]} {
    %get3A = arith.constant 0 : index
    %get3A_0 = arith.constant 0 : index
    %get3A_1 = vector.load %arg1[%get3A, %get3A_0] : memref<2048x128xi32, #tpu.memory_space<vmem>>, vector<2048x128xi32>
    %slice3A = vector.extract_strided_slice %get3A_1 {offsets = [0, 0], sizes = [2048, 32], strides = [1, 1]} : vector<2048x128xi32> to vector<2048x32xi32>
    %transpose3A = tpu.transpose %slice3A, [1, 0] : vector<2048x32xi32> -> vector<32x2048xi32>
    %slice3A_2 = vector.extract_strided_slice %get3A_1 {offsets = [0, 32], sizes = [2048, 32], strides = [1, 1]} : vector<2048x128xi32> to vector<2048x32xi32>
    %bitcast_convert_type3A = tpu.bitcast %slice3A_2 : vector<2048x32xi32> -> vector<2048x32xf32>
    %transpose3A_3 = tpu.transpose %bitcast_convert_type3A, [1, 0] : vector<2048x32xf32> -> vector<32x2048xf32>
    %slice3A_4 = vector.extract_strided_slice %get3A_1 {offsets = [0, 64], sizes = [2048, 16], strides = [1, 1]} : vector<2048x128xi32> to vector<2048x16xi32>
    %bitcast_convert_type3A_5 = tpu.bitcast %slice3A_4 : vector<2048x16xi32> -> vector<2048x16xf32>
    %transpose3A_6 = tpu.transpose %bitcast_convert_type3A_5, [1, 0] : vector<2048x16xf32> -> vector<16x2048xf32>
    %reduce_max3A = arith.constant dense<0xFF800000> : vector<2048xf32>
    %reduce_max3A_7 = vector.multi_reduction <maximumf>, %transpose3A_6, %reduce_max3A [0] : vector<16x2048xf32> to vector<2048xf32>
    %get3A_8 = arith.constant 0 : index
    %get3A_9 = vector.load %arg2[%get3A_8] : memref<2048xf32, #tpu.memory_space<vmem>>, vector<2048xf32>
    %broadcast_in_dim3A = vector.shape_cast %get3A_9 : vector<2048xf32> to vector<1x2048xf32>
    %lt3A = vector.broadcast %broadcast_in_dim3A : vector<1x2048xf32> to vector<32x2048xf32>
    %lt3A_10 = arith.cmpf olt, %transpose3A_3, %lt3A : vector<32x2048xf32>
    %broadcast_in_dim3A_11 = vector.shape_cast %get3A_9 : vector<2048xf32> to vector<1x2048xf32>
    %sub3A = vector.broadcast %broadcast_in_dim3A_11 : vector<1x2048xf32> to vector<32x2048xf32>
    %sub3A_12 = arith.subf %transpose3A_3, %sub3A : vector<32x2048xf32>
    %div3A = arith.constant 1.000000e-01 : f32
    %div3A_13 = vector.broadcast %div3A : f32 to vector<32x2048xf32>
    %div3A_14 = arith.divf %sub3A_12, %div3A_13 : vector<32x2048xf32>
    %jit3A = arith.constant -1.000000e+09 : f32
    %broadcast_in_dim3A_15 = vector.broadcast %jit3A : f32 to vector<32x2048xf32>
    %select_n3A = arith.select %lt3A_10, %div3A_14, %broadcast_in_dim3A_15 : vector<32x2048xi1>, vector<32x2048xf32>
    %get3A_16 = arith.constant 0 : index
    %get3A_17 = arith.constant 0 : index
    %get3A_18 = vector.load %arg6[%get3A_16, %get3A_17] : memref<32x2048xf32, #tpu.memory_space<vmem>>, vector<32x2048xf32>
    %add3A = arith.addf %select_n3A, %get3A_18 : vector<32x2048xf32>
    %iota3A = tpu.iota {dimensions = array<i32: 0>} : vector<32x2048xi32>
    %reduce_max3A_19 = arith.constant dense<0xFF800000> : vector<2048xf32>
    %reduce_max3A_20 = vector.multi_reduction <maximumf>, %add3A, %reduce_max3A_19 [0] : vector<32x2048xf32> to vector<2048xf32>
    %broadcast_in_dim3A_21 = vector.shape_cast %reduce_max3A_20 : vector<2048xf32> to vector<1x2048xf32>
    %eq3A = vector.broadcast %broadcast_in_dim3A_21 : vector<1x2048xf32> to vector<32x2048xf32>
    %eq3A_22 = arith.cmpf oeq, %add3A, %eq3A : vector<32x2048xf32>
    %jit3A_23 = arith.constant 64 : i32
    %broadcast_in_dim3A_24 = vector.broadcast %jit3A_23 : i32 to vector<32x2048xi32>
    %select_n3A_25 = arith.select %eq3A_22, %iota3A, %broadcast_in_dim3A_24 : vector<32x2048xi1>, vector<32x2048xi32>
    %reduce_min3A = arith.constant dense<2147483647> : vector<2048xi32>
    %reduce_min3A_26 = vector.multi_reduction <minsi>, %select_n3A_25, %reduce_min3A [0] : vector<32x2048xi32> to vector<2048xi32>
    %broadcast_in_dim3A_27 = vector.shape_cast %reduce_min3A_26 : vector<2048xi32> to vector<1x2048xi32>
    %eq3A_28 = vector.broadcast %broadcast_in_dim3A_27 : vector<1x2048xi32> to vector<32x2048xi32>
    %eq3A_29 = arith.cmpi eq, %iota3A, %eq3A_28 : vector<32x2048xi32>
    %reduce_max3A_30 = arith.constant dense<0xFF800000> : vector<2048xf32>
    %reduce_max3A_31 = vector.multi_reduction <maximumf>, %select_n3A, %reduce_max3A_30 [0] : vector<32x2048xf32> to vector<2048xf32>
    %broadcast_in_dim3A_32 = vector.shape_cast %reduce_max3A_31 : vector<2048xf32> to vector<1x2048xf32>
    %sub3A_33 = vector.broadcast %broadcast_in_dim3A_32 : vector<1x2048xf32> to vector<32x2048xf32>
    %sub3A_34 = arith.subf %select_n3A, %sub3A_33 : vector<32x2048xf32>
    %exp3A = math.exp %sub3A_34 : vector<32x2048xf32>
    %reduce_sum3A = arith.constant dense<0.000000e+00> : vector<2048xf32>
    %reduce_sum3A_35 = vector.multi_reduction <add>, %exp3A, %reduce_sum3A [0] : vector<32x2048xf32> to vector<2048xf32>
    %jit3A_36 = arith.constant 0.000000e+00 : f32
    %broadcast_in_dim3A_37 = vector.broadcast %jit3A_36 : f32 to vector<32x2048xf32>
    %select_n3A_38 = arith.select %eq3A_29, %sub3A_34, %broadcast_in_dim3A_37 : vector<32x2048xi1>, vector<32x2048xf32>
    %reduce_sum3A_39 = arith.constant dense<0.000000e+00> : vector<2048xf32>
    %reduce_sum3A_40 = vector.multi_reduction <add>, %select_n3A_38, %reduce_sum3A_39 [0] : vector<32x2048xf32> to vector<2048xf32>
    %log3A = math.log %reduce_sum3A_35 : vector<2048xf32>
    %sub3A_41 = arith.subf %reduce_sum3A_40, %log3A : vector<2048xf32>
    %reduce_min3A_42 = arith.constant dense<0x7F800000> : vector<2048xf32>
    %reduce_min3A_43 = vector.multi_reduction <minimumf>, %transpose3A_3, %reduce_min3A_42 [0] : vector<32x2048xf32> to vector<2048xf32>
    %lt3A_44 = arith.cmpf olt, %reduce_min3A_43, %get3A_9 : vector<2048xf32>
    %jit3A_45 = arith.constant 0 : i32
    %broadcast_in_dim3A_46 = vector.broadcast %jit3A_45 : i32 to vector<32x2048xi32>
    %select_n3A_47 = arith.select %eq3A_29, %transpose3A, %broadcast_in_dim3A_46 : vector<32x2048xi1>, vector<32x2048xi32>
    %reduce_sum3A_48 = arith.constant dense<0> : vector<2048xi32>
    %reduce_sum3A_49 = vector.multi_reduction <add>, %select_n3A_47, %reduce_sum3A_48 [0] : vector<32x2048xi32> to vector<2048xi32>
    %jit3A_50 = arith.constant 0.000000e+00 : f32
    %broadcast_in_dim3A_51 = vector.broadcast %jit3A_50 : f32 to vector<32x2048xf32>
    %select_n3A_52 = arith.select %eq3A_29, %transpose3A_3, %broadcast_in_dim3A_51 : vector<32x2048xi1>, vector<32x2048xf32>
    %reduce_sum3A_53 = arith.constant dense<0.000000e+00> : vector<2048xf32>
    %reduce_sum3A_54 = vector.multi_reduction <add>, %select_n3A_52, %reduce_sum3A_53 [0] : vector<32x2048xf32> to vector<2048xf32>
    %broadcast_in_dim3A_55 = vector.shape_cast %get3A_9 : vector<2048xf32> to vector<1x2048xf32>
    %get3A_56 = arith.constant 0 : index
    %get3A_57 = arith.constant 0 : index
    %get3A_58 = vector.load %arg8[%get3A_56, %get3A_57] : memref<64x1xf32, #tpu.memory_space<vmem>>, vector<64x1xf32>
    %mul3A = vector.broadcast %broadcast_in_dim3A_55 : vector<1x2048xf32> to vector<64x2048xf32>
    %mul3A_59 = vector.broadcast %get3A_58 : vector<64x1xf32> to vector<64x2048xf32>
    %mul3A_60 = arith.mulf %mul3A, %mul3A_59 : vector<64x2048xf32>
    %get3A_61 = arith.constant 0 : index
    %get3A_62 = arith.constant 0 : index
    %get3A_63 = vector.load %arg9[%get3A_61, %get3A_62] : memref<64x1xf32, #tpu.memory_space<vmem>>, vector<64x1xf32>
    %add3A_64 = vector.broadcast %get3A_63 : vector<64x1xf32> to vector<64x2048xf32>
    %add3A_65 = arith.addf %mul3A_60, %add3A_64 : vector<64x2048xf32>
    %cos3A = math.cos %add3A_65 : vector<64x2048xf32>
    %convert_element_type3A = arith.truncf %cos3A : vector<64x2048xf32> to vector<64x2048xbf16>
    %convert_element_type3A_66 = arith.extf %convert_element_type3A : vector<64x2048xbf16> to vector<64x2048xf32>
    %get3A_67 = arith.constant 0 : index
    %get3A_68 = arith.constant 0 : index
    %get3A_69 = vector.load %arg10[%get3A_67, %get3A_68] : memref<64x1xf32, #tpu.memory_space<vmem>>, vector<64x1xf32>
    %convert_element_type3A_70 = arith.truncf %get3A_69 : vector<64x1xf32> to vector<64x1xbf16>
    %convert_element_type3A_71 = arith.extf %convert_element_type3A_70 : vector<64x1xbf16> to vector<64x1xf32>
    %mul3A_72 = vector.broadcast %convert_element_type3A_71 : vector<64x1xf32> to vector<64x2048xf32>
    %mul3A_73 = arith.mulf %convert_element_type3A_66, %mul3A_72 : vector<64x2048xf32>
    %reduce_sum3A_74 = arith.constant dense<0.000000e+00> : vector<2048xf32>
    %reduce_sum3A_75 = vector.multi_reduction <add>, %mul3A_73, %reduce_sum3A_74 [0] : vector<64x2048xf32> to vector<2048xf32>
    %add3A_76 = arith.addf %reduce_max3A_7, %reduce_sum3A_75 : vector<2048xf32>
    %get3A_77 = arith.constant 0 : index
    %get3A_78 = vector.load %arg11[%get3A_77] : memref<1xf32, #tpu.memory_space<vmem>>, vector<1xf32>
    %add3A_79 = vector.broadcast %get3A_78 : vector<1xf32> to vector<2048xf32>
    %add3A_80 = arith.addf %add3A_76, %add3A_79 : vector<2048xf32>
    %logistic3A = arith.negf %add3A_80 : vector<2048xf32>
    %logistic3A_81 = math.exp %logistic3A : vector<2048xf32>
    %logistic3A_82 = arith.constant 1.000000e+00 : f32
    %logistic3A_83 = vector.broadcast %logistic3A_82 : f32 to vector<2048xf32>
    %logistic3A_84 = arith.addf %logistic3A_83, %logistic3A_81 : vector<2048xf32>
    %logistic3A_85 = arith.divf %logistic3A_83, %logistic3A_84 : vector<2048xf32>
    %get3A_86 = arith.constant 0 : index
    %get3A_87 = vector.load %arg7[%get3A_86] : memref<2048xf32, #tpu.memory_space<vmem>>, vector<2048xf32>
    %lt3A_88 = arith.cmpf olt, %get3A_87, %logistic3A_85 : vector<2048xf32>
    %get3A_89 = arith.constant 0 : index
    %get3A_90 = vector.load %arg5[%get3A_89] : memref<2048xf32, #tpu.memory_space<vmem>>, vector<2048xf32>
    %jit3A_91 = arith.constant 0.000000e+00 : f32
    %broadcast_in_dim3A_92 = vector.broadcast %jit3A_91 : f32 to vector<2048xf32>
    %select_n3A_93 = arith.select %lt3A_44, %sub3A_41, %broadcast_in_dim3A_92 : vector<2048xi1>, vector<2048xf32>
    %add3A_94 = arith.addf %get3A_90, %select_n3A_93 : vector<2048xf32>
    %sub3A_95 = arith.constant 1.000000e+00 : f32
    %sub3A_96 = vector.broadcast %sub3A_95 : f32 to vector<2048xf32>
    %sub3A_97 = arith.subf %sub3A_96, %logistic3A_85 : vector<2048xf32>
    %select_n3A_98 = arith.select %lt3A_88, %logistic3A_85, %sub3A_97 : vector<2048xi1>, vector<2048xf32>
    %add3A_99 = arith.constant 9.99999993E-9 : f32
    %add3A_100 = vector.broadcast %add3A_99 : f32 to vector<2048xf32>
    %add3A_101 = arith.addf %select_n3A_98, %add3A_100 : vector<2048xf32>
    %log3A_102 = math.log %add3A_101 : vector<2048xf32>
    %add3A_103 = arith.addf %add3A_94, %log3A_102 : vector<2048xf32>
    %get3A_104 = arith.constant 0 : index
    %get3A_105 = vector.load %arg3[%get3A_104] : memref<2048xi32, #tpu.memory_space<vmem>>, vector<2048xi32>
    %get3A_106 = arith.constant 0 : index
    %get3A_107 = vector.load %arg4[%get3A_106] : memref<2048xf32, #tpu.memory_space<vmem>>, vector<2048xf32>
    %select_n3A_108 = arith.select %lt3A_44, %reduce_sum3A_49, %get3A_105 : vector<2048xi1>, vector<2048xi32>
    %select_n3A_109 = arith.select %lt3A_88, %get3A_105, %select_n3A_108 : vector<2048xi1>, vector<2048xi32>
    %swap3A = arith.constant 0 : index
    %swap3A_110 = vector.load %arg12[%swap3A] : memref<2048xi32, #tpu.memory_space<vmem>>, vector<2048xi32>
    tpu.vector_store %arg12[%swap3A], %select_n3A_109 {strides = array<i32>} : memref<2048xi32, #tpu.memory_space<vmem>>, vector<2048xi32>,
    %select_n3A_111 = arith.select %lt3A_44, %reduce_sum3A_54, %get3A_107 : vector<2048xi1>, vector<2048xf32>
    %select_n3A_112 = arith.select %lt3A_88, %get3A_107, %select_n3A_111 : vector<2048xi1>, vector<2048xf32>
    %swap3A_113 = arith.constant 0 : index
    %swap3A_114 = vector.load %arg13[%swap3A_113] : memref<2048xf32, #tpu.memory_space<vmem>>, vector<2048xf32>
    tpu.vector_store %arg13[%swap3A_113], %select_n3A_112 {strides = array<i32>} : memref<2048xf32, #tpu.memory_space<vmem>>, vector<2048xf32>,
    %swap3A_115 = arith.constant 0 : index
    %swap3A_116 = vector.load %arg14[%swap3A_115] : memref<2048xf32, #tpu.memory_space<vmem>>, vector<2048xf32>
    tpu.vector_store %arg14[%swap3A_115], %add3A_103 {strides = array<i32>} : memref<2048xf32, #tpu.memory_space<vmem>>, vector<2048xf32>,
    return
  }
  func.func @transform_0(%arg0: i32) -> (i32, i32) {
    %c0_i32 = arith.constant 0 : i32
    %c0_i32_0 = arith.constant 0 : i32
    return %arg0, %c0_i32 : i32, i32
  }
  func.func @transform_1(%arg0: i32) -> i32 {
    %c0_i32 = arith.constant 0 : i32
    return %arg0 : i32
  }
  func.func @transform_2(%arg0: i32) -> i32 {
    %c0_i32 = arith.constant 0 : i32
    return %arg0 : i32
  }
  func.func @transform_3(%arg0: i32) -> i32 {
    %c0_i32 = arith.constant 0 : i32
    return %arg0 : i32
  }
  func.func @transform_4(%arg0: i32) -> i32 {
    %c0_i32 = arith.constant 0 : i32
    return %arg0 : i32
  }
  func.func @transform_5(%arg0: i32) -> (i32, i32) {
    %c0_i32 = arith.constant 0 : i32
    %c0_i32_0 = arith.constant 0 : i32
    return %c0_i32, %arg0 : i32, i32
  }
  func.func @transform_6(%arg0: i32) -> i32 {
    %c0_i32 = arith.constant 0 : i32
    return %arg0 : i32
  }
  func.func @transform_7(%arg0: i32) -> (i32, i32) {
    %c0_i32 = arith.constant 0 : i32
    %c0_i32_0 = arith.constant 0 : i32
    %c0_i32_1 = arith.constant 0 : i32
    return %c0_i32, %c0_i32_0 : i32, i32
  }
  func.func @transform_8(%arg0: i32) -> (i32, i32) {
    %c0_i32 = arith.constant 0 : i32
    %c0_i32_0 = arith.constant 0 : i32
    %c0_i32_1 = arith.constant 0 : i32
    return %c0_i32, %c0_i32_0 : i32, i32
  }
  func.func @transform_9(%arg0: i32) -> (i32, i32) {
    %c0_i32 = arith.constant 0 : i32
    %c0_i32_0 = arith.constant 0 : i32
    %c0_i32_1 = arith.constant 0 : i32
    return %c0_i32, %c0_i32_0 : i32, i32
  }
  func.func @transform_10(%arg0: i32) -> i32 {
    %c0_i32 = arith.constant 0 : i32
    %c0_i32_0 = arith.constant 0 : i32
    return %c0_i32 : i32
  }
  func.func @transform_11(%arg0: i32) -> i32 {
    %c0_i32 = arith.constant 0 : i32
    return %arg0 : i32
  }
  func.func @transform_12(%arg0: i32) -> i32 {
    %c0_i32 = arith.constant 0 : i32
    return %arg0 : i32
  }
  func.func @transform_13(%arg0: i32) -> i32 {
    %c0_i32 = arith.constant 0 : i32
    return %arg0 : i32
  }
}

module attributes {stable_mosaic.version = 14 : i64} {
  func.func @_step_body(%arg0: i32, %arg1: memref<2048x128xi32, #tpu.memory_space<vmem>>, %arg2: memref<2048xf32, #tpu.memory_space<vmem>>, %arg3: memref<2048xi32, #tpu.memory_space<vmem>>, %arg4: memref<2048xf32, #tpu.memory_space<vmem>>, %arg5: memref<2048xf32, #tpu.memory_space<vmem>>, %arg6: memref<32x2048xf32, #tpu.memory_space<vmem>>, %arg7: memref<2048xf32, #tpu.memory_space<vmem>>, %arg8: memref<64x1xf32, #tpu.memory_space<vmem>>, %arg9: memref<64x1xf32, #tpu.memory_space<vmem>>, %arg10: memref<64x1xf32, #tpu.memory_space<vmem>>, %arg11: memref<1xf32, #tpu.memory_space<vmem>>, %arg12: memref<2048xi32, #tpu.memory_space<vmem>>, %arg13: memref<2048xf32, #tpu.memory_space<vmem>>, %arg14: memref<2048xf32, #tpu.memory_space<vmem>>) attributes {dimension_semantics = [#tpu.dimension_semantics<arbitrary>], iteration_bounds = array<i64: 5>, scalar_prefetch = 0 : i64, scratch_operands = 0 : i64, tpu.core_type = #tpu.core_type<tc>, window_params = [{transform_indices = @transform_0, window_bounds = array<i64: 2048, 128>}, {transform_indices = @transform_1, window_bounds = array<i64: 2048>}, {transform_indices = @transform_2, window_bounds = array<i64: 2048>}, {transform_indices = @transform_3, window_bounds = array<i64: 2048>}, {transform_indices = @transform_4, window_bounds = array<i64: 2048>}, {transform_indices = @transform_5, window_bounds = array<i64: 32, 2048>}, {transform_indices = @transform_6, window_bounds = array<i64: 2048>}, {pipeline_mode = #tpu.pipeline_mode<synchronous>, transform_indices = @transform_7, window_bounds = array<i64: 64, 1>}, {pipeline_mode = #tpu.pipeline_mode<synchronous>, transform_indices = @transform_8, window_bounds = array<i64: 64, 1>}, {pipeline_mode = #tpu.pipeline_mode<synchronous>, transform_indices = @transform_9, window_bounds = array<i64: 64, 1>}, {pipeline_mode = #tpu.pipeline_mode<synchronous>, transform_indices = @transform_10, window_bounds = array<i64: 1>}, {transform_indices = @transform_11, window_bounds = array<i64: 2048>}, {transform_indices = @transform_12, window_bounds = array<i64: 2048>}, {transform_indices = @transform_13, window_bounds = array<i64: 2048>}]} {
    %get3A = arith.constant 0 : index
    %get3A_0 = arith.constant 0 : index
    %get3A_1 = vector.load %arg1[%get3A, %get3A_0] : memref<2048x128xi32, #tpu.memory_space<vmem>>, vector<2048x128xi32>
    %slice3A = vector.extract_strided_slice %get3A_1 {offsets = [0, 0], sizes = [2048, 32], strides = [1, 1]} : vector<2048x128xi32> to vector<2048x32xi32>
    %transpose3A = tpu.transpose %slice3A, [1, 0] : vector<2048x32xi32> -> vector<32x2048xi32>
    %slice3A_2 = vector.extract_strided_slice %get3A_1 {offsets = [0, 32], sizes = [2048, 32], strides = [1, 1]} : vector<2048x128xi32> to vector<2048x32xi32>
    %bitcast_convert_type3A = tpu.bitcast %slice3A_2 : vector<2048x32xi32> -> vector<2048x32xf32>
    %transpose3A_3 = tpu.transpose %bitcast_convert_type3A, [1, 0] : vector<2048x32xf32> -> vector<32x2048xf32>
    %slice3A_4 = vector.extract_strided_slice %get3A_1 {offsets = [0, 64], sizes = [2048, 16], strides = [1, 1]} : vector<2048x128xi32> to vector<2048x16xi32>
    %bitcast_convert_type3A_5 = tpu.bitcast %slice3A_4 : vector<2048x16xi32> -> vector<2048x16xf32>
    %transpose3A_6 = tpu.transpose %bitcast_convert_type3A_5, [1, 0] : vector<2048x16xf32> -> vector<16x2048xf32>
    %reduce_max3A = arith.constant dense<0xFF800000> : vector<2048xf32>
    %reduce_max3A_7 = vector.multi_reduction <maximumf>, %transpose3A_6, %reduce_max3A [0] : vector<16x2048xf32> to vector<2048xf32>
    %get3A_8 = arith.constant 0 : index
    %get3A_9 = vector.load %arg2[%get3A_8] : memref<2048xf32, #tpu.memory_space<vmem>>, vector<2048xf32>
    %broadcast_in_dim3A = vector.shape_cast %get3A_9 : vector<2048xf32> to vector<1x2048xf32>
    %lt3A = vector.broadcast %broadcast_in_dim3A : vector<1x2048xf32> to vector<32x2048xf32>
    %lt3A_10 = arith.cmpf olt, %transpose3A_3, %lt3A : vector<32x2048xf32>
    %broadcast_in_dim3A_11 = vector.shape_cast %get3A_9 : vector<2048xf32> to vector<1x2048xf32>
    %sub3A = vector.broadcast %broadcast_in_dim3A_11 : vector<1x2048xf32> to vector<32x2048xf32>
    %sub3A_12 = arith.subf %transpose3A_3, %sub3A : vector<32x2048xf32>
    %div3A = arith.constant 1.000000e-01 : f32
    %div3A_13 = vector.broadcast %div3A : f32 to vector<32x2048xf32>
    %div3A_14 = arith.divf %sub3A_12, %div3A_13 : vector<32x2048xf32>
    %jit3A = arith.constant -1.000000e+09 : f32
    %broadcast_in_dim3A_15 = vector.broadcast %jit3A : f32 to vector<32x2048xf32>
    %select_n3A = arith.select %lt3A_10, %div3A_14, %broadcast_in_dim3A_15 : vector<32x2048xi1>, vector<32x2048xf32>
    %get3A_16 = arith.constant 0 : index
    %get3A_17 = arith.constant 0 : index
    %get3A_18 = vector.load %arg6[%get3A_16, %get3A_17] : memref<32x2048xf32, #tpu.memory_space<vmem>>, vector<32x2048xf32>
    %add3A = arith.addf %select_n3A, %get3A_18 : vector<32x2048xf32>
    %iota3A = tpu.iota {dimensions = array<i32: 0>} : vector<32x2048xi32>
    %reduce_max3A_19 = arith.constant dense<0xFF800000> : vector<2048xf32>
    %reduce_max3A_20 = vector.multi_reduction <maximumf>, %add3A, %reduce_max3A_19 [0] : vector<32x2048xf32> to vector<2048xf32>
    %broadcast_in_dim3A_21 = vector.shape_cast %reduce_max3A_20 : vector<2048xf32> to vector<1x2048xf32>
    %eq3A = vector.broadcast %broadcast_in_dim3A_21 : vector<1x2048xf32> to vector<32x2048xf32>
    %eq3A_22 = arith.cmpf oeq, %add3A, %eq3A : vector<32x2048xf32>
    %jit3A_23 = arith.constant 64 : i32
    %broadcast_in_dim3A_24 = vector.broadcast %jit3A_23 : i32 to vector<32x2048xi32>
    %select_n3A_25 = arith.select %eq3A_22, %iota3A, %broadcast_in_dim3A_24 : vector<32x2048xi1>, vector<32x2048xi32>
    %reduce_min3A = arith.constant dense<2147483647> : vector<2048xi32>
    %reduce_min3A_26 = vector.multi_reduction <minsi>, %select_n3A_25, %reduce_min3A [0] : vector<32x2048xi32> to vector<2048xi32>
    %broadcast_in_dim3A_27 = vector.shape_cast %reduce_min3A_26 : vector<2048xi32> to vector<1x2048xi32>
    %eq3A_28 = vector.broadcast %broadcast_in_dim3A_27 : vector<1x2048xi32> to vector<32x2048xi32>
    %eq3A_29 = arith.cmpi eq, %iota3A, %eq3A_28 : vector<32x2048xi32>
    %reduce_max3A_30 = arith.constant dense<0xFF800000> : vector<2048xf32>
    %reduce_max3A_31 = vector.multi_reduction <maximumf>, %select_n3A, %reduce_max3A_30 [0] : vector<32x2048xf32> to vector<2048xf32>
    %broadcast_in_dim3A_32 = vector.shape_cast %reduce_max3A_31 : vector<2048xf32> to vector<1x2048xf32>
    %sub3A_33 = vector.broadcast %broadcast_in_dim3A_32 : vector<1x2048xf32> to vector<32x2048xf32>
    %sub3A_34 = arith.subf %select_n3A, %sub3A_33 : vector<32x2048xf32>
    %exp3A = math.exp %sub3A_34 : vector<32x2048xf32>
    %reduce_sum3A = arith.constant dense<0.000000e+00> : vector<2048xf32>
    %reduce_sum3A_35 = vector.multi_reduction <add>, %exp3A, %reduce_sum3A [0] : vector<32x2048xf32> to vector<2048xf32>
    %jit3A_36 = arith.constant 0.000000e+00 : f32
    %broadcast_in_dim3A_37 = vector.broadcast %jit3A_36 : f32 to vector<32x2048xf32>
    %select_n3A_38 = arith.select %eq3A_29, %sub3A_34, %broadcast_in_dim3A_37 : vector<32x2048xi1>, vector<32x2048xf32>
    %reduce_sum3A_39 = arith.constant dense<0.000000e+00> : vector<2048xf32>
    %reduce_sum3A_40 = vector.multi_reduction <add>, %select_n3A_38, %reduce_sum3A_39 [0] : vector<32x2048xf32> to vector<2048xf32>
    %log3A = math.log %reduce_sum3A_35 : vector<2048xf32>
    %sub3A_41 = arith.subf %reduce_sum3A_40, %log3A : vector<2048xf32>
    %reduce_min3A_42 = arith.constant dense<0x7F800000> : vector<2048xf32>
    %reduce_min3A_43 = vector.multi_reduction <minimumf>, %transpose3A_3, %reduce_min3A_42 [0] : vector<32x2048xf32> to vector<2048xf32>
    %lt3A_44 = arith.cmpf olt, %reduce_min3A_43, %get3A_9 : vector<2048xf32>
    %jit3A_45 = arith.constant 0 : i32
    %broadcast_in_dim3A_46 = vector.broadcast %jit3A_45 : i32 to vector<32x2048xi32>
    %select_n3A_47 = arith.select %eq3A_29, %transpose3A, %broadcast_in_dim3A_46 : vector<32x2048xi1>, vector<32x2048xi32>
    %reduce_sum3A_48 = arith.constant dense<0> : vector<2048xi32>
    %reduce_sum3A_49 = vector.multi_reduction <add>, %select_n3A_47, %reduce_sum3A_48 [0] : vector<32x2048xi32> to vector<2048xi32>
    %jit3A_50 = arith.constant 0.000000e+00 : f32
    %broadcast_in_dim3A_51 = vector.broadcast %jit3A_50 : f32 to vector<32x2048xf32>
    %select_n3A_52 = arith.select %eq3A_29, %transpose3A_3, %broadcast_in_dim3A_51 : vector<32x2048xi1>, vector<32x2048xf32>
    %reduce_sum3A_53 = arith.constant dense<0.000000e+00> : vector<2048xf32>
    %reduce_sum3A_54 = vector.multi_reduction <add>, %select_n3A_52, %reduce_sum3A_53 [0] : vector<32x2048xf32> to vector<2048xf32>
    %broadcast_in_dim3A_55 = vector.shape_cast %get3A_9 : vector<2048xf32> to vector<1x2048xf32>
    %get3A_56 = arith.constant 0 : index
    %get3A_57 = arith.constant 0 : index
    %get3A_58 = vector.load %arg8[%get3A_56, %get3A_57] : memref<64x1xf32, #tpu.memory_space<vmem>>, vector<64x1xf32>
    %mul3A = vector.broadcast %broadcast_in_dim3A_55 : vector<1x2048xf32> to vector<64x2048xf32>
    %mul3A_59 = vector.broadcast %get3A_58 : vector<64x1xf32> to vector<64x2048xf32>
    %mul3A_60 = arith.mulf %mul3A, %mul3A_59 : vector<64x2048xf32>
    %get3A_61 = arith.constant 0 : index
    %get3A_62 = arith.constant 0 : index
    %get3A_63 = vector.load %arg9[%get3A_61, %get3A_62] : memref<64x1xf32, #tpu.memory_space<vmem>>, vector<64x1xf32>
    %add3A_64 = vector.broadcast %get3A_63 : vector<64x1xf32> to vector<64x2048xf32>
    %add3A_65 = arith.addf %mul3A_60, %add3A_64 : vector<64x2048xf32>
    %cos3A = math.cos %add3A_65 : vector<64x2048xf32>
    %convert_element_type3A = arith.truncf %cos3A : vector<64x2048xf32> to vector<64x2048xbf16>
    %convert_element_type3A_66 = arith.extf %convert_element_type3A : vector<64x2048xbf16> to vector<64x2048xf32>
    %get3A_67 = arith.constant 0 : index
    %get3A_68 = arith.constant 0 : index
    %get3A_69 = vector.load %arg10[%get3A_67, %get3A_68] : memref<64x1xf32, #tpu.memory_space<vmem>>, vector<64x1xf32>
    %convert_element_type3A_70 = arith.truncf %get3A_69 : vector<64x1xf32> to vector<64x1xbf16>
    %convert_element_type3A_71 = arith.extf %convert_element_type3A_70 : vector<64x1xbf16> to vector<64x1xf32>
    %mul3A_72 = vector.broadcast %convert_element_type3A_71 : vector<64x1xf32> to vector<64x2048xf32>
    %mul3A_73 = arith.mulf %convert_element_type3A_66, %mul3A_72 : vector<64x2048xf32>
    %reduce_sum3A_74 = arith.constant dense<0.000000e+00> : vector<2048xf32>
    %reduce_sum3A_75 = vector.multi_reduction <add>, %mul3A_73, %reduce_sum3A_74 [0] : vector<64x2048xf32> to vector<2048xf32>
    %add3A_76 = arith.addf %reduce_max3A_7, %reduce_sum3A_75 : vector<2048xf32>
    %get3A_77 = arith.constant 0 : index
    %get3A_78 = vector.load %arg11[%get3A_77] : memref<1xf32, #tpu.memory_space<vmem>>, vector<1xf32>
    %add3A_79 = vector.broadcast %get3A_78 : vector<1xf32> to vector<2048xf32>
    %add3A_80 = arith.addf %add3A_76, %add3A_79 : vector<2048xf32>
    %logistic3A = arith.negf %add3A_80 : vector<2048xf32>
    %logistic3A_81 = math.exp %logistic3A : vector<2048xf32>
    %logistic3A_82 = arith.constant 1.000000e+00 : f32
    %logistic3A_83 = vector.broadcast %logistic3A_82 : f32 to vector<2048xf32>
    %logistic3A_84 = arith.addf %logistic3A_83, %logistic3A_81 : vector<2048xf32>
    %logistic3A_85 = arith.divf %logistic3A_83, %logistic3A_84 : vector<2048xf32>
    %get3A_86 = arith.constant 0 : index
    %get3A_87 = vector.load %arg7[%get3A_86] : memref<2048xf32, #tpu.memory_space<vmem>>, vector<2048xf32>
    %lt3A_88 = arith.cmpf olt, %get3A_87, %logistic3A_85 : vector<2048xf32>
    %get3A_89 = arith.constant 0 : index
    %get3A_90 = vector.load %arg5[%get3A_89] : memref<2048xf32, #tpu.memory_space<vmem>>, vector<2048xf32>
    %jit3A_91 = arith.constant 0.000000e+00 : f32
    %broadcast_in_dim3A_92 = vector.broadcast %jit3A_91 : f32 to vector<2048xf32>
    %select_n3A_93 = arith.select %lt3A_44, %sub3A_41, %broadcast_in_dim3A_92 : vector<2048xi1>, vector<2048xf32>
    %add3A_94 = arith.addf %get3A_90, %select_n3A_93 : vector<2048xf32>
    %sub3A_95 = arith.constant 1.000000e+00 : f32
    %sub3A_96 = vector.broadcast %sub3A_95 : f32 to vector<2048xf32>
    %sub3A_97 = arith.subf %sub3A_96, %logistic3A_85 : vector<2048xf32>
    %select_n3A_98 = arith.select %lt3A_88, %logistic3A_85, %sub3A_97 : vector<2048xi1>, vector<2048xf32>
    %add3A_99 = arith.constant 9.99999993E-9 : f32
    %add3A_100 = vector.broadcast %add3A_99 : f32 to vector<2048xf32>
    %add3A_101 = arith.addf %select_n3A_98, %add3A_100 : vector<2048xf32>
    %log3A_102 = math.log %add3A_101 : vector<2048xf32>
    %add3A_103 = arith.addf %add3A_94, %log3A_102 : vector<2048xf32>
    %get3A_104 = arith.constant 0 : index
    %get3A_105 = vector.load %arg3[%get3A_104] : memref<2048xi32, #tpu.memory_space<vmem>>, vector<2048xi32>
    %get3A_106 = arith.constant 0 : index
    %get3A_107 = vector.load %arg4[%get3A_106] : memref<2048xf32, #tpu.memory_space<vmem>>, vector<2048xf32>
    %select_n3A_108 = arith.select %lt3A_44, %reduce_sum3A_49, %get3A_105 : vector<2048xi1>, vector<2048xi32>
    %select_n3A_109 = arith.select %lt3A_88, %get3A_105, %select_n3A_108 : vector<2048xi1>, vector<2048xi32>
    %swap3A = arith.constant 0 : index
    %swap3A_110 = vector.load %arg12[%swap3A] : memref<2048xi32, #tpu.memory_space<vmem>>, vector<2048xi32>
    tpu.vector_store %arg12[%swap3A], %select_n3A_109 {strides = array<i32>} : memref<2048xi32, #tpu.memory_space<vmem>>, vector<2048xi32>,
    %select_n3A_111 = arith.select %lt3A_44, %reduce_sum3A_54, %get3A_107 : vector<2048xi1>, vector<2048xf32>
    %select_n3A_112 = arith.select %lt3A_88, %get3A_107, %select_n3A_111 : vector<2048xi1>, vector<2048xf32>
    %swap3A_113 = arith.constant 0 : index
    %swap3A_114 = vector.load %arg13[%swap3A_113] : memref<2048xf32, #tpu.memory_space<vmem>>, vector<2048xf32>
    tpu.vector_store %arg13[%swap3A_113], %select_n3A_112 {strides = array<i32>} : memref<2048xf32, #tpu.memory_space<vmem>>, vector<2048xf32>,
    %swap3A_115 = arith.constant 0 : index
    %swap3A_116 = vector.load %arg14[%swap3A_115] : memref<2048xf32, #tpu.memory_space<vmem>>, vector<2048xf32>
    tpu.vector_store %arg14[%swap3A_115], %add3A_103 {strides = array<i32>} : memref<2048xf32, #tpu.memory_space<vmem>>, vector<2048xf32>,
    return
  }
  func.func @transform_0(%arg0: i32) -> (i32, i32) {
    %c0_i32 = arith.constant 0 : i32
    %c0_i32_0 = arith.constant 0 : i32
    return %arg0, %c0_i32 : i32, i32
  }
  func.func @transform_1(%arg0: i32) -> i32 {
    %c0_i32 = arith.constant 0 : i32
    return %arg0 : i32
  }
  func.func @transform_2(%arg0: i32) -> i32 {
    %c0_i32 = arith.constant 0 : i32
    return %arg0 : i32
  }
  func.func @transform_3(%arg0: i32) -> i32 {
    %c0_i32 = arith.constant 0 : i32
    return %arg0 : i32
  }
  func.func @transform_4(%arg0: i32) -> i32 {
    %c0_i32 = arith.constant 0 : i32
    return %arg0 : i32
  }
  func.func @transform_5(%arg0: i32) -> (i32, i32) {
    %c0_i32 = arith.constant 0 : i32
    %c0_i32_0 = arith.constant 0 : i32
    return %c0_i32, %arg0 : i32, i32
  }
  func.func @transform_6(%arg0: i32) -> i32 {
    %c0_i32 = arith.constant 0 : i32
    return %arg0 : i32
  }
  func.func @transform_7(%arg0: i32) -> (i32, i32) {
    %c0_i32 = arith.constant 0 : i32
    %c0_i32_0 = arith.constant 0 : i32
    %c0_i32_1 = arith.constant 0 : i32
    return %c0_i32, %c0_i32_0 : i32, i32
  }
  func.func @transform_8(%arg0: i32) -> (i32, i32) {
    %c0_i32 = arith.constant 0 : i32
    %c0_i32_0 = arith.constant 0 : i32
    %c0_i32_1 = arith.constant 0 : i32
    return %c0_i32, %c0_i32_0 : i32, i32
  }
  func.func @transform_9(%arg0: i32) -> (i32, i32) {
    %c0_i32 = arith.constant 0 : i32
    %c0_i32_0 = arith.constant 0 : i32
    %c0_i32_1 = arith.constant 0 : i32
    return %c0_i32, %c0_i32_0 : i32, i32
  }
  func.func @transform_10(%arg0: i32) -> i32 {
    %c0_i32 = arith.constant 0 : i32
    %c0_i32_0 = arith.constant 0 : i32
    return %c0_i32 : i32
  }
  func.func @transform_11(%arg0: i32) -> i32 {
    %c0_i32 = arith.constant 0 : i32
    return %arg0 : i32
  }
  func.func @transform_12(%arg0: i32) -> i32 {
    %c0_i32 = arith.constant 0 : i32
    return %arg0 : i32
  }
  func.func @transform_13(%arg0: i32) -> i32 {
    %c0_i32 = arith.constant 0 : i32
    return %arg0 : i32
  }
}

</mosaic_0001>

<sc_bundles>
// kernel: kernel.35.cloned.1.call-start
scs
__scs_entry_jumppad:
0x0: {  	(pc) =	sbr.rel $0x88, $3  }
0x1: {  	(tag) =	ssettag $0x0;
	lr =	simm.s32 $0x1  }
0x2: {  	[smem:$0x3F95] =	sst lr;
	_ =	strace $0xD0000000  }
0x3: {  	_ = 	snop  }
0x4: {  	_ = 	snop  }
0x5: {  	_ = 	snop  }
0x6: {  	_ = 	snop  }
0x7: {  	_ = 	snop  }
__scs_overlays_trampoline_lowered:
0x8: {  	[smem:$0x3FA4] =	sst s0  }
0x9: {  	[smem:$0x3FA5] =	sst s1  }
0xa: {  	[smem:$0x3FA6] =	sst s2  }
0xb: {  	[smem:$0x3FA7] =	sst s3  }
0xc: {  	[smem:$0x3FA8] =	sst s4  }
0xd: {  	[smem:$0x3FA9] =	sst s5  }
0xe: {  	[smem:$0x3FAA] =	sst s6  }
0xf: {  	[smem:$0x3FAB] =	sst s7  }
0x10: {  	[smem:$0x3FAC] =	sst s8  }
0x11: {  	[smem:$0x3FAD] =	sst s9;
	s0 =	simm.s32 @!p0 $0x0  }
0x12: {  	s1 =	sld [smem:$0x3F93];
	s0 =	simm.s32 @p0 $0x1  }
0x13: {  	[smem:$0x3FAE] =	sst s0;
	s0 =	simm.s32 @!p1 $0x0  }
0x14: {  	s2 =	sld [smem:$0x3F92];
	s0 =	simm.s32 @p1 $0x1  }
0x15: {  	[smem:$0x3FAF] =	sst s0;
	s0 =	simm.s32 @!p2 $0x0  }
0x16: {  	s3 =	sld [smem:$0x3FDB];
	s0 =	simm.s32 @p2 $0x1  }
0x17: {  	s4 =	simm.s32 $0x1BF5;
	[smem:$0x3FB1] =	sst s0  }
0x18: {  	s0 =	sld [smem:$0x3F94];
	_ =	swait.ge [sflag:s4], $0x0  }
0x19: {  	s7 =	sld [smem:$0x3F95]  }
0x1a: {  	s8 =	sadd.s32 $0xFFFFE003, lr  }
0x1b: {  	s9 =	sadd.s32 $0xFFFFFEF7, lr;
	s5 =	simm.s32 $0xFFFFFFFF;
	p2 =	slt.u32 s8, $0xFFFFF086  }
0x1c: {  	p1 =	slt.u32 s9, $0xF7A;
	s5 =	simm.s32 @!p2 $0x0  }
0x1d: {  	s5 =	simm.s32 @p1 $0x1;
	p0 =	seq.s32 s7, s2  }
0x1e: {  	s7 =	smul.u32 @!p0 $0xF7A, s2;
	p2 =	seq.s32 @!p0 s5, $0x0  }
0x1f: {  	s9 =	smul.u32 $0xF7A, s1;
	s8 =	simm.s32 @!p0 $0x1BF5;
	p2 =	por !p2, p0  }
0x20: {  	[sflag:s8] =	ssyncset.s32 @!p0 $0xFFFFF086;
	s6 =	sadd.s32 @!p0 s3, s7;
	s7 =	simm.s32 @!p0 $0x108  }
0x21: {  	s3 =	sadd.s32 s3, s9;
	s6 =	sadd.s32 @!p0 $0x88, s6;
	s7 =	simm.s32 @p2 $0x1082  }
0x22: {  	[simem:s7], [sflag:s8] =	dma.local @!p0 [hbm:s6], $0xF7A  }
0x23: {  	s9 =	sor.u32 $0xD0000000, s2;
	s6 =	simm.s32 $0x108;
	_ =	swait.ge @!p0 [sflag:s8], $0x0  }
0x24: {  	s3 =	sadd.s32 $0x88, s3;
	s6 =	simm.s32 @!p1 $0x1082;
	[sflag:s4] =	ssyncset.s32 $0xFFFFF086  }
0x25: {  	[simem:s6], [sflag:s4] =	dma.local [hbm:s3], $0xF7A  }
0x26: {  	[smem:$0x3F95] =	sst s1;
	(tag) =	ssettag s2;
	_ =	strace s9  }
0x27: {  	s1 =	sld [smem:$0x3FA5]  }
0x28: {  	s2 =	sld [smem:$0x3FA6]  }
0x29: {  	s4 =	sld [smem:$0x3FA8]  }
0x2a: {  	p0 =	seq.s32 s5, $0x0;
	s5 =	sld [smem:$0x3FA9]  }
0x2b: {  	s6 =	sld [smem:$0x3FAA]  }
0x2c: {  	s7 =	sld [smem:$0x3FAB]  }
0x2d: {  	s3 =	simm.s32 $0x108;
	s8 =	sld [smem:$0x3FAC]  }
0x2e: {  	s3 =	simm.s32 @!p0 $0x1082;
	s9 =	sld [smem:$0x3FAD]  }
0x2f: {  	lr =	sadd.s32 s0, s3;
	s0 =	sld [smem:$0x3FA4]  }
0x30: {  	s3 =	sld [smem:$0x3FA7]  }
0x31: {  	[smem:$0x3FB0] =	sst s10  }
0x32: {  	s10 =	sld [smem:$0x3FAE];
	_ =	sdelay $0x3  }
0x33: {  	p0 =	seq.s32 s10, $0x1;
	s10 =	sld [smem:$0x3FB0];
	_ =	sdelay $0x3  }
0x34: {  	[smem:$0x3FB0] =	sst s10  }
0x35: {  	s10 =	sld [smem:$0x3FAF];
	_ =	sdelay $0x3  }
0x36: {  	p1 =	seq.s32 s10, $0x1;
	s10 =	sld [smem:$0x3FB0];
	_ =	sdelay $0x3  }
0x37: {  	[smem:$0x3FB0] =	sst s10  }
0x38: {  	s10 =	sld [smem:$0x3FB1]  }
0x39: {  	_ = 	snop;
	(pc) =	sbr.ind lr, $3  }
0x3a: {  	_ = 	snop  }
0x3b: {  	_ = 	snop  }
0x3c: {  	p2 =	seq.s32 s10, $0x1;
	s10 =	sld [smem:$0x3FB0]  }
0x3d: {  	_ =	shalt  }
0x3e: {  	_ =	shalt  }
0x3f: {  	_ =	shalt  }
0x40: {  	_ =	shalt  }
0x41: {  	_ =	shalt  }
0x42: {  	_ =	shalt  }
0x43: {  	_ =	shalt  }
0x44: {  	_ =	shalt  }
0x45: {  	_ =	shalt  }
0x46: {  	_ =	shalt  }
0x47: {  	_ =	shalt  }
0x48: {  	_ =	shalt  }
0x49: {  	_ =	shalt  }
0x4a: {  	_ =	shalt  }
0x4b: {  	_ =	shalt  }
0x4c: {  	_ =	shalt  }
0x4d: {  	_ =	shalt  }
0x4e: {  	_ =	shalt  }
0x4f: {  	_ =	shalt  }
0x50: {  	_ =	shalt  }
0x51: {  	_ =	shalt  }
0x52: {  	_ =	shalt  }
0x53: {  	_ =	shalt  }
0x54: {  	_ =	shalt  }
0x55: {  	_ =	shalt  }
0x56: {  	_ =	shalt  }
0x57: {  	_ =	shalt  }
0x58: {  	_ =	shalt  }
0x59: {  	_ =	shalt  }
0x5a: {  	_ =	shalt  }
0x5b: {  	_ =	shalt  }
0x5c: {  	_ =	shalt  }
0x5d: {  	_ =	shalt  }
0x5e: {  	_ =	shalt  }
0x5f: {  	_ =	shalt  }
0x60: {  	_ =	shalt  }
0x61: {  	_ =	shalt  }
0x62: {  	_ =	shalt  }
0x63: {  	_ =	shalt  }
0x64: {  	_ =	shalt  }
0x65: {  	_ =	shalt  }
0x66: {  	_ =	shalt  }
0x67: {  	_ =	shalt  }
0x68: {  	_ =	shalt  }
0x69: {  	_ =	shalt  }
0x6a: {  	_ =	shalt  }
0x6b: {  	_ =	shalt  }
0x6c: {  	_ =	shalt  }
0x6d: {  	_ =	shalt  }
0x6e: {  	_ =	shalt  }
0x6f: {  	_ =	shalt  }
0x70: {  	_ =	shalt  }
0x71: {  	_ =	shalt  }
0x72: {  	_ =	shalt  }
0x73: {  	_ =	shalt  }
0x74: {  	_ =	shalt  }
0x75: {  	_ =	shalt  }
0x76: {  	_ =	shalt  }
0x77: {  	_ =	shalt  }
0x78: {  	_ =	shalt  }
0x79: {  	_ =	shalt  }
0x7a: {  	_ =	shalt  }
0x7b: {  	_ =	shalt  }
0x7c: {  	_ =	shalt  }
0x7d: {  	_ =	shalt  }
0x7e: {  	_ =	shalt  }
0x7f: {  	_ =	shalt  }
0x80: {  	_ =	shalt  }
0x81: {  	_ =	shalt  }
0x82: {  	_ =	shalt  }
0x83: {  	_ =	shalt  }
0x84: {  	_ =	shalt  }
0x85: {  	_ =	shalt  }
0x86: {  	_ =	shalt  }
0x87: {  	_ =	shalt  }
.Lfunc_end0:
.L_simem_size_0:
called_computation_lowered:
.L_overlay_start_0:
0x88: {  	s2 =	sld [smem:$0x3FD9]  }
0x89: {  	s3 =	sld [smem:$0x3FFE];
	_ =	sdelay $0x1  }
0x8a: {  	s1 =	srdreg.scid  }
0x8b: {  	s0 =	sand.u32 $0x1, s1  }
0x8c: {  	s16 =	sshll.u32 s0, $0xA;
	s2 =	sadd.s32 s3, s2  }
0x8d: {  	s2 =	sadd.s32 s2, s16  }
0x8e: {  	[smem:$0x3FBC] =	sst s2  }
0x8f: {  	_ = 	snop  }
0x90: {  	(tm) =	ssettm $0x1  }
0x91: {  	s17 =	sld [smem:$0x3FFB];
	_ =	sdelay $0x3  }
0x92: {  	_ =	strace s17  }
0x93: {  	s2 =	sld [smem:$0x3FFC];
	_ =	sdelay $0x3  }
0x94: {  	_ =	strace s2  }
0x95: {  	s2 =	sld [smem:$0x3FFD];
	_ =	sdelay $0x3  }
0x96: {  	_ =	strace s2  }
0x97: {  	_ =	strace $0x8FFFFFFF  }
0x98: {  	s18 =	sld [smem:$0x3FDB];
	_ =	sdelay $0x1  }
0x99: {  	s19 =	simm.s32 $_scs_section_size  }
0x9a: {  	s4 =	simm.s32 $_size__tile_overlayer_lowered;
	s5 =	simm.s32 $_tile_overlayer_lowered  }
0x9b: {  	s22 =	simm.s32 $0x1BFF;
	s21 =	sshll.u32 s5, $0x1;
	s2 =	sadd.s32 s19, s18  }
0x9c: {  	s6 =	simm.s32 $0x0;
	s20 =	sshll.u32 s4, $0x1;
	s4 =	sadd.s32 s21, s2  }
0x9d: {  	[timem:s6], [sflag:s22] =	dma.local [hbm:s4], s20  }
0x9e: {  	_ =	swait.ge [sflag:s22], s20  }
0x9f: {  	s3 =	ssub.s32 $0x0, s20;
	[sflag:s22] =	ssyncset.done $0x0  }
0xa0: {  	[sflag:s22] =	ssyncadd.s32 s3;
	_ =	sdelay $0x1  }
0xa1: {  	s23 =	simm.s32 $0x1B8B  }
0xa2: {  	_ =	swait.ge [sflag:s23], $0x1  }
0xa3: {  	[sflag:s23] =	ssyncset.done $0x0  }
0xa4: {  	s25 =	simm.s32 $0x1B8E;
	s24 =	sld [smem:$0x3FFE];
	[sflag:s23] =	ssyncadd.s32 $0xFFFFFFFF  }
0xa5: {  	s26 =	simm.s32 $execute0_lowered;
	[smem:$0x3FD2] =	sst s25  }
0xa6: {  	s4 =	sshll.u32 s26, $0x1;
	_ =	strace $0x80000046;
	[dreg:$0x1] =	wrdreg $0xFFFFFFFF  }
0xa7: {  	s28 =	simm.s32 $_size_execute0_lowered;
	s2 =	sadd.s32 s2, s4;
	[dreg:$0x0] =	wrdreg $0x0  }
0xa8: {  	s4 =	sshll.u32 s28, $0x1;
	[dreg:$0x2] =	wrdreg s2  }
0xa9: {  	[dreg:$0x3] =	wrdreg s4  }
0xaa: {  	[dreg:$0x4] =	wrdreg $0xC0  }
0xab: {  	_ =	task [dreg:s6], $0x5FFFF  }
0xac: {  	[dreg:$0x1] =	wrdreg $0xFFFFFFFF  }
0xad: {  	[dreg:$0x0] =	wrdreg $0x60  }
0xae: {  	[dreg:$0x2] =	wrdreg s24  }
0xaf: {  	[dreg:$0x3] =	wrdreg $0xA  }
0xb0: {  	_ =	task.clear_ibuf [dreg:s6], $0x4FFFF;
	_ =	strace $0x90000046  }
0xb1: {  	s29 =	simm.s32 $0xA;
	_ =	strace $0x80000048  }
0xb2: {  	_ =	swait.ge [sflag:s29], $0x1  }
0xb3: {  	[sflag:s29] =	ssyncadd.s32 $0xFFFFFFFF  }
0xb4: {  	_ =	strace $0x90000048  }
0xb5: {  	_ =	sfence  }
0xb6: {  	s30 =	sld [smem:$0x0];
	_ =	sdelay $0x2  }
0xb7: {  	s31 =	sshll.u32 s1, $0xD;
	s1 =	sshrl.u32 s1, $0x2  }
0xb8: {  	s3 =	sand.u32 $0x4000, s31;
	s1 =	sadd.s32 s1, s30  }
0xb9: {  	s0 =	sor.u32 s3, s0;
	s1 =	sshll.u32 s1, $0x11  }
0xba: {  	s0 =	sor.u32 s1, s0  }
0xbb: {  	s0 =	sadd.s32 $0x8F2B, s0  }
0xbc: {  	[sflag:s0] =	ssyncadd.remote.s32 $0x1  }
0xbd: {  	_ =	sfence.sel $0xFFFF  }
0xbe: {  	[dreg:$0x0] =	wrdreg $0xFFFFFFFF;
	(pc) =	sbr.abs _section_cstart, $3  }
0xbf: {  	[dreg:$0x1] =	wrdreg $0xFFFFFFFF  }
0xc0: {  	_ =	task.clear_ibuf [dreg:s6], $0x2FFFF;
	_ =	strace $0x9FFFFFFF  }
0xc1: {  	(tm) =	ssettm $0x7FFFFFFF  }
tec
execute0_lowered:
.L_overlay_start_1:
0x0: {  	(tag) =	ssettag $0x1  }
0x1: {  	s1 =	srdreg.scid;
	s0 =	stileid.u32  }
0x2: {  	s13 =	sand.u32 $0x1, s1;
	s29 =	sshll.u32 s0, $0x1  }
0x3: {  	s14 =	sor.u32 s13, s29  }
0x4: {  	s15 =	rddreg [dreg:$0x0];
	s3 =	smul.u32 $0x28, s14  }
0x5: {  	s2 =	simm.s32 $0x0;
	s1 =	rddreg [dreg:$0x1]  }
0x6: {  	[smem:$0x7FF] =	sst s2;
	s3 =	sadd.s32 s3, s15  }
0x7: {  	_ =	strace $0x80000047;
	s4 =	sadd.s32 $0x4AF400, s3;
	s3 =	simm.s32 $0x2  }
0x8: {  	[tilespmem:s2], [sflag:$0x2] =	stream.linear.gather [hbm4b:s4+s2], $0x140, $0x38;
	[tilespmem:$0xA180] =	vst v63  }
0x9: {  	_ =	swait.ge [sflag:s3], $0x140  }
0xa: {  	s6 =	simm.s32 $0x80;
	[sflag:s3] =	ssyncset.done $0x0  }
0xb: {  	s7 =	simm.s32 $0x180;
	s5 =	sadd.s32 $0x4AFA00, s15;
	[sflag:s3] =	ssyncadd.s32 $0xFFFFFEC0  }
0xc: {  	[tilespmem:s7], [sflag:$0x1] =	stream.indirect.gather [hbm4b:s5+s6], $0x80, s2, s6, $0xb8;
	[tilespmem:$0xA180] =	vst v63  }
0xd: {  	s8 =	simm.s32 $0x4180;
	s9 =	simm.s32 $0x40  }
0xe: {  	[tilespmem:s8], [sflag:$0x1] =	stream.indirect.gather [hbm4b:s5+s6], $0x80, s6, s6, $0xb8;
	[tilespmem:$0xA180] =	vst v63  }
0xf: {  	s10 =	simm.s32 $0x100;
	s11 =	simm.s32 $0x8180;
	s12 =	simm.s32 $0x1  }
0x10: {  	[tilespmem:s11], [sflag:$0x1] =	stream.indirect.gather [hbm4b:s5+s9], $0x80, s10, s9, $0xb8;
	[tilespmem:$0xA180] =	vst v63  }
0x11: {  	_ =	swait.ge [sflag:s12], $0x4000  }
0x12: {  	[sflag:s12] =	ssyncset.done $0x0  }
0x13: {  	s13 =	ssub.s32 $0x2, s13;
	[sflag:s12] =	ssyncadd.s32 $0xFFFFC000  }
0x14: {  	s16 =	sshrl.u32 s13, $0x1;
	_ =	swait.ge [sflag:s12], $0x4000  }
0x15: {  	s30 =	ssub.s32 s13, s16;
	[sflag:s12] =	ssyncset.done $0x0  }
0x16: {  	s14 =	smul.u32 $0x1400, s14;
	s31 =	smax.u32 s30, $0x1;
	[sflag:s12] =	ssyncadd.s32 $0xFFFFC000  }
0x17: {  	p0 =	sne.s32 s31, $0x1;
	_ =	swait.ge [sflag:s12], $0x2000  }
.Ltmp0:
0x18: {  	s14 =	sadd.s32 s14, s15;
	[sflag:s12] =	ssyncset.done $0x0;
	(pc) =	sbr.rel @!p0 .LBB2_2-.Ltmp0, $4  }
0x19: {  	s13 =	sadd.s32 $0x13600, s14;
	[sflag:s12] =	ssyncadd.s32 $0xFFFFE000  }
0x1a: {  	[hbm4b:s13+s2] =	stream.linear.scatter [tilespmem:s7], [sflag:$0x2], $0xA000, $0x38;
	[tilespmem:$0xA180] =	vst v63  }
0x1b: {  	_ =	swait.ge [sflag:s3], $0xA000  }
0x1c: {  	s14 =	sadd.s32 $0xFFFFFFFF, s31;
	[sflag:s3] =	ssyncset.done $0x0  }
.LBB2_1:
0x1d: {  	p0 =	sne.s32 s14, $0x1;
	s14 =	sadd.s32 $0xFFFFFFFF, s14;
	[sflag:s3] =	ssyncadd.s32 $0xFFFF6000  }
0x1e: {  	[tilespmem:s2], [sflag:$0x2] =	stream.linear.gather [hbm4b:s4+s2], $0x140, $0x38;
	[tilespmem:$0xA180] =	vst v63  }
0x1f: {  	_ =	swait.ge [sflag:s3], $0x140  }
0x20: {  	[sflag:s3] =	ssyncset.done $0x0  }
0x21: {  	[sflag:s3] =	ssyncadd.s32 $0xFFFFFEC0  }
0x22: {  	[tilespmem:s7], [sflag:$0x1] =	stream.indirect.gather [hbm4b:s5+s6], $0x80, s2, s6, $0xb8;
	[tilespmem:$0xA180] =	vst v63  }
0x23: {  	_ = 	snop  }
0x24: {  	[tilespmem:s8], [sflag:$0x1] =	stream.indirect.gather [hbm4b:s5+s6], $0x80, s6, s6, $0xb8;
	[tilespmem:$0xA180] =	vst v63  }
0x25: {  	_ = 	snop  }
0x26: {  	[tilespmem:s11], [sflag:$0x1] =	stream.indirect.gather [hbm4b:s5+s9], $0x80, s10, s9, $0xb8;
	[tilespmem:$0xA180] =	vst v63  }
0x27: {  	_ =	swait.ge [sflag:s12], $0x4000  }
0x28: {  	[sflag:s12] =	ssyncset.done $0x0  }
0x29: {  	[sflag:s12] =	ssyncadd.s32 $0xFFFFC000  }
0x2a: {  	_ =	swait.ge [sflag:s12], $0x4000  }
0x2b: {  	[sflag:s12] =	ssyncset.done $0x0  }
0x2c: {  	[sflag:s12] =	ssyncadd.s32 $0xFFFFC000  }
0x2d: {  	_ =	swait.ge [sflag:s12], $0x2000  }
.Ltmp1:
0x2e: {  	[sflag:s12] =	ssyncset.done $0x0;
	(pc) =	sbr.rel @p0 .LBB2_1-.Ltmp1, $4  }
0x2f: {  	[sflag:s12] =	ssyncadd.s32 $0xFFFFE000  }
0x30: {  	[hbm4b:s13+s2] =	stream.linear.scatter [tilespmem:s7], [sflag:$0x2], $0xA000, $0x38;
	[tilespmem:$0xA180] =	vst v63  }
0x31: {  	_ =	swait.ge [sflag:s3], $0xA000  }
0x32: {  	[sflag:s3] =	ssyncset.done $0x0  }
.LBB2_2:
0x33: {  	[sflag:s3] =	ssyncadd.s32 $0xFFFF6000  }
0x34: {  	_ =	sfence.sel $0x180000  }
0x35: {  	[bflag:$0x0] =	sbarrier.arrive $0xFFFF  }
0x36: {  	p0 =	sne.s32 s0, $0x0;
	_ =	strace $0x90000047  }
0x37: {  	s0 =	sadd.s32 @!p0 $0x100000, s1;
	[bflag:$0x2] =	sbarrier.arrive $0xFFFF  }
0x38: {  	[sflag:s0] =	ssyncadd.tile.s32 @!p0 $0x1;
	_ =	shalt  }
.Lfunc_end2:
_tile_overlayer_lowered:
.L_overlay_start_2:
0x39: {  	(tag) =	ssettag $0x2  }
0x3a: {  	s0 =	rddreg [dreg:$0x0];
	s2 =	stileid.u32  }
0x3b: {  	s1 =	rddreg [dreg:$0x1];
	p0 =	sne.s32 s2, $0x0  }
0x3c: {  	s3 =	rddreg [dreg:$0x2];
	[bflag:$0x3] =	sbarrier.arrive $0xFFFF;
	s2 =	simm.s32 @!p0 $0x1C02  }
0x3d: {  	[timem:s3], [sflag:s2] =	dma.local @!p0 [hbm:s0], s1  }
0x3e: {  	s0 =	simm.s32 @!p0 $0x2  }
0x3f: {  	_ =	swait.ge @!p0 [sflag:s0], s1  }
0x40: {  	s1 =	ssub.s32 @!p0 $0x0, s1;
	[sflag:s0] =	ssyncset.done @!p0 $0x0  }
0x41: {  	[sflag:s0] =	ssyncadd.s32 @!p0 s1  }
0x42: {  	[bflag:$0x3] =	sbarrier.arrive $0xFFFF  }
0x43: {  	_ =	shalt  }

// kernel: kernel.38.cloned.1.call-start
scs
__scs_entry_jumppad:
0x0: {  	(pc) =	sbr.rel $0x88, $3  }
0x1: {  	(tag) =	ssettag $0x0;
	lr =	simm.s32 $0x1  }
0x2: {  	[smem:$0x3F95] =	sst lr;
	_ =	strace $0xD0000000  }
0x3: {  	_ = 	snop  }
0x4: {  	_ = 	snop  }
0x5: {  	_ = 	snop  }
0x6: {  	_ = 	snop  }
0x7: {  	_ = 	snop  }
__scs_overlays_trampoline_lowered:
0x8: {  	[smem:$0x3FA4] =	sst s0  }
0x9: {  	[smem:$0x3FA5] =	sst s1  }
0xa: {  	[smem:$0x3FA6] =	sst s2  }
0xb: {  	[smem:$0x3FA7] =	sst s3  }
0xc: {  	[smem:$0x3FA8] =	sst s4  }
0xd: {  	[smem:$0x3FA9] =	sst s5  }
0xe: {  	[smem:$0x3FAA] =	sst s6  }
0xf: {  	[smem:$0x3FAB] =	sst s7  }
0x10: {  	[smem:$0x3FAC] =	sst s8  }
0x11: {  	[smem:$0x3FAD] =	sst s9;
	s0 =	simm.s32 @!p0 $0x0  }
0x12: {  	s1 =	sld [smem:$0x3F93];
	s0 =	simm.s32 @p0 $0x1  }
0x13: {  	[smem:$0x3FAE] =	sst s0;
	s0 =	simm.s32 @!p1 $0x0  }
0x14: {  	s2 =	sld [smem:$0x3F92];
	s0 =	simm.s32 @p1 $0x1  }
0x15: {  	[smem:$0x3FAF] =	sst s0;
	s0 =	simm.s32 @!p2 $0x0  }
0x16: {  	s3 =	sld [smem:$0x3FDB];
	s0 =	simm.s32 @p2 $0x1  }
0x17: {  	s4 =	simm.s32 $0x1BF5;
	[smem:$0x3FB1] =	sst s0  }
0x18: {  	s0 =	sld [smem:$0x3F94];
	_ =	swait.ge [sflag:s4], $0x0  }
0x19: {  	s7 =	sld [smem:$0x3F95]  }
0x1a: {  	s8 =	sadd.s32 $0xFFFFE003, lr  }
0x1b: {  	s9 =	sadd.s32 $0xFFFFFEF7, lr;
	s5 =	simm.s32 $0xFFFFFFFF;
	p2 =	slt.u32 s8, $0xFFFFF086  }
0x1c: {  	p1 =	slt.u32 s9, $0xF7A;
	s5 =	simm.s32 @!p2 $0x0  }
0x1d: {  	s5 =	simm.s32 @p1 $0x1;
	p0 =	seq.s32 s7, s2  }
0x1e: {  	s7 =	smul.u32 @!p0 $0xF7A, s2;
	p2 =	seq.s32 @!p0 s5, $0x0  }
0x1f: {  	s9 =	smul.u32 $0xF7A, s1;
	s8 =	simm.s32 @!p0 $0x1BF5;
	p2 =	por !p2, p0  }
0x20: {  	[sflag:s8] =	ssyncset.s32 @!p0 $0xFFFFF086;
	s6 =	sadd.s32 @!p0 s3, s7;
	s7 =	simm.s32 @!p0 $0x108  }
0x21: {  	s3 =	sadd.s32 s3, s9;
	s6 =	sadd.s32 @!p0 $0x88, s6;
	s7 =	simm.s32 @p2 $0x1082  }
0x22: {  	[simem:s7], [sflag:s8] =	dma.local @!p0 [hbm:s6], $0xF7A  }
0x23: {  	s9 =	sor.u32 $0xD0000000, s2;
	s6 =	simm.s32 $0x108;
	_ =	swait.ge @!p0 [sflag:s8], $0x0  }
0x24: {  	s3 =	sadd.s32 $0x88, s3;
	s6 =	simm.s32 @!p1 $0x1082;
	[sflag:s4] =	ssyncset.s32 $0xFFFFF086  }
0x25: {  	[simem:s6], [sflag:s4] =	dma.local [hbm:s3], $0xF7A  }
0x26: {  	[smem:$0x3F95] =	sst s1;
	(tag) =	ssettag s2;
	_ =	strace s9  }
0x27: {  	s1 =	sld [smem:$0x3FA5]  }
0x28: {  	s2 =	sld [smem:$0x3FA6]  }
0x29: {  	s4 =	sld [smem:$0x3FA8]  }
0x2a: {  	p0 =	seq.s32 s5, $0x0;
	s5 =	sld [smem:$0x3FA9]  }
0x2b: {  	s6 =	sld [smem:$0x3FAA]  }
0x2c: {  	s7 =	sld [smem:$0x3FAB]  }
0x2d: {  	s3 =	simm.s32 $0x108;
	s8 =	sld [smem:$0x3FAC]  }
0x2e: {  	s3 =	simm.s32 @!p0 $0x1082;
	s9 =	sld [smem:$0x3FAD]  }
0x2f: {  	lr =	sadd.s32 s0, s3;
	s0 =	sld [smem:$0x3FA4]  }
0x30: {  	s3 =	sld [smem:$0x3FA7]  }
0x31: {  	[smem:$0x3FB0] =	sst s10  }
0x32: {  	s10 =	sld [smem:$0x3FAE];
	_ =	sdelay $0x3  }
0x33: {  	p0 =	seq.s32 s10, $0x1;
	s10 =	sld [smem:$0x3FB0];
	_ =	sdelay $0x3  }
0x34: {  	[smem:$0x3FB0] =	sst s10  }
0x35: {  	s10 =	sld [smem:$0x3FAF];
	_ =	sdelay $0x3  }
0x36: {  	p1 =	seq.s32 s10, $0x1;
	s10 =	sld [smem:$0x3FB0];
	_ =	sdelay $0x3  }
0x37: {  	[smem:$0x3FB0] =	sst s10  }
0x38: {  	s10 =	sld [smem:$0x3FB1]  }
0x39: {  	_ = 	snop;
	(pc) =	sbr.ind lr, $3  }
0x3a: {  	_ = 	snop  }
0x3b: {  	_ = 	snop  }
0x3c: {  	p2 =	seq.s32 s10, $0x1;
	s10 =	sld [smem:$0x3FB0]  }
0x3d: {  	_ =	shalt  }
0x3e: {  	_ =	shalt  }
0x3f: {  	_ =	shalt  }
0x40: {  	_ =	shalt  }
0x41: {  	_ =	shalt  }
0x42: {  	_ =	shalt  }
0x43: {  	_ =	shalt  }
0x44: {  	_ =	shalt  }
0x45: {  	_ =	shalt  }
0x46: {  	_ =	shalt  }
0x47: {  	_ =	shalt  }
0x48: {  	_ =	shalt  }
0x49: {  	_ =	shalt  }
0x4a: {  	_ =	shalt  }
0x4b: {  	_ =	shalt  }
0x4c: {  	_ =	shalt  }
0x4d: {  	_ =	shalt  }
0x4e: {  	_ =	shalt  }
0x4f: {  	_ =	shalt  }
0x50: {  	_ =	shalt  }
0x51: {  	_ =	shalt  }
0x52: {  	_ =	shalt  }
0x53: {  	_ =	shalt  }
0x54: {  	_ =	shalt  }
0x55: {  	_ =	shalt  }
0x56: {  	_ =	shalt  }
0x57: {  	_ =	shalt  }
0x58: {  	_ =	shalt  }
0x59: {  	_ =	shalt  }
0x5a: {  	_ =	shalt  }
0x5b: {  	_ =	shalt  }
0x5c: {  	_ =	shalt  }
0x5d: {  	_ =	shalt  }
0x5e: {  	_ =	shalt  }
0x5f: {  	_ =	shalt  }
0x60: {  	_ =	shalt  }
0x61: {  	_ =	shalt  }
0x62: {  	_ =	shalt  }
0x63: {  	_ =	shalt  }
0x64: {  	_ =	shalt  }
0x65: {  	_ =	shalt  }
0x66: {  	_ =	shalt  }
0x67: {  	_ =	shalt  }
0x68: {  	_ =	shalt  }
0x69: {  	_ =	shalt  }
0x6a: {  	_ =	shalt  }
0x6b: {  	_ =	shalt  }
0x6c: {  	_ =	shalt  }
0x6d: {  	_ =	shalt  }
0x6e: {  	_ =	shalt  }
0x6f: {  	_ =	shalt  }
0x70: {  	_ =	shalt  }
0x71: {  	_ =	shalt  }
0x72: {  	_ =	shalt  }
0x73: {  	_ =	shalt  }
0x74: {  	_ =	shalt  }
0x75: {  	_ =	shalt  }
0x76: {  	_ =	shalt  }
0x77: {  	_ =	shalt  }
0x78: {  	_ =	shalt  }
0x79: {  	_ =	shalt  }
0x7a: {  	_ =	shalt  }
0x7b: {  	_ =	shalt  }
0x7c: {  	_ =	shalt  }
0x7d: {  	_ =	shalt  }
0x7e: {  	_ =	shalt  }
0x7f: {  	_ =	shalt  }
0x80: {  	_ =	shalt  }
0x81: {  	_ =	shalt  }
0x82: {  	_ =	shalt  }
0x83: {  	_ =	shalt  }
0x84: {  	_ =	shalt  }
0x85: {  	_ =	shalt  }
0x86: {  	_ =	shalt  }
0x87: {  	_ =	shalt  }
.Lfunc_end0:
.L_simem_size_0:
called_computation.1_lowered:
.L_overlay_start_0:
0x88: {  	s2 =	sld [smem:$0x3FD9]  }
0x89: {  	s3 =	sld [smem:$0x3FFE];
	_ =	sdelay $0x1  }
0x8a: {  	s1 =	srdreg.scid  }
0x8b: {  	s0 =	sand.u32 $0x1, s1  }
0x8c: {  	s15 =	sshll.u32 s0, $0xA;
	s2 =	sadd.s32 s3, s2  }
0x8d: {  	s2 =	sadd.s32 s2, s15  }
0x8e: {  	[smem:$0x3FBC] =	sst s2  }
0x8f: {  	_ = 	snop  }
0x90: {  	s2 =	sld [smem:$0x3FD0];
	_ =	sdelay $0x2  }
0x91: {  	s16 =	simm.s32 $0xB;
	s4 =	simm.s32 $0x10  }
0x92: {  	[smem:s4], [sflag:s16] =	dma.local [hbm:s2], $0x1  }
0x93: {  	_ =	swait.eq [sflag:s16], $0x1  }
0x94: {  	[sflag:s16] =	ssyncset.done $0x0  }
0x95: {  	[sflag:s16] =	ssyncadd.s32 $0xFFFFFFFF  }
0x96: {  	s17 =	sld [smem:$0x11];
	(tm) =	ssettm $0x1  }
0x97: {  	s18 =	sld [smem:$0x3FFB];
	_ =	sdelay $0x3  }
0x98: {  	_ =	strace s18  }
0x99: {  	s2 =	sld [smem:$0x3FFC];
	_ =	sdelay $0x3  }
0x9a: {  	_ =	strace s2  }
0x9b: {  	s2 =	sld [smem:$0x3FFD];
	_ =	sdelay $0x3  }
0x9c: {  	_ =	strace s2  }
0x9d: {  	_ =	strace $0x8FFFFFFF  }
0x9e: {  	s19 =	sld [smem:$0x3FDB];
	_ =	sdelay $0x1  }
0x9f: {  	s20 =	simm.s32 $_scs_section_size  }
0xa0: {  	s5 =	simm.s32 $_size__tile_overlayer_lowered;
	s6 =	simm.s32 $_tile_overlayer_lowered  }
0xa1: {  	s7 =	simm.s32 $0x1BFF;
	s21 =	sshll.u32 s6, $0x1;
	s4 =	sadd.s32 s20, s19  }
0xa2: {  	s22 =	simm.s32 $0x0;
	s5 =	sshll.u32 s5, $0x1;
	s6 =	sadd.s32 s21, s4  }
0xa3: {  	[timem:s22], [sflag:s7] =	dma.local [hbm:s6], s5  }
0xa4: {  	_ =	swait.ge [sflag:s7], s5  }
0xa5: {  	s5 =	ssub.s32 $0x0, s5;
	[sflag:s7] =	ssyncset.done $0x0  }
0xa6: {  	[sflag:s7] =	ssyncadd.s32 s5;
	_ =	sdelay $0x1  }
0xa7: {  	s23 =	simm.s32 $0x1B8B  }
0xa8: {  	_ =	swait.ge [sflag:s23], $0x1  }
0xa9: {  	[sflag:s23] =	ssyncset.done $0x0  }
0xaa: {  	[sflag:s23] =	ssyncadd.s32 $0xFFFFFFFF  }
0xab: {  	s5 =	sld [smem:$0x0]  }
0xac: {  	s6 =	sand.u32 $0xFFFFFFFE, s1  }
0xad: {  	p0 =	sne.s32 s1, s6  }
0xae: {  	s6 =	sshll.u32 @p0 s6, $0xE  }
0xaf: {  	s6 =	sadd.s32 @p0 $0x11B8D, s6;
	s7 =	sshll.u32 @p0 s5, $0x11  }
0xb0: {  	s6 =	sor.u32 @p0 s7, s6  }
0xb1: {  	[sflag:s6] =	ssyncadd.remote.s32 @p0 $0x1;
	_ =	sdelay $0x1  }
0xb2: {  	s6 =	simm.s32 @p0 $0x1B8D  }
0xb3: {  	_ =	swait.eq @p0 [sflag:s6], $0x1  }
0xb4: {  	[sflag:s6] =	ssyncadd.s32 @p0 $0xFFFFFFFF  }
0xb5: {  	s7 =	sshll.u32 @!p0 s1, $0xE  }
0xb6: {  	s7 =	sor.u32 @!p0 $0x4000, s7;
	s6 =	simm.s32 @!p0 $0x1B8D  }
0xb7: {  	s5 =	sshll.u32 @!p0 s5, $0x11;
	s7 =	sadd.s32 @!p0 $0x11B8D, s7;
	_ =	swait.eq @!p0 [sflag:s6], $0x1  }
0xb8: {  	s5 =	sor.u32 @!p0 s5, s7;
	[sflag:s6] =	ssyncadd.s32 @!p0 $0xFFFFFFFF  }
0xb9: {  	s25 =	simm.s32 $0x1B8E;
	s24 =	sld [smem:$0x3FFE];
	[sflag:s5] =	ssyncadd.remote.s32 @!p0 $0x1  }
0xba: {  	s26 =	simm.s32 $execute0_lowered;
	[smem:$0x3FD2] =	sst s25  }
0xbb: {  	s6 =	sshll.u32 s26, $0x1;
	_ =	strace $0x80000049;
	[dreg:$0x1] =	wrdreg $0xFFFFFFFF  }
0xbc: {  	s28 =	simm.s32 $_size_execute0_lowered;
	s4 =	sadd.s32 s4, s6;
	[dreg:$0x0] =	wrdreg $0x0  }
0xbd: {  	s6 =	sshll.u32 s28, $0x1;
	[dreg:$0x2] =	wrdreg s4  }
0xbe: {  	[dreg:$0x3] =	wrdreg s6  }
0xbf: {  	[dreg:$0x4] =	wrdreg $0xC0  }
0xc0: {  	_ =	task [dreg:s22], $0x5FFFF  }
0xc1: {  	[dreg:$0x1] =	wrdreg $0xFFFFFFFF  }
0xc2: {  	[dreg:$0x0] =	wrdreg $0x60  }
0xc3: {  	[dreg:$0x2] =	wrdreg s24  }
0xc4: {  	[dreg:$0x3] =	wrdreg s17  }
0xc5: {  	[dreg:$0x4] =	wrdreg $0x9  }
0xc6: {  	_ =	task.clear_ibuf [dreg:s22], $0x5FFFF;
	_ =	strace $0x90000049  }
0xc7: {  	s29 =	simm.s32 $0x9;
	_ =	strace $0x8000004B  }
0xc8: {  	_ =	swait.ge [sflag:s29], $0x1  }
0xc9: {  	[sflag:s29] =	ssyncadd.s32 $0xFFFFFFFF  }
0xca: {  	_ =	strace $0x9000004B  }
0xcb: {  	_ =	sfence  }
0xcc: {  	s30 =	sld [smem:$0x0];
	_ =	sdelay $0x2  }
0xcd: {  	s31 =	sshll.u32 s1, $0xD;
	s1 =	sshrl.u32 s1, $0x2  }
0xce: {  	s4 =	sand.u32 $0x4000, s31;
	s1 =	sadd.s32 s1, s30  }
0xcf: {  	s0 =	sor.u32 s4, s0;
	s1 =	sshll.u32 s1, $0x11  }
0xd0: {  	s0 =	sor.u32 s1, s0  }
0xd1: {  	s0 =	sadd.s32 $0x8F2B, s0  }
0xd2: {  	[sflag:s0] =	ssyncadd.remote.s32 $0x1  }
0xd3: {  	_ =	sfence.sel $0xFFFF  }
0xd4: {  	[dreg:$0x0] =	wrdreg $0xFFFFFFFF;
	(pc) =	sbr.abs _section_cstart, $3  }
0xd5: {  	[dreg:$0x1] =	wrdreg $0xFFFFFFFF  }
0xd6: {  	_ =	task.clear_ibuf [dreg:s22], $0x2FFFF;
	_ =	strace $0x9FFFFFFF  }
0xd7: {  	(tm) =	ssettm $0x7FFFFFFF  }
tec
execute0_lowered:
.L_overlay_start_1:
0x0: {  	(tag) =	ssettag $0x1  }
0x1: {  	s1 =	srdreg.scid;
	s0 =	stileid.u32  }
0x2: {  	s13 =	rddreg [dreg:$0x0];
	s14 =	sand.u32 $0x1, s1;
	s31 =	sshll.u32 s0, $0x1  }
0x3: {  	s3 =	rddreg [dreg:$0x1];
	s15 =	sor.u32 s14, s31  }
0x4: {  	s2 =	simm.s32 $0x0;
	s1 =	rddreg [dreg:$0x2];
	s4 =	smul.u32 $0x28, s15  }
0x5: {  	[smem:$0x7FF] =	sst s2  }
0x6: {  	_ =	strace $0x8000004A;
	s4 =	sadd.s32 s3, s4;
	s3 =	simm.s32 $0x2  }
0x7: {  	[tilespmem:s2], [sflag:$0x2] =	stream.linear.gather [hbm4b:s4+s2], $0x140, $0x38;
	[tilespmem:$0xA180] =	vst v63  }
0x8: {  	_ =	swait.ge [sflag:s3], $0x140  }
0x9: {  	s6 =	simm.s32 $0x80;
	[sflag:s3] =	ssyncset.done $0x0  }
0xa: {  	s7 =	simm.s32 $0x180;
	s5 =	sadd.s32 $0x4AFA00, s13;
	[sflag:s3] =	ssyncadd.s32 $0xFFFFFEC0  }
0xb: {  	[tilespmem:s7], [sflag:$0x1] =	stream.indirect.gather [hbm4b:s5+s6], $0x80, s2, s6, $0xb8;
	[tilespmem:$0xA180] =	vst v63  }
0xc: {  	s8 =	simm.s32 $0x4180;
	s9 =	simm.s32 $0x40  }
0xd: {  	[tilespmem:s8], [sflag:$0x1] =	stream.indirect.gather [hbm4b:s5+s6], $0x80, s6, s6, $0xb8;
	[tilespmem:$0xA180] =	vst v63  }
0xe: {  	s10 =	simm.s32 $0x100;
	s11 =	simm.s32 $0x8180;
	s12 =	simm.s32 $0x1  }
0xf: {  	[tilespmem:s11], [sflag:$0x1] =	stream.indirect.gather [hbm4b:s5+s9], $0x80, s10, s9, $0xb8;
	[tilespmem:$0xA180] =	vst v63  }
0x10: {  	_ =	swait.ge [sflag:s12], $0x4000  }
0x11: {  	[sflag:s12] =	ssyncset.done $0x0  }
0x12: {  	s14 =	ssub.s32 $0x2, s14;
	[sflag:s12] =	ssyncadd.s32 $0xFFFFC000  }
0x13: {  	s16 =	sshrl.u32 s14, $0x1;
	_ =	swait.ge [sflag:s12], $0x4000  }
0x14: {  	s14 =	ssub.s32 s14, s16;
	[sflag:s12] =	ssyncset.done $0x0  }
0x15: {  	s15 =	smul.u32 $0x1400, s15;
	s14 =	smax.u32 s14, $0x1;
	[sflag:s12] =	ssyncadd.s32 $0xFFFFC000  }
0x16: {  	p0 =	sne.s32 s14, $0x1;
	_ =	swait.ge [sflag:s12], $0x2000  }
.Ltmp0:
0x17: {  	s13 =	sadd.s32 s15, s13;
	[sflag:s12] =	ssyncset.done $0x0;
	(pc) =	sbr.rel @!p0 .LBB2_2-.Ltmp0, $4  }
0x18: {  	s13 =	sadd.s32 $0x3B600, s13;
	[sflag:s12] =	ssyncadd.s32 $0xFFFFE000  }
0x19: {  	[hbm4b:s13+s2] =	stream.linear.scatter [tilespmem:s7], [sflag:$0x2], $0xA000, $0x38;
	[tilespmem:$0xA180] =	vst v63  }
0x1a: {  	_ =	swait.ge [sflag:s3], $0xA000  }
0x1b: {  	s14 =	sadd.s32 $0xFFFFFFFF, s14;
	[sflag:s3] =	ssyncset.done $0x0  }
.LBB2_1:
0x1c: {  	p0 =	sne.s32 s14, $0x1;
	s14 =	sadd.s32 $0xFFFFFFFF, s14;
	[sflag:s3] =	ssyncadd.s32 $0xFFFF6000  }
0x1d: {  	[tilespmem:s2], [sflag:$0x2] =	stream.linear.gather [hbm4b:s4+s2], $0x140, $0x38;
	[tilespmem:$0xA180] =	vst v63  }
0x1e: {  	_ =	swait.ge [sflag:s3], $0x140  }
0x1f: {  	[sflag:s3] =	ssyncset.done $0x0  }
0x20: {  	[sflag:s3] =	ssyncadd.s32 $0xFFFFFEC0  }
0x21: {  	[tilespmem:s7], [sflag:$0x1] =	stream.indirect.gather [hbm4b:s5+s6], $0x80, s2, s6, $0xb8;
	[tilespmem:$0xA180] =	vst v63  }
0x22: {  	_ = 	snop  }
0x23: {  	[tilespmem:s8], [sflag:$0x1] =	stream.indirect.gather [hbm4b:s5+s6], $0x80, s6, s6, $0xb8;
	[tilespmem:$0xA180] =	vst v63  }
0x24: {  	_ = 	snop  }
0x25: {  	[tilespmem:s11], [sflag:$0x1] =	stream.indirect.gather [hbm4b:s5+s9], $0x80, s10, s9, $0xb8;
	[tilespmem:$0xA180] =	vst v63  }
0x26: {  	_ =	swait.ge [sflag:s12], $0x4000  }
0x27: {  	[sflag:s12] =	ssyncset.done $0x0  }
0x28: {  	[sflag:s12] =	ssyncadd.s32 $0xFFFFC000  }
0x29: {  	_ =	swait.ge [sflag:s12], $0x4000  }
0x2a: {  	[sflag:s12] =	ssyncset.done $0x0  }
0x2b: {  	[sflag:s12] =	ssyncadd.s32 $0xFFFFC000  }
0x2c: {  	_ =	swait.ge [sflag:s12], $0x2000  }
.Ltmp1:
0x2d: {  	[sflag:s12] =	ssyncset.done $0x0;
	(pc) =	sbr.rel @p0 .LBB2_1-.Ltmp1, $4  }
0x2e: {  	[sflag:s12] =	ssyncadd.s32 $0xFFFFE000  }
0x2f: {  	[hbm4b:s13+s2] =	stream.linear.scatter [tilespmem:s7], [sflag:$0x2], $0xA000, $0x38;
	[tilespmem:$0xA180] =	vst v63  }
0x30: {  	_ =	swait.ge [sflag:s3], $0xA000  }
0x31: {  	[sflag:s3] =	ssyncset.done $0x0  }
.LBB2_2:
0x32: {  	[sflag:s3] =	ssyncadd.s32 $0xFFFF6000  }
0x33: {  	_ =	sfence.sel $0x180000  }
0x34: {  	[bflag:$0x0] =	sbarrier.arrive $0xFFFF  }
0x35: {  	p0 =	sne.s32 s0, $0x0;
	_ =	strace $0x9000004A  }
0x36: {  	s0 =	sadd.s32 @!p0 $0x100000, s1;
	[bflag:$0x2] =	sbarrier.arrive $0xFFFF  }
0x37: {  	[sflag:s0] =	ssyncadd.tile.s32 @!p0 $0x1;
	_ =	shalt  }
.Lfunc_end2:
_tile_overlayer_lowered:
.L_overlay_start_2:
0x38: {  	(tag) =	ssettag $0x2  }
0x39: {  	s0 =	rddreg [dreg:$0x0];
	s2 =	stileid.u32  }
0x3a: {  	s1 =	rddreg [dreg:$0x1];
	p0 =	sne.s32 s2, $0x0  }
0x3b: {  	s3 =	rddreg [dreg:$0x2];
	[bflag:$0x3] =	sbarrier.arrive $0xFFFF;
	s2 =	simm.s32 @!p0 $0x1C02  }
0x3c: {  	[timem:s3], [sflag:s2] =	dma.local @!p0 [hbm:s0], s1  }
0x3d: {  	s0 =	simm.s32 @!p0 $0x2  }
0x3e: {  	_ =	swait.ge @!p0 [sflag:s0], s1  }
0x3f: {  	s1 =	ssub.s32 @!p0 $0x0, s1;
	[sflag:s0] =	ssyncset.done @!p0 $0x0  }
0x40: {  	[sflag:s0] =	ssyncadd.s32 @!p0 s1  }
0x41: {  	[bflag:$0x3] =	sbarrier.arrive $0xFFFF  }
0x42: {  	_ =	shalt  }

// kernel: kernel.41.cloned.1.call-start
scs
__scs_entry_jumppad:
0x0: {  	(pc) =	sbr.rel $0x88, $3  }
0x1: {  	(tag) =	ssettag $0x0;
	lr =	simm.s32 $0x1  }
0x2: {  	[smem:$0x3F95] =	sst lr;
	_ =	strace $0xD0000000  }
0x3: {  	_ = 	snop  }
0x4: {  	_ = 	snop  }
0x5: {  	_ = 	snop  }
0x6: {  	_ = 	snop  }
0x7: {  	_ = 	snop  }
__scs_overlays_trampoline_lowered:
0x8: {  	[smem:$0x3FA4] =	sst s0  }
0x9: {  	[smem:$0x3FA5] =	sst s1  }
0xa: {  	[smem:$0x3FA6] =	sst s2  }
0xb: {  	[smem:$0x3FA7] =	sst s3  }
0xc: {  	[smem:$0x3FA8] =	sst s4  }
0xd: {  	[smem:$0x3FA9] =	sst s5  }
0xe: {  	[smem:$0x3FAA] =	sst s6  }
0xf: {  	[smem:$0x3FAB] =	sst s7  }
0x10: {  	[smem:$0x3FAC] =	sst s8  }
0x11: {  	[smem:$0x3FAD] =	sst s9;
	s0 =	simm.s32 @!p0 $0x0  }
0x12: {  	s1 =	sld [smem:$0x3F93];
	s0 =	simm.s32 @p0 $0x1  }
0x13: {  	[smem:$0x3FAE] =	sst s0;
	s0 =	simm.s32 @!p1 $0x0  }
0x14: {  	s2 =	sld [smem:$0x3F92];
	s0 =	simm.s32 @p1 $0x1  }
0x15: {  	[smem:$0x3FAF] =	sst s0;
	s0 =	simm.s32 @!p2 $0x0  }
0x16: {  	s3 =	sld [smem:$0x3FDB];
	s0 =	simm.s32 @p2 $0x1  }
0x17: {  	s4 =	simm.s32 $0x1BF5;
	[smem:$0x3FB1] =	sst s0  }
0x18: {  	s0 =	sld [smem:$0x3F94];
	_ =	swait.ge [sflag:s4], $0x0  }
0x19: {  	s7 =	sld [smem:$0x3F95]  }
0x1a: {  	s8 =	sadd.s32 $0xFFFFE003, lr  }
0x1b: {  	s9 =	sadd.s32 $0xFFFFFEF7, lr;
	s5 =	simm.s32 $0xFFFFFFFF;
	p2 =	slt.u32 s8, $0xFFFFF086  }
0x1c: {  	p1 =	slt.u32 s9, $0xF7A;
	s5 =	simm.s32 @!p2 $0x0  }
0x1d: {  	s5 =	simm.s32 @p1 $0x1;
	p0 =	seq.s32 s7, s2  }
0x1e: {  	s7 =	smul.u32 @!p0 $0xF7A, s2;
	p2 =	seq.s32 @!p0 s5, $0x0  }
0x1f: {  	s9 =	smul.u32 $0xF7A, s1;
	s8 =	simm.s32 @!p0 $0x1BF5;
	p2 =	por !p2, p0  }
0x20: {  	[sflag:s8] =	ssyncset.s32 @!p0 $0xFFFFF086;
	s6 =	sadd.s32 @!p0 s3, s7;
	s7 =	simm.s32 @!p0 $0x108  }
0x21: {  	s3 =	sadd.s32 s3, s9;
	s6 =	sadd.s32 @!p0 $0x88, s6;
	s7 =	simm.s32 @p2 $0x1082  }
0x22: {  	[simem:s7], [sflag:s8] =	dma.local @!p0 [hbm:s6], $0xF7A  }
0x23: {  	s9 =	sor.u32 $0xD0000000, s2;
	s6 =	simm.s32 $0x108;
	_ =	swait.ge @!p0 [sflag:s8], $0x0  }
0x24: {  	s3 =	sadd.s32 $0x88, s3;
	s6 =	simm.s32 @!p1 $0x1082;
	[sflag:s4] =	ssyncset.s32 $0xFFFFF086  }
0x25: {  	[simem:s6], [sflag:s4] =	dma.local [hbm:s3], $0xF7A  }
0x26: {  	[smem:$0x3F95] =	sst s1;
	(tag) =	ssettag s2;
	_ =	strace s9  }
0x27: {  	s1 =	sld [smem:$0x3FA5]  }
0x28: {  	s2 =	sld [smem:$0x3FA6]  }
0x29: {  	s4 =	sld [smem:$0x3FA8]  }
0x2a: {  	p0 =	seq.s32 s5, $0x0;
	s5 =	sld [smem:$0x3FA9]  }
0x2b: {  	s6 =	sld [smem:$0x3FAA]  }
0x2c: {  	s7 =	sld [smem:$0x3FAB]  }
0x2d: {  	s3 =	simm.s32 $0x108;
	s8 =	sld [smem:$0x3FAC]  }
0x2e: {  	s3 =	simm.s32 @!p0 $0x1082;
	s9 =	sld [smem:$0x3FAD]  }
0x2f: {  	lr =	sadd.s32 s0, s3;
	s0 =	sld [smem:$0x3FA4]  }
0x30: {  	s3 =	sld [smem:$0x3FA7]  }
0x31: {  	[smem:$0x3FB0] =	sst s10  }
0x32: {  	s10 =	sld [smem:$0x3FAE];
	_ =	sdelay $0x3  }
0x33: {  	p0 =	seq.s32 s10, $0x1;
	s10 =	sld [smem:$0x3FB0];
	_ =	sdelay $0x3  }
0x34: {  	[smem:$0x3FB0] =	sst s10  }
0x35: {  	s10 =	sld [smem:$0x3FAF];
	_ =	sdelay $0x3  }
0x36: {  	p1 =	seq.s32 s10, $0x1;
	s10 =	sld [smem:$0x3FB0];
	_ =	sdelay $0x3  }
0x37: {  	[smem:$0x3FB0] =	sst s10  }
0x38: {  	s10 =	sld [smem:$0x3FB1]  }
0x39: {  	_ = 	snop;
	(pc) =	sbr.ind lr, $3  }
0x3a: {  	_ = 	snop  }
0x3b: {  	_ = 	snop  }
0x3c: {  	p2 =	seq.s32 s10, $0x1;
	s10 =	sld [smem:$0x3FB0]  }
0x3d: {  	_ =	shalt  }
0x3e: {  	_ =	shalt  }
0x3f: {  	_ =	shalt  }
0x40: {  	_ =	shalt  }
0x41: {  	_ =	shalt  }
0x42: {  	_ =	shalt  }
0x43: {  	_ =	shalt  }
0x44: {  	_ =	shalt  }
0x45: {  	_ =	shalt  }
0x46: {  	_ =	shalt  }
0x47: {  	_ =	shalt  }
0x48: {  	_ =	shalt  }
0x49: {  	_ =	shalt  }
0x4a: {  	_ =	shalt  }
0x4b: {  	_ =	shalt  }
0x4c: {  	_ =	shalt  }
0x4d: {  	_ =	shalt  }
0x4e: {  	_ =	shalt  }
0x4f: {  	_ =	shalt  }
0x50: {  	_ =	shalt  }
0x51: {  	_ =	shalt  }
0x52: {  	_ =	shalt  }
0x53: {  	_ =	shalt  }
0x54: {  	_ =	shalt  }
0x55: {  	_ =	shalt  }
0x56: {  	_ =	shalt  }
0x57: {  	_ =	shalt  }
0x58: {  	_ =	shalt  }
0x59: {  	_ =	shalt  }
0x5a: {  	_ =	shalt  }
0x5b: {  	_ =	shalt  }
0x5c: {  	_ =	shalt  }
0x5d: {  	_ =	shalt  }
0x5e: {  	_ =	shalt  }
0x5f: {  	_ =	shalt  }
0x60: {  	_ =	shalt  }
0x61: {  	_ =	shalt  }
0x62: {  	_ =	shalt  }
0x63: {  	_ =	shalt  }
0x64: {  	_ =	shalt  }
0x65: {  	_ =	shalt  }
0x66: {  	_ =	shalt  }
0x67: {  	_ =	shalt  }
0x68: {  	_ =	shalt  }
0x69: {  	_ =	shalt  }
0x6a: {  	_ =	shalt  }
0x6b: {  	_ =	shalt  }
0x6c: {  	_ =	shalt  }
0x6d: {  	_ =	shalt  }
0x6e: {  	_ =	shalt  }
0x6f: {  	_ =	shalt  }
0x70: {  	_ =	shalt  }
0x71: {  	_ =	shalt  }
0x72: {  	_ =	shalt  }
0x73: {  	_ =	shalt  }
0x74: {  	_ =	shalt  }
0x75: {  	_ =	shalt  }
0x76: {  	_ =	shalt  }
0x77: {  	_ =	shalt  }
0x78: {  	_ =	shalt  }
0x79: {  	_ =	shalt  }
0x7a: {  	_ =	shalt  }
0x7b: {  	_ =	shalt  }
0x7c: {  	_ =	shalt  }
0x7d: {  	_ =	shalt  }
0x7e: {  	_ =	shalt  }
0x7f: {  	_ =	shalt  }
0x80: {  	_ =	shalt  }
0x81: {  	_ =	shalt  }
0x82: {  	_ =	shalt  }
0x83: {  	_ =	shalt  }
0x84: {  	_ =	shalt  }
0x85: {  	_ =	shalt  }
0x86: {  	_ =	shalt  }
0x87: {  	_ =	shalt  }
.Lfunc_end0:
.L_simem_size_0:
called_computation.2_lowered:
.L_overlay_start_0:
0x88: {  	s2 =	sld [smem:$0x3FD9]  }
0x89: {  	s3 =	sld [smem:$0x3FFE];
	_ =	sdelay $0x1  }
0x8a: {  	s1 =	srdreg.scid  }
0x8b: {  	s0 =	sand.u32 $0x1, s1  }
0x8c: {  	s17 =	sshll.u32 s0, $0xA;
	s2 =	sadd.s32 s3, s2  }
0x8d: {  	s2 =	sadd.s32 s2, s17  }
0x8e: {  	[smem:$0x3FBC] =	sst s2  }
0x8f: {  	_ = 	snop  }
0x90: {  	(tm) =	ssettm $0x1  }
0x91: {  	s18 =	sld [smem:$0x3FFB];
	_ =	sdelay $0x3  }
0x92: {  	_ =	strace s18  }
0x93: {  	s2 =	sld [smem:$0x3FFC];
	_ =	sdelay $0x3  }
0x94: {  	_ =	strace s2  }
0x95: {  	s2 =	sld [smem:$0x3FFD];
	_ =	sdelay $0x3  }
0x96: {  	_ =	strace s2  }
0x97: {  	_ =	strace $0x8FFFFFFF  }
0x98: {  	s19 =	sld [smem:$0x3FDB];
	_ =	sdelay $0x1  }
0x99: {  	s20 =	simm.s32 $_scs_section_size  }
0x9a: {  	s4 =	simm.s32 $_size__tile_overlayer_lowered;
	s5 =	simm.s32 $_tile_overlayer_lowered  }
0x9b: {  	s6 =	simm.s32 $0x1BFF;
	s21 =	sshll.u32 s5, $0x1;
	s3 =	sadd.s32 s20, s19  }
0x9c: {  	s22 =	simm.s32 $0x0;
	s4 =	sshll.u32 s4, $0x1;
	s5 =	sadd.s32 s21, s3  }
0x9d: {  	[timem:s22], [sflag:s6] =	dma.local [hbm:s5], s4  }
0x9e: {  	_ =	swait.ge [sflag:s6], s4  }
0x9f: {  	s4 =	ssub.s32 $0x0, s4;
	[sflag:s6] =	ssyncset.done $0x0  }
0xa0: {  	[sflag:s6] =	ssyncadd.s32 s4;
	_ =	sdelay $0x1  }
0xa1: {  	s23 =	simm.s32 $0x1B8B  }
0xa2: {  	_ =	swait.ge [sflag:s23], $0x1  }
0xa3: {  	[sflag:s23] =	ssyncset.done $0x0  }
0xa4: {  	[sflag:s23] =	ssyncadd.s32 $0xFFFFFFFF  }
0xa5: {  	s4 =	sld [smem:$0x0]  }
0xa6: {  	s5 =	sand.u32 $0xFFFFFFFE, s1  }
0xa7: {  	p0 =	sne.s32 s1, s5  }
0xa8: {  	s5 =	sshll.u32 @p0 s5, $0xE  }
0xa9: {  	s5 =	sadd.s32 @p0 $0x11B8D, s5;
	s6 =	sshll.u32 @p0 s4, $0x11  }
0xaa: {  	s5 =	sor.u32 @p0 s6, s5  }
0xab: {  	[sflag:s5] =	ssyncadd.remote.s32 @p0 $0x1;
	_ =	sdelay $0x1  }
0xac: {  	s5 =	simm.s32 @p0 $0x1B8D  }
0xad: {  	_ =	swait.eq @p0 [sflag:s5], $0x1  }
0xae: {  	[sflag:s5] =	ssyncadd.s32 @p0 $0xFFFFFFFF  }
0xaf: {  	s6 =	sshll.u32 @!p0 s1, $0xE  }
0xb0: {  	s6 =	sor.u32 @!p0 $0x4000, s6;
	s5 =	simm.s32 @!p0 $0x1B8D  }
0xb1: {  	s4 =	sshll.u32 @!p0 s4, $0x11;
	s6 =	sadd.s32 @!p0 $0x11B8D, s6;
	_ =	swait.eq @!p0 [sflag:s5], $0x1  }
0xb2: {  	s4 =	sor.u32 @!p0 s4, s6;
	[sflag:s5] =	ssyncadd.s32 @!p0 $0xFFFFFFFF  }
0xb3: {  	s25 =	simm.s32 $0x1B8E;
	s24 =	sld [smem:$0x3FFE];
	[sflag:s4] =	ssyncadd.remote.s32 @!p0 $0x1  }
0xb4: {  	s26 =	simm.s32 $execute0_lowered;
	[smem:$0x3FD2] =	sst s25  }
0xb5: {  	s5 =	sshll.u32 s26, $0x1;
	_ =	strace $0x8000004C;
	[dreg:$0x1] =	wrdreg $0xFFFFFFFF  }
0xb6: {  	s28 =	simm.s32 $_size_execute0_lowered;
	s3 =	sadd.s32 s3, s5;
	[dreg:$0x0] =	wrdreg $0x0  }
0xb7: {  	s5 =	sshll.u32 s28, $0x1;
	[dreg:$0x2] =	wrdreg s3  }
0xb8: {  	[dreg:$0x3] =	wrdreg s5  }
0xb9: {  	[dreg:$0x4] =	wrdreg $0xC0  }
0xba: {  	_ =	task [dreg:s22], $0x5FFFF  }
0xbb: {  	[dreg:$0x1] =	wrdreg $0xFFFFFFFF  }
0xbc: {  	[dreg:$0x0] =	wrdreg $0x60  }
0xbd: {  	[dreg:$0x2] =	wrdreg s24  }
0xbe: {  	[dreg:$0x3] =	wrdreg $0xA  }
0xbf: {  	_ =	task.clear_ibuf [dreg:s22], $0x4FFFF;
	_ =	strace $0x9000004C  }
0xc0: {  	s29 =	simm.s32 $0xA;
	_ =	strace $0x8000004E  }
0xc1: {  	_ =	swait.ge [sflag:s29], $0x1  }
0xc2: {  	[sflag:s29] =	ssyncadd.s32 $0xFFFFFFFF  }
0xc3: {  	_ =	strace $0x9000004E  }
0xc4: {  	_ =	sfence  }
0xc5: {  	s30 =	sld [smem:$0x0];
	_ =	sdelay $0x2  }
0xc6: {  	s31 =	sshll.u32 s1, $0xD;
	s1 =	sshrl.u32 s1, $0x2  }
0xc7: {  	s4 =	sand.u32 $0x4000, s31;
	s1 =	sadd.s32 s1, s30  }
0xc8: {  	s0 =	sor.u32 s4, s0;
	s1 =	sshll.u32 s1, $0x11  }
0xc9: {  	s0 =	sor.u32 s1, s0  }
0xca: {  	s0 =	sadd.s32 $0x8F2B, s0  }
0xcb: {  	[sflag:s0] =	ssyncadd.remote.s32 $0x1  }
0xcc: {  	_ =	sfence.sel $0xFFFF  }
0xcd: {  	[dreg:$0x0] =	wrdreg $0xFFFFFFFF;
	(pc) =	sbr.abs _section_cstart, $3  }
0xce: {  	[dreg:$0x1] =	wrdreg $0xFFFFFFFF  }
0xcf: {  	_ =	task.clear_ibuf [dreg:s22], $0x2FFFF;
	_ =	strace $0x9FFFFFFF  }
0xd0: {  	(tm) =	ssettm $0x7FFFFFFF  }
0xd1: {  	_ =	shalt  }
tec
execute0_lowered:
.L_overlay_start_1:
0x0: {  	(tag) =	ssettag $0x1  }
0x1: {  	s1 =	srdreg.scid;
	s0 =	stileid.u32  }
0x2: {  	s13 =	sand.u32 $0x1, s1;
	s29 =	sshll.u32 s0, $0x1  }
0x3: {  	s14 =	sor.u32 s13, s29  }
0x4: {  	s15 =	rddreg [dreg:$0x0];
	s3 =	smul.u32 $0x28, s14  }
0x5: {  	s2 =	simm.s32 $0x0;
	s1 =	rddreg [dreg:$0x1]  }
0x6: {  	[smem:$0x7FF] =	sst s2;
	s3 =	sadd.s32 s3, s15  }
0x7: {  	_ =	strace $0x8000004D;
	s4 =	sadd.s32 $0x4AF400, s3;
	s3 =	simm.s32 $0x2  }
0x8: {  	[tilespmem:s2], [sflag:$0x2] =	stream.linear.gather [hbm4b:s4+s2], $0x140, $0x38;
	[tilespmem:$0xA180] =	vst v63  }
0x9: {  	_ =	swait.ge [sflag:s3], $0x140  }
0xa: {  	s6 =	simm.s32 $0x80;
	[sflag:s3] =	ssyncset.done $0x0  }
0xb: {  	s7 =	simm.s32 $0x180;
	s5 =	sadd.s32 $0x4AFA00, s15;
	[sflag:s3] =	ssyncadd.s32 $0xFFFFFEC0  }
0xc: {  	[tilespmem:s7], [sflag:$0x1] =	stream.indirect.gather [hbm4b:s5+s6], $0x80, s2, s6, $0xb8;
	[tilespmem:$0xA180] =	vst v63  }
0xd: {  	s8 =	simm.s32 $0x4180;
	s9 =	simm.s32 $0x40  }
0xe: {  	[tilespmem:s8], [sflag:$0x1] =	stream.indirect.gather [hbm4b:s5+s6], $0x80, s6, s6, $0xb8;
	[tilespmem:$0xA180] =	vst v63  }
0xf: {  	s10 =	simm.s32 $0x100;
	s11 =	simm.s32 $0x8180;
	s12 =	simm.s32 $0x1  }
0x10: {  	[tilespmem:s11], [sflag:$0x1] =	stream.indirect.gather [hbm4b:s5+s9], $0x80, s10, s9, $0xb8;
	[tilespmem:$0xA180] =	vst v63  }
0x11: {  	_ =	swait.ge [sflag:s12], $0x4000  }
0x12: {  	[sflag:s12] =	ssyncset.done $0x0  }
0x13: {  	s13 =	ssub.s32 $0x2, s13;
	[sflag:s12] =	ssyncadd.s32 $0xFFFFC000  }
0x14: {  	s16 =	sshrl.u32 s13, $0x1;
	_ =	swait.ge [sflag:s12], $0x4000  }
0x15: {  	s30 =	ssub.s32 s13, s16;
	[sflag:s12] =	ssyncset.done $0x0  }
0x16: {  	s14 =	smul.u32 $0x1400, s14;
	s31 =	smax.u32 s30, $0x1;
	[sflag:s12] =	ssyncadd.s32 $0xFFFFC000  }
0x17: {  	p0 =	sne.s32 s31, $0x1;
	_ =	swait.ge [sflag:s12], $0x2000  }
.Ltmp0:
0x18: {  	s14 =	sadd.s32 s14, s15;
	[sflag:s12] =	ssyncset.done $0x0;
	(pc) =	sbr.rel @!p0 .LBB2_2-.Ltmp0, $4  }
0x19: {  	s13 =	sadd.s32 $0x13600, s14;
	[sflag:s12] =	ssyncadd.s32 $0xFFFFE000  }
0x1a: {  	[hbm4b:s13+s2] =	stream.linear.scatter [tilespmem:s7], [sflag:$0x2], $0xA000, $0x38;
	[tilespmem:$0xA180] =	vst v63  }
0x1b: {  	_ =	swait.ge [sflag:s3], $0xA000  }
0x1c: {  	s14 =	sadd.s32 $0xFFFFFFFF, s31;
	[sflag:s3] =	ssyncset.done $0x0  }
.LBB2_1:
0x1d: {  	p0 =	sne.s32 s14, $0x1;
	s14 =	sadd.s32 $0xFFFFFFFF, s14;
	[sflag:s3] =	ssyncadd.s32 $0xFFFF6000  }
0x1e: {  	[tilespmem:s2], [sflag:$0x2] =	stream.linear.gather [hbm4b:s4+s2], $0x140, $0x38;
	[tilespmem:$0xA180] =	vst v63  }
0x1f: {  	_ =	swait.ge [sflag:s3], $0x140  }
0x20: {  	[sflag:s3] =	ssyncset.done $0x0  }
0x21: {  	[sflag:s3] =	ssyncadd.s32 $0xFFFFFEC0  }
0x22: {  	[tilespmem:s7], [sflag:$0x1] =	stream.indirect.gather [hbm4b:s5+s6], $0x80, s2, s6, $0xb8;
	[tilespmem:$0xA180] =	vst v63  }
0x23: {  	_ = 	snop  }
0x24: {  	[tilespmem:s8], [sflag:$0x1] =	stream.indirect.gather [hbm4b:s5+s6], $0x80, s6, s6, $0xb8;
	[tilespmem:$0xA180] =	vst v63  }
0x25: {  	_ = 	snop  }
0x26: {  	[tilespmem:s11], [sflag:$0x1] =	stream.indirect.gather [hbm4b:s5+s9], $0x80, s10, s9, $0xb8;
	[tilespmem:$0xA180] =	vst v63  }
0x27: {  	_ =	swait.ge [sflag:s12], $0x4000  }
0x28: {  	[sflag:s12] =	ssyncset.done $0x0  }
0x29: {  	[sflag:s12] =	ssyncadd.s32 $0xFFFFC000  }
0x2a: {  	_ =	swait.ge [sflag:s12], $0x4000  }
0x2b: {  	[sflag:s12] =	ssyncset.done $0x0  }
0x2c: {  	[sflag:s12] =	ssyncadd.s32 $0xFFFFC000  }
0x2d: {  	_ =	swait.ge [sflag:s12], $0x2000  }
.Ltmp1:
0x2e: {  	[sflag:s12] =	ssyncset.done $0x0;
	(pc) =	sbr.rel @p0 .LBB2_1-.Ltmp1, $4  }
0x2f: {  	[sflag:s12] =	ssyncadd.s32 $0xFFFFE000  }
0x30: {  	[hbm4b:s13+s2] =	stream.linear.scatter [tilespmem:s7], [sflag:$0x2], $0xA000, $0x38;
	[tilespmem:$0xA180] =	vst v63  }
0x31: {  	_ =	swait.ge [sflag:s3], $0xA000  }
0x32: {  	[sflag:s3] =	ssyncset.done $0x0  }
.LBB2_2:
0x33: {  	[sflag:s3] =	ssyncadd.s32 $0xFFFF6000  }
0x34: {  	_ =	sfence.sel $0x180000  }
0x35: {  	[bflag:$0x0] =	sbarrier.arrive $0xFFFF  }
0x36: {  	p0 =	sne.s32 s0, $0x0;
	_ =	strace $0x9000004D  }
0x37: {  	s0 =	sadd.s32 @!p0 $0x100000, s1;
	[bflag:$0x2] =	sbarrier.arrive $0xFFFF  }
0x38: {  	[sflag:s0] =	ssyncadd.tile.s32 @!p0 $0x1;
	_ =	shalt  }
.Lfunc_end2:
_tile_overlayer_lowered:
.L_overlay_start_2:
0x39: {  	(tag) =	ssettag $0x2  }
0x3a: {  	s0 =	rddreg [dreg:$0x0];
	s2 =	stileid.u32  }
0x3b: {  	s1 =	rddreg [dreg:$0x1];
	p0 =	sne.s32 s2, $0x0  }
0x3c: {  	s3 =	rddreg [dreg:$0x2];
	[bflag:$0x3] =	sbarrier.arrive $0xFFFF;
	s2 =	simm.s32 @!p0 $0x1C02  }
0x3d: {  	[timem:s3], [sflag:s2] =	dma.local @!p0 [hbm:s0], s1  }
0x3e: {  	s0 =	simm.s32 @!p0 $0x2  }
0x3f: {  	_ =	swait.ge @!p0 [sflag:s0], s1  }
0x40: {  	s1 =	ssub.s32 @!p0 $0x0, s1;
	[sflag:s0] =	ssyncset.done @!p0 $0x0  }
0x41: {  	[sflag:s0] =	ssyncadd.s32 @!p0 s1  }
0x42: {  	[bflag:$0x3] =	sbarrier.arrive $0xFFFF  }
0x43: {  	_ =	shalt  }

// kernel: kernel.44.cloned.1.call-start
scs
__scs_entry_jumppad:
0x0: {  	(pc) =	sbr.rel $0x88, $3  }
0x1: {  	(tag) =	ssettag $0x0;
	lr =	simm.s32 $0x1  }
0x2: {  	[smem:$0x3F95] =	sst lr;
	_ =	strace $0xD0000000  }
0x3: {  	_ = 	snop  }
0x4: {  	_ = 	snop  }
0x5: {  	_ = 	snop  }
0x6: {  	_ = 	snop  }
0x7: {  	_ = 	snop  }
__scs_overlays_trampoline_lowered:
0x8: {  	[smem:$0x3FA4] =	sst s0  }
0x9: {  	[smem:$0x3FA5] =	sst s1  }
0xa: {  	[smem:$0x3FA6] =	sst s2  }
0xb: {  	[smem:$0x3FA7] =	sst s3  }
0xc: {  	[smem:$0x3FA8] =	sst s4  }
0xd: {  	[smem:$0x3FA9] =	sst s5  }
0xe: {  	[smem:$0x3FAA] =	sst s6  }
0xf: {  	[smem:$0x3FAB] =	sst s7  }
0x10: {  	[smem:$0x3FAC] =	sst s8  }
0x11: {  	[smem:$0x3FAD] =	sst s9;
	s0 =	simm.s32 @!p0 $0x0  }
0x12: {  	s1 =	sld [smem:$0x3F93];
	s0 =	simm.s32 @p0 $0x1  }
0x13: {  	[smem:$0x3FAE] =	sst s0;
	s0 =	simm.s32 @!p1 $0x0  }
0x14: {  	s2 =	sld [smem:$0x3F92];
	s0 =	simm.s32 @p1 $0x1  }
0x15: {  	[smem:$0x3FAF] =	sst s0;
	s0 =	simm.s32 @!p2 $0x0  }
0x16: {  	s3 =	sld [smem:$0x3FDB];
	s0 =	simm.s32 @p2 $0x1  }
0x17: {  	s4 =	simm.s32 $0x1BF5;
	[smem:$0x3FB1] =	sst s0  }
0x18: {  	s0 =	sld [smem:$0x3F94];
	_ =	swait.ge [sflag:s4], $0x0  }
0x19: {  	s7 =	sld [smem:$0x3F95]  }
0x1a: {  	s8 =	sadd.s32 $0xFFFFE003, lr  }
0x1b: {  	s9 =	sadd.s32 $0xFFFFFEF7, lr;
	s5 =	simm.s32 $0xFFFFFFFF;
	p2 =	slt.u32 s8, $0xFFFFF086  }
0x1c: {  	p1 =	slt.u32 s9, $0xF7A;
	s5 =	simm.s32 @!p2 $0x0  }
0x1d: {  	s5 =	simm.s32 @p1 $0x1;
	p0 =	seq.s32 s7, s2  }
0x1e: {  	s7 =	smul.u32 @!p0 $0xF7A, s2;
	p2 =	seq.s32 @!p0 s5, $0x0  }
0x1f: {  	s9 =	smul.u32 $0xF7A, s1;
	s8 =	simm.s32 @!p0 $0x1BF5;
	p2 =	por !p2, p0  }
0x20: {  	[sflag:s8] =	ssyncset.s32 @!p0 $0xFFFFF086;
	s6 =	sadd.s32 @!p0 s3, s7;
	s7 =	simm.s32 @!p0 $0x108  }
0x21: {  	s3 =	sadd.s32 s3, s9;
	s6 =	sadd.s32 @!p0 $0x88, s6;
	s7 =	simm.s32 @p2 $0x1082  }
0x22: {  	[simem:s7], [sflag:s8] =	dma.local @!p0 [hbm:s6], $0xF7A  }
0x23: {  	s9 =	sor.u32 $0xD0000000, s2;
	s6 =	simm.s32 $0x108;
	_ =	swait.ge @!p0 [sflag:s8], $0x0  }
0x24: {  	s3 =	sadd.s32 $0x88, s3;
	s6 =	simm.s32 @!p1 $0x1082;
	[sflag:s4] =	ssyncset.s32 $0xFFFFF086  }
0x25: {  	[simem:s6], [sflag:s4] =	dma.local [hbm:s3], $0xF7A  }
0x26: {  	[smem:$0x3F95] =	sst s1;
	(tag) =	ssettag s2;
	_ =	strace s9  }
0x27: {  	s1 =	sld [smem:$0x3FA5]  }
0x28: {  	s2 =	sld [smem:$0x3FA6]  }
0x29: {  	s4 =	sld [smem:$0x3FA8]  }
0x2a: {  	p0 =	seq.s32 s5, $0x0;
	s5 =	sld [smem:$0x3FA9]  }
0x2b: {  	s6 =	sld [smem:$0x3FAA]  }
0x2c: {  	s7 =	sld [smem:$0x3FAB]  }
0x2d: {  	s3 =	simm.s32 $0x108;
	s8 =	sld [smem:$0x3FAC]  }
0x2e: {  	s3 =	simm.s32 @!p0 $0x1082;
	s9 =	sld [smem:$0x3FAD]  }
0x2f: {  	lr =	sadd.s32 s0, s3;
	s0 =	sld [smem:$0x3FA4]  }
0x30: {  	s3 =	sld [smem:$0x3FA7]  }
0x31: {  	[smem:$0x3FB0] =	sst s10  }
0x32: {  	s10 =	sld [smem:$0x3FAE];
	_ =	sdelay $0x3  }
0x33: {  	p0 =	seq.s32 s10, $0x1;
	s10 =	sld [smem:$0x3FB0];
	_ =	sdelay $0x3  }
0x34: {  	[smem:$0x3FB0] =	sst s10  }
0x35: {  	s10 =	sld [smem:$0x3FAF];
	_ =	sdelay $0x3  }
0x36: {  	p1 =	seq.s32 s10, $0x1;
	s10 =	sld [smem:$0x3FB0];
	_ =	sdelay $0x3  }
0x37: {  	[smem:$0x3FB0] =	sst s10  }
0x38: {  	s10 =	sld [smem:$0x3FB1]  }
0x39: {  	_ = 	snop;
	(pc) =	sbr.ind lr, $3  }
0x3a: {  	_ = 	snop  }
0x3b: {  	_ = 	snop  }
0x3c: {  	p2 =	seq.s32 s10, $0x1;
	s10 =	sld [smem:$0x3FB0]  }
0x3d: {  	_ =	shalt  }
0x3e: {  	_ =	shalt  }
0x3f: {  	_ =	shalt  }
0x40: {  	_ =	shalt  }
0x41: {  	_ =	shalt  }
0x42: {  	_ =	shalt  }
0x43: {  	_ =	shalt  }
0x44: {  	_ =	shalt  }
0x45: {  	_ =	shalt  }
0x46: {  	_ =	shalt  }
0x47: {  	_ =	shalt  }
0x48: {  	_ =	shalt  }
0x49: {  	_ =	shalt  }
0x4a: {  	_ =	shalt  }
0x4b: {  	_ =	shalt  }
0x4c: {  	_ =	shalt  }
0x4d: {  	_ =	shalt  }
0x4e: {  	_ =	shalt  }
0x4f: {  	_ =	shalt  }
0x50: {  	_ =	shalt  }
0x51: {  	_ =	shalt  }
0x52: {  	_ =	shalt  }
0x53: {  	_ =	shalt  }
0x54: {  	_ =	shalt  }
0x55: {  	_ =	shalt  }
0x56: {  	_ =	shalt  }
0x57: {  	_ =	shalt  }
0x58: {  	_ =	shalt  }
0x59: {  	_ =	shalt  }
0x5a: {  	_ =	shalt  }
0x5b: {  	_ =	shalt  }
0x5c: {  	_ =	shalt  }
0x5d: {  	_ =	shalt  }
0x5e: {  	_ =	shalt  }
0x5f: {  	_ =	shalt  }
0x60: {  	_ =	shalt  }
0x61: {  	_ =	shalt  }
0x62: {  	_ =	shalt  }
0x63: {  	_ =	shalt  }
0x64: {  	_ =	shalt  }
0x65: {  	_ =	shalt  }
0x66: {  	_ =	shalt  }
0x67: {  	_ =	shalt  }
0x68: {  	_ =	shalt  }
0x69: {  	_ =	shalt  }
0x6a: {  	_ =	shalt  }
0x6b: {  	_ =	shalt  }
0x6c: {  	_ =	shalt  }
0x6d: {  	_ =	shalt  }
0x6e: {  	_ =	shalt  }
0x6f: {  	_ =	shalt  }
0x70: {  	_ =	shalt  }
0x71: {  	_ =	shalt  }
0x72: {  	_ =	shalt  }
0x73: {  	_ =	shalt  }
0x74: {  	_ =	shalt  }
0x75: {  	_ =	shalt  }
0x76: {  	_ =	shalt  }
0x77: {  	_ =	shalt  }
0x78: {  	_ =	shalt  }
0x79: {  	_ =	shalt  }
0x7a: {  	_ =	shalt  }
0x7b: {  	_ =	shalt  }
0x7c: {  	_ =	shalt  }
0x7d: {  	_ =	shalt  }
0x7e: {  	_ =	shalt  }
0x7f: {  	_ =	shalt  }
0x80: {  	_ =	shalt  }
0x81: {  	_ =	shalt  }
0x82: {  	_ =	shalt  }
0x83: {  	_ =	shalt  }
0x84: {  	_ =	shalt  }
0x85: {  	_ =	shalt  }
0x86: {  	_ =	shalt  }
0x87: {  	_ =	shalt  }
.Lfunc_end0:
.L_simem_size_0:
called_computation.3_lowered:
.L_overlay_start_0:
0x88: {  	s2 =	sld [smem:$0x3FD9]  }
0x89: {  	s3 =	sld [smem:$0x3FFE];
	_ =	sdelay $0x1  }
0x8a: {  	s1 =	srdreg.scid  }
0x8b: {  	s0 =	sand.u32 $0x1, s1  }
0x8c: {  	s17 =	sshll.u32 s0, $0xA;
	s2 =	sadd.s32 s3, s2  }
0x8d: {  	s2 =	sadd.s32 s2, s17  }
0x8e: {  	[smem:$0x3FBC] =	sst s2  }
0x8f: {  	_ = 	snop  }
0x90: {  	(tm) =	ssettm $0x1  }
0x91: {  	s18 =	sld [smem:$0x3FFB];
	_ =	sdelay $0x3  }
0x92: {  	_ =	strace s18  }
0x93: {  	s2 =	sld [smem:$0x3FFC];
	_ =	sdelay $0x3  }
0x94: {  	_ =	strace s2  }
0x95: {  	s2 =	sld [smem:$0x3FFD];
	_ =	sdelay $0x3  }
0x96: {  	_ =	strace s2  }
0x97: {  	_ =	strace $0x8FFFFFFF  }
0x98: {  	s19 =	sld [smem:$0x3FDB];
	_ =	sdelay $0x1  }
0x99: {  	s20 =	simm.s32 $_scs_section_size  }
0x9a: {  	s4 =	simm.s32 $_size__tile_overlayer_lowered;
	s5 =	simm.s32 $_tile_overlayer_lowered  }
0x9b: {  	s6 =	simm.s32 $0x1BFF;
	s21 =	sshll.u32 s5, $0x1;
	s3 =	sadd.s32 s20, s19  }
0x9c: {  	s22 =	simm.s32 $0x0;
	s4 =	sshll.u32 s4, $0x1;
	s5 =	sadd.s32 s21, s3  }
0x9d: {  	[timem:s22], [sflag:s6] =	dma.local [hbm:s5], s4  }
0x9e: {  	_ =	swait.ge [sflag:s6], s4  }
0x9f: {  	s4 =	ssub.s32 $0x0, s4;
	[sflag:s6] =	ssyncset.done $0x0  }
0xa0: {  	[sflag:s6] =	ssyncadd.s32 s4;
	_ =	sdelay $0x1  }
0xa1: {  	s23 =	simm.s32 $0x1B8B  }
0xa2: {  	_ =	swait.ge [sflag:s23], $0x1  }
0xa3: {  	[sflag:s23] =	ssyncset.done $0x0  }
0xa4: {  	[sflag:s23] =	ssyncadd.s32 $0xFFFFFFFF  }
0xa5: {  	s4 =	sld [smem:$0x0]  }
0xa6: {  	s5 =	sand.u32 $0xFFFFFFFE, s1  }
0xa7: {  	p0 =	sne.s32 s1, s5  }
0xa8: {  	s5 =	sshll.u32 @p0 s5, $0xE  }
0xa9: {  	s5 =	sadd.s32 @p0 $0x11B8D, s5;
	s6 =	sshll.u32 @p0 s4, $0x11  }
0xaa: {  	s5 =	sor.u32 @p0 s6, s5  }
0xab: {  	[sflag:s5] =	ssyncadd.remote.s32 @p0 $0x1;
	_ =	sdelay $0x1  }
0xac: {  	s5 =	simm.s32 @p0 $0x1B8D  }
0xad: {  	_ =	swait.eq @p0 [sflag:s5], $0x1  }
0xae: {  	[sflag:s5] =	ssyncadd.s32 @p0 $0xFFFFFFFF  }
0xaf: {  	s6 =	sshll.u32 @!p0 s1, $0xE  }
0xb0: {  	s6 =	sor.u32 @!p0 $0x4000, s6;
	s5 =	simm.s32 @!p0 $0x1B8D  }
0xb1: {  	s4 =	sshll.u32 @!p0 s4, $0x11;
	s6 =	sadd.s32 @!p0 $0x11B8D, s6;
	_ =	swait.eq @!p0 [sflag:s5], $0x1  }
0xb2: {  	s4 =	sor.u32 @!p0 s4, s6;
	[sflag:s5] =	ssyncadd.s32 @!p0 $0xFFFFFFFF  }
0xb3: {  	s25 =	simm.s32 $0x1B8E;
	s24 =	sld [smem:$0x3FFE];
	[sflag:s4] =	ssyncadd.remote.s32 @!p0 $0x1  }
0xb4: {  	s26 =	simm.s32 $execute0_lowered;
	[smem:$0x3FD2] =	sst s25  }
0xb5: {  	s5 =	sshll.u32 s26, $0x1;
	_ =	strace $0x8000004F;
	[dreg:$0x1] =	wrdreg $0xFFFFFFFF  }
0xb6: {  	s28 =	simm.s32 $_size_execute0_lowered;
	s3 =	sadd.s32 s3, s5;
	[dreg:$0x0] =	wrdreg $0x0  }
0xb7: {  	s5 =	sshll.u32 s28, $0x1;
	[dreg:$0x2] =	wrdreg s3  }
0xb8: {  	[dreg:$0x3] =	wrdreg s5  }
0xb9: {  	[dreg:$0x4] =	wrdreg $0xC0  }
0xba: {  	_ =	task [dreg:s22], $0x5FFFF  }
0xbb: {  	[dreg:$0x1] =	wrdreg $0xFFFFFFFF  }
0xbc: {  	[dreg:$0x0] =	wrdreg $0x60  }
0xbd: {  	[dreg:$0x2] =	wrdreg s24  }
0xbe: {  	[dreg:$0x3] =	wrdreg $0x9  }
0xbf: {  	_ =	task.clear_ibuf [dreg:s22], $0x4FFFF;
	_ =	strace $0x9000004F  }
0xc0: {  	s29 =	simm.s32 $0x9;
	_ =	strace $0x80000051  }
0xc1: {  	_ =	swait.ge [sflag:s29], $0x1  }
0xc2: {  	[sflag:s29] =	ssyncadd.s32 $0xFFFFFFFF  }
0xc3: {  	_ =	strace $0x90000051  }
0xc4: {  	_ =	sfence  }
0xc5: {  	s30 =	sld [smem:$0x0];
	_ =	sdelay $0x2  }
0xc6: {  	s31 =	sshll.u32 s1, $0xD;
	s1 =	sshrl.u32 s1, $0x2  }
0xc7: {  	s4 =	sand.u32 $0x4000, s31;
	s1 =	sadd.s32 s1, s30  }
0xc8: {  	s0 =	sor.u32 s4, s0;
	s1 =	sshll.u32 s1, $0x11  }
0xc9: {  	s0 =	sor.u32 s1, s0  }
0xca: {  	s0 =	sadd.s32 $0x8F2B, s0  }
0xcb: {  	[sflag:s0] =	ssyncadd.remote.s32 $0x1  }
0xcc: {  	_ =	sfence.sel $0xFFFF  }
0xcd: {  	[dreg:$0x0] =	wrdreg $0xFFFFFFFF;
	(pc) =	sbr.abs _section_cstart, $3  }
0xce: {  	[dreg:$0x1] =	wrdreg $0xFFFFFFFF  }
0xcf: {  	_ =	task.clear_ibuf [dreg:s22], $0x2FFFF;
	_ =	strace $0x9FFFFFFF  }
0xd0: {  	(tm) =	ssettm $0x7FFFFFFF  }
0xd1: {  	_ =	shalt  }
tec
execute0_lowered:
.L_overlay_start_1:
0x0: {  	(tag) =	ssettag $0x1  }
0x1: {  	s1 =	srdreg.scid;
	s0 =	stileid.u32  }
0x2: {  	s13 =	sand.u32 $0x1, s1;
	s29 =	sshll.u32 s0, $0x1  }
0x3: {  	s14 =	sor.u32 s13, s29  }
0x4: {  	s15 =	rddreg [dreg:$0x0];
	s3 =	smul.u32 $0x28, s14  }
0x5: {  	s2 =	simm.s32 $0x0;
	s1 =	rddreg [dreg:$0x1]  }
0x6: {  	[smem:$0x7FF] =	sst s2;
	s3 =	sadd.s32 s3, s15  }
0x7: {  	_ =	strace $0x80000050;
	s4 =	sadd.s32 $0x3B600, s3;
	s3 =	simm.s32 $0x2  }
0x8: {  	[tilespmem:s2], [sflag:$0x2] =	stream.linear.gather [hbm4b:s4+s2], $0x140, $0x38;
	[tilespmem:$0xA180] =	vst v63  }
0x9: {  	_ =	swait.ge [sflag:s3], $0x140  }
0xa: {  	s6 =	simm.s32 $0x80;
	[sflag:s3] =	ssyncset.done $0x0  }
0xb: {  	s7 =	simm.s32 $0x180;
	s5 =	sadd.s32 $0x4AFA00, s15;
	[sflag:s3] =	ssyncadd.s32 $0xFFFFFEC0  }
0xc: {  	[tilespmem:s7], [sflag:$0x1] =	stream.indirect.gather [hbm4b:s5+s6], $0x80, s2, s6, $0xb8;
	[tilespmem:$0xA180] =	vst v63  }
0xd: {  	s8 =	simm.s32 $0x4180;
	s9 =	simm.s32 $0x40  }
0xe: {  	[tilespmem:s8], [sflag:$0x1] =	stream.indirect.gather [hbm4b:s5+s6], $0x80, s6, s6, $0xb8;
	[tilespmem:$0xA180] =	vst v63  }
0xf: {  	s10 =	simm.s32 $0x100;
	s11 =	simm.s32 $0x8180;
	s12 =	simm.s32 $0x1  }
0x10: {  	[tilespmem:s11], [sflag:$0x1] =	stream.indirect.gather [hbm4b:s5+s9], $0x80, s10, s9, $0xb8;
	[tilespmem:$0xA180] =	vst v63  }
0x11: {  	_ =	swait.ge [sflag:s12], $0x4000  }
0x12: {  	[sflag:s12] =	ssyncset.done $0x0  }
0x13: {  	s13 =	ssub.s32 $0x2, s13;
	[sflag:s12] =	ssyncadd.s32 $0xFFFFC000  }
0x14: {  	s16 =	sshrl.u32 s13, $0x1;
	_ =	swait.ge [sflag:s12], $0x4000  }
0x15: {  	s30 =	ssub.s32 s13, s16;
	[sflag:s12] =	ssyncset.done $0x0  }
0x16: {  	s14 =	smul.u32 $0x1400, s14;
	s31 =	smax.u32 s30, $0x1;
	[sflag:s12] =	ssyncadd.s32 $0xFFFFC000  }
0x17: {  	p0 =	sne.s32 s31, $0x1;
	_ =	swait.ge [sflag:s12], $0x2000  }
.Ltmp0:
0x18: {  	s14 =	sadd.s32 s14, s15;
	[sflag:s12] =	ssyncset.done $0x0;
	(pc) =	sbr.rel @!p0 .LBB2_2-.Ltmp0, $4  }
0x19: {  	s13 =	sadd.s32 $0xE0400, s14;
	[sflag:s12] =	ssyncadd.s32 $0xFFFFE000  }
0x1a: {  	[hbm4b:s13+s2] =	stream.linear.scatter [tilespmem:s7], [sflag:$0x2], $0xA000, $0x38;
	[tilespmem:$0xA180] =	vst v63  }
0x1b: {  	_ =	swait.ge [sflag:s3], $0xA000  }
0x1c: {  	s14 =	sadd.s32 $0xFFFFFFFF, s31;
	[sflag:s3] =	ssyncset.done $0x0  }
.LBB2_1:
0x1d: {  	p0 =	sne.s32 s14, $0x1;
	s14 =	sadd.s32 $0xFFFFFFFF, s14;
	[sflag:s3] =	ssyncadd.s32 $0xFFFF6000  }
0x1e: {  	[tilespmem:s2], [sflag:$0x2] =	stream.linear.gather [hbm4b:s4+s2], $0x140, $0x38;
	[tilespmem:$0xA180] =	vst v63  }
0x1f: {  	_ =	swait.ge [sflag:s3], $0x140  }
0x20: {  	[sflag:s3] =	ssyncset.done $0x0  }
0x21: {  	[sflag:s3] =	ssyncadd.s32 $0xFFFFFEC0  }
0x22: {  	[tilespmem:s7], [sflag:$0x1] =	stream.indirect.gather [hbm4b:s5+s6], $0x80, s2, s6, $0xb8;
	[tilespmem:$0xA180] =	vst v63  }
0x23: {  	_ = 	snop  }
0x24: {  	[tilespmem:s8], [sflag:$0x1] =	stream.indirect.gather [hbm4b:s5+s6], $0x80, s6, s6, $0xb8;
	[tilespmem:$0xA180] =	vst v63  }
0x25: {  	_ = 	snop  }
0x26: {  	[tilespmem:s11], [sflag:$0x1] =	stream.indirect.gather [hbm4b:s5+s9], $0x80, s10, s9, $0xb8;
	[tilespmem:$0xA180] =	vst v63  }
0x27: {  	_ =	swait.ge [sflag:s12], $0x4000  }
0x28: {  	[sflag:s12] =	ssyncset.done $0x0  }
0x29: {  	[sflag:s12] =	ssyncadd.s32 $0xFFFFC000  }
0x2a: {  	_ =	swait.ge [sflag:s12], $0x4000  }
0x2b: {  	[sflag:s12] =	ssyncset.done $0x0  }
0x2c: {  	[sflag:s12] =	ssyncadd.s32 $0xFFFFC000  }
0x2d: {  	_ =	swait.ge [sflag:s12], $0x2000  }
.Ltmp1:
0x2e: {  	[sflag:s12] =	ssyncset.done $0x0;
	(pc) =	sbr.rel @p0 .LBB2_1-.Ltmp1, $4  }
0x2f: {  	[sflag:s12] =	ssyncadd.s32 $0xFFFFE000  }
0x30: {  	[hbm4b:s13+s2] =	stream.linear.scatter [tilespmem:s7], [sflag:$0x2], $0xA000, $0x38;
	[tilespmem:$0xA180] =	vst v63  }
0x31: {  	_ =	swait.ge [sflag:s3], $0xA000  }
0x32: {  	[sflag:s3] =	ssyncset.done $0x0  }
.LBB2_2:
0x33: {  	[sflag:s3] =	ssyncadd.s32 $0xFFFF6000  }
0x34: {  	_ =	sfence.sel $0x180000  }
0x35: {  	[bflag:$0x0] =	sbarrier.arrive $0xFFFF  }
0x36: {  	p0 =	sne.s32 s0, $0x0;
	_ =	strace $0x90000050  }
0x37: {  	s0 =	sadd.s32 @!p0 $0x100000, s1;
	[bflag:$0x2] =	sbarrier.arrive $0xFFFF  }
0x38: {  	[sflag:s0] =	ssyncadd.tile.s32 @!p0 $0x1;
	_ =	shalt  }
.Lfunc_end2:
_tile_overlayer_lowered:
.L_overlay_start_2:
0x39: {  	(tag) =	ssettag $0x2  }
0x3a: {  	s0 =	rddreg [dreg:$0x0];
	s2 =	stileid.u32  }
0x3b: {  	s1 =	rddreg [dreg:$0x1];
	p0 =	sne.s32 s2, $0x0  }
0x3c: {  	s3 =	rddreg [dreg:$0x2];
	[bflag:$0x3] =	sbarrier.arrive $0xFFFF;
	s2 =	simm.s32 @!p0 $0x1C02  }
0x3d: {  	[timem:s3], [sflag:s2] =	dma.local @!p0 [hbm:s0], s1  }
0x3e: {  	s0 =	simm.s32 @!p0 $0x2  }
0x3f: {  	_ =	swait.ge @!p0 [sflag:s0], s1  }
0x40: {  	s1 =	ssub.s32 @!p0 $0x0, s1;
	[sflag:s0] =	ssyncset.done @!p0 $0x0  }
0x41: {  	[sflag:s0] =	ssyncadd.s32 @!p0 s1  }
0x42: {  	[bflag:$0x3] =	sbarrier.arrive $0xFFFF  }
0x43: {  	_ =	shalt  }

// kernel: kernel.47.cloned.1.call-start
scs
__scs_entry_jumppad:
0x0: {  	(pc) =	sbr.rel $0x88, $3  }
0x1: {  	(tag) =	ssettag $0x0;
	lr =	simm.s32 $0x1  }
0x2: {  	[smem:$0x3F95] =	sst lr;
	_ =	strace $0xD0000000  }
0x3: {  	_ = 	snop  }
0x4: {  	_ = 	snop  }
0x5: {  	_ = 	snop  }
0x6: {  	_ = 	snop  }
0x7: {  	_ = 	snop  }
__scs_overlays_trampoline_lowered:
0x8: {  	[smem:$0x3FA4] =	sst s0  }
0x9: {  	[smem:$0x3FA5] =	sst s1  }
0xa: {  	[smem:$0x3FA6] =	sst s2  }
0xb: {  	[smem:$0x3FA7] =	sst s3  }
0xc: {  	[smem:$0x3FA8] =	sst s4  }
0xd: {  	[smem:$0x3FA9] =	sst s5  }
0xe: {  	[smem:$0x3FAA] =	sst s6  }
0xf: {  	[smem:$0x3FAB] =	sst s7  }
0x10: {  	[smem:$0x3FAC] =	sst s8  }
0x11: {  	[smem:$0x3FAD] =	sst s9;
	s0 =	simm.s32 @!p0 $0x0  }
0x12: {  	s1 =	sld [smem:$0x3F93];
	s0 =	simm.s32 @p0 $0x1  }
0x13: {  	[smem:$0x3FAE] =	sst s0;
	s0 =	simm.s32 @!p1 $0x0  }
0x14: {  	s2 =	sld [smem:$0x3F92];
	s0 =	simm.s32 @p1 $0x1  }
0x15: {  	[smem:$0x3FAF] =	sst s0;
	s0 =	simm.s32 @!p2 $0x0  }
0x16: {  	s3 =	sld [smem:$0x3FDB];
	s0 =	simm.s32 @p2 $0x1  }
0x17: {  	s4 =	simm.s32 $0x1BF5;
	[smem:$0x3FB1] =	sst s0  }
0x18: {  	s0 =	sld [smem:$0x3F94];
	_ =	swait.ge [sflag:s4], $0x0  }
0x19: {  	s7 =	sld [smem:$0x3F95]  }
0x1a: {  	s8 =	sadd.s32 $0xFFFFE003, lr  }
0x1b: {  	s9 =	sadd.s32 $0xFFFFFEF7, lr;
	s5 =	simm.s32 $0xFFFFFFFF;
	p2 =	slt.u32 s8, $0xFFFFF086  }
0x1c: {  	p1 =	slt.u32 s9, $0xF7A;
	s5 =	simm.s32 @!p2 $0x0  }
0x1d: {  	s5 =	simm.s32 @p1 $0x1;
	p0 =	seq.s32 s7, s2  }
0x1e: {  	s7 =	smul.u32 @!p0 $0xF7A, s2;
	p2 =	seq.s32 @!p0 s5, $0x0  }
0x1f: {  	s9 =	smul.u32 $0xF7A, s1;
	s8 =	simm.s32 @!p0 $0x1BF5;
	p2 =	por !p2, p0  }
0x20: {  	[sflag:s8] =	ssyncset.s32 @!p0 $0xFFFFF086;
	s6 =	sadd.s32 @!p0 s3, s7;
	s7 =	simm.s32 @!p0 $0x108  }
0x21: {  	s3 =	sadd.s32 s3, s9;
	s6 =	sadd.s32 @!p0 $0x88, s6;
	s7 =	simm.s32 @p2 $0x1082  }
0x22: {  	[simem:s7], [sflag:s8] =	dma.local @!p0 [hbm:s6], $0xF7A  }
0x23: {  	s9 =	sor.u32 $0xD0000000, s2;
	s6 =	simm.s32 $0x108;
	_ =	swait.ge @!p0 [sflag:s8], $0x0  }
0x24: {  	s3 =	sadd.s32 $0x88, s3;
	s6 =	simm.s32 @!p1 $0x1082;
	[sflag:s4] =	ssyncset.s32 $0xFFFFF086  }
0x25: {  	[simem:s6], [sflag:s4] =	dma.local [hbm:s3], $0xF7A  }
0x26: {  	[smem:$0x3F95] =	sst s1;
	(tag) =	ssettag s2;
	_ =	strace s9  }
0x27: {  	s1 =	sld [smem:$0x3FA5]  }
0x28: {  	s2 =	sld [smem:$0x3FA6]  }
0x29: {  	s4 =	sld [smem:$0x3FA8]  }
0x2a: {  	p0 =	seq.s32 s5, $0x0;
	s5 =	sld [smem:$0x3FA9]  }
0x2b: {  	s6 =	sld [smem:$0x3FAA]  }
0x2c: {  	s7 =	sld [smem:$0x3FAB]  }
0x2d: {  	s3 =	simm.s32 $0x108;
	s8 =	sld [smem:$0x3FAC]  }
0x2e: {  	s3 =	simm.s32 @!p0 $0x1082;
	s9 =	sld [smem:$0x3FAD]  }
0x2f: {  	lr =	sadd.s32 s0, s3;
	s0 =	sld [smem:$0x3FA4]  }
0x30: {  	s3 =	sld [smem:$0x3FA7]  }
0x31: {  	[smem:$0x3FB0] =	sst s10  }
0x32: {  	s10 =	sld [smem:$0x3FAE];
	_ =	sdelay $0x3  }
0x33: {  	p0 =	seq.s32 s10, $0x1;
	s10 =	sld [smem:$0x3FB0];
	_ =	sdelay $0x3  }
0x34: {  	[smem:$0x3FB0] =	sst s10  }
0x35: {  	s10 =	sld [smem:$0x3FAF];
	_ =	sdelay $0x3  }
0x36: {  	p1 =	seq.s32 s10, $0x1;
	s10 =	sld [smem:$0x3FB0];
	_ =	sdelay $0x3  }
0x37: {  	[smem:$0x3FB0] =	sst s10  }
0x38: {  	s10 =	sld [smem:$0x3FB1]  }
0x39: {  	_ = 	snop;
	(pc) =	sbr.ind lr, $3  }
0x3a: {  	_ = 	snop  }
0x3b: {  	_ = 	snop  }
0x3c: {  	p2 =	seq.s32 s10, $0x1;
	s10 =	sld [smem:$0x3FB0]  }
0x3d: {  	_ =	shalt  }
0x3e: {  	_ =	shalt  }
0x3f: {  	_ =	shalt  }
0x40: {  	_ =	shalt  }
0x41: {  	_ =	shalt  }
0x42: {  	_ =	shalt  }
0x43: {  	_ =	shalt  }
0x44: {  	_ =	shalt  }
0x45: {  	_ =	shalt  }
0x46: {  	_ =	shalt  }
0x47: {  	_ =	shalt  }
0x48: {  	_ =	shalt  }
0x49: {  	_ =	shalt  }
0x4a: {  	_ =	shalt  }
0x4b: {  	_ =	shalt  }
0x4c: {  	_ =	shalt  }
0x4d: {  	_ =	shalt  }
0x4e: {  	_ =	shalt  }
0x4f: {  	_ =	shalt  }
0x50: {  	_ =	shalt  }
0x51: {  	_ =	shalt  }
0x52: {  	_ =	shalt  }
0x53: {  	_ =	shalt  }
0x54: {  	_ =	shalt  }
0x55: {  	_ =	shalt  }
0x56: {  	_ =	shalt  }
0x57: {  	_ =	shalt  }
0x58: {  	_ =	shalt  }
0x59: {  	_ =	shalt  }
0x5a: {  	_ =	shalt  }
0x5b: {  	_ =	shalt  }
0x5c: {  	_ =	shalt  }
0x5d: {  	_ =	shalt  }
0x5e: {  	_ =	shalt  }
0x5f: {  	_ =	shalt  }
0x60: {  	_ =	shalt  }
0x61: {  	_ =	shalt  }
0x62: {  	_ =	shalt  }
0x63: {  	_ =	shalt  }
0x64: {  	_ =	shalt  }
0x65: {  	_ =	shalt  }
0x66: {  	_ =	shalt  }
0x67: {  	_ =	shalt  }
0x68: {  	_ =	shalt  }
0x69: {  	_ =	shalt  }
0x6a: {  	_ =	shalt  }
0x6b: {  	_ =	shalt  }
0x6c: {  	_ =	shalt  }
0x6d: {  	_ =	shalt  }
0x6e: {  	_ =	shalt  }
0x6f: {  	_ =	shalt  }
0x70: {  	_ =	shalt  }
0x71: {  	_ =	shalt  }
0x72: {  	_ =	shalt  }
0x73: {  	_ =	shalt  }
0x74: {  	_ =	shalt  }
0x75: {  	_ =	shalt  }
0x76: {  	_ =	shalt  }
0x77: {  	_ =	shalt  }
0x78: {  	_ =	shalt  }
0x79: {  	_ =	shalt  }
0x7a: {  	_ =	shalt  }
0x7b: {  	_ =	shalt  }
0x7c: {  	_ =	shalt  }
0x7d: {  	_ =	shalt  }
0x7e: {  	_ =	shalt  }
0x7f: {  	_ =	shalt  }
0x80: {  	_ =	shalt  }
0x81: {  	_ =	shalt  }
0x82: {  	_ =	shalt  }
0x83: {  	_ =	shalt  }
0x84: {  	_ =	shalt  }
0x85: {  	_ =	shalt  }
0x86: {  	_ =	shalt  }
0x87: {  	_ =	shalt  }
.Lfunc_end0:
.L_simem_size_0:
called_computation.4_lowered:
.L_overlay_start_0:
0x88: {  	s2 =	sld [smem:$0x3FD9]  }
0x89: {  	s3 =	sld [smem:$0x3FFE];
	_ =	sdelay $0x1  }
0x8a: {  	s1 =	srdreg.scid  }
0x8b: {  	s0 =	sand.u32 $0x1, s1  }
0x8c: {  	s17 =	sshll.u32 s0, $0xA;
	s2 =	sadd.s32 s3, s2  }
0x8d: {  	s2 =	sadd.s32 s2, s17  }
0x8e: {  	[smem:$0x3FBC] =	sst s2  }
0x8f: {  	_ = 	snop  }
0x90: {  	(tm) =	ssettm $0x1  }
0x91: {  	s18 =	sld [smem:$0x3FFB];
	_ =	sdelay $0x3  }
0x92: {  	_ =	strace s18  }
0x93: {  	s2 =	sld [smem:$0x3FFC];
	_ =	sdelay $0x3  }
0x94: {  	_ =	strace s2  }
0x95: {  	s2 =	sld [smem:$0x3FFD];
	_ =	sdelay $0x3  }
0x96: {  	_ =	strace s2  }
0x97: {  	_ =	strace $0x8FFFFFFF  }
0x98: {  	s19 =	sld [smem:$0x3FDB];
	_ =	sdelay $0x1  }
0x99: {  	s20 =	simm.s32 $_scs_section_size  }
0x9a: {  	s4 =	simm.s32 $_size__tile_overlayer_lowered;
	s5 =	simm.s32 $_tile_overlayer_lowered  }
0x9b: {  	s6 =	simm.s32 $0x1BFF;
	s21 =	sshll.u32 s5, $0x1;
	s3 =	sadd.s32 s20, s19  }
0x9c: {  	s22 =	simm.s32 $0x0;
	s4 =	sshll.u32 s4, $0x1;
	s5 =	sadd.s32 s21, s3  }
0x9d: {  	[timem:s22], [sflag:s6] =	dma.local [hbm:s5], s4  }
0x9e: {  	_ =	swait.ge [sflag:s6], s4  }
0x9f: {  	s4 =	ssub.s32 $0x0, s4;
	[sflag:s6] =	ssyncset.done $0x0  }
0xa0: {  	[sflag:s6] =	ssyncadd.s32 s4;
	_ =	sdelay $0x1  }
0xa1: {  	s23 =	simm.s32 $0x1B8B  }
0xa2: {  	_ =	swait.ge [sflag:s23], $0x1  }
0xa3: {  	[sflag:s23] =	ssyncset.done $0x0  }
0xa4: {  	[sflag:s23] =	ssyncadd.s32 $0xFFFFFFFF  }
0xa5: {  	s4 =	sld [smem:$0x0]  }
0xa6: {  	s5 =	sand.u32 $0xFFFFFFFE, s1  }
0xa7: {  	p0 =	sne.s32 s1, s5  }
0xa8: {  	s5 =	sshll.u32 @p0 s5, $0xE  }
0xa9: {  	s5 =	sadd.s32 @p0 $0x11B8D, s5;
	s6 =	sshll.u32 @p0 s4, $0x11  }
0xaa: {  	s5 =	sor.u32 @p0 s6, s5  }
0xab: {  	[sflag:s5] =	ssyncadd.remote.s32 @p0 $0x1;
	_ =	sdelay $0x1  }
0xac: {  	s5 =	simm.s32 @p0 $0x1B8D  }
0xad: {  	_ =	swait.eq @p0 [sflag:s5], $0x1  }
0xae: {  	[sflag:s5] =	ssyncadd.s32 @p0 $0xFFFFFFFF  }
0xaf: {  	s6 =	sshll.u32 @!p0 s1, $0xE  }
0xb0: {  	s6 =	sor.u32 @!p0 $0x4000, s6;
	s5 =	simm.s32 @!p0 $0x1B8D  }
0xb1: {  	s4 =	sshll.u32 @!p0 s4, $0x11;
	s6 =	sadd.s32 @!p0 $0x11B8D, s6;
	_ =	swait.eq @!p0 [sflag:s5], $0x1  }
0xb2: {  	s4 =	sor.u32 @!p0 s4, s6;
	[sflag:s5] =	ssyncadd.s32 @!p0 $0xFFFFFFFF  }
0xb3: {  	s25 =	simm.s32 $0x1B8E;
	s24 =	sld [smem:$0x3FFE];
	[sflag:s4] =	ssyncadd.remote.s32 @!p0 $0x1  }
0xb4: {  	s26 =	simm.s32 $execute0_lowered;
	[smem:$0x3FD2] =	sst s25  }
0xb5: {  	s5 =	sshll.u32 s26, $0x1;
	_ =	strace $0x80000052;
	[dreg:$0x1] =	wrdreg $0xFFFFFFFF  }
0xb6: {  	s28 =	simm.s32 $_size_execute0_lowered;
	s3 =	sadd.s32 s3, s5;
	[dreg:$0x0] =	wrdreg $0x0  }
0xb7: {  	s5 =	sshll.u32 s28, $0x1;
	[dreg:$0x2] =	wrdreg s3  }
0xb8: {  	[dreg:$0x3] =	wrdreg s5  }
0xb9: {  	[dreg:$0x4] =	wrdreg $0xC0  }
0xba: {  	_ =	task [dreg:s22], $0x5FFFF  }
0xbb: {  	[dreg:$0x1] =	wrdreg $0xFFFFFFFF  }
0xbc: {  	[dreg:$0x0] =	wrdreg $0x60  }
0xbd: {  	[dreg:$0x2] =	wrdreg s24  }
0xbe: {  	[dreg:$0x3] =	wrdreg $0xA  }
0xbf: {  	_ =	task.clear_ibuf [dreg:s22], $0x4FFFF;
	_ =	strace $0x90000052  }
0xc0: {  	s29 =	simm.s32 $0xA;
	_ =	strace $0x80000054  }
0xc1: {  	_ =	swait.ge [sflag:s29], $0x1  }
0xc2: {  	[sflag:s29] =	ssyncadd.s32 $0xFFFFFFFF  }
0xc3: {  	_ =	strace $0x90000054  }
0xc4: {  	_ =	sfence  }
0xc5: {  	s30 =	sld [smem:$0x0];
	_ =	sdelay $0x2  }
0xc6: {  	s31 =	sshll.u32 s1, $0xD;
	s1 =	sshrl.u32 s1, $0x2  }
0xc7: {  	s4 =	sand.u32 $0x4000, s31;
	s1 =	sadd.s32 s1, s30  }
0xc8: {  	s0 =	sor.u32 s4, s0;
	s1 =	sshll.u32 s1, $0x11  }
0xc9: {  	s0 =	sor.u32 s1, s0  }
0xca: {  	s0 =	sadd.s32 $0x8F2B, s0  }
0xcb: {  	[sflag:s0] =	ssyncadd.remote.s32 $0x1  }
0xcc: {  	_ =	sfence.sel $0xFFFF  }
0xcd: {  	[dreg:$0x0] =	wrdreg $0xFFFFFFFF;
	(pc) =	sbr.abs _section_cstart, $3  }
0xce: {  	[dreg:$0x1] =	wrdreg $0xFFFFFFFF  }
0xcf: {  	_ =	task.clear_ibuf [dreg:s22], $0x2FFFF;
	_ =	strace $0x9FFFFFFF  }
0xd0: {  	(tm) =	ssettm $0x7FFFFFFF  }
0xd1: {  	_ =	shalt  }
tec
execute0_lowered:
.L_overlay_start_1:
0x0: {  	(tag) =	ssettag $0x1  }
0x1: {  	s1 =	srdreg.scid;
	s0 =	stileid.u32  }
0x2: {  	s13 =	sand.u32 $0x1, s1;
	s29 =	sshll.u32 s0, $0x1  }
0x3: {  	s14 =	sor.u32 s13, s29  }
0x4: {  	s15 =	rddreg [dreg:$0x0];
	s3 =	smul.u32 $0x28, s14  }
0x5: {  	s2 =	simm.s32 $0x0;
	s1 =	rddreg [dreg:$0x1]  }
0x6: {  	[smem:$0x7FF] =	sst s2;
	s3 =	sadd.s32 s3, s15  }
0x7: {  	_ =	strace $0x80000053;
	s4 =	sadd.s32 $0x3BC00, s3;
	s3 =	simm.s32 $0x2  }
0x8: {  	[tilespmem:s2], [sflag:$0x2] =	stream.linear.gather [hbm4b:s4+s2], $0x140, $0x38;
	[tilespmem:$0xA180] =	vst v63  }
0x9: {  	_ =	swait.ge [sflag:s3], $0x140  }
0xa: {  	s6 =	simm.s32 $0x80;
	[sflag:s3] =	ssyncset.done $0x0  }
0xb: {  	s7 =	simm.s32 $0x180;
	s5 =	sadd.s32 $0x4AFA00, s15;
	[sflag:s3] =	ssyncadd.s32 $0xFFFFFEC0  }
0xc: {  	[tilespmem:s7], [sflag:$0x1] =	stream.indirect.gather [hbm4b:s5+s6], $0x80, s2, s6, $0xb8;
	[tilespmem:$0xA180] =	vst v63  }
0xd: {  	s8 =	simm.s32 $0x4180;
	s9 =	simm.s32 $0x40  }
0xe: {  	[tilespmem:s8], [sflag:$0x1] =	stream.indirect.gather [hbm4b:s5+s6], $0x80, s6, s6, $0xb8;
	[tilespmem:$0xA180] =	vst v63  }
0xf: {  	s10 =	simm.s32 $0x100;
	s11 =	simm.s32 $0x8180;
	s12 =	simm.s32 $0x1  }
0x10: {  	[tilespmem:s11], [sflag:$0x1] =	stream.indirect.gather [hbm4b:s5+s9], $0x80, s10, s9, $0xb8;
	[tilespmem:$0xA180] =	vst v63  }
0x11: {  	_ =	swait.ge [sflag:s12], $0x4000  }
0x12: {  	[sflag:s12] =	ssyncset.done $0x0  }
0x13: {  	s13 =	ssub.s32 $0x2, s13;
	[sflag:s12] =	ssyncadd.s32 $0xFFFFC000  }
0x14: {  	s16 =	sshrl.u32 s13, $0x1;
	_ =	swait.ge [sflag:s12], $0x4000  }
0x15: {  	s30 =	ssub.s32 s13, s16;
	[sflag:s12] =	ssyncset.done $0x0  }
0x16: {  	s14 =	smul.u32 $0x1400, s14;
	s31 =	smax.u32 s30, $0x1;
	[sflag:s12] =	ssyncadd.s32 $0xFFFFC000  }
0x17: {  	p0 =	sne.s32 s31, $0x1;
	_ =	swait.ge [sflag:s12], $0x2000  }
.Ltmp0:
0x18: {  	s14 =	sadd.s32 s14, s15;
	[sflag:s12] =	ssyncset.done $0x0;
	(pc) =	sbr.rel @!p0 .LBB2_2-.Ltmp0, $4  }
0x19: {  	s13 =	sadd.s32 $0x13600, s14;
	[sflag:s12] =	ssyncadd.s32 $0xFFFFE000  }
0x1a: {  	[hbm4b:s13+s2] =	stream.linear.scatter [tilespmem:s7], [sflag:$0x2], $0xA000, $0x38;
	[tilespmem:$0xA180] =	vst v63  }
0x1b: {  	_ =	swait.ge [sflag:s3], $0xA000  }
0x1c: {  	s14 =	sadd.s32 $0xFFFFFFFF, s31;
	[sflag:s3] =	ssyncset.done $0x0  }
.LBB2_1:
0x1d: {  	p0 =	sne.s32 s14, $0x1;
	s14 =	sadd.s32 $0xFFFFFFFF, s14;
	[sflag:s3] =	ssyncadd.s32 $0xFFFF6000  }
0x1e: {  	[tilespmem:s2], [sflag:$0x2] =	stream.linear.gather [hbm4b:s4+s2], $0x140, $0x38;
	[tilespmem:$0xA180] =	vst v63  }
0x1f: {  	_ =	swait.ge [sflag:s3], $0x140  }
0x20: {  	[sflag:s3] =	ssyncset.done $0x0  }
0x21: {  	[sflag:s3] =	ssyncadd.s32 $0xFFFFFEC0  }
0x22: {  	[tilespmem:s7], [sflag:$0x1] =	stream.indirect.gather [hbm4b:s5+s6], $0x80, s2, s6, $0xb8;
	[tilespmem:$0xA180] =	vst v63  }
0x23: {  	_ = 	snop  }
0x24: {  	[tilespmem:s8], [sflag:$0x1] =	stream.indirect.gather [hbm4b:s5+s6], $0x80, s6, s6, $0xb8;
	[tilespmem:$0xA180] =	vst v63  }
0x25: {  	_ = 	snop  }
0x26: {  	[tilespmem:s11], [sflag:$0x1] =	stream.indirect.gather [hbm4b:s5+s9], $0x80, s10, s9, $0xb8;
	[tilespmem:$0xA180] =	vst v63  }
0x27: {  	_ =	swait.ge [sflag:s12], $0x4000  }
0x28: {  	[sflag:s12] =	ssyncset.done $0x0  }
0x29: {  	[sflag:s12] =	ssyncadd.s32 $0xFFFFC000  }
0x2a: {  	_ =	swait.ge [sflag:s12], $0x4000  }
0x2b: {  	[sflag:s12] =	ssyncset.done $0x0  }
0x2c: {  	[sflag:s12] =	ssyncadd.s32 $0xFFFFC000  }
0x2d: {  	_ =	swait.ge [sflag:s12], $0x2000  }
.Ltmp1:
0x2e: {  	[sflag:s12] =	ssyncset.done $0x0;
	(pc) =	sbr.rel @p0 .LBB2_1-.Ltmp1, $4  }
0x2f: {  	[sflag:s12] =	ssyncadd.s32 $0xFFFFE000  }
0x30: {  	[hbm4b:s13+s2] =	stream.linear.scatter [tilespmem:s7], [sflag:$0x2], $0xA000, $0x38;
	[tilespmem:$0xA180] =	vst v63  }
0x31: {  	_ =	swait.ge [sflag:s3], $0xA000  }
0x32: {  	[sflag:s3] =	ssyncset.done $0x0  }
.LBB2_2:
0x33: {  	[sflag:s3] =	ssyncadd.s32 $0xFFFF6000  }
0x34: {  	_ =	sfence.sel $0x180000  }
0x35: {  	[bflag:$0x0] =	sbarrier.arrive $0xFFFF  }
0x36: {  	p0 =	sne.s32 s0, $0x0;
	_ =	strace $0x90000053  }
0x37: {  	s0 =	sadd.s32 @!p0 $0x100000, s1;
	[bflag:$0x2] =	sbarrier.arrive $0xFFFF  }
0x38: {  	[sflag:s0] =	ssyncadd.tile.s32 @!p0 $0x1;
	_ =	shalt  }
.Lfunc_end2:
_tile_overlayer_lowered:
.L_overlay_start_2:
0x39: {  	(tag) =	ssettag $0x2  }
0x3a: {  	s0 =	rddreg [dreg:$0x0];
	s2 =	stileid.u32  }
0x3b: {  	s1 =	rddreg [dreg:$0x1];
	p0 =	sne.s32 s2, $0x0  }
0x3c: {  	s3 =	rddreg [dreg:$0x2];
	[bflag:$0x3] =	sbarrier.arrive $0xFFFF;
	s2 =	simm.s32 @!p0 $0x1C02  }
0x3d: {  	[timem:s3], [sflag:s2] =	dma.local @!p0 [hbm:s0], s1  }
0x3e: {  	s0 =	simm.s32 @!p0 $0x2  }
0x3f: {  	_ =	swait.ge @!p0 [sflag:s0], s1  }
0x40: {  	s1 =	ssub.s32 @!p0 $0x0, s1;
	[sflag:s0] =	ssyncset.done @!p0 $0x0  }
0x41: {  	[sflag:s0] =	ssyncadd.s32 @!p0 s1  }
0x42: {  	[bflag:$0x3] =	sbarrier.arrive $0xFFFF  }
0x43: {  	_ =	shalt  }

// kernel: kernel.50.cloned.1.call-start
scs
__scs_entry_jumppad:
0x0: {  	(pc) =	sbr.rel $0x88, $3  }
0x1: {  	(tag) =	ssettag $0x0;
	lr =	simm.s32 $0x1  }
0x2: {  	[smem:$0x3F95] =	sst lr;
	_ =	strace $0xD0000000  }
0x3: {  	_ = 	snop  }
0x4: {  	_ = 	snop  }
0x5: {  	_ = 	snop  }
0x6: {  	_ = 	snop  }
0x7: {  	_ = 	snop  }
__scs_overlays_trampoline_lowered:
0x8: {  	[smem:$0x3FA4] =	sst s0  }
0x9: {  	[smem:$0x3FA5] =	sst s1  }
0xa: {  	[smem:$0x3FA6] =	sst s2  }
0xb: {  	[smem:$0x3FA7] =	sst s3  }
0xc: {  	[smem:$0x3FA8] =	sst s4  }
0xd: {  	[smem:$0x3FA9] =	sst s5  }
0xe: {  	[smem:$0x3FAA] =	sst s6  }
0xf: {  	[smem:$0x3FAB] =	sst s7  }
0x10: {  	[smem:$0x3FAC] =	sst s8  }
0x11: {  	[smem:$0x3FAD] =	sst s9;
	s0 =	simm.s32 @!p0 $0x0  }
0x12: {  	s1 =	sld [smem:$0x3F93];
	s0 =	simm.s32 @p0 $0x1  }
0x13: {  	[smem:$0x3FAE] =	sst s0;
	s0 =	simm.s32 @!p1 $0x0  }
0x14: {  	s2 =	sld [smem:$0x3F92];
	s0 =	simm.s32 @p1 $0x1  }
0x15: {  	[smem:$0x3FAF] =	sst s0;
	s0 =	simm.s32 @!p2 $0x0  }
0x16: {  	s3 =	sld [smem:$0x3FDB];
	s0 =	simm.s32 @p2 $0x1  }
0x17: {  	s4 =	simm.s32 $0x1BF5;
	[smem:$0x3FB1] =	sst s0  }
0x18: {  	s0 =	sld [smem:$0x3F94];
	_ =	swait.ge [sflag:s4], $0x0  }
0x19: {  	s7 =	sld [smem:$0x3F95]  }
0x1a: {  	s8 =	sadd.s32 $0xFFFFE003, lr  }
0x1b: {  	s9 =	sadd.s32 $0xFFFFFEF7, lr;
	s5 =	simm.s32 $0xFFFFFFFF;
	p2 =	slt.u32 s8, $0xFFFFF086  }
0x1c: {  	p1 =	slt.u32 s9, $0xF7A;
	s5 =	simm.s32 @!p2 $0x0  }
0x1d: {  	s5 =	simm.s32 @p1 $0x1;
	p0 =	seq.s32 s7, s2  }
0x1e: {  	s7 =	smul.u32 @!p0 $0xF7A, s2;
	p2 =	seq.s32 @!p0 s5, $0x0  }
0x1f: {  	s9 =	smul.u32 $0xF7A, s1;
	s8 =	simm.s32 @!p0 $0x1BF5;
	p2 =	por !p2, p0  }
0x20: {  	[sflag:s8] =	ssyncset.s32 @!p0 $0xFFFFF086;
	s6 =	sadd.s32 @!p0 s3, s7;
	s7 =	simm.s32 @!p0 $0x108  }
0x21: {  	s3 =	sadd.s32 s3, s9;
	s6 =	sadd.s32 @!p0 $0x88, s6;
	s7 =	simm.s32 @p2 $0x1082  }
0x22: {  	[simem:s7], [sflag:s8] =	dma.local @!p0 [hbm:s6], $0xF7A  }
0x23: {  	s9 =	sor.u32 $0xD0000000, s2;
	s6 =	simm.s32 $0x108;
	_ =	swait.ge @!p0 [sflag:s8], $0x0  }
0x24: {  	s3 =	sadd.s32 $0x88, s3;
	s6 =	simm.s32 @!p1 $0x1082;
	[sflag:s4] =	ssyncset.s32 $0xFFFFF086  }
0x25: {  	[simem:s6], [sflag:s4] =	dma.local [hbm:s3], $0xF7A  }
0x26: {  	[smem:$0x3F95] =	sst s1;
	(tag) =	ssettag s2;
	_ =	strace s9  }
0x27: {  	s1 =	sld [smem:$0x3FA5]  }
0x28: {  	s2 =	sld [smem:$0x3FA6]  }
0x29: {  	s4 =	sld [smem:$0x3FA8]  }
0x2a: {  	p0 =	seq.s32 s5, $0x0;
	s5 =	sld [smem:$0x3FA9]  }
0x2b: {  	s6 =	sld [smem:$0x3FAA]  }
0x2c: {  	s7 =	sld [smem:$0x3FAB]  }
0x2d: {  	s3 =	simm.s32 $0x108;
	s8 =	sld [smem:$0x3FAC]  }
0x2e: {  	s3 =	simm.s32 @!p0 $0x1082;
	s9 =	sld [smem:$0x3FAD]  }
0x2f: {  	lr =	sadd.s32 s0, s3;
	s0 =	sld [smem:$0x3FA4]  }
0x30: {  	s3 =	sld [smem:$0x3FA7]  }
0x31: {  	[smem:$0x3FB0] =	sst s10  }
0x32: {  	s10 =	sld [smem:$0x3FAE];
	_ =	sdelay $0x3  }
0x33: {  	p0 =	seq.s32 s10, $0x1;
	s10 =	sld [smem:$0x3FB0];
	_ =	sdelay $0x3  }
0x34: {  	[smem:$0x3FB0] =	sst s10  }
0x35: {  	s10 =	sld [smem:$0x3FAF];
	_ =	sdelay $0x3  }
0x36: {  	p1 =	seq.s32 s10, $0x1;
	s10 =	sld [smem:$0x3FB0];
	_ =	sdelay $0x3  }
0x37: {  	[smem:$0x3FB0] =	sst s10  }
0x38: {  	s10 =	sld [smem:$0x3FB1]  }
0x39: {  	_ = 	snop;
	(pc) =	sbr.ind lr, $3  }
0x3a: {  	_ = 	snop  }
0x3b: {  	_ = 	snop  }
0x3c: {  	p2 =	seq.s32 s10, $0x1;
	s10 =	sld [smem:$0x3FB0]  }
0x3d: {  	_ =	shalt  }
0x3e: {  	_ =	shalt  }
0x3f: {  	_ =	shalt  }
0x40: {  	_ =	shalt  }
0x41: {  	_ =	shalt  }
0x42: {  	_ =	shalt  }
0x43: {  	_ =	shalt  }
0x44: {  	_ =	shalt  }
0x45: {  	_ =	shalt  }
0x46: {  	_ =	shalt  }
0x47: {  	_ =	shalt  }
0x48: {  	_ =	shalt  }
0x49: {  	_ =	shalt  }
0x4a: {  	_ =	shalt  }
0x4b: {  	_ =	shalt  }
0x4c: {  	_ =	shalt  }
0x4d: {  	_ =	shalt  }
0x4e: {  	_ =	shalt  }
0x4f: {  	_ =	shalt  }
0x50: {  	_ =	shalt  }
0x51: {  	_ =	shalt  }
0x52: {  	_ =	shalt  }
0x53: {  	_ =	shalt  }
0x54: {  	_ =	shalt  }
0x55: {  	_ =	shalt  }
0x56: {  	_ =	shalt  }
0x57: {  	_ =	shalt  }
0x58: {  	_ =	shalt  }
0x59: {  	_ =	shalt  }
0x5a: {  	_ =	shalt  }
0x5b: {  	_ =	shalt  }
0x5c: {  	_ =	shalt  }
0x5d: {  	_ =	shalt  }
0x5e: {  	_ =	shalt  }
0x5f: {  	_ =	shalt  }
0x60: {  	_ =	shalt  }
0x61: {  	_ =	shalt  }
0x62: {  	_ =	shalt  }
0x63: {  	_ =	shalt  }
0x64: {  	_ =	shalt  }
0x65: {  	_ =	shalt  }
0x66: {  	_ =	shalt  }
0x67: {  	_ =	shalt  }
0x68: {  	_ =	shalt  }
0x69: {  	_ =	shalt  }
0x6a: {  	_ =	shalt  }
0x6b: {  	_ =	shalt  }
0x6c: {  	_ =	shalt  }
0x6d: {  	_ =	shalt  }
0x6e: {  	_ =	shalt  }
0x6f: {  	_ =	shalt  }
0x70: {  	_ =	shalt  }
0x71: {  	_ =	shalt  }
0x72: {  	_ =	shalt  }
0x73: {  	_ =	shalt  }
0x74: {  	_ =	shalt  }
0x75: {  	_ =	shalt  }
0x76: {  	_ =	shalt  }
0x77: {  	_ =	shalt  }
0x78: {  	_ =	shalt  }
0x79: {  	_ =	shalt  }
0x7a: {  	_ =	shalt  }
0x7b: {  	_ =	shalt  }
0x7c: {  	_ =	shalt  }
0x7d: {  	_ =	shalt  }
0x7e: {  	_ =	shalt  }
0x7f: {  	_ =	shalt  }
0x80: {  	_ =	shalt  }
0x81: {  	_ =	shalt  }
0x82: {  	_ =	shalt  }
0x83: {  	_ =	shalt  }
0x84: {  	_ =	shalt  }
0x85: {  	_ =	shalt  }
0x86: {  	_ =	shalt  }
0x87: {  	_ =	shalt  }
.Lfunc_end0:
.L_simem_size_0:
called_computation.5_lowered:
.L_overlay_start_0:
0x88: {  	s2 =	sld [smem:$0x3FD9]  }
0x89: {  	s3 =	sld [smem:$0x3FFE];
	_ =	sdelay $0x1  }
0x8a: {  	s1 =	srdreg.scid  }
0x8b: {  	s0 =	sand.u32 $0x1, s1  }
0x8c: {  	s17 =	sshll.u32 s0, $0xA;
	s2 =	sadd.s32 s3, s2  }
0x8d: {  	s2 =	sadd.s32 s2, s17  }
0x8e: {  	[smem:$0x3FBC] =	sst s2  }
0x8f: {  	_ = 	snop  }
0x90: {  	(tm) =	ssettm $0x1  }
0x91: {  	s18 =	sld [smem:$0x3FFB];
	_ =	sdelay $0x3  }
0x92: {  	_ =	strace s18  }
0x93: {  	s2 =	sld [smem:$0x3FFC];
	_ =	sdelay $0x3  }
0x94: {  	_ =	strace s2  }
0x95: {  	s2 =	sld [smem:$0x3FFD];
	_ =	sdelay $0x3  }
0x96: {  	_ =	strace s2  }
0x97: {  	_ =	strace $0x8FFFFFFF  }
0x98: {  	s19 =	sld [smem:$0x3FDB];
	_ =	sdelay $0x1  }
0x99: {  	s20 =	simm.s32 $_scs_section_size  }
0x9a: {  	s4 =	simm.s32 $_size__tile_overlayer_lowered;
	s5 =	simm.s32 $_tile_overlayer_lowered  }
0x9b: {  	s6 =	simm.s32 $0x1BFF;
	s21 =	sshll.u32 s5, $0x1;
	s3 =	sadd.s32 s20, s19  }
0x9c: {  	s22 =	simm.s32 $0x0;
	s4 =	sshll.u32 s4, $0x1;
	s5 =	sadd.s32 s21, s3  }
0x9d: {  	[timem:s22], [sflag:s6] =	dma.local [hbm:s5], s4  }
0x9e: {  	_ =	swait.ge [sflag:s6], s4  }
0x9f: {  	s4 =	ssub.s32 $0x0, s4;
	[sflag:s6] =	ssyncset.done $0x0  }
0xa0: {  	[sflag:s6] =	ssyncadd.s32 s4;
	_ =	sdelay $0x1  }
0xa1: {  	s23 =	simm.s32 $0x1B8B  }
0xa2: {  	_ =	swait.ge [sflag:s23], $0x1  }
0xa3: {  	[sflag:s23] =	ssyncset.done $0x0  }
0xa4: {  	[sflag:s23] =	ssyncadd.s32 $0xFFFFFFFF  }
0xa5: {  	s4 =	sld [smem:$0x0]  }
0xa6: {  	s5 =	sand.u32 $0xFFFFFFFE, s1  }
0xa7: {  	p0 =	sne.s32 s1, s5  }
0xa8: {  	s5 =	sshll.u32 @p0 s5, $0xE  }
0xa9: {  	s5 =	sadd.s32 @p0 $0x11B8D, s5;
	s6 =	sshll.u32 @p0 s4, $0x11  }
0xaa: {  	s5 =	sor.u32 @p0 s6, s5  }
0xab: {  	[sflag:s5] =	ssyncadd.remote.s32 @p0 $0x1;
	_ =	sdelay $0x1  }
0xac: {  	s5 =	simm.s32 @p0 $0x1B8D  }
0xad: {  	_ =	swait.eq @p0 [sflag:s5], $0x1  }
0xae: {  	[sflag:s5] =	ssyncadd.s32 @p0 $0xFFFFFFFF  }
0xaf: {  	s6 =	sshll.u32 @!p0 s1, $0xE  }
0xb0: {  	s6 =	sor.u32 @!p0 $0x4000, s6;
	s5 =	simm.s32 @!p0 $0x1B8D  }
0xb1: {  	s4 =	sshll.u32 @!p0 s4, $0x11;
	s6 =	sadd.s32 @!p0 $0x11B8D, s6;
	_ =	swait.eq @!p0 [sflag:s5], $0x1  }
0xb2: {  	s4 =	sor.u32 @!p0 s4, s6;
	[sflag:s5] =	ssyncadd.s32 @!p0 $0xFFFFFFFF  }
0xb3: {  	s25 =	simm.s32 $0x1B8E;
	s24 =	sld [smem:$0x3FFE];
	[sflag:s4] =	ssyncadd.remote.s32 @!p0 $0x1  }
0xb4: {  	s26 =	simm.s32 $execute0_lowered;
	[smem:$0x3FD2] =	sst s25  }
0xb5: {  	s5 =	sshll.u32 s26, $0x1;
	_ =	strace $0x80000055;
	[dreg:$0x1] =	wrdreg $0xFFFFFFFF  }
0xb6: {  	s28 =	simm.s32 $_size_execute0_lowered;
	s3 =	sadd.s32 s3, s5;
	[dreg:$0x0] =	wrdreg $0x0  }
0xb7: {  	s5 =	sshll.u32 s28, $0x1;
	[dreg:$0x2] =	wrdreg s3  }
0xb8: {  	[dreg:$0x3] =	wrdreg s5  }
0xb9: {  	[dreg:$0x4] =	wrdreg $0xC0  }
0xba: {  	_ =	task [dreg:s22], $0x5FFFF  }
0xbb: {  	[dreg:$0x1] =	wrdreg $0xFFFFFFFF  }
0xbc: {  	[dreg:$0x0] =	wrdreg $0x60  }
0xbd: {  	[dreg:$0x2] =	wrdreg s24  }
0xbe: {  	[dreg:$0x3] =	wrdreg $0x9  }
0xbf: {  	_ =	task.clear_ibuf [dreg:s22], $0x4FFFF;
	_ =	strace $0x90000055  }
0xc0: {  	s29 =	simm.s32 $0x9;
	_ =	strace $0x80000057  }
0xc1: {  	_ =	swait.ge [sflag:s29], $0x1  }
0xc2: {  	[sflag:s29] =	ssyncadd.s32 $0xFFFFFFFF  }
0xc3: {  	_ =	strace $0x90000057  }
0xc4: {  	_ =	sfence  }
0xc5: {  	s30 =	sld [smem:$0x0];
	_ =	sdelay $0x2  }
0xc6: {  	s31 =	sshll.u32 s1, $0xD;
	s1 =	sshrl.u32 s1, $0x2  }
0xc7: {  	s4 =	sand.u32 $0x4000, s31;
	s1 =	sadd.s32 s1, s30  }
0xc8: {  	s0 =	sor.u32 s4, s0;
	s1 =	sshll.u32 s1, $0x11  }
0xc9: {  	s0 =	sor.u32 s1, s0  }
0xca: {  	s0 =	sadd.s32 $0x8F2B, s0  }
0xcb: {  	[sflag:s0] =	ssyncadd.remote.s32 $0x1  }
0xcc: {  	_ =	sfence.sel $0xFFFF  }
0xcd: {  	[dreg:$0x0] =	wrdreg $0xFFFFFFFF;
	(pc) =	sbr.abs _section_cstart, $3  }
0xce: {  	[dreg:$0x1] =	wrdreg $0xFFFFFFFF  }
0xcf: {  	_ =	task.clear_ibuf [dreg:s22], $0x2FFFF;
	_ =	strace $0x9FFFFFFF  }
0xd0: {  	(tm) =	ssettm $0x7FFFFFFF  }
0xd1: {  	_ =	shalt  }
tec
execute0_lowered:
.L_overlay_start_1:
0x0: {  	(tag) =	ssettag $0x1  }
0x1: {  	s1 =	srdreg.scid;
	s0 =	stileid.u32  }
0x2: {  	s13 =	sand.u32 $0x1, s1;
	s29 =	sshll.u32 s0, $0x1  }
0x3: {  	s14 =	sor.u32 s13, s29  }
0x4: {  	s15 =	rddreg [dreg:$0x0];
	s3 =	smul.u32 $0x28, s14  }
0x5: {  	s2 =	simm.s32 $0x0;
	s1 =	rddreg [dreg:$0x1]  }
0x6: {  	[smem:$0x7FF] =	sst s2;
	s3 =	sadd.s32 s3, s15  }
0x7: {  	_ =	strace $0x80000056;
	s4 =	sadd.s32 $0x68400, s3;
	s3 =	simm.s32 $0x2  }
0x8: {  	[tilespmem:s2], [sflag:$0x2] =	stream.linear.gather [hbm4b:s4+s2], $0x140, $0x38;
	[tilespmem:$0xA180] =	vst v63  }
0x9: {  	_ =	swait.ge [sflag:s3], $0x140  }
0xa: {  	s6 =	simm.s32 $0x80;
	[sflag:s3] =	ssyncset.done $0x0  }
0xb: {  	s7 =	simm.s32 $0x180;
	s5 =	sadd.s32 $0x4AFA00, s15;
	[sflag:s3] =	ssyncadd.s32 $0xFFFFFEC0  }
0xc: {  	[tilespmem:s7], [sflag:$0x1] =	stream.indirect.gather [hbm4b:s5+s6], $0x80, s2, s6, $0xb8;
	[tilespmem:$0xA180] =	vst v63  }
0xd: {  	s8 =	simm.s32 $0x4180;
	s9 =	simm.s32 $0x40  }
0xe: {  	[tilespmem:s8], [sflag:$0x1] =	stream.indirect.gather [hbm4b:s5+s6], $0x80, s6, s6, $0xb8;
	[tilespmem:$0xA180] =	vst v63  }
0xf: {  	s10 =	simm.s32 $0x100;
	s11 =	simm.s32 $0x8180;
	s12 =	simm.s32 $0x1  }
0x10: {  	[tilespmem:s11], [sflag:$0x1] =	stream.indirect.gather [hbm4b:s5+s9], $0x80, s10, s9, $0xb8;
	[tilespmem:$0xA180] =	vst v63  }
0x11: {  	_ =	swait.ge [sflag:s12], $0x4000  }
0x12: {  	[sflag:s12] =	ssyncset.done $0x0  }
0x13: {  	s13 =	ssub.s32 $0x2, s13;
	[sflag:s12] =	ssyncadd.s32 $0xFFFFC000  }
0x14: {  	s16 =	sshrl.u32 s13, $0x1;
	_ =	swait.ge [sflag:s12], $0x4000  }
0x15: {  	s30 =	ssub.s32 s13, s16;
	[sflag:s12] =	ssyncset.done $0x0  }
0x16: {  	s14 =	smul.u32 $0x1400, s14;
	s31 =	smax.u32 s30, $0x1;
	[sflag:s12] =	ssyncadd.s32 $0xFFFFC000  }
0x17: {  	p0 =	sne.s32 s31, $0x1;
	_ =	swait.ge [sflag:s12], $0x2000  }
.Ltmp0:
0x18: {  	s14 =	sadd.s32 s14, s15;
	[sflag:s12] =	ssyncset.done $0x0;
	(pc) =	sbr.rel @!p0 .LBB2_2-.Ltmp0, $4  }
0x19: {  	s13 =	sadd.s32 $0xE0400, s14;
	[sflag:s12] =	ssyncadd.s32 $0xFFFFE000  }
0x1a: {  	[hbm4b:s13+s2] =	stream.linear.scatter [tilespmem:s7], [sflag:$0x2], $0xA000, $0x38;
	[tilespmem:$0xA180] =	vst v63  }
0x1b: {  	_ =	swait.ge [sflag:s3], $0xA000  }
0x1c: {  	s14 =	sadd.s32 $0xFFFFFFFF, s31;
	[sflag:s3] =	ssyncset.done $0x0  }
.LBB2_1:
0x1d: {  	p0 =	sne.s32 s14, $0x1;
	s14 =	sadd.s32 $0xFFFFFFFF, s14;
	[sflag:s3] =	ssyncadd.s32 $0xFFFF6000  }
0x1e: {  	[tilespmem:s2], [sflag:$0x2] =	stream.linear.gather [hbm4b:s4+s2], $0x140, $0x38;
	[tilespmem:$0xA180] =	vst v63  }
0x1f: {  	_ =	swait.ge [sflag:s3], $0x140  }
0x20: {  	[sflag:s3] =	ssyncset.done $0x0  }
0x21: {  	[sflag:s3] =	ssyncadd.s32 $0xFFFFFEC0  }
0x22: {  	[tilespmem:s7], [sflag:$0x1] =	stream.indirect.gather [hbm4b:s5+s6], $0x80, s2, s6, $0xb8;
	[tilespmem:$0xA180] =	vst v63  }
0x23: {  	_ = 	snop  }
0x24: {  	[tilespmem:s8], [sflag:$0x1] =	stream.indirect.gather [hbm4b:s5+s6], $0x80, s6, s6, $0xb8;
	[tilespmem:$0xA180] =	vst v63  }
0x25: {  	_ = 	snop  }
0x26: {  	[tilespmem:s11], [sflag:$0x1] =	stream.indirect.gather [hbm4b:s5+s9], $0x80, s10, s9, $0xb8;
	[tilespmem:$0xA180] =	vst v63  }
0x27: {  	_ =	swait.ge [sflag:s12], $0x4000  }
0x28: {  	[sflag:s12] =	ssyncset.done $0x0  }
0x29: {  	[sflag:s12] =	ssyncadd.s32 $0xFFFFC000  }
0x2a: {  	_ =	swait.ge [sflag:s12], $0x4000  }
0x2b: {  	[sflag:s12] =	ssyncset.done $0x0  }
0x2c: {  	[sflag:s12] =	ssyncadd.s32 $0xFFFFC000  }
0x2d: {  	_ =	swait.ge [sflag:s12], $0x2000  }
.Ltmp1:
0x2e: {  	[sflag:s12] =	ssyncset.done $0x0;
	(pc) =	sbr.rel @p0 .LBB2_1-.Ltmp1, $4  }
0x2f: {  	[sflag:s12] =	ssyncadd.s32 $0xFFFFE000  }
0x30: {  	[hbm4b:s13+s2] =	stream.linear.scatter [tilespmem:s7], [sflag:$0x2], $0xA000, $0x38;
	[tilespmem:$0xA180] =	vst v63  }
0x31: {  	_ =	swait.ge [sflag:s3], $0xA000  }
0x32: {  	[sflag:s3] =	ssyncset.done $0x0  }
.LBB2_2:
0x33: {  	[sflag:s3] =	ssyncadd.s32 $0xFFFF6000  }
0x34: {  	_ =	sfence.sel $0x180000  }
0x35: {  	[bflag:$0x0] =	sbarrier.arrive $0xFFFF  }
0x36: {  	p0 =	sne.s32 s0, $0x0;
	_ =	strace $0x90000056  }
0x37: {  	s0 =	sadd.s32 @!p0 $0x100000, s1;
	[bflag:$0x2] =	sbarrier.arrive $0xFFFF  }
0x38: {  	[sflag:s0] =	ssyncadd.tile.s32 @!p0 $0x1;
	_ =	shalt  }
.Lfunc_end2:
_tile_overlayer_lowered:
.L_overlay_start_2:
0x39: {  	(tag) =	ssettag $0x2  }
0x3a: {  	s0 =	rddreg [dreg:$0x0];
	s2 =	stileid.u32  }
0x3b: {  	s1 =	rddreg [dreg:$0x1];
	p0 =	sne.s32 s2, $0x0  }
0x3c: {  	s3 =	rddreg [dreg:$0x2];
	[bflag:$0x3] =	sbarrier.arrive $0xFFFF;
	s2 =	simm.s32 @!p0 $0x1C02  }
0x3d: {  	[timem:s3], [sflag:s2] =	dma.local @!p0 [hbm:s0], s1  }
0x3e: {  	s0 =	simm.s32 @!p0 $0x2  }
0x3f: {  	_ =	swait.ge @!p0 [sflag:s0], s1  }
0x40: {  	s1 =	ssub.s32 @!p0 $0x0, s1;
	[sflag:s0] =	ssyncset.done @!p0 $0x0  }
0x41: {  	[sflag:s0] =	ssyncadd.s32 @!p0 s1  }
0x42: {  	[bflag:$0x3] =	sbarrier.arrive $0xFFFF  }
0x43: {  	_ =	shalt  }

// kernel: kernel.53.cloned.1.call-start
scs
__scs_entry_jumppad:
0x0: {  	(pc) =	sbr.rel $0x88, $3  }
0x1: {  	(tag) =	ssettag $0x0;
	lr =	simm.s32 $0x1  }
0x2: {  	[smem:$0x3F95] =	sst lr;
	_ =	strace $0xD0000000  }
0x3: {  	_ = 	snop  }
0x4: {  	_ = 	snop  }
0x5: {  	_ = 	snop  }
0x6: {  	_ = 	snop  }
0x7: {  	_ = 	snop  }
__scs_overlays_trampoline_lowered:
0x8: {  	[smem:$0x3FA4] =	sst s0  }
0x9: {  	[smem:$0x3FA5] =	sst s1  }
0xa: {  	[smem:$0x3FA6] =	sst s2  }
0xb: {  	[smem:$0x3FA7] =	sst s3  }
0xc: {  	[smem:$0x3FA8] =	sst s4  }
0xd: {  	[smem:$0x3FA9] =	sst s5  }
0xe: {  	[smem:$0x3FAA] =	sst s6  }
0xf: {  	[smem:$0x3FAB] =	sst s7  }
0x10: {  	[smem:$0x3FAC] =	sst s8  }
0x11: {  	[smem:$0x3FAD] =	sst s9;
	s0 =	simm.s32 @!p0 $0x0  }
0x12: {  	s1 =	sld [smem:$0x3F93];
	s0 =	simm.s32 @p0 $0x1  }
0x13: {  	[smem:$0x3FAE] =	sst s0;
	s0 =	simm.s32 @!p1 $0x0  }
0x14: {  	s2 =	sld [smem:$0x3F92];
	s0 =	simm.s32 @p1 $0x1  }
0x15: {  	[smem:$0x3FAF] =	sst s0;
	s0 =	simm.s32 @!p2 $0x0  }
0x16: {  	s3 =	sld [smem:$0x3FDB];
	s0 =	simm.s32 @p2 $0x1  }
0x17: {  	s4 =	simm.s32 $0x1BF5;
	[smem:$0x3FB1] =	sst s0  }
0x18: {  	s0 =	sld [smem:$0x3F94];
	_ =	swait.ge [sflag:s4], $0x0  }
0x19: {  	s7 =	sld [smem:$0x3F95]  }
0x1a: {  	s8 =	sadd.s32 $0xFFFFE003, lr  }
0x1b: {  	s9 =	sadd.s32 $0xFFFFFEF7, lr;
	s5 =	simm.s32 $0xFFFFFFFF;
	p2 =	slt.u32 s8, $0xFFFFF086  }
0x1c: {  	p1 =	slt.u32 s9, $0xF7A;
	s5 =	simm.s32 @!p2 $0x0  }
0x1d: {  	s5 =	simm.s32 @p1 $0x1;
	p0 =	seq.s32 s7, s2  }
0x1e: {  	s7 =	smul.u32 @!p0 $0xF7A, s2;
	p2 =	seq.s32 @!p0 s5, $0x0  }
0x1f: {  	s9 =	smul.u32 $0xF7A, s1;
	s8 =	simm.s32 @!p0 $0x1BF5;
	p2 =	por !p2, p0  }
0x20: {  	[sflag:s8] =	ssyncset.s32 @!p0 $0xFFFFF086;
	s6 =	sadd.s32 @!p0 s3, s7;
	s7 =	simm.s32 @!p0 $0x108  }
0x21: {  	s3 =	sadd.s32 s3, s9;
	s6 =	sadd.s32 @!p0 $0x88, s6;
	s7 =	simm.s32 @p2 $0x1082  }
0x22: {  	[simem:s7], [sflag:s8] =	dma.local @!p0 [hbm:s6], $0xF7A  }
0x23: {  	s9 =	sor.u32 $0xD0000000, s2;
	s6 =	simm.s32 $0x108;
	_ =	swait.ge @!p0 [sflag:s8], $0x0  }
0x24: {  	s3 =	sadd.s32 $0x88, s3;
	s6 =	simm.s32 @!p1 $0x1082;
	[sflag:s4] =	ssyncset.s32 $0xFFFFF086  }
0x25: {  	[simem:s6], [sflag:s4] =	dma.local [hbm:s3], $0xF7A  }
0x26: {  	[smem:$0x3F95] =	sst s1;
	(tag) =	ssettag s2;
	_ =	strace s9  }
0x27: {  	s1 =	sld [smem:$0x3FA5]  }
0x28: {  	s2 =	sld [smem:$0x3FA6]  }
0x29: {  	s4 =	sld [smem:$0x3FA8]  }
0x2a: {  	p0 =	seq.s32 s5, $0x0;
	s5 =	sld [smem:$0x3FA9]  }
0x2b: {  	s6 =	sld [smem:$0x3FAA]  }
0x2c: {  	s7 =	sld [smem:$0x3FAB]  }
0x2d: {  	s3 =	simm.s32 $0x108;
	s8 =	sld [smem:$0x3FAC]  }
0x2e: {  	s3 =	simm.s32 @!p0 $0x1082;
	s9 =	sld [smem:$0x3FAD]  }
0x2f: {  	lr =	sadd.s32 s0, s3;
	s0 =	sld [smem:$0x3FA4]  }
0x30: {  	s3 =	sld [smem:$0x3FA7]  }
0x31: {  	[smem:$0x3FB0] =	sst s10  }
0x32: {  	s10 =	sld [smem:$0x3FAE];
	_ =	sdelay $0x3  }
0x33: {  	p0 =	seq.s32 s10, $0x1;
	s10 =	sld [smem:$0x3FB0];
	_ =	sdelay $0x3  }
0x34: {  	[smem:$0x3FB0] =	sst s10  }
0x35: {  	s10 =	sld [smem:$0x3FAF];
	_ =	sdelay $0x3  }
0x36: {  	p1 =	seq.s32 s10, $0x1;
	s10 =	sld [smem:$0x3FB0];
	_ =	sdelay $0x3  }
0x37: {  	[smem:$0x3FB0] =	sst s10  }
0x38: {  	s10 =	sld [smem:$0x3FB1]  }
0x39: {  	_ = 	snop;
	(pc) =	sbr.ind lr, $3  }
0x3a: {  	_ = 	snop  }
0x3b: {  	_ = 	snop  }
0x3c: {  	p2 =	seq.s32 s10, $0x1;
	s10 =	sld [smem:$0x3FB0]  }
0x3d: {  	_ =	shalt  }
0x3e: {  	_ =	shalt  }
0x3f: {  	_ =	shalt  }
0x40: {  	_ =	shalt  }
0x41: {  	_ =	shalt  }
0x42: {  	_ =	shalt  }
0x43: {  	_ =	shalt  }
0x44: {  	_ =	shalt  }
0x45: {  	_ =	shalt  }
0x46: {  	_ =	shalt  }
0x47: {  	_ =	shalt  }
0x48: {  	_ =	shalt  }
0x49: {  	_ =	shalt  }
0x4a: {  	_ =	shalt  }
0x4b: {  	_ =	shalt  }
0x4c: {  	_ =	shalt  }
0x4d: {  	_ =	shalt  }
0x4e: {  	_ =	shalt  }
0x4f: {  	_ =	shalt  }
0x50: {  	_ =	shalt  }
0x51: {  	_ =	shalt  }
0x52: {  	_ =	shalt  }
0x53: {  	_ =	shalt  }
0x54: {  	_ =	shalt  }
0x55: {  	_ =	shalt  }
0x56: {  	_ =	shalt  }
0x57: {  	_ =	shalt  }
0x58: {  	_ =	shalt  }
0x59: {  	_ =	shalt  }
0x5a: {  	_ =	shalt  }
0x5b: {  	_ =	shalt  }
0x5c: {  	_ =	shalt  }
0x5d: {  	_ =	shalt  }
0x5e: {  	_ =	shalt  }
0x5f: {  	_ =	shalt  }
0x60: {  	_ =	shalt  }
0x61: {  	_ =	shalt  }
0x62: {  	_ =	shalt  }
0x63: {  	_ =	shalt  }
0x64: {  	_ =	shalt  }
0x65: {  	_ =	shalt  }
0x66: {  	_ =	shalt  }
0x67: {  	_ =	shalt  }
0x68: {  	_ =	shalt  }
0x69: {  	_ =	shalt  }
0x6a: {  	_ =	shalt  }
0x6b: {  	_ =	shalt  }
0x6c: {  	_ =	shalt  }
0x6d: {  	_ =	shalt  }
0x6e: {  	_ =	shalt  }
0x6f: {  	_ =	shalt  }
0x70: {  	_ =	shalt  }
0x71: {  	_ =	shalt  }
0x72: {  	_ =	shalt  }
0x73: {  	_ =	shalt  }
0x74: {  	_ =	shalt  }
0x75: {  	_ =	shalt  }
0x76: {  	_ =	shalt  }
0x77: {  	_ =	shalt  }
0x78: {  	_ =	shalt  }
0x79: {  	_ =	shalt  }
0x7a: {  	_ =	shalt  }
0x7b: {  	_ =	shalt  }
0x7c: {  	_ =	shalt  }
0x7d: {  	_ =	shalt  }
0x7e: {  	_ =	shalt  }
0x7f: {  	_ =	shalt  }
0x80: {  	_ =	shalt  }
0x81: {  	_ =	shalt  }
0x82: {  	_ =	shalt  }
0x83: {  	_ =	shalt  }
0x84: {  	_ =	shalt  }
0x85: {  	_ =	shalt  }
0x86: {  	_ =	shalt  }
0x87: {  	_ =	shalt  }
.Lfunc_end0:
.L_simem_size_0:
called_computation.6_lowered:
.L_overlay_start_0:
0x88: {  	s2 =	sld [smem:$0x3FD9]  }
0x89: {  	s3 =	sld [smem:$0x3FFE];
	_ =	sdelay $0x1  }
0x8a: {  	s1 =	srdreg.scid  }
0x8b: {  	s0 =	sand.u32 $0x1, s1  }
0x8c: {  	s17 =	sshll.u32 s0, $0xA;
	s2 =	sadd.s32 s3, s2  }
0x8d: {  	s2 =	sadd.s32 s2, s17  }
0x8e: {  	[smem:$0x3FBC] =	sst s2  }
0x8f: {  	_ = 	snop  }
0x90: {  	(tm) =	ssettm $0x1  }
0x91: {  	s18 =	sld [smem:$0x3FFB];
	_ =	sdelay $0x3  }
0x92: {  	_ =	strace s18  }
0x93: {  	s2 =	sld [smem:$0x3FFC];
	_ =	sdelay $0x3  }
0x94: {  	_ =	strace s2  }
0x95: {  	s2 =	sld [smem:$0x3FFD];
	_ =	sdelay $0x3  }
0x96: {  	_ =	strace s2  }
0x97: {  	_ =	strace $0x8FFFFFFF  }
0x98: {  	s19 =	sld [smem:$0x3FDB];
	_ =	sdelay $0x1  }
0x99: {  	s20 =	simm.s32 $_scs_section_size  }
0x9a: {  	s4 =	simm.s32 $_size__tile_overlayer_lowered;
	s5 =	simm.s32 $_tile_overlayer_lowered  }
0x9b: {  	s6 =	simm.s32 $0x1BFF;
	s21 =	sshll.u32 s5, $0x1;
	s3 =	sadd.s32 s20, s19  }
0x9c: {  	s22 =	simm.s32 $0x0;
	s4 =	sshll.u32 s4, $0x1;
	s5 =	sadd.s32 s21, s3  }
0x9d: {  	[timem:s22], [sflag:s6] =	dma.local [hbm:s5], s4  }
0x9e: {  	_ =	swait.ge [sflag:s6], s4  }
0x9f: {  	s4 =	ssub.s32 $0x0, s4;
	[sflag:s6] =	ssyncset.done $0x0  }
0xa0: {  	[sflag:s6] =	ssyncadd.s32 s4;
	_ =	sdelay $0x1  }
0xa1: {  	s23 =	simm.s32 $0x1B8B  }
0xa2: {  	_ =	swait.ge [sflag:s23], $0x1  }
0xa3: {  	[sflag:s23] =	ssyncset.done $0x0  }
0xa4: {  	[sflag:s23] =	ssyncadd.s32 $0xFFFFFFFF  }
0xa5: {  	s4 =	sld [smem:$0x0]  }
0xa6: {  	s5 =	sand.u32 $0xFFFFFFFE, s1  }
0xa7: {  	p0 =	sne.s32 s1, s5  }
0xa8: {  	s5 =	sshll.u32 @p0 s5, $0xE  }
0xa9: {  	s5 =	sadd.s32 @p0 $0x11B8D, s5;
	s6 =	sshll.u32 @p0 s4, $0x11  }
0xaa: {  	s5 =	sor.u32 @p0 s6, s5  }
0xab: {  	[sflag:s5] =	ssyncadd.remote.s32 @p0 $0x1;
	_ =	sdelay $0x1  }
0xac: {  	s5 =	simm.s32 @p0 $0x1B8D  }
0xad: {  	_ =	swait.eq @p0 [sflag:s5], $0x1  }
0xae: {  	[sflag:s5] =	ssyncadd.s32 @p0 $0xFFFFFFFF  }
0xaf: {  	s6 =	sshll.u32 @!p0 s1, $0xE  }
0xb0: {  	s6 =	sor.u32 @!p0 $0x4000, s6;
	s5 =	simm.s32 @!p0 $0x1B8D  }
0xb1: {  	s4 =	sshll.u32 @!p0 s4, $0x11;
	s6 =	sadd.s32 @!p0 $0x11B8D, s6;
	_ =	swait.eq @!p0 [sflag:s5], $0x1  }
0xb2: {  	s4 =	sor.u32 @!p0 s4, s6;
	[sflag:s5] =	ssyncadd.s32 @!p0 $0xFFFFFFFF  }
0xb3: {  	s25 =	simm.s32 $0x1B8E;
	s24 =	sld [smem:$0x3FFE];
	[sflag:s4] =	ssyncadd.remote.s32 @!p0 $0x1  }
0xb4: {  	s26 =	simm.s32 $execute0_lowered;
	[smem:$0x3FD2] =	sst s25  }
0xb5: {  	s5 =	sshll.u32 s26, $0x1;
	_ =	strace $0x80000058;
	[dreg:$0x1] =	wrdreg $0xFFFFFFFF  }
0xb6: {  	s28 =	simm.s32 $_size_execute0_lowered;
	s3 =	sadd.s32 s3, s5;
	[dreg:$0x0] =	wrdreg $0x0  }
0xb7: {  	s5 =	sshll.u32 s28, $0x1;
	[dreg:$0x2] =	wrdreg s3  }
0xb8: {  	[dreg:$0x3] =	wrdreg s5  }
0xb9: {  	[dreg:$0x4] =	wrdreg $0xC0  }
0xba: {  	_ =	task [dreg:s22], $0x5FFFF  }
0xbb: {  	[dreg:$0x1] =	wrdreg $0xFFFFFFFF  }
0xbc: {  	[dreg:$0x0] =	wrdreg $0x60  }
0xbd: {  	[dreg:$0x2] =	wrdreg s24  }
0xbe: {  	[dreg:$0x3] =	wrdreg $0xA  }
0xbf: {  	_ =	task.clear_ibuf [dreg:s22], $0x4FFFF;
	_ =	strace $0x90000058  }
0xc0: {  	s29 =	simm.s32 $0xA;
	_ =	strace $0x8000005A  }
0xc1: {  	_ =	swait.ge [sflag:s29], $0x1  }
0xc2: {  	[sflag:s29] =	ssyncadd.s32 $0xFFFFFFFF  }
0xc3: {  	_ =	strace $0x9000005A  }
0xc4: {  	_ =	sfence  }
0xc5: {  	s30 =	sld [smem:$0x0];
	_ =	sdelay $0x2  }
0xc6: {  	s31 =	sshll.u32 s1, $0xD;
	s1 =	sshrl.u32 s1, $0x2  }
0xc7: {  	s4 =	sand.u32 $0x4000, s31;
	s1 =	sadd.s32 s1, s30  }
0xc8: {  	s0 =	sor.u32 s4, s0;
	s1 =	sshll.u32 s1, $0x11  }
0xc9: {  	s0 =	sor.u32 s1, s0  }
0xca: {  	s0 =	sadd.s32 $0x8F2B, s0  }
0xcb: {  	[sflag:s0] =	ssyncadd.remote.s32 $0x1  }
0xcc: {  	_ =	sfence.sel $0xFFFF  }
0xcd: {  	[dreg:$0x0] =	wrdreg $0xFFFFFFFF;
	(pc) =	sbr.abs _section_cstart, $3  }
0xce: {  	[dreg:$0x1] =	wrdreg $0xFFFFFFFF  }
0xcf: {  	_ =	task.clear_ibuf [dreg:s22], $0x2FFFF;
	_ =	strace $0x9FFFFFFF  }
0xd0: {  	(tm) =	ssettm $0x7FFFFFFF  }
0xd1: {  	_ =	shalt  }
tec
execute0_lowered:
.L_overlay_start_1:
0x0: {  	(tag) =	ssettag $0x1  }
0x1: {  	s1 =	srdreg.scid;
	s0 =	stileid.u32  }
0x2: {  	s13 =	sand.u32 $0x1, s1;
	s29 =	sshll.u32 s0, $0x1  }
0x3: {  	s14 =	sor.u32 s13, s29  }
0x4: {  	s15 =	rddreg [dreg:$0x0];
	s3 =	smul.u32 $0x28, s14  }
0x5: {  	s2 =	simm.s32 $0x0;
	s1 =	rddreg [dreg:$0x1]  }
0x6: {  	[smem:$0x7FF] =	sst s2;
	s3 =	sadd.s32 s3, s15  }
0x7: {  	_ =	strace $0x80000059;
	s4 =	sadd.s32 $0x68A00, s3;
	s3 =	simm.s32 $0x2  }
0x8: {  	[tilespmem:s2], [sflag:$0x2] =	stream.linear.gather [hbm4b:s4+s2], $0x140, $0x38;
	[tilespmem:$0xA180] =	vst v63  }
0x9: {  	_ =	swait.ge [sflag:s3], $0x140  }
0xa: {  	s6 =	simm.s32 $0x80;
	[sflag:s3] =	ssyncset.done $0x0  }
0xb: {  	s7 =	simm.s32 $0x180;
	s5 =	sadd.s32 $0x4AFA00, s15;
	[sflag:s3] =	ssyncadd.s32 $0xFFFFFEC0  }
0xc: {  	[tilespmem:s7], [sflag:$0x1] =	stream.indirect.gather [hbm4b:s5+s6], $0x80, s2, s6, $0xb8;
	[tilespmem:$0xA180] =	vst v63  }
0xd: {  	s8 =	simm.s32 $0x4180;
	s9 =	simm.s32 $0x40  }
0xe: {  	[tilespmem:s8], [sflag:$0x1] =	stream.indirect.gather [hbm4b:s5+s6], $0x80, s6, s6, $0xb8;
	[tilespmem:$0xA180] =	vst v63  }
0xf: {  	s10 =	simm.s32 $0x100;
	s11 =	simm.s32 $0x8180;
	s12 =	simm.s32 $0x1  }
0x10: {  	[tilespmem:s11], [sflag:$0x1] =	stream.indirect.gather [hbm4b:s5+s9], $0x80, s10, s9, $0xb8;
	[tilespmem:$0xA180] =	vst v63  }
0x11: {  	_ =	swait.ge [sflag:s12], $0x4000  }
0x12: {  	[sflag:s12] =	ssyncset.done $0x0  }
0x13: {  	s13 =	ssub.s32 $0x2, s13;
	[sflag:s12] =	ssyncadd.s32 $0xFFFFC000  }
0x14: {  	s16 =	sshrl.u32 s13, $0x1;
	_ =	swait.ge [sflag:s12], $0x4000  }
0x15: {  	s30 =	ssub.s32 s13, s16;
	[sflag:s12] =	ssyncset.done $0x0  }
0x16: {  	s14 =	smul.u32 $0x1400, s14;
	s31 =	smax.u32 s30, $0x1;
	[sflag:s12] =	ssyncadd.s32 $0xFFFFC000  }
0x17: {  	p0 =	sne.s32 s31, $0x1;
	_ =	swait.ge [sflag:s12], $0x2000  }
.Ltmp0:
0x18: {  	s14 =	sadd.s32 s14, s15;
	[sflag:s12] =	ssyncset.done $0x0;
	(pc) =	sbr.rel @!p0 .LBB2_2-.Ltmp0, $4  }
0x19: {  	s13 =	sadd.s32 $0x13600, s14;
	[sflag:s12] =	ssyncadd.s32 $0xFFFFE000  }
0x1a: {  	[hbm4b:s13+s2] =	stream.linear.scatter [tilespmem:s7], [sflag:$0x2], $0xA000, $0x38;
	[tilespmem:$0xA180] =	vst v63  }
0x1b: {  	_ =	swait.ge [sflag:s3], $0xA000  }
0x1c: {  	s14 =	sadd.s32 $0xFFFFFFFF, s31;
	[sflag:s3] =	ssyncset.done $0x0  }
.LBB2_1:
0x1d: {  	p0 =	sne.s32 s14, $0x1;
	s14 =	sadd.s32 $0xFFFFFFFF, s14;
	[sflag:s3] =	ssyncadd.s32 $0xFFFF6000  }
0x1e: {  	[tilespmem:s2], [sflag:$0x2] =	stream.linear.gather [hbm4b:s4+s2], $0x140, $0x38;
	[tilespmem:$0xA180] =	vst v63  }
0x1f: {  	_ =	swait.ge [sflag:s3], $0x140  }
0x20: {  	[sflag:s3] =	ssyncset.done $0x0  }
0x21: {  	[sflag:s3] =	ssyncadd.s32 $0xFFFFFEC0  }
0x22: {  	[tilespmem:s7], [sflag:$0x1] =	stream.indirect.gather [hbm4b:s5+s6], $0x80, s2, s6, $0xb8;
	[tilespmem:$0xA180] =	vst v63  }
0x23: {  	_ = 	snop  }
0x24: {  	[tilespmem:s8], [sflag:$0x1] =	stream.indirect.gather [hbm4b:s5+s6], $0x80, s6, s6, $0xb8;
	[tilespmem:$0xA180] =	vst v63  }
0x25: {  	_ = 	snop  }
0x26: {  	[tilespmem:s11], [sflag:$0x1] =	stream.indirect.gather [hbm4b:s5+s9], $0x80, s10, s9, $0xb8;
	[tilespmem:$0xA180] =	vst v63  }
0x27: {  	_ =	swait.ge [sflag:s12], $0x4000  }
0x28: {  	[sflag:s12] =	ssyncset.done $0x0  }
0x29: {  	[sflag:s12] =	ssyncadd.s32 $0xFFFFC000  }
0x2a: {  	_ =	swait.ge [sflag:s12], $0x4000  }
0x2b: {  	[sflag:s12] =	ssyncset.done $0x0  }
0x2c: {  	[sflag:s12] =	ssyncadd.s32 $0xFFFFC000  }
0x2d: {  	_ =	swait.ge [sflag:s12], $0x2000  }
.Ltmp1:
0x2e: {  	[sflag:s12] =	ssyncset.done $0x0;
	(pc) =	sbr.rel @p0 .LBB2_1-.Ltmp1, $4  }
0x2f: {  	[sflag:s12] =	ssyncadd.s32 $0xFFFFE000  }
0x30: {  	[hbm4b:s13+s2] =	stream.linear.scatter [tilespmem:s7], [sflag:$0x2], $0xA000, $0x38;
	[tilespmem:$0xA180] =	vst v63  }
0x31: {  	_ =	swait.ge [sflag:s3], $0xA000  }
0x32: {  	[sflag:s3] =	ssyncset.done $0x0  }
.LBB2_2:
0x33: {  	[sflag:s3] =	ssyncadd.s32 $0xFFFF6000  }
0x34: {  	_ =	sfence.sel $0x180000  }
0x35: {  	[bflag:$0x0] =	sbarrier.arrive $0xFFFF  }
0x36: {  	p0 =	sne.s32 s0, $0x0;
	_ =	strace $0x90000059  }
0x37: {  	s0 =	sadd.s32 @!p0 $0x100000, s1;
	[bflag:$0x2] =	sbarrier.arrive $0xFFFF  }
0x38: {  	[sflag:s0] =	ssyncadd.tile.s32 @!p0 $0x1;
	_ =	shalt  }
.Lfunc_end2:
_tile_overlayer_lowered:
.L_overlay_start_2:
0x39: {  	(tag) =	ssettag $0x2  }
0x3a: {  	s0 =	rddreg [dreg:$0x0];
	s2 =	stileid.u32  }
0x3b: {  	s1 =	rddreg [dreg:$0x1];
	p0 =	sne.s32 s2, $0x0  }
0x3c: {  	s3 =	rddreg [dreg:$0x2];
	[bflag:$0x3] =	sbarrier.arrive $0xFFFF;
	s2 =	simm.s32 @!p0 $0x1C02  }
0x3d: {  	[timem:s3], [sflag:s2] =	dma.local @!p0 [hbm:s0], s1  }
0x3e: {  	s0 =	simm.s32 @!p0 $0x2  }
0x3f: {  	_ =	swait.ge @!p0 [sflag:s0], s1  }
0x40: {  	s1 =	ssub.s32 @!p0 $0x0, s1;
	[sflag:s0] =	ssyncset.done @!p0 $0x0  }
0x41: {  	[sflag:s0] =	ssyncadd.s32 @!p0 s1  }
0x42: {  	[bflag:$0x3] =	sbarrier.arrive $0xFFFF  }
0x43: {  	_ =	shalt  }

// kernel: kernel.56.cloned.1.call-start
scs
__scs_entry_jumppad:
0x0: {  	(pc) =	sbr.rel $0x88, $3  }
0x1: {  	(tag) =	ssettag $0x0;
	lr =	simm.s32 $0x1  }
0x2: {  	[smem:$0x3F95] =	sst lr;
	_ =	strace $0xD0000000  }
0x3: {  	_ = 	snop  }
0x4: {  	_ = 	snop  }
0x5: {  	_ = 	snop  }
0x6: {  	_ = 	snop  }
0x7: {  	_ = 	snop  }
__scs_overlays_trampoline_lowered:
0x8: {  	[smem:$0x3FA4] =	sst s0  }
0x9: {  	[smem:$0x3FA5] =	sst s1  }
0xa: {  	[smem:$0x3FA6] =	sst s2  }
0xb: {  	[smem:$0x3FA7] =	sst s3  }
0xc: {  	[smem:$0x3FA8] =	sst s4  }
0xd: {  	[smem:$0x3FA9] =	sst s5  }
0xe: {  	[smem:$0x3FAA] =	sst s6  }
0xf: {  	[smem:$0x3FAB] =	sst s7  }
0x10: {  	[smem:$0x3FAC] =	sst s8  }
0x11: {  	[smem:$0x3FAD] =	sst s9;
	s0 =	simm.s32 @!p0 $0x0  }
0x12: {  	s1 =	sld [smem:$0x3F93];
	s0 =	simm.s32 @p0 $0x1  }
0x13: {  	[smem:$0x3FAE] =	sst s0;
	s0 =	simm.s32 @!p1 $0x0  }
0x14: {  	s2 =	sld [smem:$0x3F92];
	s0 =	simm.s32 @p1 $0x1  }
0x15: {  	[smem:$0x3FAF] =	sst s0;
	s0 =	simm.s32 @!p2 $0x0  }
0x16: {  	s3 =	sld [smem:$0x3FDB];
	s0 =	simm.s32 @p2 $0x1  }
0x17: {  	s4 =	simm.s32 $0x1BF5;
	[smem:$0x3FB1] =	sst s0  }
0x18: {  	s0 =	sld [smem:$0x3F94];
	_ =	swait.ge [sflag:s4], $0x0  }
0x19: {  	s7 =	sld [smem:$0x3F95]  }
0x1a: {  	s8 =	sadd.s32 $0xFFFFE003, lr  }
0x1b: {  	s9 =	sadd.s32 $0xFFFFFEF7, lr;
	s5 =	simm.s32 $0xFFFFFFFF;
	p2 =	slt.u32 s8, $0xFFFFF086  }
0x1c: {  	p1 =	slt.u32 s9, $0xF7A;
	s5 =	simm.s32 @!p2 $0x0  }
0x1d: {  	s5 =	simm.s32 @p1 $0x1;
	p0 =	seq.s32 s7, s2  }
0x1e: {  	s7 =	smul.u32 @!p0 $0xF7A, s2;
	p2 =	seq.s32 @!p0 s5, $0x0  }
0x1f: {  	s9 =	smul.u32 $0xF7A, s1;
	s8 =	simm.s32 @!p0 $0x1BF5;
	p2 =	por !p2, p0  }
0x20: {  	[sflag:s8] =	ssyncset.s32 @!p0 $0xFFFFF086;
	s6 =	sadd.s32 @!p0 s3, s7;
	s7 =	simm.s32 @!p0 $0x108  }
0x21: {  	s3 =	sadd.s32 s3, s9;
	s6 =	sadd.s32 @!p0 $0x88, s6;
	s7 =	simm.s32 @p2 $0x1082  }
0x22: {  	[simem:s7], [sflag:s8] =	dma.local @!p0 [hbm:s6], $0xF7A  }
0x23: {  	s9 =	sor.u32 $0xD0000000, s2;
	s6 =	simm.s32 $0x108;
	_ =	swait.ge @!p0 [sflag:s8], $0x0  }
0x24: {  	s3 =	sadd.s32 $0x88, s3;
	s6 =	simm.s32 @!p1 $0x1082;
	[sflag:s4] =	ssyncset.s32 $0xFFFFF086  }
0x25: {  	[simem:s6], [sflag:s4] =	dma.local [hbm:s3], $0xF7A  }
0x26: {  	[smem:$0x3F95] =	sst s1;
	(tag) =	ssettag s2;
	_ =	strace s9  }
0x27: {  	s1 =	sld [smem:$0x3FA5]  }
0x28: {  	s2 =	sld [smem:$0x3FA6]  }
0x29: {  	s4 =	sld [smem:$0x3FA8]  }
0x2a: {  	p0 =	seq.s32 s5, $0x0;
	s5 =	sld [smem:$0x3FA9]  }
0x2b: {  	s6 =	sld [smem:$0x3FAA]  }
0x2c: {  	s7 =	sld [smem:$0x3FAB]  }
0x2d: {  	s3 =	simm.s32 $0x108;
	s8 =	sld [smem:$0x3FAC]  }
0x2e: {  	s3 =	simm.s32 @!p0 $0x1082;
	s9 =	sld [smem:$0x3FAD]  }
0x2f: {  	lr =	sadd.s32 s0, s3;
	s0 =	sld [smem:$0x3FA4]  }
0x30: {  	s3 =	sld [smem:$0x3FA7]  }
0x31: {  	[smem:$0x3FB0] =	sst s10  }
0x32: {  	s10 =	sld [smem:$0x3FAE];
	_ =	sdelay $0x3  }
0x33: {  	p0 =	seq.s32 s10, $0x1;
	s10 =	sld [smem:$0x3FB0];
	_ =	sdelay $0x3  }
0x34: {  	[smem:$0x3FB0] =	sst s10  }
0x35: {  	s10 =	sld [smem:$0x3FAF];
	_ =	sdelay $0x3  }
0x36: {  	p1 =	seq.s32 s10, $0x1;
	s10 =	sld [smem:$0x3FB0];
	_ =	sdelay $0x3  }
0x37: {  	[smem:$0x3FB0] =	sst s10  }
0x38: {  	s10 =	sld [smem:$0x3FB1]  }
0x39: {  	_ = 	snop;
	(pc) =	sbr.ind lr, $3  }
0x3a: {  	_ = 	snop  }
0x3b: {  	_ = 	snop  }
0x3c: {  	p2 =	seq.s32 s10, $0x1;
	s10 =	sld [smem:$0x3FB0]  }
0x3d: {  	_ =	shalt  }
0x3e: {  	_ =	shalt  }
0x3f: {  	_ =	shalt  }
0x40: {  	_ =	shalt  }
0x41: {  	_ =	shalt  }
0x42: {  	_ =	shalt  }
0x43: {  	_ =	shalt  }
0x44: {  	_ =	shalt  }
0x45: {  	_ =	shalt  }
0x46: {  	_ =	shalt  }
0x47: {  	_ =	shalt  }
0x48: {  	_ =	shalt  }
0x49: {  	_ =	shalt  }
0x4a: {  	_ =	shalt  }
0x4b: {  	_ =	shalt  }
0x4c: {  	_ =	shalt  }
0x4d: {  	_ =	shalt  }
0x4e: {  	_ =	shalt  }
0x4f: {  	_ =	shalt  }
0x50: {  	_ =	shalt  }
0x51: {  	_ =	shalt  }
0x52: {  	_ =	shalt  }
0x53: {  	_ =	shalt  }
0x54: {  	_ =	shalt  }
0x55: {  	_ =	shalt  }
0x56: {  	_ =	shalt  }
0x57: {  	_ =	shalt  }
0x58: {  	_ =	shalt  }
0x59: {  	_ =	shalt  }
0x5a: {  	_ =	shalt  }
0x5b: {  	_ =	shalt  }
0x5c: {  	_ =	shalt  }
0x5d: {  	_ =	shalt  }
0x5e: {  	_ =	shalt  }
0x5f: {  	_ =	shalt  }
0x60: {  	_ =	shalt  }
0x61: {  	_ =	shalt  }
0x62: {  	_ =	shalt  }
0x63: {  	_ =	shalt  }
0x64: {  	_ =	shalt  }
0x65: {  	_ =	shalt  }
0x66: {  	_ =	shalt  }
0x67: {  	_ =	shalt  }
0x68: {  	_ =	shalt  }
0x69: {  	_ =	shalt  }
0x6a: {  	_ =	shalt  }
0x6b: {  	_ =	shalt  }
0x6c: {  	_ =	shalt  }
0x6d: {  	_ =	shalt  }
0x6e: {  	_ =	shalt  }
0x6f: {  	_ =	shalt  }
0x70: {  	_ =	shalt  }
0x71: {  	_ =	shalt  }
0x72: {  	_ =	shalt  }
0x73: {  	_ =	shalt  }
0x74: {  	_ =	shalt  }
0x75: {  	_ =	shalt  }
0x76: {  	_ =	shalt  }
0x77: {  	_ =	shalt  }
0x78: {  	_ =	shalt  }
0x79: {  	_ =	shalt  }
0x7a: {  	_ =	shalt  }
0x7b: {  	_ =	shalt  }
0x7c: {  	_ =	shalt  }
0x7d: {  	_ =	shalt  }
0x7e: {  	_ =	shalt  }
0x7f: {  	_ =	shalt  }
0x80: {  	_ =	shalt  }
0x81: {  	_ =	shalt  }
0x82: {  	_ =	shalt  }
0x83: {  	_ =	shalt  }
0x84: {  	_ =	shalt  }
0x85: {  	_ =	shalt  }
0x86: {  	_ =	shalt  }
0x87: {  	_ =	shalt  }
.Lfunc_end0:
.L_simem_size_0:
called_computation.7_lowered:
.L_overlay_start_0:
0x88: {  	s2 =	sld [smem:$0x3FD9]  }
0x89: {  	s3 =	sld [smem:$0x3FFE];
	_ =	sdelay $0x1  }
0x8a: {  	s1 =	srdreg.scid  }
0x8b: {  	s0 =	sand.u32 $0x1, s1  }
0x8c: {  	s17 =	sshll.u32 s0, $0xA;
	s2 =	sadd.s32 s3, s2  }
0x8d: {  	s2 =	sadd.s32 s2, s17  }
0x8e: {  	[smem:$0x3FBC] =	sst s2  }
0x8f: {  	_ = 	snop  }
0x90: {  	(tm) =	ssettm $0x1  }
0x91: {  	s18 =	sld [smem:$0x3FFB];
	_ =	sdelay $0x3  }
0x92: {  	_ =	strace s18  }
0x93: {  	s2 =	sld [smem:$0x3FFC];
	_ =	sdelay $0x3  }
0x94: {  	_ =	strace s2  }
0x95: {  	s2 =	sld [smem:$0x3FFD];
	_ =	sdelay $0x3  }
0x96: {  	_ =	strace s2  }
0x97: {  	_ =	strace $0x8FFFFFFF  }
0x98: {  	s19 =	sld [smem:$0x3FDB];
	_ =	sdelay $0x1  }
0x99: {  	s20 =	simm.s32 $_scs_section_size  }
0x9a: {  	s4 =	simm.s32 $_size__tile_overlayer_lowered;
	s5 =	simm.s32 $_tile_overlayer_lowered  }
0x9b: {  	s6 =	simm.s32 $0x1BFF;
	s21 =	sshll.u32 s5, $0x1;
	s3 =	sadd.s32 s20, s19  }
0x9c: {  	s22 =	simm.s32 $0x0;
	s4 =	sshll.u32 s4, $0x1;
	s5 =	sadd.s32 s21, s3  }
0x9d: {  	[timem:s22], [sflag:s6] =	dma.local [hbm:s5], s4  }
0x9e: {  	_ =	swait.ge [sflag:s6], s4  }
0x9f: {  	s4 =	ssub.s32 $0x0, s4;
	[sflag:s6] =	ssyncset.done $0x0  }
0xa0: {  	[sflag:s6] =	ssyncadd.s32 s4;
	_ =	sdelay $0x1  }
0xa1: {  	s23 =	simm.s32 $0x1B8B  }
0xa2: {  	_ =	swait.ge [sflag:s23], $0x1  }
0xa3: {  	[sflag:s23] =	ssyncset.done $0x0  }
0xa4: {  	[sflag:s23] =	ssyncadd.s32 $0xFFFFFFFF  }
0xa5: {  	s4 =	sld [smem:$0x0]  }
0xa6: {  	s5 =	sand.u32 $0xFFFFFFFE, s1  }
0xa7: {  	p0 =	sne.s32 s1, s5  }
0xa8: {  	s5 =	sshll.u32 @p0 s5, $0xE  }
0xa9: {  	s5 =	sadd.s32 @p0 $0x11B8D, s5;
	s6 =	sshll.u32 @p0 s4, $0x11  }
0xaa: {  	s5 =	sor.u32 @p0 s6, s5  }
0xab: {  	[sflag:s5] =	ssyncadd.remote.s32 @p0 $0x1;
	_ =	sdelay $0x1  }
0xac: {  	s5 =	simm.s32 @p0 $0x1B8D  }
0xad: {  	_ =	swait.eq @p0 [sflag:s5], $0x1  }
0xae: {  	[sflag:s5] =	ssyncadd.s32 @p0 $0xFFFFFFFF  }
0xaf: {  	s6 =	sshll.u32 @!p0 s1, $0xE  }
0xb0: {  	s6 =	sor.u32 @!p0 $0x4000, s6;
	s5 =	simm.s32 @!p0 $0x1B8D  }
0xb1: {  	s4 =	sshll.u32 @!p0 s4, $0x11;
	s6 =	sadd.s32 @!p0 $0x11B8D, s6;
	_ =	swait.eq @!p0 [sflag:s5], $0x1  }
0xb2: {  	s4 =	sor.u32 @!p0 s4, s6;
	[sflag:s5] =	ssyncadd.s32 @!p0 $0xFFFFFFFF  }
0xb3: {  	s25 =	simm.s32 $0x1B8E;
	s24 =	sld [smem:$0x3FFE];
	[sflag:s4] =	ssyncadd.remote.s32 @!p0 $0x1  }
0xb4: {  	s26 =	simm.s32 $execute0_lowered;
	[smem:$0x3FD2] =	sst s25  }
0xb5: {  	s5 =	sshll.u32 s26, $0x1;
	_ =	strace $0x8000005B;
	[dreg:$0x1] =	wrdreg $0xFFFFFFFF  }
0xb6: {  	s28 =	simm.s32 $_size_execute0_lowered;
	s3 =	sadd.s32 s3, s5;
	[dreg:$0x0] =	wrdreg $0x0  }
0xb7: {  	s5 =	sshll.u32 s28, $0x1;
	[dreg:$0x2] =	wrdreg s3  }
0xb8: {  	[dreg:$0x3] =	wrdreg s5  }
0xb9: {  	[dreg:$0x4] =	wrdreg $0xC0  }
0xba: {  	_ =	task [dreg:s22], $0x5FFFF  }
0xbb: {  	[dreg:$0x1] =	wrdreg $0xFFFFFFFF  }
0xbc: {  	[dreg:$0x0] =	wrdreg $0x60  }
0xbd: {  	[dreg:$0x2] =	wrdreg s24  }
0xbe: {  	[dreg:$0x3] =	wrdreg $0x9  }
0xbf: {  	_ =	task.clear_ibuf [dreg:s22], $0x4FFFF;
	_ =	strace $0x9000005B  }
0xc0: {  	s29 =	simm.s32 $0x9;
	_ =	strace $0x8000005D  }
0xc1: {  	_ =	swait.ge [sflag:s29], $0x1  }
0xc2: {  	[sflag:s29] =	ssyncadd.s32 $0xFFFFFFFF  }
0xc3: {  	_ =	strace $0x9000005D  }
0xc4: {  	_ =	sfence  }
0xc5: {  	s30 =	sld [smem:$0x0];
	_ =	sdelay $0x2  }
0xc6: {  	s31 =	sshll.u32 s1, $0xD;
	s1 =	sshrl.u32 s1, $0x2  }
0xc7: {  	s4 =	sand.u32 $0x4000, s31;
	s1 =	sadd.s32 s1, s30  }
0xc8: {  	s0 =	sor.u32 s4, s0;
	s1 =	sshll.u32 s1, $0x11  }
0xc9: {  	s0 =	sor.u32 s1, s0  }
0xca: {  	s0 =	sadd.s32 $0x8F2B, s0  }
0xcb: {  	[sflag:s0] =	ssyncadd.remote.s32 $0x1  }
0xcc: {  	_ =	sfence.sel $0xFFFF  }
0xcd: {  	[dreg:$0x0] =	wrdreg $0xFFFFFFFF;
	(pc) =	sbr.abs _section_cstart, $3  }
0xce: {  	[dreg:$0x1] =	wrdreg $0xFFFFFFFF  }
0xcf: {  	_ =	task.clear_ibuf [dreg:s22], $0x2FFFF;
	_ =	strace $0x9FFFFFFF  }
0xd0: {  	(tm) =	ssettm $0x7FFFFFFF  }
0xd1: {  	_ =	shalt  }
tec
execute0_lowered:
.L_overlay_start_1:
0x0: {  	(tag) =	ssettag $0x1  }
0x1: {  	s1 =	srdreg.scid;
	s0 =	stileid.u32  }
0x2: {  	s13 =	sand.u32 $0x1, s1;
	s29 =	sshll.u32 s0, $0x1  }
0x3: {  	s14 =	sor.u32 s13, s29  }
0x4: {  	s15 =	rddreg [dreg:$0x0];
	s3 =	smul.u32 $0x28, s14  }
0x5: {  	s2 =	simm.s32 $0x0;
	s1 =	rddreg [dreg:$0x1]  }
0x6: {  	[smem:$0x7FF] =	sst s2;
	s3 =	sadd.s32 s3, s15  }
0x7: {  	_ =	strace $0x8000005C;
	s4 =	sadd.s32 $0x69000, s3;
	s3 =	simm.s32 $0x2  }
0x8: {  	[tilespmem:s2], [sflag:$0x2] =	stream.linear.gather [hbm4b:s4+s2], $0x140, $0x38;
	[tilespmem:$0xA180] =	vst v63  }
0x9: {  	_ =	swait.ge [sflag:s3], $0x140  }
0xa: {  	s6 =	simm.s32 $0x80;
	[sflag:s3] =	ssyncset.done $0x0  }
0xb: {  	s7 =	simm.s32 $0x180;
	s5 =	sadd.s32 $0x4AFA00, s15;
	[sflag:s3] =	ssyncadd.s32 $0xFFFFFEC0  }
0xc: {  	[tilespmem:s7], [sflag:$0x1] =	stream.indirect.gather [hbm4b:s5+s6], $0x80, s2, s6, $0xb8;
	[tilespmem:$0xA180] =	vst v63  }
0xd: {  	s8 =	simm.s32 $0x4180;
	s9 =	simm.s32 $0x40  }
0xe: {  	[tilespmem:s8], [sflag:$0x1] =	stream.indirect.gather [hbm4b:s5+s6], $0x80, s6, s6, $0xb8;
	[tilespmem:$0xA180] =	vst v63  }
0xf: {  	s10 =	simm.s32 $0x100;
	s11 =	simm.s32 $0x8180;
	s12 =	simm.s32 $0x1  }
0x10: {  	[tilespmem:s11], [sflag:$0x1] =	stream.indirect.gather [hbm4b:s5+s9], $0x80, s10, s9, $0xb8;
	[tilespmem:$0xA180] =	vst v63  }
0x11: {  	_ =	swait.ge [sflag:s12], $0x4000  }
0x12: {  	[sflag:s12] =	ssyncset.done $0x0  }
0x13: {  	s13 =	ssub.s32 $0x2, s13;
	[sflag:s12] =	ssyncadd.s32 $0xFFFFC000  }
0x14: {  	s16 =	sshrl.u32 s13, $0x1;
	_ =	swait.ge [sflag:s12], $0x4000  }
0x15: {  	s30 =	ssub.s32 s13, s16;
	[sflag:s12] =	ssyncset.done $0x0  }
0x16: {  	s14 =	smul.u32 $0x1400, s14;
	s31 =	smax.u32 s30, $0x1;
	[sflag:s12] =	ssyncadd.s32 $0xFFFFC000  }
0x17: {  	p0 =	sne.s32 s31, $0x1;
	_ =	swait.ge [sflag:s12], $0x2000  }
.Ltmp0:
0x18: {  	s14 =	sadd.s32 s14, s15;
	[sflag:s12] =	ssyncset.done $0x0;
	(pc) =	sbr.rel @!p0 .LBB2_2-.Ltmp0, $4  }
0x19: {  	s13 =	sadd.s32 $0x3C200, s14;
	[sflag:s12] =	ssyncadd.s32 $0xFFFFE000  }
0x1a: {  	[hbm4b:s13+s2] =	stream.linear.scatter [tilespmem:s7], [sflag:$0x2], $0xA000, $0x38;
	[tilespmem:$0xA180] =	vst v63  }
0x1b: {  	_ =	swait.ge [sflag:s3], $0xA000  }
0x1c: {  	s14 =	sadd.s32 $0xFFFFFFFF, s31;
	[sflag:s3] =	ssyncset.done $0x0  }
.LBB2_1:
0x1d: {  	p0 =	sne.s32 s14, $0x1;
	s14 =	sadd.s32 $0xFFFFFFFF, s14;
	[sflag:s3] =	ssyncadd.s32 $0xFFFF6000  }
0x1e: {  	[tilespmem:s2], [sflag:$0x2] =	stream.linear.gather [hbm4b:s4+s2], $0x140, $0x38;
	[tilespmem:$0xA180] =	vst v63  }
0x1f: {  	_ =	swait.ge [sflag:s3], $0x140  }
0x20: {  	[sflag:s3] =	ssyncset.done $0x0  }
0x21: {  	[sflag:s3] =	ssyncadd.s32 $0xFFFFFEC0  }
0x22: {  	[tilespmem:s7], [sflag:$0x1] =	stream.indirect.gather [hbm4b:s5+s6], $0x80, s2, s6, $0xb8;
	[tilespmem:$0xA180] =	vst v63  }
0x23: {  	_ = 	snop  }
0x24: {  	[tilespmem:s8], [sflag:$0x1] =	stream.indirect.gather [hbm4b:s5+s6], $0x80, s6, s6, $0xb8;
	[tilespmem:$0xA180] =	vst v63  }
0x25: {  	_ = 	snop  }
0x26: {  	[tilespmem:s11], [sflag:$0x1] =	stream.indirect.gather [hbm4b:s5+s9], $0x80, s10, s9, $0xb8;
	[tilespmem:$0xA180] =	vst v63  }
0x27: {  	_ =	swait.ge [sflag:s12], $0x4000  }
0x28: {  	[sflag:s12] =	ssyncset.done $0x0  }
0x29: {  	[sflag:s12] =	ssyncadd.s32 $0xFFFFC000  }
0x2a: {  	_ =	swait.ge [sflag:s12], $0x4000  }
0x2b: {  	[sflag:s12] =	ssyncset.done $0x0  }
0x2c: {  	[sflag:s12] =	ssyncadd.s32 $0xFFFFC000  }
0x2d: {  	_ =	swait.ge [sflag:s12], $0x2000  }
.Ltmp1:
0x2e: {  	[sflag:s12] =	ssyncset.done $0x0;
	(pc) =	sbr.rel @p0 .LBB2_1-.Ltmp1, $4  }
0x2f: {  	[sflag:s12] =	ssyncadd.s32 $0xFFFFE000  }
0x30: {  	[hbm4b:s13+s2] =	stream.linear.scatter [tilespmem:s7], [sflag:$0x2], $0xA000, $0x38;
	[tilespmem:$0xA180] =	vst v63  }
0x31: {  	_ =	swait.ge [sflag:s3], $0xA000  }
0x32: {  	[sflag:s3] =	ssyncset.done $0x0  }
.LBB2_2:
0x33: {  	[sflag:s3] =	ssyncadd.s32 $0xFFFF6000  }
0x34: {  	_ =	sfence.sel $0x180000  }
0x35: {  	[bflag:$0x0] =	sbarrier.arrive $0xFFFF  }
0x36: {  	p0 =	sne.s32 s0, $0x0;
	_ =	strace $0x9000005C  }
0x37: {  	s0 =	sadd.s32 @!p0 $0x100000, s1;
	[bflag:$0x2] =	sbarrier.arrive $0xFFFF  }
0x38: {  	[sflag:s0] =	ssyncadd.tile.s32 @!p0 $0x1;
	_ =	shalt  }
.Lfunc_end2:
_tile_overlayer_lowered:
.L_overlay_start_2:
0x39: {  	(tag) =	ssettag $0x2  }
0x3a: {  	s0 =	rddreg [dreg:$0x0];
	s2 =	stileid.u32  }
0x3b: {  	s1 =	rddreg [dreg:$0x1];
	p0 =	sne.s32 s2, $0x0  }
0x3c: {  	s3 =	rddreg [dreg:$0x2];
	[bflag:$0x3] =	sbarrier.arrive $0xFFFF;
	s2 =	simm.s32 @!p0 $0x1C02  }
0x3d: {  	[timem:s3], [sflag:s2] =	dma.local @!p0 [hbm:s0], s1  }
0x3e: {  	s0 =	simm.s32 @!p0 $0x2  }
0x3f: {  	_ =	swait.ge @!p0 [sflag:s0], s1  }
0x40: {  	s1 =	ssub.s32 @!p0 $0x0, s1;
	[sflag:s0] =	ssyncset.done @!p0 $0x0  }
0x41: {  	[sflag:s0] =	ssyncadd.s32 @!p0 s1  }
0x42: {  	[bflag:$0x3] =	sbarrier.arrive $0xFFFF  }
0x43: {  	_ =	shalt  }

// kernel: kernel.59.cloned.1.call-start
scs
__scs_entry_jumppad:
0x0: {  	(pc) =	sbr.rel $0x88, $3  }
0x1: {  	(tag) =	ssettag $0x0;
	lr =	simm.s32 $0x1  }
0x2: {  	[smem:$0x3F95] =	sst lr;
	_ =	strace $0xD0000000  }
0x3: {  	_ = 	snop  }
0x4: {  	_ = 	snop  }
0x5: {  	_ = 	snop  }
0x6: {  	_ = 	snop  }
0x7: {  	_ = 	snop  }
__scs_overlays_trampoline_lowered:
0x8: {  	[smem:$0x3FA4] =	sst s0  }
0x9: {  	[smem:$0x3FA5] =	sst s1  }
0xa: {  	[smem:$0x3FA6] =	sst s2  }
0xb: {  	[smem:$0x3FA7] =	sst s3  }
0xc: {  	[smem:$0x3FA8] =	sst s4  }
0xd: {  	[smem:$0x3FA9] =	sst s5  }
0xe: {  	[smem:$0x3FAA] =	sst s6  }
0xf: {  	[smem:$0x3FAB] =	sst s7  }
0x10: {  	[smem:$0x3FAC] =	sst s8  }
0x11: {  	[smem:$0x3FAD] =	sst s9;
	s0 =	simm.s32 @!p0 $0x0  }
0x12: {  	s1 =	sld [smem:$0x3F93];
	s0 =	simm.s32 @p0 $0x1  }
0x13: {  	[smem:$0x3FAE] =	sst s0;
	s0 =	simm.s32 @!p1 $0x0  }
0x14: {  	s2 =	sld [smem:$0x3F92];
	s0 =	simm.s32 @p1 $0x1  }
0x15: {  	[smem:$0x3FAF] =	sst s0;
	s0 =	simm.s32 @!p2 $0x0  }
0x16: {  	s3 =	sld [smem:$0x3FDB];
	s0 =	simm.s32 @p2 $0x1  }
0x17: {  	s4 =	simm.s32 $0x1BF5;
	[smem:$0x3FB1] =	sst s0  }
0x18: {  	s0 =	sld [smem:$0x3F94];
	_ =	swait.ge [sflag:s4], $0x0  }
0x19: {  	s7 =	sld [smem:$0x3F95]  }
0x1a: {  	s8 =	sadd.s32 $0xFFFFE003, lr  }
0x1b: {  	s9 =	sadd.s32 $0xFFFFFEF7, lr;
	s5 =	simm.s32 $0xFFFFFFFF;
	p2 =	slt.u32 s8, $0xFFFFF086  }
0x1c: {  	p1 =	slt.u32 s9, $0xF7A;
	s5 =	simm.s32 @!p2 $0x0  }
0x1d: {  	s5 =	simm.s32 @p1 $0x1;
	p0 =	seq.s32 s7, s2  }
0x1e: {  	s7 =	smul.u32 @!p0 $0xF7A, s2;
	p2 =	seq.s32 @!p0 s5, $0x0  }
0x1f: {  	s9 =	smul.u32 $0xF7A, s1;
	s8 =	simm.s32 @!p0 $0x1BF5;
	p2 =	por !p2, p0  }
0x20: {  	[sflag:s8] =	ssyncset.s32 @!p0 $0xFFFFF086;
	s6 =	sadd.s32 @!p0 s3, s7;
	s7 =	simm.s32 @!p0 $0x108  }
0x21: {  	s3 =	sadd.s32 s3, s9;
	s6 =	sadd.s32 @!p0 $0x88, s6;
	s7 =	simm.s32 @p2 $0x1082  }
0x22: {  	[simem:s7], [sflag:s8] =	dma.local @!p0 [hbm:s6], $0xF7A  }
0x23: {  	s9 =	sor.u32 $0xD0000000, s2;
	s6 =	simm.s32 $0x108;
	_ =	swait.ge @!p0 [sflag:s8], $0x0  }
0x24: {  	s3 =	sadd.s32 $0x88, s3;
	s6 =	simm.s32 @!p1 $0x1082;
	[sflag:s4] =	ssyncset.s32 $0xFFFFF086  }
0x25: {  	[simem:s6], [sflag:s4] =	dma.local [hbm:s3], $0xF7A  }
0x26: {  	[smem:$0x3F95] =	sst s1;
	(tag) =	ssettag s2;
	_ =	strace s9  }
0x27: {  	s1 =	sld [smem:$0x3FA5]  }
0x28: {  	s2 =	sld [smem:$0x3FA6]  }
0x29: {  	s4 =	sld [smem:$0x3FA8]  }
0x2a: {  	p0 =	seq.s32 s5, $0x0;
	s5 =	sld [smem:$0x3FA9]  }
0x2b: {  	s6 =	sld [smem:$0x3FAA]  }
0x2c: {  	s7 =	sld [smem:$0x3FAB]  }
0x2d: {  	s3 =	simm.s32 $0x108;
	s8 =	sld [smem:$0x3FAC]  }
0x2e: {  	s3 =	simm.s32 @!p0 $0x1082;
	s9 =	sld [smem:$0x3FAD]  }
0x2f: {  	lr =	sadd.s32 s0, s3;
	s0 =	sld [smem:$0x3FA4]  }
0x30: {  	s3 =	sld [smem:$0x3FA7]  }
0x31: {  	[smem:$0x3FB0] =	sst s10  }
0x32: {  	s10 =	sld [smem:$0x3FAE];
	_ =	sdelay $0x3  }
0x33: {  	p0 =	seq.s32 s10, $0x1;
	s10 =	sld [smem:$0x3FB0];
	_ =	sdelay $0x3  }
0x34: {  	[smem:$0x3FB0] =	sst s10  }
0x35: {  	s10 =	sld [smem:$0x3FAF];
	_ =	sdelay $0x3  }
0x36: {  	p1 =	seq.s32 s10, $0x1;
	s10 =	sld [smem:$0x3FB0];
	_ =	sdelay $0x3  }
0x37: {  	[smem:$0x3FB0] =	sst s10  }
0x38: {  	s10 =	sld [smem:$0x3FB1]  }
0x39: {  	_ = 	snop;
	(pc) =	sbr.ind lr, $3  }
0x3a: {  	_ = 	snop  }
0x3b: {  	_ = 	snop  }
0x3c: {  	p2 =	seq.s32 s10, $0x1;
	s10 =	sld [smem:$0x3FB0]  }
0x3d: {  	_ =	shalt  }
0x3e: {  	_ =	shalt  }
0x3f: {  	_ =	shalt  }
0x40: {  	_ =	shalt  }
0x41: {  	_ =	shalt  }
0x42: {  	_ =	shalt  }
0x43: {  	_ =	shalt  }
0x44: {  	_ =	shalt  }
0x45: {  	_ =	shalt  }
0x46: {  	_ =	shalt  }
0x47: {  	_ =	shalt  }
0x48: {  	_ =	shalt  }
0x49: {  	_ =	shalt  }
0x4a: {  	_ =	shalt  }
0x4b: {  	_ =	shalt  }
0x4c: {  	_ =	shalt  }
0x4d: {  	_ =	shalt  }
0x4e: {  	_ =	shalt  }
0x4f: {  	_ =	shalt  }
0x50: {  	_ =	shalt  }
0x51: {  	_ =	shalt  }
0x52: {  	_ =	shalt  }
0x53: {  	_ =	shalt  }
0x54: {  	_ =	shalt  }
0x55: {  	_ =	shalt  }
0x56: {  	_ =	shalt  }
0x57: {  	_ =	shalt  }
0x58: {  	_ =	shalt  }
0x59: {  	_ =	shalt  }
0x5a: {  	_ =	shalt  }
0x5b: {  	_ =	shalt  }
0x5c: {  	_ =	shalt  }
0x5d: {  	_ =	shalt  }
0x5e: {  	_ =	shalt  }
0x5f: {  	_ =	shalt  }
0x60: {  	_ =	shalt  }
0x61: {  	_ =	shalt  }
0x62: {  	_ =	shalt  }
0x63: {  	_ =	shalt  }
0x64: {  	_ =	shalt  }
0x65: {  	_ =	shalt  }
0x66: {  	_ =	shalt  }
0x67: {  	_ =	shalt  }
0x68: {  	_ =	shalt  }
0x69: {  	_ =	shalt  }
0x6a: {  	_ =	shalt  }
0x6b: {  	_ =	shalt  }
0x6c: {  	_ =	shalt  }
0x6d: {  	_ =	shalt  }
0x6e: {  	_ =	shalt  }
0x6f: {  	_ =	shalt  }
0x70: {  	_ =	shalt  }
0x71: {  	_ =	shalt  }
0x72: {  	_ =	shalt  }
0x73: {  	_ =	shalt  }
0x74: {  	_ =	shalt  }
0x75: {  	_ =	shalt  }
0x76: {  	_ =	shalt  }
0x77: {  	_ =	shalt  }
0x78: {  	_ =	shalt  }
0x79: {  	_ =	shalt  }
0x7a: {  	_ =	shalt  }
0x7b: {  	_ =	shalt  }
0x7c: {  	_ =	shalt  }
0x7d: {  	_ =	shalt  }
0x7e: {  	_ =	shalt  }
0x7f: {  	_ =	shalt  }
0x80: {  	_ =	shalt  }
0x81: {  	_ =	shalt  }
0x82: {  	_ =	shalt  }
0x83: {  	_ =	shalt  }
0x84: {  	_ =	shalt  }
0x85: {  	_ =	shalt  }
0x86: {  	_ =	shalt  }
0x87: {  	_ =	shalt  }
.Lfunc_end0:
.L_simem_size_0:
called_computation.8_lowered:
.L_overlay_start_0:
0x88: {  	s2 =	sld [smem:$0x3FD9]  }
0x89: {  	s3 =	sld [smem:$0x3FFE];
	_ =	sdelay $0x1  }
0x8a: {  	s1 =	srdreg.scid  }
0x8b: {  	s0 =	sand.u32 $0x1, s1  }
0x8c: {  	s17 =	sshll.u32 s0, $0xA;
	s2 =	sadd.s32 s3, s2  }
0x8d: {  	s2 =	sadd.s32 s2, s17  }
0x8e: {  	[smem:$0x3FBC] =	sst s2  }
0x8f: {  	_ = 	snop  }
0x90: {  	(tm) =	ssettm $0x1  }
0x91: {  	s18 =	sld [smem:$0x3FFB];
	_ =	sdelay $0x3  }
0x92: {  	_ =	strace s18  }
0x93: {  	s2 =	sld [smem:$0x3FFC];
	_ =	sdelay $0x3  }
0x94: {  	_ =	strace s2  }
0x95: {  	s2 =	sld [smem:$0x3FFD];
	_ =	sdelay $0x3  }
0x96: {  	_ =	strace s2  }
0x97: {  	_ =	strace $0x8FFFFFFF  }
0x98: {  	s19 =	sld [smem:$0x3FDB];
	_ =	sdelay $0x1  }
0x99: {  	s20 =	simm.s32 $_scs_section_size  }
0x9a: {  	s4 =	simm.s32 $_size__tile_overlayer_lowered;
	s5 =	simm.s32 $_tile_overlayer_lowered  }
0x9b: {  	s6 =	simm.s32 $0x1BFF;
	s21 =	sshll.u32 s5, $0x1;
	s3 =	sadd.s32 s20, s19  }
0x9c: {  	s22 =	simm.s32 $0x0;
	s4 =	sshll.u32 s4, $0x1;
	s5 =	sadd.s32 s21, s3  }
0x9d: {  	[timem:s22], [sflag:s6] =	dma.local [hbm:s5], s4  }
0x9e: {  	_ =	swait.ge [sflag:s6], s4  }
0x9f: {  	s4 =	ssub.s32 $0x0, s4;
	[sflag:s6] =	ssyncset.done $0x0  }
0xa0: {  	[sflag:s6] =	ssyncadd.s32 s4;
	_ =	sdelay $0x1  }
0xa1: {  	s23 =	simm.s32 $0x1B8B  }
0xa2: {  	_ =	swait.ge [sflag:s23], $0x1  }
0xa3: {  	[sflag:s23] =	ssyncset.done $0x0  }
0xa4: {  	[sflag:s23] =	ssyncadd.s32 $0xFFFFFFFF  }
0xa5: {  	s4 =	sld [smem:$0x0]  }
0xa6: {  	s5 =	sand.u32 $0xFFFFFFFE, s1  }
0xa7: {  	p0 =	sne.s32 s1, s5  }
0xa8: {  	s5 =	sshll.u32 @p0 s5, $0xE  }
0xa9: {  	s5 =	sadd.s32 @p0 $0x11B8D, s5;
	s6 =	sshll.u32 @p0 s4, $0x11  }
0xaa: {  	s5 =	sor.u32 @p0 s6, s5  }
0xab: {  	[sflag:s5] =	ssyncadd.remote.s32 @p0 $0x1;
	_ =	sdelay $0x1  }
0xac: {  	s5 =	simm.s32 @p0 $0x1B8D  }
0xad: {  	_ =	swait.eq @p0 [sflag:s5], $0x1  }
0xae: {  	[sflag:s5] =	ssyncadd.s32 @p0 $0xFFFFFFFF  }
0xaf: {  	s6 =	sshll.u32 @!p0 s1, $0xE  }
0xb0: {  	s6 =	sor.u32 @!p0 $0x4000, s6;
	s5 =	simm.s32 @!p0 $0x1B8D  }
0xb1: {  	s4 =	sshll.u32 @!p0 s4, $0x11;
	s6 =	sadd.s32 @!p0 $0x11B8D, s6;
	_ =	swait.eq @!p0 [sflag:s5], $0x1  }
0xb2: {  	s4 =	sor.u32 @!p0 s4, s6;
	[sflag:s5] =	ssyncadd.s32 @!p0 $0xFFFFFFFF  }
0xb3: {  	s25 =	simm.s32 $0x1B8E;
	s24 =	sld [smem:$0x3FFE];
	[sflag:s4] =	ssyncadd.remote.s32 @!p0 $0x1  }
0xb4: {  	s26 =	simm.s32 $execute0_lowered;
	[smem:$0x3FD2] =	sst s25  }
0xb5: {  	s5 =	sshll.u32 s26, $0x1;
	_ =	strace $0x8000005E;
	[dreg:$0x1] =	wrdreg $0xFFFFFFFF  }
0xb6: {  	s28 =	simm.s32 $_size_execute0_lowered;
	s3 =	sadd.s32 s3, s5;
	[dreg:$0x0] =	wrdreg $0x0  }
0xb7: {  	s5 =	sshll.u32 s28, $0x1;
	[dreg:$0x2] =	wrdreg s3  }
0xb8: {  	[dreg:$0x3] =	wrdreg s5  }
0xb9: {  	[dreg:$0x4] =	wrdreg $0xC0  }
0xba: {  	_ =	task [dreg:s22], $0x5FFFF  }
0xbb: {  	[dreg:$0x1] =	wrdreg $0xFFFFFFFF  }
0xbc: {  	[dreg:$0x0] =	wrdreg $0x60  }
0xbd: {  	[dreg:$0x2] =	wrdreg s24  }
0xbe: {  	[dreg:$0x3] =	wrdreg $0xA  }
0xbf: {  	_ =	task.clear_ibuf [dreg:s22], $0x4FFFF;
	_ =	strace $0x9000005E  }
0xc0: {  	s29 =	simm.s32 $0xA;
	_ =	strace $0x80000060  }
0xc1: {  	_ =	swait.ge [sflag:s29], $0x1  }
0xc2: {  	[sflag:s29] =	ssyncadd.s32 $0xFFFFFFFF  }
0xc3: {  	_ =	strace $0x90000060  }
0xc4: {  	_ =	sfence  }
0xc5: {  	s30 =	sld [smem:$0x0];
	_ =	sdelay $0x2  }
0xc6: {  	s31 =	sshll.u32 s1, $0xD;
	s1 =	sshrl.u32 s1, $0x2  }
0xc7: {  	s4 =	sand.u32 $0x4000, s31;
	s1 =	sadd.s32 s1, s30  }
0xc8: {  	s0 =	sor.u32 s4, s0;
	s1 =	sshll.u32 s1, $0x11  }
0xc9: {  	s0 =	sor.u32 s1, s0  }
0xca: {  	s0 =	sadd.s32 $0x8F2B, s0  }
0xcb: {  	[sflag:s0] =	ssyncadd.remote.s32 $0x1  }
0xcc: {  	_ =	sfence.sel $0xFFFF  }
0xcd: {  	[dreg:$0x0] =	wrdreg $0xFFFFFFFF;
	(pc) =	sbr.abs _section_cstart, $3  }
0xce: {  	[dreg:$0x1] =	wrdreg $0xFFFFFFFF  }
0xcf: {  	_ =	task.clear_ibuf [dreg:s22], $0x2FFFF;
	_ =	strace $0x9FFFFFFF  }
0xd0: {  	(tm) =	ssettm $0x7FFFFFFF  }
0xd1: {  	_ =	shalt  }
tec
execute0_lowered:
.L_overlay_start_1:
0x0: {  	(tag) =	ssettag $0x1  }
0x1: {  	s1 =	srdreg.scid;
	s0 =	stileid.u32  }
0x2: {  	s13 =	sand.u32 $0x1, s1;
	s29 =	sshll.u32 s0, $0x1  }
0x3: {  	s14 =	sor.u32 s13, s29  }
0x4: {  	s15 =	rddreg [dreg:$0x0];
	s3 =	smul.u32 $0x28, s14  }
0x5: {  	s2 =	simm.s32 $0x0;
	s1 =	rddreg [dreg:$0x1]  }
0x6: {  	[smem:$0x7FF] =	sst s2;
	s3 =	sadd.s32 s3, s15  }
0x7: {  	_ =	strace $0x8000005F;
	s4 =	sadd.s32 $0x64200, s3;
	s3 =	simm.s32 $0x2  }
0x8: {  	[tilespmem:s2], [sflag:$0x2] =	stream.linear.gather [hbm4b:s4+s2], $0x140, $0x38;
	[tilespmem:$0xA180] =	vst v63  }
0x9: {  	_ =	swait.ge [sflag:s3], $0x140  }
0xa: {  	s6 =	simm.s32 $0x80;
	[sflag:s3] =	ssyncset.done $0x0  }
0xb: {  	s7 =	simm.s32 $0x180;
	s5 =	sadd.s32 $0x4AFA00, s15;
	[sflag:s3] =	ssyncadd.s32 $0xFFFFFEC0  }
0xc: {  	[tilespmem:s7], [sflag:$0x1] =	stream.indirect.gather [hbm4b:s5+s6], $0x80, s2, s6, $0xb8;
	[tilespmem:$0xA180] =	vst v63  }
0xd: {  	s8 =	simm.s32 $0x4180;
	s9 =	simm.s32 $0x40  }
0xe: {  	[tilespmem:s8], [sflag:$0x1] =	stream.indirect.gather [hbm4b:s5+s6], $0x80, s6, s6, $0xb8;
	[tilespmem:$0xA180] =	vst v63  }
0xf: {  	s10 =	simm.s32 $0x100;
	s11 =	simm.s32 $0x8180;
	s12 =	simm.s32 $0x1  }
0x10: {  	[tilespmem:s11], [sflag:$0x1] =	stream.indirect.gather [hbm4b:s5+s9], $0x80, s10, s9, $0xb8;
	[tilespmem:$0xA180] =	vst v63  }
0x11: {  	_ =	swait.ge [sflag:s12], $0x4000  }
0x12: {  	[sflag:s12] =	ssyncset.done $0x0  }
0x13: {  	s13 =	ssub.s32 $0x2, s13;
	[sflag:s12] =	ssyncadd.s32 $0xFFFFC000  }
0x14: {  	s16 =	sshrl.u32 s13, $0x1;
	_ =	swait.ge [sflag:s12], $0x4000  }
0x15: {  	s30 =	ssub.s32 s13, s16;
	[sflag:s12] =	ssyncset.done $0x0  }
0x16: {  	s14 =	smul.u32 $0x1400, s14;
	s31 =	smax.u32 s30, $0x1;
	[sflag:s12] =	ssyncadd.s32 $0xFFFFC000  }
0x17: {  	p0 =	sne.s32 s31, $0x1;
	_ =	swait.ge [sflag:s12], $0x2000  }
.Ltmp0:
0x18: {  	s14 =	sadd.s32 s14, s15;
	[sflag:s12] =	ssyncset.done $0x0;
	(pc) =	sbr.rel @!p0 .LBB2_2-.Ltmp0, $4  }
0x19: {  	s13 =	sadd.s32 $0x13600, s14;
	[sflag:s12] =	ssyncadd.s32 $0xFFFFE000  }
0x1a: {  	[hbm4b:s13+s2] =	stream.linear.scatter [tilespmem:s7], [sflag:$0x2], $0xA000, $0x38;
	[tilespmem:$0xA180] =	vst v63  }
0x1b: {  	_ =	swait.ge [sflag:s3], $0xA000  }
0x1c: {  	s14 =	sadd.s32 $0xFFFFFFFF, s31;
	[sflag:s3] =	ssyncset.done $0x0  }
.LBB2_1:
0x1d: {  	p0 =	sne.s32 s14, $0x1;
	s14 =	sadd.s32 $0xFFFFFFFF, s14;
	[sflag:s3] =	ssyncadd.s32 $0xFFFF6000  }
0x1e: {  	[tilespmem:s2], [sflag:$0x2] =	stream.linear.gather [hbm4b:s4+s2], $0x140, $0x38;
	[tilespmem:$0xA180] =	vst v63  }
0x1f: {  	_ =	swait.ge [sflag:s3], $0x140  }
0x20: {  	[sflag:s3] =	ssyncset.done $0x0  }
0x21: {  	[sflag:s3] =	ssyncadd.s32 $0xFFFFFEC0  }
0x22: {  	[tilespmem:s7], [sflag:$0x1] =	stream.indirect.gather [hbm4b:s5+s6], $0x80, s2, s6, $0xb8;
	[tilespmem:$0xA180] =	vst v63  }
0x23: {  	_ = 	snop  }
0x24: {  	[tilespmem:s8], [sflag:$0x1] =	stream.indirect.gather [hbm4b:s5+s6], $0x80, s6, s6, $0xb8;
	[tilespmem:$0xA180] =	vst v63  }
0x25: {  	_ = 	snop  }
0x26: {  	[tilespmem:s11], [sflag:$0x1] =	stream.indirect.gather [hbm4b:s5+s9], $0x80, s10, s9, $0xb8;
	[tilespmem:$0xA180] =	vst v63  }
0x27: {  	_ =	swait.ge [sflag:s12], $0x4000  }
0x28: {  	[sflag:s12] =	ssyncset.done $0x0  }
0x29: {  	[sflag:s12] =	ssyncadd.s32 $0xFFFFC000  }
0x2a: {  	_ =	swait.ge [sflag:s12], $0x4000  }
0x2b: {  	[sflag:s12] =	ssyncset.done $0x0  }
0x2c: {  	[sflag:s12] =	ssyncadd.s32 $0xFFFFC000  }
0x2d: {  	_ =	swait.ge [sflag:s12], $0x2000  }
.Ltmp1:
0x2e: {  	[sflag:s12] =	ssyncset.done $0x0;
	(pc) =	sbr.rel @p0 .LBB2_1-.Ltmp1, $4  }
0x2f: {  	[sflag:s12] =	ssyncadd.s32 $0xFFFFE000  }
0x30: {  	[hbm4b:s13+s2] =	stream.linear.scatter [tilespmem:s7], [sflag:$0x2], $0xA000, $0x38;
	[tilespmem:$0xA180] =	vst v63  }
0x31: {  	_ =	swait.ge [sflag:s3], $0xA000  }
0x32: {  	[sflag:s3] =	ssyncset.done $0x0  }
.LBB2_2:
0x33: {  	[sflag:s3] =	ssyncadd.s32 $0xFFFF6000  }
0x34: {  	_ =	sfence.sel $0x180000  }
0x35: {  	[bflag:$0x0] =	sbarrier.arrive $0xFFFF  }
0x36: {  	p0 =	sne.s32 s0, $0x0;
	_ =	strace $0x9000005F  }
0x37: {  	s0 =	sadd.s32 @!p0 $0x100000, s1;
	[bflag:$0x2] =	sbarrier.arrive $0xFFFF  }
0x38: {  	[sflag:s0] =	ssyncadd.tile.s32 @!p0 $0x1;
	_ =	shalt  }
.Lfunc_end2:
_tile_overlayer_lowered:
.L_overlay_start_2:
0x39: {  	(tag) =	ssettag $0x2  }
0x3a: {  	s0 =	rddreg [dreg:$0x0];
	s2 =	stileid.u32  }
0x3b: {  	s1 =	rddreg [dreg:$0x1];
	p0 =	sne.s32 s2, $0x0  }
0x3c: {  	s3 =	rddreg [dreg:$0x2];
	[bflag:$0x3] =	sbarrier.arrive $0xFFFF;
	s2 =	simm.s32 @!p0 $0x1C02  }
0x3d: {  	[timem:s3], [sflag:s2] =	dma.local @!p0 [hbm:s0], s1  }
0x3e: {  	s0 =	simm.s32 @!p0 $0x2  }
0x3f: {  	_ =	swait.ge @!p0 [sflag:s0], s1  }
0x40: {  	s1 =	ssub.s32 @!p0 $0x0, s1;
	[sflag:s0] =	ssyncset.done @!p0 $0x0  }
0x41: {  	[sflag:s0] =	ssyncadd.s32 @!p0 s1  }
0x42: {  	[bflag:$0x3] =	sbarrier.arrive $0xFFFF  }
0x43: {  	_ =	shalt  }

// kernel: kernel.62.cloned.1.call-start
scs
__scs_entry_jumppad:
0x0: {  	(pc) =	sbr.rel $0x88, $3  }
0x1: {  	(tag) =	ssettag $0x0;
	lr =	simm.s32 $0x1  }
0x2: {  	[smem:$0x3F95] =	sst lr;
	_ =	strace $0xD0000000  }
0x3: {  	_ = 	snop  }
0x4: {  	_ = 	snop  }
0x5: {  	_ = 	snop  }
0x6: {  	_ = 	snop  }
0x7: {  	_ = 	snop  }
__scs_overlays_trampoline_lowered:
0x8: {  	[smem:$0x3FA4] =	sst s0  }
0x9: {  	[smem:$0x3FA5] =	sst s1  }
0xa: {  	[smem:$0x3FA6] =	sst s2  }
0xb: {  	[smem:$0x3FA7] =	sst s3  }
0xc: {  	[smem:$0x3FA8] =	sst s4  }
0xd: {  	[smem:$0x3FA9] =	sst s5  }
0xe: {  	[smem:$0x3FAA] =	sst s6  }
0xf: {  	[smem:$0x3FAB] =	sst s7  }
0x10: {  	[smem:$0x3FAC] =	sst s8  }
0x11: {  	[smem:$0x3FAD] =	sst s9;
	s0 =	simm.s32 @!p0 $0x0  }
0x12: {  	s1 =	sld [smem:$0x3F93];
	s0 =	simm.s32 @p0 $0x1  }
0x13: {  	[smem:$0x3FAE] =	sst s0;
	s0 =	simm.s32 @!p1 $0x0  }
0x14: {  	s2 =	sld [smem:$0x3F92];
	s0 =	simm.s32 @p1 $0x1  }
0x15: {  	[smem:$0x3FAF] =	sst s0;
	s0 =	simm.s32 @!p2 $0x0  }
0x16: {  	s3 =	sld [smem:$0x3FDB];
	s0 =	simm.s32 @p2 $0x1  }
0x17: {  	s4 =	simm.s32 $0x1BF5;
	[smem:$0x3FB1] =	sst s0  }
0x18: {  	s0 =	sld [smem:$0x3F94];
	_ =	swait.ge [sflag:s4], $0x0  }
0x19: {  	s7 =	sld [smem:$0x3F95]  }
0x1a: {  	s8 =	sadd.s32 $0xFFFFE003, lr  }
0x1b: {  	s9 =	sadd.s32 $0xFFFFFEF7, lr;
	s5 =	simm.s32 $0xFFFFFFFF;
	p2 =	slt.u32 s8, $0xFFFFF086  }
0x1c: {  	p1 =	slt.u32 s9, $0xF7A;
	s5 =	simm.s32 @!p2 $0x0  }
0x1d: {  	s5 =	simm.s32 @p1 $0x1;
	p0 =	seq.s32 s7, s2  }
0x1e: {  	s7 =	smul.u32 @!p0 $0xF7A, s2;
	p2 =	seq.s32 @!p0 s5, $0x0  }
0x1f: {  	s9 =	smul.u32 $0xF7A, s1;
	s8 =	simm.s32 @!p0 $0x1BF5;
	p2 =	por !p2, p0  }
0x20: {  	[sflag:s8] =	ssyncset.s32 @!p0 $0xFFFFF086;
	s6 =	sadd.s32 @!p0 s3, s7;
	s7 =	simm.s32 @!p0 $0x108  }
0x21: {  	s3 =	sadd.s32 s3, s9;
	s6 =	sadd.s32 @!p0 $0x88, s6;
	s7 =	simm.s32 @p2 $0x1082  }
0x22: {  	[simem:s7], [sflag:s8] =	dma.local @!p0 [hbm:s6], $0xF7A  }
0x23: {  	s9 =	sor.u32 $0xD0000000, s2;
	s6 =	simm.s32 $0x108;
	_ =	swait.ge @!p0 [sflag:s8], $0x0  }
0x24: {  	s3 =	sadd.s32 $0x88, s3;
	s6 =	simm.s32 @!p1 $0x1082;
	[sflag:s4] =	ssyncset.s32 $0xFFFFF086  }
0x25: {  	[simem:s6], [sflag:s4] =	dma.local [hbm:s3], $0xF7A  }
0x26: {  	[smem:$0x3F95] =	sst s1;
	(tag) =	ssettag s2;
	_ =	strace s9  }
0x27: {  	s1 =	sld [smem:$0x3FA5]  }
0x28: {  	s2 =	sld [smem:$0x3FA6]  }
0x29: {  	s4 =	sld [smem:$0x3FA8]  }
0x2a: {  	p0 =	seq.s32 s5, $0x0;
	s5 =	sld [smem:$0x3FA9]  }
0x2b: {  	s6 =	sld [smem:$0x3FAA]  }
0x2c: {  	s7 =	sld [smem:$0x3FAB]  }
0x2d: {  	s3 =	simm.s32 $0x108;
	s8 =	sld [smem:$0x3FAC]  }
0x2e: {  	s3 =	simm.s32 @!p0 $0x1082;
	s9 =	sld [smem:$0x3FAD]  }
0x2f: {  	lr =	sadd.s32 s0, s3;
	s0 =	sld [smem:$0x3FA4]  }
0x30: {  	s3 =	sld [smem:$0x3FA7]  }
0x31: {  	[smem:$0x3FB0] =	sst s10  }
0x32: {  	s10 =	sld [smem:$0x3FAE];
	_ =	sdelay $0x3  }
0x33: {  	p0 =	seq.s32 s10, $0x1;
	s10 =	sld [smem:$0x3FB0];
	_ =	sdelay $0x3  }
0x34: {  	[smem:$0x3FB0] =	sst s10  }
0x35: {  	s10 =	sld [smem:$0x3FAF];
	_ =	sdelay $0x3  }
0x36: {  	p1 =	seq.s32 s10, $0x1;
	s10 =	sld [smem:$0x3FB0];
	_ =	sdelay $0x3  }
0x37: {  	[smem:$0x3FB0] =	sst s10  }
0x38: {  	s10 =	sld [smem:$0x3FB1]  }
0x39: {  	_ = 	snop;
	(pc) =	sbr.ind lr, $3  }
0x3a: {  	_ = 	snop  }
0x3b: {  	_ = 	snop  }
0x3c: {  	p2 =	seq.s32 s10, $0x1;
	s10 =	sld [smem:$0x3FB0]  }
0x3d: {  	_ =	shalt  }
0x3e: {  	_ =	shalt  }
0x3f: {  	_ =	shalt  }
0x40: {  	_ =	shalt  }
0x41: {  	_ =	shalt  }
0x42: {  	_ =	shalt  }
0x43: {  	_ =	shalt  }
0x44: {  	_ =	shalt  }
0x45: {  	_ =	shalt  }
0x46: {  	_ =	shalt  }
0x47: {  	_ =	shalt  }
0x48: {  	_ =	shalt  }
0x49: {  	_ =	shalt  }
0x4a: {  	_ =	shalt  }
0x4b: {  	_ =	shalt  }
0x4c: {  	_ =	shalt  }
0x4d: {  	_ =	shalt  }
0x4e: {  	_ =	shalt  }
0x4f: {  	_ =	shalt  }
0x50: {  	_ =	shalt  }
0x51: {  	_ =	shalt  }
0x52: {  	_ =	shalt  }
0x53: {  	_ =	shalt  }
0x54: {  	_ =	shalt  }
0x55: {  	_ =	shalt  }
0x56: {  	_ =	shalt  }
0x57: {  	_ =	shalt  }
0x58: {  	_ =	shalt  }
0x59: {  	_ =	shalt  }
0x5a: {  	_ =	shalt  }
0x5b: {  	_ =	shalt  }
0x5c: {  	_ =	shalt  }
0x5d: {  	_ =	shalt  }
0x5e: {  	_ =	shalt  }
0x5f: {  	_ =	shalt  }
0x60: {  	_ =	shalt  }
0x61: {  	_ =	shalt  }
0x62: {  	_ =	shalt  }
0x63: {  	_ =	shalt  }
0x64: {  	_ =	shalt  }
0x65: {  	_ =	shalt  }
0x66: {  	_ =	shalt  }
0x67: {  	_ =	shalt  }
0x68: {  	_ =	shalt  }
0x69: {  	_ =	shalt  }
0x6a: {  	_ =	shalt  }
0x6b: {  	_ =	shalt  }
0x6c: {  	_ =	shalt  }
0x6d: {  	_ =	shalt  }
0x6e: {  	_ =	shalt  }
0x6f: {  	_ =	shalt  }
0x70: {  	_ =	shalt  }
0x71: {  	_ =	shalt  }
0x72: {  	_ =	shalt  }
0x73: {  	_ =	shalt  }
0x74: {  	_ =	shalt  }
0x75: {  	_ =	shalt  }
0x76: {  	_ =	shalt  }
0x77: {  	_ =	shalt  }
0x78: {  	_ =	shalt  }
0x79: {  	_ =	shalt  }
0x7a: {  	_ =	shalt  }
0x7b: {  	_ =	shalt  }
0x7c: {  	_ =	shalt  }
0x7d: {  	_ =	shalt  }
0x7e: {  	_ =	shalt  }
0x7f: {  	_ =	shalt  }
0x80: {  	_ =	shalt  }
0x81: {  	_ =	shalt  }
0x82: {  	_ =	shalt  }
0x83: {  	_ =	shalt  }
0x84: {  	_ =	shalt  }
0x85: {  	_ =	shalt  }
0x86: {  	_ =	shalt  }
0x87: {  	_ =	shalt  }
.Lfunc_end0:
.L_simem_size_0:
called_computation.9_lowered:
.L_overlay_start_0:
0x88: {  	s2 =	sld [smem:$0x3FD9]  }
0x89: {  	s3 =	sld [smem:$0x3FFE];
	_ =	sdelay $0x1  }
0x8a: {  	s1 =	srdreg.scid  }
0x8b: {  	s0 =	sand.u32 $0x1, s1  }
0x8c: {  	s17 =	sshll.u32 s0, $0xA;
	s2 =	sadd.s32 s3, s2  }
0x8d: {  	s2 =	sadd.s32 s2, s17  }
0x8e: {  	[smem:$0x3FBC] =	sst s2  }
0x8f: {  	_ = 	snop  }
0x90: {  	(tm) =	ssettm $0x1  }
0x91: {  	s18 =	sld [smem:$0x3FFB];
	_ =	sdelay $0x3  }
0x92: {  	_ =	strace s18  }
0x93: {  	s2 =	sld [smem:$0x3FFC];
	_ =	sdelay $0x3  }
0x94: {  	_ =	strace s2  }
0x95: {  	s2 =	sld [smem:$0x3FFD];
	_ =	sdelay $0x3  }
0x96: {  	_ =	strace s2  }
0x97: {  	_ =	strace $0x8FFFFFFF  }
0x98: {  	s19 =	sld [smem:$0x3FDB];
	_ =	sdelay $0x1  }
0x99: {  	s20 =	simm.s32 $_scs_section_size  }
0x9a: {  	s4 =	simm.s32 $_size__tile_overlayer_lowered;
	s5 =	simm.s32 $_tile_overlayer_lowered  }
0x9b: {  	s6 =	simm.s32 $0x1BFF;
	s21 =	sshll.u32 s5, $0x1;
	s3 =	sadd.s32 s20, s19  }
0x9c: {  	s22 =	simm.s32 $0x0;
	s4 =	sshll.u32 s4, $0x1;
	s5 =	sadd.s32 s21, s3  }
0x9d: {  	[timem:s22], [sflag:s6] =	dma.local [hbm:s5], s4  }
0x9e: {  	_ =	swait.ge [sflag:s6], s4  }
0x9f: {  	s4 =	ssub.s32 $0x0, s4;
	[sflag:s6] =	ssyncset.done $0x0  }
0xa0: {  	[sflag:s6] =	ssyncadd.s32 s4;
	_ =	sdelay $0x1  }
0xa1: {  	s23 =	simm.s32 $0x1B8B  }
0xa2: {  	_ =	swait.ge [sflag:s23], $0x1  }
0xa3: {  	[sflag:s23] =	ssyncset.done $0x0  }
0xa4: {  	[sflag:s23] =	ssyncadd.s32 $0xFFFFFFFF  }
0xa5: {  	s4 =	sld [smem:$0x0]  }
0xa6: {  	s5 =	sand.u32 $0xFFFFFFFE, s1  }
0xa7: {  	p0 =	sne.s32 s1, s5  }
0xa8: {  	s5 =	sshll.u32 @p0 s5, $0xE  }
0xa9: {  	s5 =	sadd.s32 @p0 $0x11B8D, s5;
	s6 =	sshll.u32 @p0 s4, $0x11  }
0xaa: {  	s5 =	sor.u32 @p0 s6, s5  }
0xab: {  	[sflag:s5] =	ssyncadd.remote.s32 @p0 $0x1;
	_ =	sdelay $0x1  }
0xac: {  	s5 =	simm.s32 @p0 $0x1B8D  }
0xad: {  	_ =	swait.eq @p0 [sflag:s5], $0x1  }
0xae: {  	[sflag:s5] =	ssyncadd.s32 @p0 $0xFFFFFFFF  }
0xaf: {  	s6 =	sshll.u32 @!p0 s1, $0xE  }
0xb0: {  	s6 =	sor.u32 @!p0 $0x4000, s6;
	s5 =	simm.s32 @!p0 $0x1B8D  }
0xb1: {  	s4 =	sshll.u32 @!p0 s4, $0x11;
	s6 =	sadd.s32 @!p0 $0x11B8D, s6;
	_ =	swait.eq @!p0 [sflag:s5], $0x1  }
0xb2: {  	s4 =	sor.u32 @!p0 s4, s6;
	[sflag:s5] =	ssyncadd.s32 @!p0 $0xFFFFFFFF  }
0xb3: {  	s25 =	simm.s32 $0x1B8E;
	s24 =	sld [smem:$0x3FFE];
	[sflag:s4] =	ssyncadd.remote.s32 @!p0 $0x1  }
0xb4: {  	s26 =	simm.s32 $execute0_lowered;
	[smem:$0x3FD2] =	sst s25  }
0xb5: {  	s5 =	sshll.u32 s26, $0x1;
	_ =	strace $0x80000061;
	[dreg:$0x1] =	wrdreg $0xFFFFFFFF  }
0xb6: {  	s28 =	simm.s32 $_size_execute0_lowered;
	s3 =	sadd.s32 s3, s5;
	[dreg:$0x0] =	wrdreg $0x0  }
0xb7: {  	s5 =	sshll.u32 s28, $0x1;
	[dreg:$0x2] =	wrdreg s3  }
0xb8: {  	[dreg:$0x3] =	wrdreg s5  }
0xb9: {  	[dreg:$0x4] =	wrdreg $0xC0  }
0xba: {  	_ =	task [dreg:s22], $0x5FFFF  }
0xbb: {  	[dreg:$0x1] =	wrdreg $0xFFFFFFFF  }
0xbc: {  	[dreg:$0x0] =	wrdreg $0x60  }
0xbd: {  	[dreg:$0x2] =	wrdreg s24  }
0xbe: {  	[dreg:$0x3] =	wrdreg $0x9  }
0xbf: {  	_ =	task.clear_ibuf [dreg:s22], $0x4FFFF;
	_ =	strace $0x90000061  }
0xc0: {  	s29 =	simm.s32 $0x9;
	_ =	strace $0x80000063  }
0xc1: {  	_ =	swait.ge [sflag:s29], $0x1  }
0xc2: {  	[sflag:s29] =	ssyncadd.s32 $0xFFFFFFFF  }
0xc3: {  	_ =	strace $0x90000063  }
0xc4: {  	_ =	sfence  }
0xc5: {  	s30 =	sld [smem:$0x0];
	_ =	sdelay $0x2  }
0xc6: {  	s31 =	sshll.u32 s1, $0xD;
	s1 =	sshrl.u32 s1, $0x2  }
0xc7: {  	s4 =	sand.u32 $0x4000, s31;
	s1 =	sadd.s32 s1, s30  }
0xc8: {  	s0 =	sor.u32 s4, s0;
	s1 =	sshll.u32 s1, $0x11  }
0xc9: {  	s0 =	sor.u32 s1, s0  }
0xca: {  	s0 =	sadd.s32 $0x8F2B, s0  }
0xcb: {  	[sflag:s0] =	ssyncadd.remote.s32 $0x1  }
0xcc: {  	_ =	sfence.sel $0xFFFF  }
0xcd: {  	[dreg:$0x0] =	wrdreg $0xFFFFFFFF;
	(pc) =	sbr.abs _section_cstart, $3  }
0xce: {  	[dreg:$0x1] =	wrdreg $0xFFFFFFFF  }
0xcf: {  	_ =	task.clear_ibuf [dreg:s22], $0x2FFFF;
	_ =	strace $0x9FFFFFFF  }
0xd0: {  	(tm) =	ssettm $0x7FFFFFFF  }
0xd1: {  	_ =	shalt  }
tec
execute0_lowered:
.L_overlay_start_1:
0x0: {  	(tag) =	ssettag $0x1  }
0x1: {  	s1 =	srdreg.scid;
	s0 =	stileid.u32  }
0x2: {  	s13 =	sand.u32 $0x1, s1;
	s29 =	sshll.u32 s0, $0x1  }
0x3: {  	s14 =	sor.u32 s13, s29  }
0x4: {  	s15 =	rddreg [dreg:$0x0];
	s3 =	smul.u32 $0x28, s14  }
0x5: {  	s2 =	simm.s32 $0x0;
	s1 =	rddreg [dreg:$0x1]  }
0x6: {  	[smem:$0x7FF] =	sst s2;
	s3 =	sadd.s32 s3, s15  }
0x7: {  	_ =	strace $0x80000062;
	s4 =	sadd.s32 $0x64800, s3;
	s3 =	simm.s32 $0x2  }
0x8: {  	[tilespmem:s2], [sflag:$0x2] =	stream.linear.gather [hbm4b:s4+s2], $0x140, $0x38;
	[tilespmem:$0xA180] =	vst v63  }
0x9: {  	_ =	swait.ge [sflag:s3], $0x140  }
0xa: {  	s6 =	simm.s32 $0x80;
	[sflag:s3] =	ssyncset.done $0x0  }
0xb: {  	s7 =	simm.s32 $0x180;
	s5 =	sadd.s32 $0x4AFA00, s15;
	[sflag:s3] =	ssyncadd.s32 $0xFFFFFEC0  }
0xc: {  	[tilespmem:s7], [sflag:$0x1] =	stream.indirect.gather [hbm4b:s5+s6], $0x80, s2, s6, $0xb8;
	[tilespmem:$0xA180] =	vst v63  }
0xd: {  	s8 =	simm.s32 $0x4180;
	s9 =	simm.s32 $0x40  }
0xe: {  	[tilespmem:s8], [sflag:$0x1] =	stream.indirect.gather [hbm4b:s5+s6], $0x80, s6, s6, $0xb8;
	[tilespmem:$0xA180] =	vst v63  }
0xf: {  	s10 =	simm.s32 $0x100;
	s11 =	simm.s32 $0x8180;
	s12 =	simm.s32 $0x1  }
0x10: {  	[tilespmem:s11], [sflag:$0x1] =	stream.indirect.gather [hbm4b:s5+s9], $0x80, s10, s9, $0xb8;
	[tilespmem:$0xA180] =	vst v63  }
0x11: {  	_ =	swait.ge [sflag:s12], $0x4000  }
0x12: {  	[sflag:s12] =	ssyncset.done $0x0  }
0x13: {  	s13 =	ssub.s32 $0x2, s13;
	[sflag:s12] =	ssyncadd.s32 $0xFFFFC000  }
0x14: {  	s16 =	sshrl.u32 s13, $0x1;
	_ =	swait.ge [sflag:s12], $0x4000  }
0x15: {  	s30 =	ssub.s32 s13, s16;
	[sflag:s12] =	ssyncset.done $0x0  }
0x16: {  	s14 =	smul.u32 $0x1400, s14;
	s31 =	smax.u32 s30, $0x1;
	[sflag:s12] =	ssyncadd.s32 $0xFFFFC000  }
0x17: {  	p0 =	sne.s32 s31, $0x1;
	_ =	swait.ge [sflag:s12], $0x2000  }
.Ltmp0:
0x18: {  	s14 =	sadd.s32 s14, s15;
	[sflag:s12] =	ssyncset.done $0x0;
	(pc) =	sbr.rel @!p0 .LBB2_2-.Ltmp0, $4  }
0x19: {  	s13 =	sadd.s32 $0x3C200, s14;
	[sflag:s12] =	ssyncadd.s32 $0xFFFFE000  }
0x1a: {  	[hbm4b:s13+s2] =	stream.linear.scatter [tilespmem:s7], [sflag:$0x2], $0xA000, $0x38;
	[tilespmem:$0xA180] =	vst v63  }
0x1b: {  	_ =	swait.ge [sflag:s3], $0xA000  }
0x1c: {  	s14 =	sadd.s32 $0xFFFFFFFF, s31;
	[sflag:s3] =	ssyncset.done $0x0  }
.LBB2_1:
0x1d: {  	p0 =	sne.s32 s14, $0x1;
	s14 =	sadd.s32 $0xFFFFFFFF, s14;
	[sflag:s3] =	ssyncadd.s32 $0xFFFF6000  }
0x1e: {  	[tilespmem:s2], [sflag:$0x2] =	stream.linear.gather [hbm4b:s4+s2], $0x140, $0x38;
	[tilespmem:$0xA180] =	vst v63  }
0x1f: {  	_ =	swait.ge [sflag:s3], $0x140  }
0x20: {  	[sflag:s3] =	ssyncset.done $0x0  }
0x21: {  	[sflag:s3] =	ssyncadd.s32 $0xFFFFFEC0  }
0x22: {  	[tilespmem:s7], [sflag:$0x1] =	stream.indirect.gather [hbm4b:s5+s6], $0x80, s2, s6, $0xb8;
	[tilespmem:$0xA180] =	vst v63  }
0x23: {  	_ = 	snop  }
0x24: {  	[tilespmem:s8], [sflag:$0x1] =	stream.indirect.gather [hbm4b:s5+s6], $0x80, s6, s6, $0xb8;
	[tilespmem:$0xA180] =	vst v63  }
0x25: {  	_ = 	snop  }
0x26: {  	[tilespmem:s11], [sflag:$0x1] =	stream.indirect.gather [hbm4b:s5+s9], $0x80, s10, s9, $0xb8;
	[tilespmem:$0xA180] =	vst v63  }
0x27: {  	_ =	swait.ge [sflag:s12], $0x4000  }
0x28: {  	[sflag:s12] =	ssyncset.done $0x0  }
0x29: {  	[sflag:s12] =	ssyncadd.s32 $0xFFFFC000  }
0x2a: {  	_ =	swait.ge [sflag:s12], $0x4000  }
0x2b: {  	[sflag:s12] =	ssyncset.done $0x0  }
0x2c: {  	[sflag:s12] =	ssyncadd.s32 $0xFFFFC000  }
0x2d: {  	_ =	swait.ge [sflag:s12], $0x2000  }
.Ltmp1:
0x2e: {  	[sflag:s12] =	ssyncset.done $0x0;
	(pc) =	sbr.rel @p0 .LBB2_1-.Ltmp1, $4  }
0x2f: {  	[sflag:s12] =	ssyncadd.s32 $0xFFFFE000  }
0x30: {  	[hbm4b:s13+s2] =	stream.linear.scatter [tilespmem:s7], [sflag:$0x2], $0xA000, $0x38;
	[tilespmem:$0xA180] =	vst v63  }
0x31: {  	_ =	swait.ge [sflag:s3], $0xA000  }
0x32: {  	[sflag:s3] =	ssyncset.done $0x0  }
.LBB2_2:
0x33: {  	[sflag:s3] =	ssyncadd.s32 $0xFFFF6000  }
0x34: {  	_ =	sfence.sel $0x180000  }
0x35: {  	[bflag:$0x0] =	sbarrier.arrive $0xFFFF  }
0x36: {  	p0 =	sne.s32 s0, $0x0;
	_ =	strace $0x90000062  }
0x37: {  	s0 =	sadd.s32 @!p0 $0x100000, s1;
	[bflag:$0x2] =	sbarrier.arrive $0xFFFF  }
0x38: {  	[sflag:s0] =	ssyncadd.tile.s32 @!p0 $0x1;
	_ =	shalt  }
.Lfunc_end2:
_tile_overlayer_lowered:
.L_overlay_start_2:
0x39: {  	(tag) =	ssettag $0x2  }
0x3a: {  	s0 =	rddreg [dreg:$0x0];
	s2 =	stileid.u32  }
0x3b: {  	s1 =	rddreg [dreg:$0x1];
	p0 =	sne.s32 s2, $0x0  }
0x3c: {  	s3 =	rddreg [dreg:$0x2];
	[bflag:$0x3] =	sbarrier.arrive $0xFFFF;
	s2 =	simm.s32 @!p0 $0x1C02  }
0x3d: {  	[timem:s3], [sflag:s2] =	dma.local @!p0 [hbm:s0], s1  }
0x3e: {  	s0 =	simm.s32 @!p0 $0x2  }
0x3f: {  	_ =	swait.ge @!p0 [sflag:s0], s1  }
0x40: {  	s1 =	ssub.s32 @!p0 $0x0, s1;
	[sflag:s0] =	ssyncset.done @!p0 $0x0  }
0x41: {  	[sflag:s0] =	ssyncadd.s32 @!p0 s1  }
0x42: {  	[bflag:$0x3] =	sbarrier.arrive $0xFFFF  }
0x43: {  	_ =	shalt  }

// kernel: kernel.65.cloned.1.call-start
scs
__scs_entry_jumppad:
0x0: {  	(pc) =	sbr.rel $0x88, $3  }
0x1: {  	(tag) =	ssettag $0x0;
	lr =	simm.s32 $0x1  }
0x2: {  	[smem:$0x3F95] =	sst lr;
	_ =	strace $0xD0000000  }
0x3: {  	_ = 	snop  }
0x4: {  	_ = 	snop  }
0x5: {  	_ = 	snop  }
0x6: {  	_ = 	snop  }
0x7: {  	_ = 	snop  }
__scs_overlays_trampoline_lowered:
0x8: {  	[smem:$0x3FA4] =	sst s0  }
0x9: {  	[smem:$0x3FA5] =	sst s1  }
0xa: {  	[smem:$0x3FA6] =	sst s2  }
0xb: {  	[smem:$0x3FA7] =	sst s3  }
0xc: {  	[smem:$0x3FA8] =	sst s4  }
0xd: {  	[smem:$0x3FA9] =	sst s5  }
0xe: {  	[smem:$0x3FAA] =	sst s6  }
0xf: {  	[smem:$0x3FAB] =	sst s7  }
0x10: {  	[smem:$0x3FAC] =	sst s8  }
0x11: {  	[smem:$0x3FAD] =	sst s9;
	s0 =	simm.s32 @!p0 $0x0  }
0x12: {  	s1 =	sld [smem:$0x3F93];
	s0 =	simm.s32 @p0 $0x1  }
0x13: {  	[smem:$0x3FAE] =	sst s0;
	s0 =	simm.s32 @!p1 $0x0  }
0x14: {  	s2 =	sld [smem:$0x3F92];
	s0 =	simm.s32 @p1 $0x1  }
0x15: {  	[smem:$0x3FAF] =	sst s0;
	s0 =	simm.s32 @!p2 $0x0  }
0x16: {  	s3 =	sld [smem:$0x3FDB];
	s0 =	simm.s32 @p2 $0x1  }
0x17: {  	s4 =	simm.s32 $0x1BF5;
	[smem:$0x3FB1] =	sst s0  }
0x18: {  	s0 =	sld [smem:$0x3F94];
	_ =	swait.ge [sflag:s4], $0x0  }
0x19: {  	s7 =	sld [smem:$0x3F95]  }
0x1a: {  	s8 =	sadd.s32 $0xFFFFE003, lr  }
0x1b: {  	s9 =	sadd.s32 $0xFFFFFEF7, lr;
	s5 =	simm.s32 $0xFFFFFFFF;
	p2 =	slt.u32 s8, $0xFFFFF086  }
0x1c: {  	p1 =	slt.u32 s9, $0xF7A;
	s5 =	simm.s32 @!p2 $0x0  }
0x1d: {  	s5 =	simm.s32 @p1 $0x1;
	p0 =	seq.s32 s7, s2  }
0x1e: {  	s7 =	smul.u32 @!p0 $0xF7A, s2;
	p2 =	seq.s32 @!p0 s5, $0x0  }
0x1f: {  	s9 =	smul.u32 $0xF7A, s1;
	s8 =	simm.s32 @!p0 $0x1BF5;
	p2 =	por !p2, p0  }
0x20: {  	[sflag:s8] =	ssyncset.s32 @!p0 $0xFFFFF086;
	s6 =	sadd.s32 @!p0 s3, s7;
	s7 =	simm.s32 @!p0 $0x108  }
0x21: {  	s3 =	sadd.s32 s3, s9;
	s6 =	sadd.s32 @!p0 $0x88, s6;
	s7 =	simm.s32 @p2 $0x1082  }
0x22: {  	[simem:s7], [sflag:s8] =	dma.local @!p0 [hbm:s6], $0xF7A  }
0x23: {  	s9 =	sor.u32 $0xD0000000, s2;
	s6 =	simm.s32 $0x108;
	_ =	swait.ge @!p0 [sflag:s8], $0x0  }
0x24: {  	s3 =	sadd.s32 $0x88, s3;
	s6 =	simm.s32 @!p1 $0x1082;
	[sflag:s4] =	ssyncset.s32 $0xFFFFF086  }
0x25: {  	[simem:s6], [sflag:s4] =	dma.local [hbm:s3], $0xF7A  }
0x26: {  	[smem:$0x3F95] =	sst s1;
	(tag) =	ssettag s2;
	_ =	strace s9  }
0x27: {  	s1 =	sld [smem:$0x3FA5]  }
0x28: {  	s2 =	sld [smem:$0x3FA6]  }
0x29: {  	s4 =	sld [smem:$0x3FA8]  }
0x2a: {  	p0 =	seq.s32 s5, $0x0;
	s5 =	sld [smem:$0x3FA9]  }
0x2b: {  	s6 =	sld [smem:$0x3FAA]  }
0x2c: {  	s7 =	sld [smem:$0x3FAB]  }
0x2d: {  	s3 =	simm.s32 $0x108;
	s8 =	sld [smem:$0x3FAC]  }
0x2e: {  	s3 =	simm.s32 @!p0 $0x1082;
	s9 =	sld [smem:$0x3FAD]  }
0x2f: {  	lr =	sadd.s32 s0, s3;
	s0 =	sld [smem:$0x3FA4]  }
0x30: {  	s3 =	sld [smem:$0x3FA7]  }
0x31: {  	[smem:$0x3FB0] =	sst s10  }
0x32: {  	s10 =	sld [smem:$0x3FAE];
	_ =	sdelay $0x3  }
0x33: {  	p0 =	seq.s32 s10, $0x1;
	s10 =	sld [smem:$0x3FB0];
	_ =	sdelay $0x3  }
0x34: {  	[smem:$0x3FB0] =	sst s10  }
0x35: {  	s10 =	sld [smem:$0x3FAF];
	_ =	sdelay $0x3  }
0x36: {  	p1 =	seq.s32 s10, $0x1;
	s10 =	sld [smem:$0x3FB0];
	_ =	sdelay $0x3  }
0x37: {  	[smem:$0x3FB0] =	sst s10  }
0x38: {  	s10 =	sld [smem:$0x3FB1]  }
0x39: {  	_ = 	snop;
	(pc) =	sbr.ind lr, $3  }
0x3a: {  	_ = 	snop  }
0x3b: {  	_ = 	snop  }
0x3c: {  	p2 =	seq.s32 s10, $0x1;
	s10 =	sld [smem:$0x3FB0]  }
0x3d: {  	_ =	shalt  }
0x3e: {  	_ =	shalt  }
0x3f: {  	_ =	shalt  }
0x40: {  	_ =	shalt  }
0x41: {  	_ =	shalt  }
0x42: {  	_ =	shalt  }
0x43: {  	_ =	shalt  }
0x44: {  	_ =	shalt  }
0x45: {  	_ =	shalt  }
0x46: {  	_ =	shalt  }
0x47: {  	_ =	shalt  }
0x48: {  	_ =	shalt  }
0x49: {  	_ =	shalt  }
0x4a: {  	_ =	shalt  }
0x4b: {  	_ =	shalt  }
0x4c: {  	_ =	shalt  }
0x4d: {  	_ =	shalt  }
0x4e: {  	_ =	shalt  }
0x4f: {  	_ =	shalt  }
0x50: {  	_ =	shalt  }
0x51: {  	_ =	shalt  }
0x52: {  	_ =	shalt  }
0x53: {  	_ =	shalt  }
0x54: {  	_ =	shalt  }
0x55: {  	_ =	shalt  }
0x56: {  	_ =	shalt  }
0x57: {  	_ =	shalt  }
0x58: {  	_ =	shalt  }
0x59: {  	_ =	shalt  }
0x5a: {  	_ =	shalt  }
0x5b: {  	_ =	shalt  }
0x5c: {  	_ =	shalt  }
0x5d: {  	_ =	shalt  }
0x5e: {  	_ =	shalt  }
0x5f: {  	_ =	shalt  }
0x60: {  	_ =	shalt  }
0x61: {  	_ =	shalt  }
0x62: {  	_ =	shalt  }
0x63: {  	_ =	shalt  }
0x64: {  	_ =	shalt  }
0x65: {  	_ =	shalt  }
0x66: {  	_ =	shalt  }
0x67: {  	_ =	shalt  }
0x68: {  	_ =	shalt  }
0x69: {  	_ =	shalt  }
0x6a: {  	_ =	shalt  }
0x6b: {  	_ =	shalt  }
0x6c: {  	_ =	shalt  }
0x6d: {  	_ =	shalt  }
0x6e: {  	_ =	shalt  }
0x6f: {  	_ =	shalt  }
0x70: {  	_ =	shalt  }
0x71: {  	_ =	shalt  }
0x72: {  	_ =	shalt  }
0x73: {  	_ =	shalt  }
0x74: {  	_ =	shalt  }
0x75: {  	_ =	shalt  }
0x76: {  	_ =	shalt  }
0x77: {  	_ =	shalt  }
0x78: {  	_ =	shalt  }
0x79: {  	_ =	shalt  }
0x7a: {  	_ =	shalt  }
0x7b: {  	_ =	shalt  }
0x7c: {  	_ =	shalt  }
0x7d: {  	_ =	shalt  }
0x7e: {  	_ =	shalt  }
0x7f: {  	_ =	shalt  }
0x80: {  	_ =	shalt  }
0x81: {  	_ =	shalt  }
0x82: {  	_ =	shalt  }
0x83: {  	_ =	shalt  }
0x84: {  	_ =	shalt  }
0x85: {  	_ =	shalt  }
0x86: {  	_ =	shalt  }
0x87: {  	_ =	shalt  }
.Lfunc_end0:
.L_simem_size_0:
called_computation.10_lowered:
.L_overlay_start_0:
0x88: {  	s2 =	sld [smem:$0x3FD9]  }
0x89: {  	s3 =	sld [smem:$0x3FFE];
	_ =	sdelay $0x1  }
0x8a: {  	s1 =	srdreg.scid  }
0x8b: {  	s0 =	sand.u32 $0x1, s1  }
0x8c: {  	s17 =	sshll.u32 s0, $0xA;
	s2 =	sadd.s32 s3, s2  }
0x8d: {  	s2 =	sadd.s32 s2, s17  }
0x8e: {  	[smem:$0x3FBC] =	sst s2  }
0x8f: {  	_ = 	snop  }
0x90: {  	(tm) =	ssettm $0x1  }
0x91: {  	s18 =	sld [smem:$0x3FFB];
	_ =	sdelay $0x3  }
0x92: {  	_ =	strace s18  }
0x93: {  	s2 =	sld [smem:$0x3FFC];
	_ =	sdelay $0x3  }
0x94: {  	_ =	strace s2  }
0x95: {  	s2 =	sld [smem:$0x3FFD];
	_ =	sdelay $0x3  }
0x96: {  	_ =	strace s2  }
0x97: {  	_ =	strace $0x8FFFFFFF  }
0x98: {  	s19 =	sld [smem:$0x3FDB];
	_ =	sdelay $0x1  }
0x99: {  	s20 =	simm.s32 $_scs_section_size  }
0x9a: {  	s4 =	simm.s32 $_size__tile_overlayer_lowered;
	s5 =	simm.s32 $_tile_overlayer_lowered  }
0x9b: {  	s6 =	simm.s32 $0x1BFF;
	s21 =	sshll.u32 s5, $0x1;
	s3 =	sadd.s32 s20, s19  }
0x9c: {  	s22 =	simm.s32 $0x0;
	s4 =	sshll.u32 s4, $0x1;
	s5 =	sadd.s32 s21, s3  }
0x9d: {  	[timem:s22], [sflag:s6] =	dma.local [hbm:s5], s4  }
0x9e: {  	_ =	swait.ge [sflag:s6], s4  }
0x9f: {  	s4 =	ssub.s32 $0x0, s4;
	[sflag:s6] =	ssyncset.done $0x0  }
0xa0: {  	[sflag:s6] =	ssyncadd.s32 s4;
	_ =	sdelay $0x1  }
0xa1: {  	s23 =	simm.s32 $0x1B8B  }
0xa2: {  	_ =	swait.ge [sflag:s23], $0x1  }
0xa3: {  	[sflag:s23] =	ssyncset.done $0x0  }
0xa4: {  	[sflag:s23] =	ssyncadd.s32 $0xFFFFFFFF  }
0xa5: {  	s4 =	sld [smem:$0x0]  }
0xa6: {  	s5 =	sand.u32 $0xFFFFFFFE, s1  }
0xa7: {  	p0 =	sne.s32 s1, s5  }
0xa8: {  	s5 =	sshll.u32 @p0 s5, $0xE  }
0xa9: {  	s5 =	sadd.s32 @p0 $0x11B8D, s5;
	s6 =	sshll.u32 @p0 s4, $0x11  }
0xaa: {  	s5 =	sor.u32 @p0 s6, s5  }
0xab: {  	[sflag:s5] =	ssyncadd.remote.s32 @p0 $0x1;
	_ =	sdelay $0x1  }
0xac: {  	s5 =	simm.s32 @p0 $0x1B8D  }
0xad: {  	_ =	swait.eq @p0 [sflag:s5], $0x1  }
0xae: {  	[sflag:s5] =	ssyncadd.s32 @p0 $0xFFFFFFFF  }
0xaf: {  	s6 =	sshll.u32 @!p0 s1, $0xE  }
0xb0: {  	s6 =	sor.u32 @!p0 $0x4000, s6;
	s5 =	simm.s32 @!p0 $0x1B8D  }
0xb1: {  	s4 =	sshll.u32 @!p0 s4, $0x11;
	s6 =	sadd.s32 @!p0 $0x11B8D, s6;
	_ =	swait.eq @!p0 [sflag:s5], $0x1  }
0xb2: {  	s4 =	sor.u32 @!p0 s4, s6;
	[sflag:s5] =	ssyncadd.s32 @!p0 $0xFFFFFFFF  }
0xb3: {  	s25 =	simm.s32 $0x1B8E;
	s24 =	sld [smem:$0x3FFE];
	[sflag:s4] =	ssyncadd.remote.s32 @!p0 $0x1  }
0xb4: {  	s26 =	simm.s32 $execute0_lowered;
	[smem:$0x3FD2] =	sst s25  }
0xb5: {  	s5 =	sshll.u32 s26, $0x1;
	_ =	strace $0x80000064;
	[dreg:$0x1] =	wrdreg $0xFFFFFFFF  }
0xb6: {  	s28 =	simm.s32 $_size_execute0_lowered;
	s3 =	sadd.s32 s3, s5;
	[dreg:$0x0] =	wrdreg $0x0  }
0xb7: {  	s5 =	sshll.u32 s28, $0x1;
	[dreg:$0x2] =	wrdreg s3  }
0xb8: {  	[dreg:$0x3] =	wrdreg s5  }
0xb9: {  	[dreg:$0x4] =	wrdreg $0xC0  }
0xba: {  	_ =	task [dreg:s22], $0x5FFFF  }
0xbb: {  	[dreg:$0x1] =	wrdreg $0xFFFFFFFF  }
0xbc: {  	[dreg:$0x0] =	wrdreg $0x60  }
0xbd: {  	[dreg:$0x2] =	wrdreg s24  }
0xbe: {  	[dreg:$0x3] =	wrdreg $0xA  }
0xbf: {  	_ =	task.clear_ibuf [dreg:s22], $0x4FFFF;
	_ =	strace $0x90000064  }
0xc0: {  	s29 =	simm.s32 $0xA;
	_ =	strace $0x80000066  }
0xc1: {  	_ =	swait.ge [sflag:s29], $0x1  }
0xc2: {  	[sflag:s29] =	ssyncadd.s32 $0xFFFFFFFF  }
0xc3: {  	_ =	strace $0x90000066  }
0xc4: {  	_ =	sfence  }
0xc5: {  	s30 =	sld [smem:$0x0];
	_ =	sdelay $0x2  }
0xc6: {  	s31 =	sshll.u32 s1, $0xD;
	s1 =	sshrl.u32 s1, $0x2  }
0xc7: {  	s4 =	sand.u32 $0x4000, s31;
	s1 =	sadd.s32 s1, s30  }
0xc8: {  	s0 =	sor.u32 s4, s0;
	s1 =	sshll.u32 s1, $0x11  }
0xc9: {  	s0 =	sor.u32 s1, s0  }
0xca: {  	s0 =	sadd.s32 $0x8F2B, s0  }
0xcb: {  	[sflag:s0] =	ssyncadd.remote.s32 $0x1  }
0xcc: {  	_ =	sfence.sel $0xFFFF  }
0xcd: {  	[dreg:$0x0] =	wrdreg $0xFFFFFFFF;
	(pc) =	sbr.abs _section_cstart, $3  }
0xce: {  	[dreg:$0x1] =	wrdreg $0xFFFFFFFF  }
0xcf: {  	_ =	task.clear_ibuf [dreg:s22], $0x2FFFF;
	_ =	strace $0x9FFFFFFF  }
0xd0: {  	(tm) =	ssettm $0x7FFFFFFF  }
0xd1: {  	_ =	shalt  }
tec
execute0_lowered:
.L_overlay_start_1:
0x0: {  	(tag) =	ssettag $0x1  }
0x1: {  	s1 =	srdreg.scid;
	s0 =	stileid.u32  }
0x2: {  	s13 =	sand.u32 $0x1, s1;
	s29 =	sshll.u32 s0, $0x1  }
0x3: {  	s14 =	sor.u32 s13, s29  }
0x4: {  	s15 =	rddreg [dreg:$0x0];
	s3 =	smul.u32 $0x28, s14  }
0x5: {  	s2 =	simm.s32 $0x0;
	s1 =	rddreg [dreg:$0x1]  }
0x6: {  	[smem:$0x7FF] =	sst s2;
	s3 =	sadd.s32 s3, s15  }
0x7: {  	_ =	strace $0x80000065;
	s4 =	sadd.s32 $0x64E00, s3;
	s3 =	simm.s32 $0x2  }
0x8: {  	[tilespmem:s2], [sflag:$0x2] =	stream.linear.gather [hbm4b:s4+s2], $0x140, $0x38;
	[tilespmem:$0xA180] =	vst v63  }
0x9: {  	_ =	swait.ge [sflag:s3], $0x140  }
0xa: {  	s6 =	simm.s32 $0x80;
	[sflag:s3] =	ssyncset.done $0x0  }
0xb: {  	s7 =	simm.s32 $0x180;
	s5 =	sadd.s32 $0x4AFA00, s15;
	[sflag:s3] =	ssyncadd.s32 $0xFFFFFEC0  }
0xc: {  	[tilespmem:s7], [sflag:$0x1] =	stream.indirect.gather [hbm4b:s5+s6], $0x80, s2, s6, $0xb8;
	[tilespmem:$0xA180] =	vst v63  }
0xd: {  	s8 =	simm.s32 $0x4180;
	s9 =	simm.s32 $0x40  }
0xe: {  	[tilespmem:s8], [sflag:$0x1] =	stream.indirect.gather [hbm4b:s5+s6], $0x80, s6, s6, $0xb8;
	[tilespmem:$0xA180] =	vst v63  }
0xf: {  	s10 =	simm.s32 $0x100;
	s11 =	simm.s32 $0x8180;
	s12 =	simm.s32 $0x1  }
0x10: {  	[tilespmem:s11], [sflag:$0x1] =	stream.indirect.gather [hbm4b:s5+s9], $0x80, s10, s9, $0xb8;
	[tilespmem:$0xA180] =	vst v63  }
0x11: {  	_ =	swait.ge [sflag:s12], $0x4000  }
0x12: {  	[sflag:s12] =	ssyncset.done $0x0  }
0x13: {  	s13 =	ssub.s32 $0x2, s13;
	[sflag:s12] =	ssyncadd.s32 $0xFFFFC000  }
0x14: {  	s16 =	sshrl.u32 s13, $0x1;
	_ =	swait.ge [sflag:s12], $0x4000  }
0x15: {  	s30 =	ssub.s32 s13, s16;
	[sflag:s12] =	ssyncset.done $0x0  }
0x16: {  	s14 =	smul.u32 $0x1400, s14;
	s31 =	smax.u32 s30, $0x1;
	[sflag:s12] =	ssyncadd.s32 $0xFFFFC000  }
0x17: {  	p0 =	sne.s32 s31, $0x1;
	_ =	swait.ge [sflag:s12], $0x2000  }
.Ltmp0:
0x18: {  	s14 =	sadd.s32 s14, s15;
	[sflag:s12] =	ssyncset.done $0x0;
	(pc) =	sbr.rel @!p0 .LBB2_2-.Ltmp0, $4  }
0x19: {  	s13 =	sadd.s32 $0x13600, s14;
	[sflag:s12] =	ssyncadd.s32 $0xFFFFE000  }
0x1a: {  	[hbm4b:s13+s2] =	stream.linear.scatter [tilespmem:s7], [sflag:$0x2], $0xA000, $0x38;
	[tilespmem:$0xA180] =	vst v63  }
0x1b: {  	_ =	swait.ge [sflag:s3], $0xA000  }
0x1c: {  	s14 =	sadd.s32 $0xFFFFFFFF, s31;
	[sflag:s3] =	ssyncset.done $0x0  }
.LBB2_1:
0x1d: {  	p0 =	sne.s32 s14, $0x1;
	s14 =	sadd.s32 $0xFFFFFFFF, s14;
	[sflag:s3] =	ssyncadd.s32 $0xFFFF6000  }
0x1e: {  	[tilespmem:s2], [sflag:$0x2] =	stream.linear.gather [hbm4b:s4+s2], $0x140, $0x38;
	[tilespmem:$0xA180] =	vst v63  }
0x1f: {  	_ =	swait.ge [sflag:s3], $0x140  }
0x20: {  	[sflag:s3] =	ssyncset.done $0x0  }
0x21: {  	[sflag:s3] =	ssyncadd.s32 $0xFFFFFEC0  }
0x22: {  	[tilespmem:s7], [sflag:$0x1] =	stream.indirect.gather [hbm4b:s5+s6], $0x80, s2, s6, $0xb8;
	[tilespmem:$0xA180] =	vst v63  }
0x23: {  	_ = 	snop  }
0x24: {  	[tilespmem:s8], [sflag:$0x1] =	stream.indirect.gather [hbm4b:s5+s6], $0x80, s6, s6, $0xb8;
	[tilespmem:$0xA180] =	vst v63  }
0x25: {  	_ = 	snop  }
0x26: {  	[tilespmem:s11], [sflag:$0x1] =	stream.indirect.gather [hbm4b:s5+s9], $0x80, s10, s9, $0xb8;
	[tilespmem:$0xA180] =	vst v63  }
0x27: {  	_ =	swait.ge [sflag:s12], $0x4000  }
0x28: {  	[sflag:s12] =	ssyncset.done $0x0  }
0x29: {  	[sflag:s12] =	ssyncadd.s32 $0xFFFFC000  }
0x2a: {  	_ =	swait.ge [sflag:s12], $0x4000  }
0x2b: {  	[sflag:s12] =	ssyncset.done $0x0  }
0x2c: {  	[sflag:s12] =	ssyncadd.s32 $0xFFFFC000  }
0x2d: {  	_ =	swait.ge [sflag:s12], $0x2000  }
.Ltmp1:
0x2e: {  	[sflag:s12] =	ssyncset.done $0x0;
	(pc) =	sbr.rel @p0 .LBB2_1-.Ltmp1, $4  }
0x2f: {  	[sflag:s12] =	ssyncadd.s32 $0xFFFFE000  }
0x30: {  	[hbm4b:s13+s2] =	stream.linear.scatter [tilespmem:s7], [sflag:$0x2], $0xA000, $0x38;
	[tilespmem:$0xA180] =	vst v63  }
0x31: {  	_ =	swait.ge [sflag:s3], $0xA000  }
0x32: {  	[sflag:s3] =	ssyncset.done $0x0  }
.LBB2_2:
0x33: {  	[sflag:s3] =	ssyncadd.s32 $0xFFFF6000  }
0x34: {  	_ =	sfence.sel $0x180000  }
0x35: {  	[bflag:$0x0] =	sbarrier.arrive $0xFFFF  }
0x36: {  	p0 =	sne.s32 s0, $0x0;
	_ =	strace $0x90000065  }
0x37: {  	s0 =	sadd.s32 @!p0 $0x100000, s1;
	[bflag:$0x2] =	sbarrier.arrive $0xFFFF  }
0x38: {  	[sflag:s0] =	ssyncadd.tile.s32 @!p0 $0x1;
	_ =	shalt  }
.Lfunc_end2:
_tile_overlayer_lowered:
.L_overlay_start_2:
0x39: {  	(tag) =	ssettag $0x2  }
0x3a: {  	s0 =	rddreg [dreg:$0x0];
	s2 =	stileid.u32  }
0x3b: {  	s1 =	rddreg [dreg:$0x1];
	p0 =	sne.s32 s2, $0x0  }
0x3c: {  	s3 =	rddreg [dreg:$0x2];
	[bflag:$0x3] =	sbarrier.arrive $0xFFFF;
	s2 =	simm.s32 @!p0 $0x1C02  }
0x3d: {  	[timem:s3], [sflag:s2] =	dma.local @!p0 [hbm:s0], s1  }
0x3e: {  	s0 =	simm.s32 @!p0 $0x2  }
0x3f: {  	_ =	swait.ge @!p0 [sflag:s0], s1  }
0x40: {  	s1 =	ssub.s32 @!p0 $0x0, s1;
	[sflag:s0] =	ssyncset.done @!p0 $0x0  }
0x41: {  	[sflag:s0] =	ssyncadd.s32 @!p0 s1  }
0x42: {  	[bflag:$0x3] =	sbarrier.arrive $0xFFFF  }
0x43: {  	_ =	shalt  }

// kernel: kernel.68.cloned.1.call-start
scs
__scs_entry_jumppad:
0x0: {  	(pc) =	sbr.rel $0x88, $3  }
0x1: {  	(tag) =	ssettag $0x0;
	lr =	simm.s32 $0x1  }
0x2: {  	[smem:$0x3F95] =	sst lr;
	_ =	strace $0xD0000000  }
0x3: {  	_ = 	snop  }
0x4: {  	_ = 	snop  }
0x5: {  	_ = 	snop  }
0x6: {  	_ = 	snop  }
0x7: {  	_ = 	snop  }
__scs_overlays_trampoline_lowered:
0x8: {  	[smem:$0x3FA4] =	sst s0  }
0x9: {  	[smem:$0x3FA5] =	sst s1  }
0xa: {  	[smem:$0x3FA6] =	sst s2  }
0xb: {  	[smem:$0x3FA7] =	sst s3  }
0xc: {  	[smem:$0x3FA8] =	sst s4  }
0xd: {  	[smem:$0x3FA9] =	sst s5  }
0xe: {  	[smem:$0x3FAA] =	sst s6  }
0xf: {  	[smem:$0x3FAB] =	sst s7  }
0x10: {  	[smem:$0x3FAC] =	sst s8  }
0x11: {  	[smem:$0x3FAD] =	sst s9;
	s0 =	simm.s32 @!p0 $0x0  }
0x12: {  	s1 =	sld [smem:$0x3F93];
	s0 =	simm.s32 @p0 $0x1  }
0x13: {  	[smem:$0x3FAE] =	sst s0;
	s0 =	simm.s32 @!p1 $0x0  }
0x14: {  	s2 =	sld [smem:$0x3F92];
	s0 =	simm.s32 @p1 $0x1  }
0x15: {  	[smem:$0x3FAF] =	sst s0;
	s0 =	simm.s32 @!p2 $0x0  }
0x16: {  	s3 =	sld [smem:$0x3FDB];
	s0 =	simm.s32 @p2 $0x1  }
0x17: {  	s4 =	simm.s32 $0x1BF5;
	[smem:$0x3FB1] =	sst s0  }
0x18: {  	s0 =	sld [smem:$0x3F94];
	_ =	swait.ge [sflag:s4], $0x0  }
0x19: {  	s7 =	sld [smem:$0x3F95]  }
0x1a: {  	s8 =	sadd.s32 $0xFFFFE003, lr  }
0x1b: {  	s9 =	sadd.s32 $0xFFFFFEF7, lr;
	s5 =	simm.s32 $0xFFFFFFFF;
	p2 =	slt.u32 s8, $0xFFFFF086  }
0x1c: {  	p1 =	slt.u32 s9, $0xF7A;
	s5 =	simm.s32 @!p2 $0x0  }
0x1d: {  	s5 =	simm.s32 @p1 $0x1;
	p0 =	seq.s32 s7, s2  }
0x1e: {  	s7 =	smul.u32 @!p0 $0xF7A, s2;
	p2 =	seq.s32 @!p0 s5, $0x0  }
0x1f: {  	s9 =	smul.u32 $0xF7A, s1;
	s8 =	simm.s32 @!p0 $0x1BF5;
	p2 =	por !p2, p0  }
0x20: {  	[sflag:s8] =	ssyncset.s32 @!p0 $0xFFFFF086;
	s6 =	sadd.s32 @!p0 s3, s7;
	s7 =	simm.s32 @!p0 $0x108  }
0x21: {  	s3 =	sadd.s32 s3, s9;
	s6 =	sadd.s32 @!p0 $0x88, s6;
	s7 =	simm.s32 @p2 $0x1082  }
0x22: {  	[simem:s7], [sflag:s8] =	dma.local @!p0 [hbm:s6], $0xF7A  }
0x23: {  	s9 =	sor.u32 $0xD0000000, s2;
	s6 =	simm.s32 $0x108;
	_ =	swait.ge @!p0 [sflag:s8], $0x0  }
0x24: {  	s3 =	sadd.s32 $0x88, s3;
	s6 =	simm.s32 @!p1 $0x1082;
	[sflag:s4] =	ssyncset.s32 $0xFFFFF086  }
0x25: {  	[simem:s6], [sflag:s4] =	dma.local [hbm:s3], $0xF7A  }
0x26: {  	[smem:$0x3F95] =	sst s1;
	(tag) =	ssettag s2;
	_ =	strace s9  }
0x27: {  	s1 =	sld [smem:$0x3FA5]  }
0x28: {  	s2 =	sld [smem:$0x3FA6]  }
0x29: {  	s4 =	sld [smem:$0x3FA8]  }
0x2a: {  	p0 =	seq.s32 s5, $0x0;
	s5 =	sld [smem:$0x3FA9]  }
0x2b: {  	s6 =	sld [smem:$0x3FAA]  }
0x2c: {  	s7 =	sld [smem:$0x3FAB]  }
0x2d: {  	s3 =	simm.s32 $0x108;
	s8 =	sld [smem:$0x3FAC]  }
0x2e: {  	s3 =	simm.s32 @!p0 $0x1082;
	s9 =	sld [smem:$0x3FAD]  }
0x2f: {  	lr =	sadd.s32 s0, s3;
	s0 =	sld [smem:$0x3FA4]  }
0x30: {  	s3 =	sld [smem:$0x3FA7]  }
0x31: {  	[smem:$0x3FB0] =	sst s10  }
0x32: {  	s10 =	sld [smem:$0x3FAE];
	_ =	sdelay $0x3  }
0x33: {  	p0 =	seq.s32 s10, $0x1;
	s10 =	sld [smem:$0x3FB0];
	_ =	sdelay $0x3  }
0x34: {  	[smem:$0x3FB0] =	sst s10  }
0x35: {  	s10 =	sld [smem:$0x3FAF];
	_ =	sdelay $0x3  }
0x36: {  	p1 =	seq.s32 s10, $0x1;
	s10 =	sld [smem:$0x3FB0];
	_ =	sdelay $0x3  }
0x37: {  	[smem:$0x3FB0] =	sst s10  }
0x38: {  	s10 =	sld [smem:$0x3FB1]  }
0x39: {  	_ = 	snop;
	(pc) =	sbr.ind lr, $3  }
0x3a: {  	_ = 	snop  }
0x3b: {  	_ = 	snop  }
0x3c: {  	p2 =	seq.s32 s10, $0x1;
	s10 =	sld [smem:$0x3FB0]  }
0x3d: {  	_ =	shalt  }
0x3e: {  	_ =	shalt  }
0x3f: {  	_ =	shalt  }
0x40: {  	_ =	shalt  }
0x41: {  	_ =	shalt  }
0x42: {  	_ =	shalt  }
0x43: {  	_ =	shalt  }
0x44: {  	_ =	shalt  }
0x45: {  	_ =	shalt  }
0x46: {  	_ =	shalt  }
0x47: {  	_ =	shalt  }
0x48: {  	_ =	shalt  }
0x49: {  	_ =	shalt  }
0x4a: {  	_ =	shalt  }
0x4b: {  	_ =	shalt  }
0x4c: {  	_ =	shalt  }
0x4d: {  	_ =	shalt  }
0x4e: {  	_ =	shalt  }
0x4f: {  	_ =	shalt  }
0x50: {  	_ =	shalt  }
0x51: {  	_ =	shalt  }
0x52: {  	_ =	shalt  }
0x53: {  	_ =	shalt  }
0x54: {  	_ =	shalt  }
0x55: {  	_ =	shalt  }
0x56: {  	_ =	shalt  }
0x57: {  	_ =	shalt  }
0x58: {  	_ =	shalt  }
0x59: {  	_ =	shalt  }
0x5a: {  	_ =	shalt  }
0x5b: {  	_ =	shalt  }
0x5c: {  	_ =	shalt  }
0x5d: {  	_ =	shalt  }
0x5e: {  	_ =	shalt  }
0x5f: {  	_ =	shalt  }
0x60: {  	_ =	shalt  }
0x61: {  	_ =	shalt  }
0x62: {  	_ =	shalt  }
0x63: {  	_ =	shalt  }
0x64: {  	_ =	shalt  }
0x65: {  	_ =	shalt  }
0x66: {  	_ =	shalt  }
0x67: {  	_ =	shalt  }
0x68: {  	_ =	shalt  }
0x69: {  	_ =	shalt  }
0x6a: {  	_ =	shalt  }
0x6b: {  	_ =	shalt  }
0x6c: {  	_ =	shalt  }
0x6d: {  	_ =	shalt  }
0x6e: {  	_ =	shalt  }
0x6f: {  	_ =	shalt  }
0x70: {  	_ =	shalt  }
0x71: {  	_ =	shalt  }
0x72: {  	_ =	shalt  }
0x73: {  	_ =	shalt  }
0x74: {  	_ =	shalt  }
0x75: {  	_ =	shalt  }
0x76: {  	_ =	shalt  }
0x77: {  	_ =	shalt  }
0x78: {  	_ =	shalt  }
0x79: {  	_ =	shalt  }
0x7a: {  	_ =	shalt  }
0x7b: {  	_ =	shalt  }
0x7c: {  	_ =	shalt  }
0x7d: {  	_ =	shalt  }
0x7e: {  	_ =	shalt  }
0x7f: {  	_ =	shalt  }
0x80: {  	_ =	shalt  }
0x81: {  	_ =	shalt  }
0x82: {  	_ =	shalt  }
0x83: {  	_ =	shalt  }
0x84: {  	_ =	shalt  }
0x85: {  	_ =	shalt  }
0x86: {  	_ =	shalt  }
0x87: {  	_ =	shalt  }
.Lfunc_end0:
.L_simem_size_0:
called_computation.11_lowered:
.L_overlay_start_0:
0x88: {  	s2 =	sld [smem:$0x3FD9]  }
0x89: {  	s3 =	sld [smem:$0x3FFE];
	_ =	sdelay $0x1  }
0x8a: {  	s1 =	srdreg.scid  }
0x8b: {  	s0 =	sand.u32 $0x1, s1  }
0x8c: {  	s17 =	sshll.u32 s0, $0xA;
	s2 =	sadd.s32 s3, s2  }
0x8d: {  	s2 =	sadd.s32 s2, s17  }
0x8e: {  	[smem:$0x3FBC] =	sst s2  }
0x8f: {  	_ = 	snop  }
0x90: {  	(tm) =	ssettm $0x1  }
0x91: {  	s18 =	sld [smem:$0x3FFB];
	_ =	sdelay $0x3  }
0x92: {  	_ =	strace s18  }
0x93: {  	s2 =	sld [smem:$0x3FFC];
	_ =	sdelay $0x3  }
0x94: {  	_ =	strace s2  }
0x95: {  	s2 =	sld [smem:$0x3FFD];
	_ =	sdelay $0x3  }
0x96: {  	_ =	strace s2  }
0x97: {  	_ =	strace $0x8FFFFFFF  }
0x98: {  	s19 =	sld [smem:$0x3FDB];
	_ =	sdelay $0x1  }
0x99: {  	s20 =	simm.s32 $_scs_section_size  }
0x9a: {  	s4 =	simm.s32 $_size__tile_overlayer_lowered;
	s5 =	simm.s32 $_tile_overlayer_lowered  }
0x9b: {  	s6 =	simm.s32 $0x1BFF;
	s21 =	sshll.u32 s5, $0x1;
	s3 =	sadd.s32 s20, s19  }
0x9c: {  	s22 =	simm.s32 $0x0;
	s4 =	sshll.u32 s4, $0x1;
	s5 =	sadd.s32 s21, s3  }
0x9d: {  	[timem:s22], [sflag:s6] =	dma.local [hbm:s5], s4  }
0x9e: {  	_ =	swait.ge [sflag:s6], s4  }
0x9f: {  	s4 =	ssub.s32 $0x0, s4;
	[sflag:s6] =	ssyncset.done $0x0  }
0xa0: {  	[sflag:s6] =	ssyncadd.s32 s4;
	_ =	sdelay $0x1  }
0xa1: {  	s23 =	simm.s32 $0x1B8B  }
0xa2: {  	_ =	swait.ge [sflag:s23], $0x1  }
0xa3: {  	[sflag:s23] =	ssyncset.done $0x0  }
0xa4: {  	[sflag:s23] =	ssyncadd.s32 $0xFFFFFFFF  }
0xa5: {  	s4 =	sld [smem:$0x0]  }
0xa6: {  	s5 =	sand.u32 $0xFFFFFFFE, s1  }
0xa7: {  	p0 =	sne.s32 s1, s5  }
0xa8: {  	s5 =	sshll.u32 @p0 s5, $0xE  }
0xa9: {  	s5 =	sadd.s32 @p0 $0x11B8D, s5;
	s6 =	sshll.u32 @p0 s4, $0x11  }
0xaa: {  	s5 =	sor.u32 @p0 s6, s5  }
0xab: {  	[sflag:s5] =	ssyncadd.remote.s32 @p0 $0x1;
	_ =	sdelay $0x1  }
0xac: {  	s5 =	simm.s32 @p0 $0x1B8D  }
0xad: {  	_ =	swait.eq @p0 [sflag:s5], $0x1  }
0xae: {  	[sflag:s5] =	ssyncadd.s32 @p0 $0xFFFFFFFF  }
0xaf: {  	s6 =	sshll.u32 @!p0 s1, $0xE  }
0xb0: {  	s6 =	sor.u32 @!p0 $0x4000, s6;
	s5 =	simm.s32 @!p0 $0x1B8D  }
0xb1: {  	s4 =	sshll.u32 @!p0 s4, $0x11;
	s6 =	sadd.s32 @!p0 $0x11B8D, s6;
	_ =	swait.eq @!p0 [sflag:s5], $0x1  }
0xb2: {  	s4 =	sor.u32 @!p0 s4, s6;
	[sflag:s5] =	ssyncadd.s32 @!p0 $0xFFFFFFFF  }
0xb3: {  	s25 =	simm.s32 $0x1B8E;
	s24 =	sld [smem:$0x3FFE];
	[sflag:s4] =	ssyncadd.remote.s32 @!p0 $0x1  }
0xb4: {  	s26 =	simm.s32 $execute0_lowered;
	[smem:$0x3FD2] =	sst s25  }
0xb5: {  	s5 =	sshll.u32 s26, $0x1;
	_ =	strace $0x80000067;
	[dreg:$0x1] =	wrdreg $0xFFFFFFFF  }
0xb6: {  	s28 =	simm.s32 $_size_execute0_lowered;
	s3 =	sadd.s32 s3, s5;
	[dreg:$0x0] =	wrdreg $0x0  }
0xb7: {  	s5 =	sshll.u32 s28, $0x1;
	[dreg:$0x2] =	wrdreg s3  }
0xb8: {  	[dreg:$0x3] =	wrdreg s5  }
0xb9: {  	[dreg:$0x4] =	wrdreg $0xC0  }
0xba: {  	_ =	task [dreg:s22], $0x5FFFF  }
0xbb: {  	[dreg:$0x1] =	wrdreg $0xFFFFFFFF  }
0xbc: {  	[dreg:$0x0] =	wrdreg $0x60  }
0xbd: {  	[dreg:$0x2] =	wrdreg s24  }
0xbe: {  	[dreg:$0x3] =	wrdreg $0x9  }
0xbf: {  	_ =	task.clear_ibuf [dreg:s22], $0x4FFFF;
	_ =	strace $0x90000067  }
0xc0: {  	s29 =	simm.s32 $0x9;
	_ =	strace $0x80000069  }
0xc1: {  	_ =	swait.ge [sflag:s29], $0x1  }
0xc2: {  	[sflag:s29] =	ssyncadd.s32 $0xFFFFFFFF  }
0xc3: {  	_ =	strace $0x90000069  }
0xc4: {  	_ =	sfence  }
0xc5: {  	s30 =	sld [smem:$0x0];
	_ =	sdelay $0x2  }
0xc6: {  	s31 =	sshll.u32 s1, $0xD;
	s1 =	sshrl.u32 s1, $0x2  }
0xc7: {  	s4 =	sand.u32 $0x4000, s31;
	s1 =	sadd.s32 s1, s30  }
0xc8: {  	s0 =	sor.u32 s4, s0;
	s1 =	sshll.u32 s1, $0x11  }
0xc9: {  	s0 =	sor.u32 s1, s0  }
0xca: {  	s0 =	sadd.s32 $0x8F2B, s0  }
0xcb: {  	[sflag:s0] =	ssyncadd.remote.s32 $0x1  }
0xcc: {  	_ =	sfence.sel $0xFFFF  }
0xcd: {  	[dreg:$0x0] =	wrdreg $0xFFFFFFFF;
	(pc) =	sbr.abs _section_cstart, $3  }
0xce: {  	[dreg:$0x1] =	wrdreg $0xFFFFFFFF  }
0xcf: {  	_ =	task.clear_ibuf [dreg:s22], $0x2FFFF;
	_ =	strace $0x9FFFFFFF  }
0xd0: {  	(tm) =	ssettm $0x7FFFFFFF  }
0xd1: {  	_ =	shalt  }
tec
execute0_lowered:
.L_overlay_start_1:
0x0: {  	(tag) =	ssettag $0x1  }
0x1: {  	s1 =	srdreg.scid;
	s0 =	stileid.u32  }
0x2: {  	s13 =	sand.u32 $0x1, s1;
	s29 =	sshll.u32 s0, $0x1  }
0x3: {  	s14 =	sor.u32 s13, s29  }
0x4: {  	s15 =	rddreg [dreg:$0x0];
	s3 =	smul.u32 $0x28, s14  }
0x5: {  	s2 =	simm.s32 $0x0;
	s1 =	rddreg [dreg:$0x1]  }
0x6: {  	[smem:$0x7FF] =	sst s2;
	s3 =	sadd.s32 s3, s15  }
0x7: {  	_ =	strace $0x80000068;
	s4 =	sadd.s32 $0x65400, s3;
	s3 =	simm.s32 $0x2  }
0x8: {  	[tilespmem:s2], [sflag:$0x2] =	stream.linear.gather [hbm4b:s4+s2], $0x140, $0x38;
	[tilespmem:$0xA180] =	vst v63  }
0x9: {  	_ =	swait.ge [sflag:s3], $0x140  }
0xa: {  	s6 =	simm.s32 $0x80;
	[sflag:s3] =	ssyncset.done $0x0  }
0xb: {  	s7 =	simm.s32 $0x180;
	s5 =	sadd.s32 $0x4AFA00, s15;
	[sflag:s3] =	ssyncadd.s32 $0xFFFFFEC0  }
0xc: {  	[tilespmem:s7], [sflag:$0x1] =	stream.indirect.gather [hbm4b:s5+s6], $0x80, s2, s6, $0xb8;
	[tilespmem:$0xA180] =	vst v63  }
0xd: {  	s8 =	simm.s32 $0x4180;
	s9 =	simm.s32 $0x40  }
0xe: {  	[tilespmem:s8], [sflag:$0x1] =	stream.indirect.gather [hbm4b:s5+s6], $0x80, s6, s6, $0xb8;
	[tilespmem:$0xA180] =	vst v63  }
0xf: {  	s10 =	simm.s32 $0x100;
	s11 =	simm.s32 $0x8180;
	s12 =	simm.s32 $0x1  }
0x10: {  	[tilespmem:s11], [sflag:$0x1] =	stream.indirect.gather [hbm4b:s5+s9], $0x80, s10, s9, $0xb8;
	[tilespmem:$0xA180] =	vst v63  }
0x11: {  	_ =	swait.ge [sflag:s12], $0x4000  }
0x12: {  	[sflag:s12] =	ssyncset.done $0x0  }
0x13: {  	s13 =	ssub.s32 $0x2, s13;
	[sflag:s12] =	ssyncadd.s32 $0xFFFFC000  }
0x14: {  	s16 =	sshrl.u32 s13, $0x1;
	_ =	swait.ge [sflag:s12], $0x4000  }
0x15: {  	s30 =	ssub.s32 s13, s16;
	[sflag:s12] =	ssyncset.done $0x0  }
0x16: {  	s14 =	smul.u32 $0x1400, s14;
	s31 =	smax.u32 s30, $0x1;
	[sflag:s12] =	ssyncadd.s32 $0xFFFFC000  }
0x17: {  	p0 =	sne.s32 s31, $0x1;
	_ =	swait.ge [sflag:s12], $0x2000  }
.Ltmp0:
0x18: {  	s14 =	sadd.s32 s14, s15;
	[sflag:s12] =	ssyncset.done $0x0;
	(pc) =	sbr.rel @!p0 .LBB2_2-.Ltmp0, $4  }
0x19: {  	s13 =	sadd.s32 $0x3C200, s14;
	[sflag:s12] =	ssyncadd.s32 $0xFFFFE000  }
0x1a: {  	[hbm4b:s13+s2] =	stream.linear.scatter [tilespmem:s7], [sflag:$0x2], $0xA000, $0x38;
	[tilespmem:$0xA180] =	vst v63  }
0x1b: {  	_ =	swait.ge [sflag:s3], $0xA000  }
0x1c: {  	s14 =	sadd.s32 $0xFFFFFFFF, s31;
	[sflag:s3] =	ssyncset.done $0x0  }
.LBB2_1:
0x1d: {  	p0 =	sne.s32 s14, $0x1;
	s14 =	sadd.s32 $0xFFFFFFFF, s14;
	[sflag:s3] =	ssyncadd.s32 $0xFFFF6000  }
0x1e: {  	[tilespmem:s2], [sflag:$0x2] =	stream.linear.gather [hbm4b:s4+s2], $0x140, $0x38;
	[tilespmem:$0xA180] =	vst v63  }
0x1f: {  	_ =	swait.ge [sflag:s3], $0x140  }
0x20: {  	[sflag:s3] =	ssyncset.done $0x0  }
0x21: {  	[sflag:s3] =	ssyncadd.s32 $0xFFFFFEC0  }
0x22: {  	[tilespmem:s7], [sflag:$0x1] =	stream.indirect.gather [hbm4b:s5+s6], $0x80, s2, s6, $0xb8;
	[tilespmem:$0xA180] =	vst v63  }
0x23: {  	_ = 	snop  }
0x24: {  	[tilespmem:s8], [sflag:$0x1] =	stream.indirect.gather [hbm4b:s5+s6], $0x80, s6, s6, $0xb8;
	[tilespmem:$0xA180] =	vst v63  }
0x25: {  	_ = 	snop  }
0x26: {  	[tilespmem:s11], [sflag:$0x1] =	stream.indirect.gather [hbm4b:s5+s9], $0x80, s10, s9, $0xb8;
	[tilespmem:$0xA180] =	vst v63  }
0x27: {  	_ =	swait.ge [sflag:s12], $0x4000  }
0x28: {  	[sflag:s12] =	ssyncset.done $0x0  }
0x29: {  	[sflag:s12] =	ssyncadd.s32 $0xFFFFC000  }
0x2a: {  	_ =	swait.ge [sflag:s12], $0x4000  }
0x2b: {  	[sflag:s12] =	ssyncset.done $0x0  }
0x2c: {  	[sflag:s12] =	ssyncadd.s32 $0xFFFFC000  }
0x2d: {  	_ =	swait.ge [sflag:s12], $0x2000  }
.Ltmp1:
0x2e: {  	[sflag:s12] =	ssyncset.done $0x0;
	(pc) =	sbr.rel @p0 .LBB2_1-.Ltmp1, $4  }
0x2f: {  	[sflag:s12] =	ssyncadd.s32 $0xFFFFE000  }
0x30: {  	[hbm4b:s13+s2] =	stream.linear.scatter [tilespmem:s7], [sflag:$0x2], $0xA000, $0x38;
	[tilespmem:$0xA180] =	vst v63  }
0x31: {  	_ =	swait.ge [sflag:s3], $0xA000  }
0x32: {  	[sflag:s3] =	ssyncset.done $0x0  }
.LBB2_2:
0x33: {  	[sflag:s3] =	ssyncadd.s32 $0xFFFF6000  }
0x34: {  	_ =	sfence.sel $0x180000  }
0x35: {  	[bflag:$0x0] =	sbarrier.arrive $0xFFFF  }
0x36: {  	p0 =	sne.s32 s0, $0x0;
	_ =	strace $0x90000068  }
0x37: {  	s0 =	sadd.s32 @!p0 $0x100000, s1;
	[bflag:$0x2] =	sbarrier.arrive $0xFFFF  }
0x38: {  	[sflag:s0] =	ssyncadd.tile.s32 @!p0 $0x1;
	_ =	shalt  }
.Lfunc_end2:
_tile_overlayer_lowered:
.L_overlay_start_2:
0x39: {  	(tag) =	ssettag $0x2  }
0x3a: {  	s0 =	rddreg [dreg:$0x0];
	s2 =	stileid.u32  }
0x3b: {  	s1 =	rddreg [dreg:$0x1];
	p0 =	sne.s32 s2, $0x0  }
0x3c: {  	s3 =	rddreg [dreg:$0x2];
	[bflag:$0x3] =	sbarrier.arrive $0xFFFF;
	s2 =	simm.s32 @!p0 $0x1C02  }
0x3d: {  	[timem:s3], [sflag:s2] =	dma.local @!p0 [hbm:s0], s1  }
0x3e: {  	s0 =	simm.s32 @!p0 $0x2  }
0x3f: {  	_ =	swait.ge @!p0 [sflag:s0], s1  }
0x40: {  	s1 =	ssub.s32 @!p0 $0x0, s1;
	[sflag:s0] =	ssyncset.done @!p0 $0x0  }
0x41: {  	[sflag:s0] =	ssyncadd.s32 @!p0 s1  }
0x42: {  	[bflag:$0x3] =	sbarrier.arrive $0xFFFF  }
0x43: {  	_ =	shalt  }

// kernel: kernel.71.cloned.1.call-start
scs
__scs_entry_jumppad:
0x0: {  	(pc) =	sbr.rel $0x88, $3  }
0x1: {  	(tag) =	ssettag $0x0;
	lr =	simm.s32 $0x1  }
0x2: {  	[smem:$0x3F95] =	sst lr;
	_ =	strace $0xD0000000  }
0x3: {  	_ = 	snop  }
0x4: {  	_ = 	snop  }
0x5: {  	_ = 	snop  }
0x6: {  	_ = 	snop  }
0x7: {  	_ = 	snop  }
__scs_overlays_trampoline_lowered:
0x8: {  	[smem:$0x3FA4] =	sst s0  }
0x9: {  	[smem:$0x3FA5] =	sst s1  }
0xa: {  	[smem:$0x3FA6] =	sst s2  }
0xb: {  	[smem:$0x3FA7] =	sst s3  }
0xc: {  	[smem:$0x3FA8] =	sst s4  }
0xd: {  	[smem:$0x3FA9] =	sst s5  }
0xe: {  	[smem:$0x3FAA] =	sst s6  }
0xf: {  	[smem:$0x3FAB] =	sst s7  }
0x10: {  	[smem:$0x3FAC] =	sst s8  }
0x11: {  	[smem:$0x3FAD] =	sst s9;
	s0 =	simm.s32 @!p0 $0x0  }
0x12: {  	s1 =	sld [smem:$0x3F93];
	s0 =	simm.s32 @p0 $0x1  }
0x13: {  	[smem:$0x3FAE] =	sst s0;
	s0 =	simm.s32 @!p1 $0x0  }
0x14: {  	s2 =	sld [smem:$0x3F92];
	s0 =	simm.s32 @p1 $0x1  }
0x15: {  	[smem:$0x3FAF] =	sst s0;
	s0 =	simm.s32 @!p2 $0x0  }
0x16: {  	s3 =	sld [smem:$0x3FDB];
	s0 =	simm.s32 @p2 $0x1  }
0x17: {  	s4 =	simm.s32 $0x1BF5;
	[smem:$0x3FB1] =	sst s0  }
0x18: {  	s0 =	sld [smem:$0x3F94];
	_ =	swait.ge [sflag:s4], $0x0  }
0x19: {  	s7 =	sld [smem:$0x3F95]  }
0x1a: {  	s8 =	sadd.s32 $0xFFFFE003, lr  }
0x1b: {  	s9 =	sadd.s32 $0xFFFFFEF7, lr;
	s5 =	simm.s32 $0xFFFFFFFF;
	p2 =	slt.u32 s8, $0xFFFFF086  }
0x1c: {  	p1 =	slt.u32 s9, $0xF7A;
	s5 =	simm.s32 @!p2 $0x0  }
0x1d: {  	s5 =	simm.s32 @p1 $0x1;
	p0 =	seq.s32 s7, s2  }
0x1e: {  	s7 =	smul.u32 @!p0 $0xF7A, s2;
	p2 =	seq.s32 @!p0 s5, $0x0  }
0x1f: {  	s9 =	smul.u32 $0xF7A, s1;
	s8 =	simm.s32 @!p0 $0x1BF5;
	p2 =	por !p2, p0  }
0x20: {  	[sflag:s8] =	ssyncset.s32 @!p0 $0xFFFFF086;
	s6 =	sadd.s32 @!p0 s3, s7;
	s7 =	simm.s32 @!p0 $0x108  }
0x21: {  	s3 =	sadd.s32 s3, s9;
	s6 =	sadd.s32 @!p0 $0x88, s6;
	s7 =	simm.s32 @p2 $0x1082  }
0x22: {  	[simem:s7], [sflag:s8] =	dma.local @!p0 [hbm:s6], $0xF7A  }
0x23: {  	s9 =	sor.u32 $0xD0000000, s2;
	s6 =	simm.s32 $0x108;
	_ =	swait.ge @!p0 [sflag:s8], $0x0  }
0x24: {  	s3 =	sadd.s32 $0x88, s3;
	s6 =	simm.s32 @!p1 $0x1082;
	[sflag:s4] =	ssyncset.s32 $0xFFFFF086  }
0x25: {  	[simem:s6], [sflag:s4] =	dma.local [hbm:s3], $0xF7A  }
0x26: {  	[smem:$0x3F95] =	sst s1;
	(tag) =	ssettag s2;
	_ =	strace s9  }
0x27: {  	s1 =	sld [smem:$0x3FA5]  }
0x28: {  	s2 =	sld [smem:$0x3FA6]  }
0x29: {  	s4 =	sld [smem:$0x3FA8]  }
0x2a: {  	p0 =	seq.s32 s5, $0x0;
	s5 =	sld [smem:$0x3FA9]  }
0x2b: {  	s6 =	sld [smem:$0x3FAA]  }
0x2c: {  	s7 =	sld [smem:$0x3FAB]  }
0x2d: {  	s3 =	simm.s32 $0x108;
	s8 =	sld [smem:$0x3FAC]  }
0x2e: {  	s3 =	simm.s32 @!p0 $0x1082;
	s9 =	sld [smem:$0x3FAD]  }
0x2f: {  	lr =	sadd.s32 s0, s3;
	s0 =	sld [smem:$0x3FA4]  }
0x30: {  	s3 =	sld [smem:$0x3FA7]  }
0x31: {  	[smem:$0x3FB0] =	sst s10  }
0x32: {  	s10 =	sld [smem:$0x3FAE];
	_ =	sdelay $0x3  }
0x33: {  	p0 =	seq.s32 s10, $0x1;
	s10 =	sld [smem:$0x3FB0];
	_ =	sdelay $0x3  }
0x34: {  	[smem:$0x3FB0] =	sst s10  }
0x35: {  	s10 =	sld [smem:$0x3FAF];
	_ =	sdelay $0x3  }
0x36: {  	p1 =	seq.s32 s10, $0x1;
	s10 =	sld [smem:$0x3FB0];
	_ =	sdelay $0x3  }
0x37: {  	[smem:$0x3FB0] =	sst s10  }
0x38: {  	s10 =	sld [smem:$0x3FB1]  }
0x39: {  	_ = 	snop;
	(pc) =	sbr.ind lr, $3  }
0x3a: {  	_ = 	snop  }
0x3b: {  	_ = 	snop  }
0x3c: {  	p2 =	seq.s32 s10, $0x1;
	s10 =	sld [smem:$0x3FB0]  }
0x3d: {  	_ =	shalt  }
0x3e: {  	_ =	shalt  }
0x3f: {  	_ =	shalt  }
0x40: {  	_ =	shalt  }
0x41: {  	_ =	shalt  }
0x42: {  	_ =	shalt  }
0x43: {  	_ =	shalt  }
0x44: {  	_ =	shalt  }
0x45: {  	_ =	shalt  }
0x46: {  	_ =	shalt  }
0x47: {  	_ =	shalt  }
0x48: {  	_ =	shalt  }
0x49: {  	_ =	shalt  }
0x4a: {  	_ =	shalt  }
0x4b: {  	_ =	shalt  }
0x4c: {  	_ =	shalt  }
0x4d: {  	_ =	shalt  }
0x4e: {  	_ =	shalt  }
0x4f: {  	_ =	shalt  }
0x50: {  	_ =	shalt  }
0x51: {  	_ =	shalt  }
0x52: {  	_ =	shalt  }
0x53: {  	_ =	shalt  }
0x54: {  	_ =	shalt  }
0x55: {  	_ =	shalt  }
0x56: {  	_ =	shalt  }
0x57: {  	_ =	shalt  }
0x58: {  	_ =	shalt  }
0x59: {  	_ =	shalt  }
0x5a: {  	_ =	shalt  }
0x5b: {  	_ =	shalt  }
0x5c: {  	_ =	shalt  }
0x5d: {  	_ =	shalt  }
0x5e: {  	_ =	shalt  }
0x5f: {  	_ =	shalt  }
0x60: {  	_ =	shalt  }
0x61: {  	_ =	shalt  }
0x62: {  	_ =	shalt  }
0x63: {  	_ =	shalt  }
0x64: {  	_ =	shalt  }
0x65: {  	_ =	shalt  }
0x66: {  	_ =	shalt  }
0x67: {  	_ =	shalt  }
0x68: {  	_ =	shalt  }
0x69: {  	_ =	shalt  }
0x6a: {  	_ =	shalt  }
0x6b: {  	_ =	shalt  }
0x6c: {  	_ =	shalt  }
0x6d: {  	_ =	shalt  }
0x6e: {  	_ =	shalt  }
0x6f: {  	_ =	shalt  }
0x70: {  	_ =	shalt  }
0x71: {  	_ =	shalt  }
0x72: {  	_ =	shalt  }
0x73: {  	_ =	shalt  }
0x74: {  	_ =	shalt  }
0x75: {  	_ =	shalt  }
0x76: {  	_ =	shalt  }
0x77: {  	_ =	shalt  }
0x78: {  	_ =	shalt  }
0x79: {  	_ =	shalt  }
0x7a: {  	_ =	shalt  }
0x7b: {  	_ =	shalt  }
0x7c: {  	_ =	shalt  }
0x7d: {  	_ =	shalt  }
0x7e: {  	_ =	shalt  }
0x7f: {  	_ =	shalt  }
0x80: {  	_ =	shalt  }
0x81: {  	_ =	shalt  }
0x82: {  	_ =	shalt  }
0x83: {  	_ =	shalt  }
0x84: {  	_ =	shalt  }
0x85: {  	_ =	shalt  }
0x86: {  	_ =	shalt  }
0x87: {  	_ =	shalt  }
.Lfunc_end0:
.L_simem_size_0:
called_computation.12_lowered:
.L_overlay_start_0:
0x88: {  	s2 =	sld [smem:$0x3FD9]  }
0x89: {  	s3 =	sld [smem:$0x3FFE];
	_ =	sdelay $0x1  }
0x8a: {  	s1 =	srdreg.scid  }
0x8b: {  	s0 =	sand.u32 $0x1, s1  }
0x8c: {  	s17 =	sshll.u32 s0, $0xA;
	s2 =	sadd.s32 s3, s2  }
0x8d: {  	s2 =	sadd.s32 s2, s17  }
0x8e: {  	[smem:$0x3FBC] =	sst s2  }
0x8f: {  	_ = 	snop  }
0x90: {  	(tm) =	ssettm $0x1  }
0x91: {  	s18 =	sld [smem:$0x3FFB];
	_ =	sdelay $0x3  }
0x92: {  	_ =	strace s18  }
0x93: {  	s2 =	sld [smem:$0x3FFC];
	_ =	sdelay $0x3  }
0x94: {  	_ =	strace s2  }
0x95: {  	s2 =	sld [smem:$0x3FFD];
	_ =	sdelay $0x3  }
0x96: {  	_ =	strace s2  }
0x97: {  	_ =	strace $0x8FFFFFFF  }
0x98: {  	s19 =	sld [smem:$0x3FDB];
	_ =	sdelay $0x1  }
0x99: {  	s20 =	simm.s32 $_scs_section_size  }
0x9a: {  	s4 =	simm.s32 $_size__tile_overlayer_lowered;
	s5 =	simm.s32 $_tile_overlayer_lowered  }
0x9b: {  	s6 =	simm.s32 $0x1BFF;
	s21 =	sshll.u32 s5, $0x1;
	s3 =	sadd.s32 s20, s19  }
0x9c: {  	s22 =	simm.s32 $0x0;
	s4 =	sshll.u32 s4, $0x1;
	s5 =	sadd.s32 s21, s3  }
0x9d: {  	[timem:s22], [sflag:s6] =	dma.local [hbm:s5], s4  }
0x9e: {  	_ =	swait.ge [sflag:s6], s4  }
0x9f: {  	s4 =	ssub.s32 $0x0, s4;
	[sflag:s6] =	ssyncset.done $0x0  }
0xa0: {  	[sflag:s6] =	ssyncadd.s32 s4;
	_ =	sdelay $0x1  }
0xa1: {  	s23 =	simm.s32 $0x1B8B  }
0xa2: {  	_ =	swait.ge [sflag:s23], $0x1  }
0xa3: {  	[sflag:s23] =	ssyncset.done $0x0  }
0xa4: {  	[sflag:s23] =	ssyncadd.s32 $0xFFFFFFFF  }
0xa5: {  	s4 =	sld [smem:$0x0]  }
0xa6: {  	s5 =	sand.u32 $0xFFFFFFFE, s1  }
0xa7: {  	p0 =	sne.s32 s1, s5  }
0xa8: {  	s5 =	sshll.u32 @p0 s5, $0xE  }
0xa9: {  	s5 =	sadd.s32 @p0 $0x11B8D, s5;
	s6 =	sshll.u32 @p0 s4, $0x11  }
0xaa: {  	s5 =	sor.u32 @p0 s6, s5  }
0xab: {  	[sflag:s5] =	ssyncadd.remote.s32 @p0 $0x1;
	_ =	sdelay $0x1  }
0xac: {  	s5 =	simm.s32 @p0 $0x1B8D  }
0xad: {  	_ =	swait.eq @p0 [sflag:s5], $0x1  }
0xae: {  	[sflag:s5] =	ssyncadd.s32 @p0 $0xFFFFFFFF  }
0xaf: {  	s6 =	sshll.u32 @!p0 s1, $0xE  }
0xb0: {  	s6 =	sor.u32 @!p0 $0x4000, s6;
	s5 =	simm.s32 @!p0 $0x1B8D  }
0xb1: {  	s4 =	sshll.u32 @!p0 s4, $0x11;
	s6 =	sadd.s32 @!p0 $0x11B8D, s6;
	_ =	swait.eq @!p0 [sflag:s5], $0x1  }
0xb2: {  	s4 =	sor.u32 @!p0 s4, s6;
	[sflag:s5] =	ssyncadd.s32 @!p0 $0xFFFFFFFF  }
0xb3: {  	s25 =	simm.s32 $0x1B8E;
	s24 =	sld [smem:$0x3FFE];
	[sflag:s4] =	ssyncadd.remote.s32 @!p0 $0x1  }
0xb4: {  	s26 =	simm.s32 $execute0_lowered;
	[smem:$0x3FD2] =	sst s25  }
0xb5: {  	s5 =	sshll.u32 s26, $0x1;
	_ =	strace $0x8000006A;
	[dreg:$0x1] =	wrdreg $0xFFFFFFFF  }
0xb6: {  	s28 =	simm.s32 $_size_execute0_lowered;
	s3 =	sadd.s32 s3, s5;
	[dreg:$0x0] =	wrdreg $0x0  }
0xb7: {  	s5 =	sshll.u32 s28, $0x1;
	[dreg:$0x2] =	wrdreg s3  }
0xb8: {  	[dreg:$0x3] =	wrdreg s5  }
0xb9: {  	[dreg:$0x4] =	wrdreg $0xC0  }
0xba: {  	_ =	task [dreg:s22], $0x5FFFF  }
0xbb: {  	[dreg:$0x1] =	wrdreg $0xFFFFFFFF  }
0xbc: {  	[dreg:$0x0] =	wrdreg $0x60  }
0xbd: {  	[dreg:$0x2] =	wrdreg s24  }
0xbe: {  	[dreg:$0x3] =	wrdreg $0xA  }
0xbf: {  	_ =	task.clear_ibuf [dreg:s22], $0x4FFFF;
	_ =	strace $0x9000006A  }
0xc0: {  	s29 =	simm.s32 $0xA;
	_ =	strace $0x8000006C  }
0xc1: {  	_ =	swait.ge [sflag:s29], $0x1  }
0xc2: {  	[sflag:s29] =	ssyncadd.s32 $0xFFFFFFFF  }
0xc3: {  	_ =	strace $0x9000006C  }
0xc4: {  	_ =	sfence  }
0xc5: {  	s30 =	sld [smem:$0x0];
	_ =	sdelay $0x2  }
0xc6: {  	s31 =	sshll.u32 s1, $0xD;
	s1 =	sshrl.u32 s1, $0x2  }
0xc7: {  	s4 =	sand.u32 $0x4000, s31;
	s1 =	sadd.s32 s1, s30  }
0xc8: {  	s0 =	sor.u32 s4, s0;
	s1 =	sshll.u32 s1, $0x11  }
0xc9: {  	s0 =	sor.u32 s1, s0  }
0xca: {  	s0 =	sadd.s32 $0x8F2B, s0  }
0xcb: {  	[sflag:s0] =	ssyncadd.remote.s32 $0x1  }
0xcc: {  	_ =	sfence.sel $0xFFFF  }
0xcd: {  	[dreg:$0x0] =	wrdreg $0xFFFFFFFF;
	(pc) =	sbr.abs _section_cstart, $3  }
0xce: {  	[dreg:$0x1] =	wrdreg $0xFFFFFFFF  }
0xcf: {  	_ =	task.clear_ibuf [dreg:s22], $0x2FFFF;
	_ =	strace $0x9FFFFFFF  }
0xd0: {  	(tm) =	ssettm $0x7FFFFFFF  }
0xd1: {  	_ =	shalt  }
tec
execute0_lowered:
.L_overlay_start_1:
0x0: {  	(tag) =	ssettag $0x1  }
0x1: {  	s1 =	srdreg.scid;
	s0 =	stileid.u32  }
0x2: {  	s13 =	sand.u32 $0x1, s1;
	s29 =	sshll.u32 s0, $0x1  }
0x3: {  	s14 =	sor.u32 s13, s29  }
0x4: {  	s15 =	rddreg [dreg:$0x0];
	s3 =	smul.u32 $0x28, s14  }
0x5: {  	s2 =	simm.s32 $0x0;
	s1 =	rddreg [dreg:$0x1]  }
0x6: {  	[smem:$0x7FF] =	sst s2;
	s3 =	sadd.s32 s3, s15  }
0x7: {  	_ =	strace $0x8000006B;
	s4 =	sadd.s32 $0x65A00, s3;
	s3 =	simm.s32 $0x2  }
0x8: {  	[tilespmem:s2], [sflag:$0x2] =	stream.linear.gather [hbm4b:s4+s2], $0x140, $0x38;
	[tilespmem:$0xA180] =	vst v63  }
0x9: {  	_ =	swait.ge [sflag:s3], $0x140  }
0xa: {  	s6 =	simm.s32 $0x80;
	[sflag:s3] =	ssyncset.done $0x0  }
0xb: {  	s7 =	simm.s32 $0x180;
	s5 =	sadd.s32 $0x4AFA00, s15;
	[sflag:s3] =	ssyncadd.s32 $0xFFFFFEC0  }
0xc: {  	[tilespmem:s7], [sflag:$0x1] =	stream.indirect.gather [hbm4b:s5+s6], $0x80, s2, s6, $0xb8;
	[tilespmem:$0xA180] =	vst v63  }
0xd: {  	s8 =	simm.s32 $0x4180;
	s9 =	simm.s32 $0x40  }
0xe: {  	[tilespmem:s8], [sflag:$0x1] =	stream.indirect.gather [hbm4b:s5+s6], $0x80, s6, s6, $0xb8;
	[tilespmem:$0xA180] =	vst v63  }
0xf: {  	s10 =	simm.s32 $0x100;
	s11 =	simm.s32 $0x8180;
	s12 =	simm.s32 $0x1  }
0x10: {  	[tilespmem:s11], [sflag:$0x1] =	stream.indirect.gather [hbm4b:s5+s9], $0x80, s10, s9, $0xb8;
	[tilespmem:$0xA180] =	vst v63  }
0x11: {  	_ =	swait.ge [sflag:s12], $0x4000  }
0x12: {  	[sflag:s12] =	ssyncset.done $0x0  }
0x13: {  	s13 =	ssub.s32 $0x2, s13;
	[sflag:s12] =	ssyncadd.s32 $0xFFFFC000  }
0x14: {  	s16 =	sshrl.u32 s13, $0x1;
	_ =	swait.ge [sflag:s12], $0x4000  }
0x15: {  	s30 =	ssub.s32 s13, s16;
	[sflag:s12] =	ssyncset.done $0x0  }
0x16: {  	s14 =	smul.u32 $0x1400, s14;
	s31 =	smax.u32 s30, $0x1;
	[sflag:s12] =	ssyncadd.s32 $0xFFFFC000  }
0x17: {  	p0 =	sne.s32 s31, $0x1;
	_ =	swait.ge [sflag:s12], $0x2000  }
.Ltmp0:
0x18: {  	s14 =	sadd.s32 s14, s15;
	[sflag:s12] =	ssyncset.done $0x0;
	(pc) =	sbr.rel @!p0 .LBB2_2-.Ltmp0, $4  }
0x19: {  	s13 =	sadd.s32 $0x13600, s14;
	[sflag:s12] =	ssyncadd.s32 $0xFFFFE000  }
0x1a: {  	[hbm4b:s13+s2] =	stream.linear.scatter [tilespmem:s7], [sflag:$0x2], $0xA000, $0x38;
	[tilespmem:$0xA180] =	vst v63  }
0x1b: {  	_ =	swait.ge [sflag:s3], $0xA000  }
0x1c: {  	s14 =	sadd.s32 $0xFFFFFFFF, s31;
	[sflag:s3] =	ssyncset.done $0x0  }
.LBB2_1:
0x1d: {  	p0 =	sne.s32 s14, $0x1;
	s14 =	sadd.s32 $0xFFFFFFFF, s14;
	[sflag:s3] =	ssyncadd.s32 $0xFFFF6000  }
0x1e: {  	[tilespmem:s2], [sflag:$0x2] =	stream.linear.gather [hbm4b:s4+s2], $0x140, $0x38;
	[tilespmem:$0xA180] =	vst v63  }
0x1f: {  	_ =	swait.ge [sflag:s3], $0x140  }
0x20: {  	[sflag:s3] =	ssyncset.done $0x0  }
0x21: {  	[sflag:s3] =	ssyncadd.s32 $0xFFFFFEC0  }
0x22: {  	[tilespmem:s7], [sflag:$0x1] =	stream.indirect.gather [hbm4b:s5+s6], $0x80, s2, s6, $0xb8;
	[tilespmem:$0xA180] =	vst v63  }
0x23: {  	_ = 	snop  }
0x24: {  	[tilespmem:s8], [sflag:$0x1] =	stream.indirect.gather [hbm4b:s5+s6], $0x80, s6, s6, $0xb8;
	[tilespmem:$0xA180] =	vst v63  }
0x25: {  	_ = 	snop  }
0x26: {  	[tilespmem:s11], [sflag:$0x1] =	stream.indirect.gather [hbm4b:s5+s9], $0x80, s10, s9, $0xb8;
	[tilespmem:$0xA180] =	vst v63  }
0x27: {  	_ =	swait.ge [sflag:s12], $0x4000  }
0x28: {  	[sflag:s12] =	ssyncset.done $0x0  }
0x29: {  	[sflag:s12] =	ssyncadd.s32 $0xFFFFC000  }
0x2a: {  	_ =	swait.ge [sflag:s12], $0x4000  }
0x2b: {  	[sflag:s12] =	ssyncset.done $0x0  }
0x2c: {  	[sflag:s12] =	ssyncadd.s32 $0xFFFFC000  }
0x2d: {  	_ =	swait.ge [sflag:s12], $0x2000  }
.Ltmp1:
0x2e: {  	[sflag:s12] =	ssyncset.done $0x0;
	(pc) =	sbr.rel @p0 .LBB2_1-.Ltmp1, $4  }
0x2f: {  	[sflag:s12] =	ssyncadd.s32 $0xFFFFE000  }
0x30: {  	[hbm4b:s13+s2] =	stream.linear.scatter [tilespmem:s7], [sflag:$0x2], $0xA000, $0x38;
	[tilespmem:$0xA180] =	vst v63  }
0x31: {  	_ =	swait.ge [sflag:s3], $0xA000  }
0x32: {  	[sflag:s3] =	ssyncset.done $0x0  }
.LBB2_2:
0x33: {  	[sflag:s3] =	ssyncadd.s32 $0xFFFF6000  }
0x34: {  	_ =	sfence.sel $0x180000  }
0x35: {  	[bflag:$0x0] =	sbarrier.arrive $0xFFFF  }
0x36: {  	p0 =	sne.s32 s0, $0x0;
	_ =	strace $0x9000006B  }
0x37: {  	s0 =	sadd.s32 @!p0 $0x100000, s1;
	[bflag:$0x2] =	sbarrier.arrive $0xFFFF  }
0x38: {  	[sflag:s0] =	ssyncadd.tile.s32 @!p0 $0x1;
	_ =	shalt  }
.Lfunc_end2:
_tile_overlayer_lowered:
.L_overlay_start_2:
0x39: {  	(tag) =	ssettag $0x2  }
0x3a: {  	s0 =	rddreg [dreg:$0x0];
	s2 =	stileid.u32  }
0x3b: {  	s1 =	rddreg [dreg:$0x1];
	p0 =	sne.s32 s2, $0x0  }
0x3c: {  	s3 =	rddreg [dreg:$0x2];
	[bflag:$0x3] =	sbarrier.arrive $0xFFFF;
	s2 =	simm.s32 @!p0 $0x1C02  }
0x3d: {  	[timem:s3], [sflag:s2] =	dma.local @!p0 [hbm:s0], s1  }
0x3e: {  	s0 =	simm.s32 @!p0 $0x2  }
0x3f: {  	_ =	swait.ge @!p0 [sflag:s0], s1  }
0x40: {  	s1 =	ssub.s32 @!p0 $0x0, s1;
	[sflag:s0] =	ssyncset.done @!p0 $0x0  }
0x41: {  	[sflag:s0] =	ssyncadd.s32 @!p0 s1  }
0x42: {  	[bflag:$0x3] =	sbarrier.arrive $0xFFFF  }
0x43: {  	_ =	shalt  }

// kernel: kernel.74.cloned.1.call-start
scs
__scs_entry_jumppad:
0x0: {  	(pc) =	sbr.rel $0x88, $3  }
0x1: {  	(tag) =	ssettag $0x0;
	lr =	simm.s32 $0x1  }
0x2: {  	[smem:$0x3F95] =	sst lr;
	_ =	strace $0xD0000000  }
0x3: {  	_ = 	snop  }
0x4: {  	_ = 	snop  }
0x5: {  	_ = 	snop  }
0x6: {  	_ = 	snop  }
0x7: {  	_ = 	snop  }
__scs_overlays_trampoline_lowered:
0x8: {  	[smem:$0x3FA4] =	sst s0  }
0x9: {  	[smem:$0x3FA5] =	sst s1  }
0xa: {  	[smem:$0x3FA6] =	sst s2  }
0xb: {  	[smem:$0x3FA7] =	sst s3  }
0xc: {  	[smem:$0x3FA8] =	sst s4  }
0xd: {  	[smem:$0x3FA9] =	sst s5  }
0xe: {  	[smem:$0x3FAA] =	sst s6  }
0xf: {  	[smem:$0x3FAB] =	sst s7  }
0x10: {  	[smem:$0x3FAC] =	sst s8  }
0x11: {  	[smem:$0x3FAD] =	sst s9;
	s0 =	simm.s32 @!p0 $0x0  }
0x12: {  	s1 =	sld [smem:$0x3F93];
	s0 =	simm.s32 @p0 $0x1  }
0x13: {  	[smem:$0x3FAE] =	sst s0;
	s0 =	simm.s32 @!p1 $0x0  }
0x14: {  	s2 =	sld [smem:$0x3F92];
	s0 =	simm.s32 @p1 $0x1  }
0x15: {  	[smem:$0x3FAF] =	sst s0;
	s0 =	simm.s32 @!p2 $0x0  }
0x16: {  	s3 =	sld [smem:$0x3FDB];
	s0 =	simm.s32 @p2 $0x1  }
0x17: {  	s4 =	simm.s32 $0x1BF5;
	[smem:$0x3FB1] =	sst s0  }
0x18: {  	s0 =	sld [smem:$0x3F94];
	_ =	swait.ge [sflag:s4], $0x0  }
0x19: {  	s7 =	sld [smem:$0x3F95]  }
0x1a: {  	s8 =	sadd.s32 $0xFFFFE003, lr  }
0x1b: {  	s9 =	sadd.s32 $0xFFFFFEF7, lr;
	s5 =	simm.s32 $0xFFFFFFFF;
	p2 =	slt.u32 s8, $0xFFFFF086  }
0x1c: {  	p1 =	slt.u32 s9, $0xF7A;
	s5 =	simm.s32 @!p2 $0x0  }
0x1d: {  	s5 =	simm.s32 @p1 $0x1;
	p0 =	seq.s32 s7, s2  }
0x1e: {  	s7 =	smul.u32 @!p0 $0xF7A, s2;
	p2 =	seq.s32 @!p0 s5, $0x0  }
0x1f: {  	s9 =	smul.u32 $0xF7A, s1;
	s8 =	simm.s32 @!p0 $0x1BF5;
	p2 =	por !p2, p0  }
0x20: {  	[sflag:s8] =	ssyncset.s32 @!p0 $0xFFFFF086;
	s6 =	sadd.s32 @!p0 s3, s7;
	s7 =	simm.s32 @!p0 $0x108  }
0x21: {  	s3 =	sadd.s32 s3, s9;
	s6 =	sadd.s32 @!p0 $0x88, s6;
	s7 =	simm.s32 @p2 $0x1082  }
0x22: {  	[simem:s7], [sflag:s8] =	dma.local @!p0 [hbm:s6], $0xF7A  }
0x23: {  	s9 =	sor.u32 $0xD0000000, s2;
	s6 =	simm.s32 $0x108;
	_ =	swait.ge @!p0 [sflag:s8], $0x0  }
0x24: {  	s3 =	sadd.s32 $0x88, s3;
	s6 =	simm.s32 @!p1 $0x1082;
	[sflag:s4] =	ssyncset.s32 $0xFFFFF086  }
0x25: {  	[simem:s6], [sflag:s4] =	dma.local [hbm:s3], $0xF7A  }
0x26: {  	[smem:$0x3F95] =	sst s1;
	(tag) =	ssettag s2;
	_ =	strace s9  }
0x27: {  	s1 =	sld [smem:$0x3FA5]  }
0x28: {  	s2 =	sld [smem:$0x3FA6]  }
0x29: {  	s4 =	sld [smem:$0x3FA8]  }
0x2a: {  	p0 =	seq.s32 s5, $0x0;
	s5 =	sld [smem:$0x3FA9]  }
0x2b: {  	s6 =	sld [smem:$0x3FAA]  }
0x2c: {  	s7 =	sld [smem:$0x3FAB]  }
0x2d: {  	s3 =	simm.s32 $0x108;
	s8 =	sld [smem:$0x3FAC]  }
0x2e: {  	s3 =	simm.s32 @!p0 $0x1082;
	s9 =	sld [smem:$0x3FAD]  }
0x2f: {  	lr =	sadd.s32 s0, s3;
	s0 =	sld [smem:$0x3FA4]  }
0x30: {  	s3 =	sld [smem:$0x3FA7]  }
0x31: {  	[smem:$0x3FB0] =	sst s10  }
0x32: {  	s10 =	sld [smem:$0x3FAE];
	_ =	sdelay $0x3  }
0x33: {  	p0 =	seq.s32 s10, $0x1;
	s10 =	sld [smem:$0x3FB0];
	_ =	sdelay $0x3  }
0x34: {  	[smem:$0x3FB0] =	sst s10  }
0x35: {  	s10 =	sld [smem:$0x3FAF];
	_ =	sdelay $0x3  }
0x36: {  	p1 =	seq.s32 s10, $0x1;
	s10 =	sld [smem:$0x3FB0];
	_ =	sdelay $0x3  }
0x37: {  	[smem:$0x3FB0] =	sst s10  }
0x38: {  	s10 =	sld [smem:$0x3FB1]  }
0x39: {  	_ = 	snop;
	(pc) =	sbr.ind lr, $3  }
0x3a: {  	_ = 	snop  }
0x3b: {  	_ = 	snop  }
0x3c: {  	p2 =	seq.s32 s10, $0x1;
	s10 =	sld [smem:$0x3FB0]  }
0x3d: {  	_ =	shalt  }
0x3e: {  	_ =	shalt  }
0x3f: {  	_ =	shalt  }
0x40: {  	_ =	shalt  }
0x41: {  	_ =	shalt  }
0x42: {  	_ =	shalt  }
0x43: {  	_ =	shalt  }
0x44: {  	_ =	shalt  }
0x45: {  	_ =	shalt  }
0x46: {  	_ =	shalt  }
0x47: {  	_ =	shalt  }
0x48: {  	_ =	shalt  }
0x49: {  	_ =	shalt  }
0x4a: {  	_ =	shalt  }
0x4b: {  	_ =	shalt  }
0x4c: {  	_ =	shalt  }
0x4d: {  	_ =	shalt  }
0x4e: {  	_ =	shalt  }
0x4f: {  	_ =	shalt  }
0x50: {  	_ =	shalt  }
0x51: {  	_ =	shalt  }
0x52: {  	_ =	shalt  }
0x53: {  	_ =	shalt  }
0x54: {  	_ =	shalt  }
0x55: {  	_ =	shalt  }
0x56: {  	_ =	shalt  }
0x57: {  	_ =	shalt  }
0x58: {  	_ =	shalt  }
0x59: {  	_ =	shalt  }
0x5a: {  	_ =	shalt  }
0x5b: {  	_ =	shalt  }
0x5c: {  	_ =	shalt  }
0x5d: {  	_ =	shalt  }
0x5e: {  	_ =	shalt  }
0x5f: {  	_ =	shalt  }
0x60: {  	_ =	shalt  }
0x61: {  	_ =	shalt  }
0x62: {  	_ =	shalt  }
0x63: {  	_ =	shalt  }
0x64: {  	_ =	shalt  }
0x65: {  	_ =	shalt  }
0x66: {  	_ =	shalt  }
0x67: {  	_ =	shalt  }
0x68: {  	_ =	shalt  }
0x69: {  	_ =	shalt  }
0x6a: {  	_ =	shalt  }
0x6b: {  	_ =	shalt  }
0x6c: {  	_ =	shalt  }
0x6d: {  	_ =	shalt  }
0x6e: {  	_ =	shalt  }
0x6f: {  	_ =	shalt  }
0x70: {  	_ =	shalt  }
0x71: {  	_ =	shalt  }
0x72: {  	_ =	shalt  }
0x73: {  	_ =	shalt  }
0x74: {  	_ =	shalt  }
0x75: {  	_ =	shalt  }
0x76: {  	_ =	shalt  }
0x77: {  	_ =	shalt  }
0x78: {  	_ =	shalt  }
0x79: {  	_ =	shalt  }
0x7a: {  	_ =	shalt  }
0x7b: {  	_ =	shalt  }
0x7c: {  	_ =	shalt  }
0x7d: {  	_ =	shalt  }
0x7e: {  	_ =	shalt  }
0x7f: {  	_ =	shalt  }
0x80: {  	_ =	shalt  }
0x81: {  	_ =	shalt  }
0x82: {  	_ =	shalt  }
0x83: {  	_ =	shalt  }
0x84: {  	_ =	shalt  }
0x85: {  	_ =	shalt  }
0x86: {  	_ =	shalt  }
0x87: {  	_ =	shalt  }
.Lfunc_end0:
.L_simem_size_0:
called_computation.13_lowered:
.L_overlay_start_0:
0x88: {  	s2 =	sld [smem:$0x3FD9]  }
0x89: {  	s3 =	sld [smem:$0x3FFE];
	_ =	sdelay $0x1  }
0x8a: {  	s1 =	srdreg.scid  }
0x8b: {  	s0 =	sand.u32 $0x1, s1  }
0x8c: {  	s17 =	sshll.u32 s0, $0xA;
	s2 =	sadd.s32 s3, s2  }
0x8d: {  	s2 =	sadd.s32 s2, s17  }
0x8e: {  	[smem:$0x3FBC] =	sst s2  }
0x8f: {  	_ = 	snop  }
0x90: {  	(tm) =	ssettm $0x1  }
0x91: {  	s18 =	sld [smem:$0x3FFB];
	_ =	sdelay $0x3  }
0x92: {  	_ =	strace s18  }
0x93: {  	s2 =	sld [smem:$0x3FFC];
	_ =	sdelay $0x3  }
0x94: {  	_ =	strace s2  }
0x95: {  	s2 =	sld [smem:$0x3FFD];
	_ =	sdelay $0x3  }
0x96: {  	_ =	strace s2  }
0x97: {  	_ =	strace $0x8FFFFFFF  }
0x98: {  	s19 =	sld [smem:$0x3FDB];
	_ =	sdelay $0x1  }
0x99: {  	s20 =	simm.s32 $_scs_section_size  }
0x9a: {  	s4 =	simm.s32 $_size__tile_overlayer_lowered;
	s5 =	simm.s32 $_tile_overlayer_lowered  }
0x9b: {  	s6 =	simm.s32 $0x1BFF;
	s21 =	sshll.u32 s5, $0x1;
	s3 =	sadd.s32 s20, s19  }
0x9c: {  	s22 =	simm.s32 $0x0;
	s4 =	sshll.u32 s4, $0x1;
	s5 =	sadd.s32 s21, s3  }
0x9d: {  	[timem:s22], [sflag:s6] =	dma.local [hbm:s5], s4  }
0x9e: {  	_ =	swait.ge [sflag:s6], s4  }
0x9f: {  	s4 =	ssub.s32 $0x0, s4;
	[sflag:s6] =	ssyncset.done $0x0  }
0xa0: {  	[sflag:s6] =	ssyncadd.s32 s4;
	_ =	sdelay $0x1  }
0xa1: {  	s23 =	simm.s32 $0x1B8B  }
0xa2: {  	_ =	swait.ge [sflag:s23], $0x1  }
0xa3: {  	[sflag:s23] =	ssyncset.done $0x0  }
0xa4: {  	[sflag:s23] =	ssyncadd.s32 $0xFFFFFFFF  }
0xa5: {  	s4 =	sld [smem:$0x0]  }
0xa6: {  	s5 =	sand.u32 $0xFFFFFFFE, s1  }
0xa7: {  	p0 =	sne.s32 s1, s5  }
0xa8: {  	s5 =	sshll.u32 @p0 s5, $0xE  }
0xa9: {  	s5 =	sadd.s32 @p0 $0x11B8D, s5;
	s6 =	sshll.u32 @p0 s4, $0x11  }
0xaa: {  	s5 =	sor.u32 @p0 s6, s5  }
0xab: {  	[sflag:s5] =	ssyncadd.remote.s32 @p0 $0x1;
	_ =	sdelay $0x1  }
0xac: {  	s5 =	simm.s32 @p0 $0x1B8D  }
0xad: {  	_ =	swait.eq @p0 [sflag:s5], $0x1  }
0xae: {  	[sflag:s5] =	ssyncadd.s32 @p0 $0xFFFFFFFF  }
0xaf: {  	s6 =	sshll.u32 @!p0 s1, $0xE  }
0xb0: {  	s6 =	sor.u32 @!p0 $0x4000, s6;
	s5 =	simm.s32 @!p0 $0x1B8D  }
0xb1: {  	s4 =	sshll.u32 @!p0 s4, $0x11;
	s6 =	sadd.s32 @!p0 $0x11B8D, s6;
	_ =	swait.eq @!p0 [sflag:s5], $0x1  }
0xb2: {  	s4 =	sor.u32 @!p0 s4, s6;
	[sflag:s5] =	ssyncadd.s32 @!p0 $0xFFFFFFFF  }
0xb3: {  	s25 =	simm.s32 $0x1B8E;
	s24 =	sld [smem:$0x3FFE];
	[sflag:s4] =	ssyncadd.remote.s32 @!p0 $0x1  }
0xb4: {  	s26 =	simm.s32 $execute0_lowered;
	[smem:$0x3FD2] =	sst s25  }
0xb5: {  	s5 =	sshll.u32 s26, $0x1;
	_ =	strace $0x8000006D;
	[dreg:$0x1] =	wrdreg $0xFFFFFFFF  }
0xb6: {  	s28 =	simm.s32 $_size_execute0_lowered;
	s3 =	sadd.s32 s3, s5;
	[dreg:$0x0] =	wrdreg $0x0  }
0xb7: {  	s5 =	sshll.u32 s28, $0x1;
	[dreg:$0x2] =	wrdreg s3  }
0xb8: {  	[dreg:$0x3] =	wrdreg s5  }
0xb9: {  	[dreg:$0x4] =	wrdreg $0xC0  }
0xba: {  	_ =	task [dreg:s22], $0x5FFFF  }
0xbb: {  	[dreg:$0x1] =	wrdreg $0xFFFFFFFF  }
0xbc: {  	[dreg:$0x0] =	wrdreg $0x60  }
0xbd: {  	[dreg:$0x2] =	wrdreg s24  }
0xbe: {  	[dreg:$0x3] =	wrdreg $0x9  }
0xbf: {  	_ =	task.clear_ibuf [dreg:s22], $0x4FFFF;
	_ =	strace $0x9000006D  }
0xc0: {  	s29 =	simm.s32 $0x9;
	_ =	strace $0x8000006F  }
0xc1: {  	_ =	swait.ge [sflag:s29], $0x1  }
0xc2: {  	[sflag:s29] =	ssyncadd.s32 $0xFFFFFFFF  }
0xc3: {  	_ =	strace $0x9000006F  }
0xc4: {  	_ =	sfence  }
0xc5: {  	s30 =	sld [smem:$0x0];
	_ =	sdelay $0x2  }
0xc6: {  	s31 =	sshll.u32 s1, $0xD;
	s1 =	sshrl.u32 s1, $0x2  }
0xc7: {  	s4 =	sand.u32 $0x4000, s31;
	s1 =	sadd.s32 s1, s30  }
0xc8: {  	s0 =	sor.u32 s4, s0;
	s1 =	sshll.u32 s1, $0x11  }
0xc9: {  	s0 =	sor.u32 s1, s0  }
0xca: {  	s0 =	sadd.s32 $0x8F2B, s0  }
0xcb: {  	[sflag:s0] =	ssyncadd.remote.s32 $0x1  }
0xcc: {  	_ =	sfence.sel $0xFFFF  }
0xcd: {  	[dreg:$0x0] =	wrdreg $0xFFFFFFFF;
	(pc) =	sbr.abs _section_cstart, $3  }
0xce: {  	[dreg:$0x1] =	wrdreg $0xFFFFFFFF  }
0xcf: {  	_ =	task.clear_ibuf [dreg:s22], $0x2FFFF;
	_ =	strace $0x9FFFFFFF  }
0xd0: {  	(tm) =	ssettm $0x7FFFFFFF  }
0xd1: {  	_ =	shalt  }
tec
execute0_lowered:
.L_overlay_start_1:
0x0: {  	(tag) =	ssettag $0x1  }
0x1: {  	s1 =	srdreg.scid;
	s0 =	stileid.u32  }
0x2: {  	s13 =	sand.u32 $0x1, s1;
	s29 =	sshll.u32 s0, $0x1  }
0x3: {  	s14 =	sor.u32 s13, s29  }
0x4: {  	s15 =	rddreg [dreg:$0x0];
	s3 =	smul.u32 $0x28, s14  }
0x5: {  	s2 =	simm.s32 $0x0;
	s1 =	rddreg [dreg:$0x1]  }
0x6: {  	[smem:$0x7FF] =	sst s2;
	s3 =	sadd.s32 s3, s15  }
0x7: {  	_ =	strace $0x8000006E;
	s4 =	sadd.s32 $0x66000, s3;
	s3 =	simm.s32 $0x2  }
0x8: {  	[tilespmem:s2], [sflag:$0x2] =	stream.linear.gather [hbm4b:s4+s2], $0x140, $0x38;
	[tilespmem:$0xA180] =	vst v63  }
0x9: {  	_ =	swait.ge [sflag:s3], $0x140  }
0xa: {  	s6 =	simm.s32 $0x80;
	[sflag:s3] =	ssyncset.done $0x0  }
0xb: {  	s7 =	simm.s32 $0x180;
	s5 =	sadd.s32 $0x4AFA00, s15;
	[sflag:s3] =	ssyncadd.s32 $0xFFFFFEC0  }
0xc: {  	[tilespmem:s7], [sflag:$0x1] =	stream.indirect.gather [hbm4b:s5+s6], $0x80, s2, s6, $0xb8;
	[tilespmem:$0xA180] =	vst v63  }
0xd: {  	s8 =	simm.s32 $0x4180;
	s9 =	simm.s32 $0x40  }
0xe: {  	[tilespmem:s8], [sflag:$0x1] =	stream.indirect.gather [hbm4b:s5+s6], $0x80, s6, s6, $0xb8;
	[tilespmem:$0xA180] =	vst v63  }
0xf: {  	s10 =	simm.s32 $0x100;
	s11 =	simm.s32 $0x8180;
	s12 =	simm.s32 $0x1  }
0x10: {  	[tilespmem:s11], [sflag:$0x1] =	stream.indirect.gather [hbm4b:s5+s9], $0x80, s10, s9, $0xb8;
	[tilespmem:$0xA180] =	vst v63  }
0x11: {  	_ =	swait.ge [sflag:s12], $0x4000  }
0x12: {  	[sflag:s12] =	ssyncset.done $0x0  }
0x13: {  	s13 =	ssub.s32 $0x2, s13;
	[sflag:s12] =	ssyncadd.s32 $0xFFFFC000  }
0x14: {  	s16 =	sshrl.u32 s13, $0x1;
	_ =	swait.ge [sflag:s12], $0x4000  }
0x15: {  	s30 =	ssub.s32 s13, s16;
	[sflag:s12] =	ssyncset.done $0x0  }
0x16: {  	s14 =	smul.u32 $0x1400, s14;
	s31 =	smax.u32 s30, $0x1;
	[sflag:s12] =	ssyncadd.s32 $0xFFFFC000  }
0x17: {  	p0 =	sne.s32 s31, $0x1;
	_ =	swait.ge [sflag:s12], $0x2000  }
.Ltmp0:
0x18: {  	s14 =	sadd.s32 s14, s15;
	[sflag:s12] =	ssyncset.done $0x0;
	(pc) =	sbr.rel @!p0 .LBB2_2-.Ltmp0, $4  }
0x19: {  	s13 =	sadd.s32 $0x3C200, s14;
	[sflag:s12] =	ssyncadd.s32 $0xFFFFE000  }
0x1a: {  	[hbm4b:s13+s2] =	stream.linear.scatter [tilespmem:s7], [sflag:$0x2], $0xA000, $0x38;
	[tilespmem:$0xA180] =	vst v63  }
0x1b: {  	_ =	swait.ge [sflag:s3], $0xA000  }
0x1c: {  	s14 =	sadd.s32 $0xFFFFFFFF, s31;
	[sflag:s3] =	ssyncset.done $0x0  }
.LBB2_1:
0x1d: {  	p0 =	sne.s32 s14, $0x1;
	s14 =	sadd.s32 $0xFFFFFFFF, s14;
	[sflag:s3] =	ssyncadd.s32 $0xFFFF6000  }
0x1e: {  	[tilespmem:s2], [sflag:$0x2] =	stream.linear.gather [hbm4b:s4+s2], $0x140, $0x38;
	[tilespmem:$0xA180] =	vst v63  }
0x1f: {  	_ =	swait.ge [sflag:s3], $0x140  }
0x20: {  	[sflag:s3] =	ssyncset.done $0x0  }
0x21: {  	[sflag:s3] =	ssyncadd.s32 $0xFFFFFEC0  }
0x22: {  	[tilespmem:s7], [sflag:$0x1] =	stream.indirect.gather [hbm4b:s5+s6], $0x80, s2, s6, $0xb8;
	[tilespmem:$0xA180] =	vst v63  }
0x23: {  	_ = 	snop  }
0x24: {  	[tilespmem:s8], [sflag:$0x1] =	stream.indirect.gather [hbm4b:s5+s6], $0x80, s6, s6, $0xb8;
	[tilespmem:$0xA180] =	vst v63  }
0x25: {  	_ = 	snop  }
0x26: {  	[tilespmem:s11], [sflag:$0x1] =	stream.indirect.gather [hbm4b:s5+s9], $0x80, s10, s9, $0xb8;
	[tilespmem:$0xA180] =	vst v63  }
0x27: {  	_ =	swait.ge [sflag:s12], $0x4000  }
0x28: {  	[sflag:s12] =	ssyncset.done $0x0  }
0x29: {  	[sflag:s12] =	ssyncadd.s32 $0xFFFFC000  }
0x2a: {  	_ =	swait.ge [sflag:s12], $0x4000  }
0x2b: {  	[sflag:s12] =	ssyncset.done $0x0  }
0x2c: {  	[sflag:s12] =	ssyncadd.s32 $0xFFFFC000  }
0x2d: {  	_ =	swait.ge [sflag:s12], $0x2000  }
.Ltmp1:
0x2e: {  	[sflag:s12] =	ssyncset.done $0x0;
	(pc) =	sbr.rel @p0 .LBB2_1-.Ltmp1, $4  }
0x2f: {  	[sflag:s12] =	ssyncadd.s32 $0xFFFFE000  }
0x30: {  	[hbm4b:s13+s2] =	stream.linear.scatter [tilespmem:s7], [sflag:$0x2], $0xA000, $0x38;
	[tilespmem:$0xA180] =	vst v63  }
0x31: {  	_ =	swait.ge [sflag:s3], $0xA000  }
0x32: {  	[sflag:s3] =	ssyncset.done $0x0  }
.LBB2_2:
0x33: {  	[sflag:s3] =	ssyncadd.s32 $0xFFFF6000  }
0x34: {  	_ =	sfence.sel $0x180000  }
0x35: {  	[bflag:$0x0] =	sbarrier.arrive $0xFFFF  }
0x36: {  	p0 =	sne.s32 s0, $0x0;
	_ =	strace $0x9000006E  }
0x37: {  	s0 =	sadd.s32 @!p0 $0x100000, s1;
	[bflag:$0x2] =	sbarrier.arrive $0xFFFF  }
0x38: {  	[sflag:s0] =	ssyncadd.tile.s32 @!p0 $0x1;
	_ =	shalt  }
.Lfunc_end2:
_tile_overlayer_lowered:
.L_overlay_start_2:
0x39: {  	(tag) =	ssettag $0x2  }
0x3a: {  	s0 =	rddreg [dreg:$0x0];
	s2 =	stileid.u32  }
0x3b: {  	s1 =	rddreg [dreg:$0x1];
	p0 =	sne.s32 s2, $0x0  }
0x3c: {  	s3 =	rddreg [dreg:$0x2];
	[bflag:$0x3] =	sbarrier.arrive $0xFFFF;
	s2 =	simm.s32 @!p0 $0x1C02  }
0x3d: {  	[timem:s3], [sflag:s2] =	dma.local @!p0 [hbm:s0], s1  }
0x3e: {  	s0 =	simm.s32 @!p0 $0x2  }
0x3f: {  	_ =	swait.ge @!p0 [sflag:s0], s1  }
0x40: {  	s1 =	ssub.s32 @!p0 $0x0, s1;
	[sflag:s0] =	ssyncset.done @!p0 $0x0  }
0x41: {  	[sflag:s0] =	ssyncadd.s32 @!p0 s1  }
0x42: {  	[bflag:$0x3] =	sbarrier.arrive $0xFFFF  }
0x43: {  	_ =	shalt  }

// kernel: kernel.77.cloned.1.call-start
scs
__scs_entry_jumppad:
0x0: {  	(pc) =	sbr.rel $0x88, $3  }
0x1: {  	(tag) =	ssettag $0x0;
	lr =	simm.s32 $0x1  }
0x2: {  	[smem:$0x3F95] =	sst lr;
	_ =	strace $0xD0000000  }
0x3: {  	_ = 	snop  }
0x4: {  	_ = 	snop  }
0x5: {  	_ = 	snop  }
0x6: {  	_ = 	snop  }
0x7: {  	_ = 	snop  }
__scs_overlays_trampoline_lowered:
0x8: {  	[smem:$0x3FA4] =	sst s0  }
0x9: {  	[smem:$0x3FA5] =	sst s1  }
0xa: {  	[smem:$0x3FA6] =	sst s2  }
0xb: {  	[smem:$0x3FA7] =	sst s3  }
0xc: {  	[smem:$0x3FA8] =	sst s4  }
0xd: {  	[smem:$0x3FA9] =	sst s5  }
0xe: {  	[smem:$0x3FAA] =	sst s6  }
0xf: {  	[smem:$0x3FAB] =	sst s7  }
0x10: {  	[smem:$0x3FAC] =	sst s8  }
0x11: {  	[smem:$0x3FAD] =	sst s9;
	s0 =	simm.s32 @!p0 $0x0  }
0x12: {  	s1 =	sld [smem:$0x3F93];
	s0 =	simm.s32 @p0 $0x1  }
0x13: {  	[smem:$0x3FAE] =	sst s0;
	s0 =	simm.s32 @!p1 $0x0  }
0x14: {  	s2 =	sld [smem:$0x3F92];
	s0 =	simm.s32 @p1 $0x1  }
0x15: {  	[smem:$0x3FAF] =	sst s0;
	s0 =	simm.s32 @!p2 $0x0  }
0x16: {  	s3 =	sld [smem:$0x3FDB];
	s0 =	simm.s32 @p2 $0x1  }
0x17: {  	s4 =	simm.s32 $0x1BF5;
	[smem:$0x3FB1] =	sst s0  }
0x18: {  	s0 =	sld [smem:$0x3F94];
	_ =	swait.ge [sflag:s4], $0x0  }
0x19: {  	s7 =	sld [smem:$0x3F95]  }
0x1a: {  	s8 =	sadd.s32 $0xFFFFE003, lr  }
0x1b: {  	s9 =	sadd.s32 $0xFFFFFEF7, lr;
	s5 =	simm.s32 $0xFFFFFFFF;
	p2 =	slt.u32 s8, $0xFFFFF086  }
0x1c: {  	p1 =	slt.u32 s9, $0xF7A;
	s5 =	simm.s32 @!p2 $0x0  }
0x1d: {  	s5 =	simm.s32 @p1 $0x1;
	p0 =	seq.s32 s7, s2  }
0x1e: {  	s7 =	smul.u32 @!p0 $0xF7A, s2;
	p2 =	seq.s32 @!p0 s5, $0x0  }
0x1f: {  	s9 =	smul.u32 $0xF7A, s1;
	s8 =	simm.s32 @!p0 $0x1BF5;
	p2 =	por !p2, p0  }
0x20: {  	[sflag:s8] =	ssyncset.s32 @!p0 $0xFFFFF086;
	s6 =	sadd.s32 @!p0 s3, s7;
	s7 =	simm.s32 @!p0 $0x108  }
0x21: {  	s3 =	sadd.s32 s3, s9;
	s6 =	sadd.s32 @!p0 $0x88, s6;
	s7 =	simm.s32 @p2 $0x1082  }
0x22: {  	[simem:s7], [sflag:s8] =	dma.local @!p0 [hbm:s6], $0xF7A  }
0x23: {  	s9 =	sor.u32 $0xD0000000, s2;
	s6 =	simm.s32 $0x108;
	_ =	swait.ge @!p0 [sflag:s8], $0x0  }
0x24: {  	s3 =	sadd.s32 $0x88, s3;
	s6 =	simm.s32 @!p1 $0x1082;
	[sflag:s4] =	ssyncset.s32 $0xFFFFF086  }
0x25: {  	[simem:s6], [sflag:s4] =	dma.local [hbm:s3], $0xF7A  }
0x26: {  	[smem:$0x3F95] =	sst s1;
	(tag) =	ssettag s2;
	_ =	strace s9  }
0x27: {  	s1 =	sld [smem:$0x3FA5]  }
0x28: {  	s2 =	sld [smem:$0x3FA6]  }
0x29: {  	s4 =	sld [smem:$0x3FA8]  }
0x2a: {  	p0 =	seq.s32 s5, $0x0;
	s5 =	sld [smem:$0x3FA9]  }
0x2b: {  	s6 =	sld [smem:$0x3FAA]  }
0x2c: {  	s7 =	sld [smem:$0x3FAB]  }
0x2d: {  	s3 =	simm.s32 $0x108;
	s8 =	sld [smem:$0x3FAC]  }
0x2e: {  	s3 =	simm.s32 @!p0 $0x1082;
	s9 =	sld [smem:$0x3FAD]  }
0x2f: {  	lr =	sadd.s32 s0, s3;
	s0 =	sld [smem:$0x3FA4]  }
0x30: {  	s3 =	sld [smem:$0x3FA7]  }
0x31: {  	[smem:$0x3FB0] =	sst s10  }
0x32: {  	s10 =	sld [smem:$0x3FAE];
	_ =	sdelay $0x3  }
0x33: {  	p0 =	seq.s32 s10, $0x1;
	s10 =	sld [smem:$0x3FB0];
	_ =	sdelay $0x3  }
0x34: {  	[smem:$0x3FB0] =	sst s10  }
0x35: {  	s10 =	sld [smem:$0x3FAF];
	_ =	sdelay $0x3  }
0x36: {  	p1 =	seq.s32 s10, $0x1;
	s10 =	sld [smem:$0x3FB0];
	_ =	sdelay $0x3  }
0x37: {  	[smem:$0x3FB0] =	sst s10  }
0x38: {  	s10 =	sld [smem:$0x3FB1]  }
0x39: {  	_ = 	snop;
	(pc) =	sbr.ind lr, $3  }
0x3a: {  	_ = 	snop  }
0x3b: {  	_ = 	snop  }
0x3c: {  	p2 =	seq.s32 s10, $0x1;
	s10 =	sld [smem:$0x3FB0]  }
0x3d: {  	_ =	shalt  }
0x3e: {  	_ =	shalt  }
0x3f: {  	_ =	shalt  }
0x40: {  	_ =	shalt  }
0x41: {  	_ =	shalt  }
0x42: {  	_ =	shalt  }
0x43: {  	_ =	shalt  }
0x44: {  	_ =	shalt  }
0x45: {  	_ =	shalt  }
0x46: {  	_ =	shalt  }
0x47: {  	_ =	shalt  }
0x48: {  	_ =	shalt  }
0x49: {  	_ =	shalt  }
0x4a: {  	_ =	shalt  }
0x4b: {  	_ =	shalt  }
0x4c: {  	_ =	shalt  }
0x4d: {  	_ =	shalt  }
0x4e: {  	_ =	shalt  }
0x4f: {  	_ =	shalt  }
0x50: {  	_ =	shalt  }
0x51: {  	_ =	shalt  }
0x52: {  	_ =	shalt  }
0x53: {  	_ =	shalt  }
0x54: {  	_ =	shalt  }
0x55: {  	_ =	shalt  }
0x56: {  	_ =	shalt  }
0x57: {  	_ =	shalt  }
0x58: {  	_ =	shalt  }
0x59: {  	_ =	shalt  }
0x5a: {  	_ =	shalt  }
0x5b: {  	_ =	shalt  }
0x5c: {  	_ =	shalt  }
0x5d: {  	_ =	shalt  }
0x5e: {  	_ =	shalt  }
0x5f: {  	_ =	shalt  }
0x60: {  	_ =	shalt  }
0x61: {  	_ =	shalt  }
0x62: {  	_ =	shalt  }
0x63: {  	_ =	shalt  }
0x64: {  	_ =	shalt  }
0x65: {  	_ =	shalt  }
0x66: {  	_ =	shalt  }
0x67: {  	_ =	shalt  }
0x68: {  	_ =	shalt  }
0x69: {  	_ =	shalt  }
0x6a: {  	_ =	shalt  }
0x6b: {  	_ =	shalt  }
0x6c: {  	_ =	shalt  }
0x6d: {  	_ =	shalt  }
0x6e: {  	_ =	shalt  }
0x6f: {  	_ =	shalt  }
0x70: {  	_ =	shalt  }
0x71: {  	_ =	shalt  }
0x72: {  	_ =	shalt  }
0x73: {  	_ =	shalt  }
0x74: {  	_ =	shalt  }
0x75: {  	_ =	shalt  }
0x76: {  	_ =	shalt  }
0x77: {  	_ =	shalt  }
0x78: {  	_ =	shalt  }
0x79: {  	_ =	shalt  }
0x7a: {  	_ =	shalt  }
0x7b: {  	_ =	shalt  }
0x7c: {  	_ =	shalt  }
0x7d: {  	_ =	shalt  }
0x7e: {  	_ =	shalt  }
0x7f: {  	_ =	shalt  }
0x80: {  	_ =	shalt  }
0x81: {  	_ =	shalt  }
0x82: {  	_ =	shalt  }
0x83: {  	_ =	shalt  }
0x84: {  	_ =	shalt  }
0x85: {  	_ =	shalt  }
0x86: {  	_ =	shalt  }
0x87: {  	_ =	shalt  }
.Lfunc_end0:
.L_simem_size_0:
called_computation.14_lowered:
.L_overlay_start_0:
0x88: {  	s2 =	sld [smem:$0x3FD9]  }
0x89: {  	s3 =	sld [smem:$0x3FFE];
	_ =	sdelay $0x1  }
0x8a: {  	s1 =	srdreg.scid  }
0x8b: {  	s0 =	sand.u32 $0x1, s1  }
0x8c: {  	s17 =	sshll.u32 s0, $0xA;
	s2 =	sadd.s32 s3, s2  }
0x8d: {  	s2 =	sadd.s32 s2, s17  }
0x8e: {  	[smem:$0x3FBC] =	sst s2  }
0x8f: {  	_ = 	snop  }
0x90: {  	(tm) =	ssettm $0x1  }
0x91: {  	s18 =	sld [smem:$0x3FFB];
	_ =	sdelay $0x3  }
0x92: {  	_ =	strace s18  }
0x93: {  	s2 =	sld [smem:$0x3FFC];
	_ =	sdelay $0x3  }
0x94: {  	_ =	strace s2  }
0x95: {  	s2 =	sld [smem:$0x3FFD];
	_ =	sdelay $0x3  }
0x96: {  	_ =	strace s2  }
0x97: {  	_ =	strace $0x8FFFFFFF  }
0x98: {  	s19 =	sld [smem:$0x3FDB];
	_ =	sdelay $0x1  }
0x99: {  	s20 =	simm.s32 $_scs_section_size  }
0x9a: {  	s4 =	simm.s32 $_size__tile_overlayer_lowered;
	s5 =	simm.s32 $_tile_overlayer_lowered  }
0x9b: {  	s6 =	simm.s32 $0x1BFF;
	s21 =	sshll.u32 s5, $0x1;
	s3 =	sadd.s32 s20, s19  }
0x9c: {  	s22 =	simm.s32 $0x0;
	s4 =	sshll.u32 s4, $0x1;
	s5 =	sadd.s32 s21, s3  }
0x9d: {  	[timem:s22], [sflag:s6] =	dma.local [hbm:s5], s4  }
0x9e: {  	_ =	swait.ge [sflag:s6], s4  }
0x9f: {  	s4 =	ssub.s32 $0x0, s4;
	[sflag:s6] =	ssyncset.done $0x0  }
0xa0: {  	[sflag:s6] =	ssyncadd.s32 s4;
	_ =	sdelay $0x1  }
0xa1: {  	s23 =	simm.s32 $0x1B8B  }
0xa2: {  	_ =	swait.ge [sflag:s23], $0x1  }
0xa3: {  	[sflag:s23] =	ssyncset.done $0x0  }
0xa4: {  	[sflag:s23] =	ssyncadd.s32 $0xFFFFFFFF  }
0xa5: {  	s4 =	sld [smem:$0x0]  }
0xa6: {  	s5 =	sand.u32 $0xFFFFFFFE, s1  }
0xa7: {  	p0 =	sne.s32 s1, s5  }
0xa8: {  	s5 =	sshll.u32 @p0 s5, $0xE  }
0xa9: {  	s5 =	sadd.s32 @p0 $0x11B8D, s5;
	s6 =	sshll.u32 @p0 s4, $0x11  }
0xaa: {  	s5 =	sor.u32 @p0 s6, s5  }
0xab: {  	[sflag:s5] =	ssyncadd.remote.s32 @p0 $0x1;
	_ =	sdelay $0x1  }
0xac: {  	s5 =	simm.s32 @p0 $0x1B8D  }
0xad: {  	_ =	swait.eq @p0 [sflag:s5], $0x1  }
0xae: {  	[sflag:s5] =	ssyncadd.s32 @p0 $0xFFFFFFFF  }
0xaf: {  	s6 =	sshll.u32 @!p0 s1, $0xE  }
0xb0: {  	s6 =	sor.u32 @!p0 $0x4000, s6;
	s5 =	simm.s32 @!p0 $0x1B8D  }
0xb1: {  	s4 =	sshll.u32 @!p0 s4, $0x11;
	s6 =	sadd.s32 @!p0 $0x11B8D, s6;
	_ =	swait.eq @!p0 [sflag:s5], $0x1  }
0xb2: {  	s4 =	sor.u32 @!p0 s4, s6;
	[sflag:s5] =	ssyncadd.s32 @!p0 $0xFFFFFFFF  }
0xb3: {  	s25 =	simm.s32 $0x1B8E;
	s24 =	sld [smem:$0x3FFE];
	[sflag:s4] =	ssyncadd.remote.s32 @!p0 $0x1  }
0xb4: {  	s26 =	simm.s32 $execute0_lowered;
	[smem:$0x3FD2] =	sst s25  }
0xb5: {  	s5 =	sshll.u32 s26, $0x1;
	_ =	strace $0x80000070;
	[dreg:$0x1] =	wrdreg $0xFFFFFFFF  }
0xb6: {  	s28 =	simm.s32 $_size_execute0_lowered;
	s3 =	sadd.s32 s3, s5;
	[dreg:$0x0] =	wrdreg $0x0  }
0xb7: {  	s5 =	sshll.u32 s28, $0x1;
	[dreg:$0x2] =	wrdreg s3  }
0xb8: {  	[dreg:$0x3] =	wrdreg s5  }
0xb9: {  	[dreg:$0x4] =	wrdreg $0xC0  }
0xba: {  	_ =	task [dreg:s22], $0x5FFFF  }
0xbb: {  	[dreg:$0x1] =	wrdreg $0xFFFFFFFF  }
0xbc: {  	[dreg:$0x0] =	wrdreg $0x60  }
0xbd: {  	[dreg:$0x2] =	wrdreg s24  }
0xbe: {  	[dreg:$0x3] =	wrdreg $0xA  }
0xbf: {  	_ =	task.clear_ibuf [dreg:s22], $0x4FFFF;
	_ =	strace $0x90000070  }
0xc0: {  	s29 =	simm.s32 $0xA;
	_ =	strace $0x80000072  }
0xc1: {  	_ =	swait.ge [sflag:s29], $0x1  }
0xc2: {  	[sflag:s29] =	ssyncadd.s32 $0xFFFFFFFF  }
0xc3: {  	_ =	strace $0x90000072  }
0xc4: {  	_ =	sfence  }
0xc5: {  	s30 =	sld [smem:$0x0];
	_ =	sdelay $0x2  }
0xc6: {  	s31 =	sshll.u32 s1, $0xD;
	s1 =	sshrl.u32 s1, $0x2  }
0xc7: {  	s4 =	sand.u32 $0x4000, s31;
	s1 =	sadd.s32 s1, s30  }
0xc8: {  	s0 =	sor.u32 s4, s0;
	s1 =	sshll.u32 s1, $0x11  }
0xc9: {  	s0 =	sor.u32 s1, s0  }
0xca: {  	s0 =	sadd.s32 $0x8F2B, s0  }
0xcb: {  	[sflag:s0] =	ssyncadd.remote.s32 $0x1  }
0xcc: {  	_ =	sfence.sel $0xFFFF  }
0xcd: {  	[dreg:$0x0] =	wrdreg $0xFFFFFFFF;
	(pc) =	sbr.abs _section_cstart, $3  }
0xce: {  	[dreg:$0x1] =	wrdreg $0xFFFFFFFF  }
0xcf: {  	_ =	task.clear_ibuf [dreg:s22], $0x2FFFF;
	_ =	strace $0x9FFFFFFF  }
0xd0: {  	(tm) =	ssettm $0x7FFFFFFF  }
0xd1: {  	_ =	shalt  }
tec
execute0_lowered:
.L_overlay_start_1:
0x0: {  	(tag) =	ssettag $0x1  }
0x1: {  	s1 =	srdreg.scid;
	s0 =	stileid.u32  }
0x2: {  	s13 =	sand.u32 $0x1, s1;
	s29 =	sshll.u32 s0, $0x1  }
0x3: {  	s14 =	sor.u32 s13, s29  }
0x4: {  	s15 =	rddreg [dreg:$0x0];
	s3 =	smul.u32 $0x28, s14  }
0x5: {  	s2 =	simm.s32 $0x0;
	s1 =	rddreg [dreg:$0x1]  }
0x6: {  	[smem:$0x7FF] =	sst s2;
	s3 =	sadd.s32 s3, s15  }
0x7: {  	_ =	strace $0x80000071;
	s4 =	sadd.s32 $0x66600, s3;
	s3 =	simm.s32 $0x2  }
0x8: {  	[tilespmem:s2], [sflag:$0x2] =	stream.linear.gather [hbm4b:s4+s2], $0x140, $0x38;
	[tilespmem:$0xA180] =	vst v63  }
0x9: {  	_ =	swait.ge [sflag:s3], $0x140  }
0xa: {  	s6 =	simm.s32 $0x80;
	[sflag:s3] =	ssyncset.done $0x0  }
0xb: {  	s7 =	simm.s32 $0x180;
	s5 =	sadd.s32 $0x4AFA00, s15;
	[sflag:s3] =	ssyncadd.s32 $0xFFFFFEC0  }
0xc: {  	[tilespmem:s7], [sflag:$0x1] =	stream.indirect.gather [hbm4b:s5+s6], $0x80, s2, s6, $0xb8;
	[tilespmem:$0xA180] =	vst v63  }
0xd: {  	s8 =	simm.s32 $0x4180;
	s9 =	simm.s32 $0x40  }
0xe: {  	[tilespmem:s8], [sflag:$0x1] =	stream.indirect.gather [hbm4b:s5+s6], $0x80, s6, s6, $0xb8;
	[tilespmem:$0xA180] =	vst v63  }
0xf: {  	s10 =	simm.s32 $0x100;
	s11 =	simm.s32 $0x8180;
	s12 =	simm.s32 $0x1  }
0x10: {  	[tilespmem:s11], [sflag:$0x1] =	stream.indirect.gather [hbm4b:s5+s9], $0x80, s10, s9, $0xb8;
	[tilespmem:$0xA180] =	vst v63  }
0x11: {  	_ =	swait.ge [sflag:s12], $0x4000  }
0x12: {  	[sflag:s12] =	ssyncset.done $0x0  }
0x13: {  	s13 =	ssub.s32 $0x2, s13;
	[sflag:s12] =	ssyncadd.s32 $0xFFFFC000  }
0x14: {  	s16 =	sshrl.u32 s13, $0x1;
	_ =	swait.ge [sflag:s12], $0x4000  }
0x15: {  	s30 =	ssub.s32 s13, s16;
	[sflag:s12] =	ssyncset.done $0x0  }
0x16: {  	s14 =	smul.u32 $0x1400, s14;
	s31 =	smax.u32 s30, $0x1;
	[sflag:s12] =	ssyncadd.s32 $0xFFFFC000  }
0x17: {  	p0 =	sne.s32 s31, $0x1;
	_ =	swait.ge [sflag:s12], $0x2000  }
.Ltmp0:
0x18: {  	s14 =	sadd.s32 s14, s15;
	[sflag:s12] =	ssyncset.done $0x0;
	(pc) =	sbr.rel @!p0 .LBB2_2-.Ltmp0, $4  }
0x19: {  	s13 =	sadd.s32 $0x13600, s14;
	[sflag:s12] =	ssyncadd.s32 $0xFFFFE000  }
0x1a: {  	[hbm4b:s13+s2] =	stream.linear.scatter [tilespmem:s7], [sflag:$0x2], $0xA000, $0x38;
	[tilespmem:$0xA180] =	vst v63  }
0x1b: {  	_ =	swait.ge [sflag:s3], $0xA000  }
0x1c: {  	s14 =	sadd.s32 $0xFFFFFFFF, s31;
	[sflag:s3] =	ssyncset.done $0x0  }
.LBB2_1:
0x1d: {  	p0 =	sne.s32 s14, $0x1;
	s14 =	sadd.s32 $0xFFFFFFFF, s14;
	[sflag:s3] =	ssyncadd.s32 $0xFFFF6000  }
0x1e: {  	[tilespmem:s2], [sflag:$0x2] =	stream.linear.gather [hbm4b:s4+s2], $0x140, $0x38;
	[tilespmem:$0xA180] =	vst v63  }
0x1f: {  	_ =	swait.ge [sflag:s3], $0x140  }
0x20: {  	[sflag:s3] =	ssyncset.done $0x0  }
0x21: {  	[sflag:s3] =	ssyncadd.s32 $0xFFFFFEC0  }
0x22: {  	[tilespmem:s7], [sflag:$0x1] =	stream.indirect.gather [hbm4b:s5+s6], $0x80, s2, s6, $0xb8;
	[tilespmem:$0xA180] =	vst v63  }
0x23: {  	_ = 	snop  }
0x24: {  	[tilespmem:s8], [sflag:$0x1] =	stream.indirect.gather [hbm4b:s5+s6], $0x80, s6, s6, $0xb8;
	[tilespmem:$0xA180] =	vst v63  }
0x25: {  	_ = 	snop  }
0x26: {  	[tilespmem:s11], [sflag:$0x1] =	stream.indirect.gather [hbm4b:s5+s9], $0x80, s10, s9, $0xb8;
	[tilespmem:$0xA180] =	vst v63  }
0x27: {  	_ =	swait.ge [sflag:s12], $0x4000  }
0x28: {  	[sflag:s12] =	ssyncset.done $0x0  }
0x29: {  	[sflag:s12] =	ssyncadd.s32 $0xFFFFC000  }
0x2a: {  	_ =	swait.ge [sflag:s12], $0x4000  }
0x2b: {  	[sflag:s12] =	ssyncset.done $0x0  }
0x2c: {  	[sflag:s12] =	ssyncadd.s32 $0xFFFFC000  }
0x2d: {  	_ =	swait.ge [sflag:s12], $0x2000  }
.Ltmp1:
0x2e: {  	[sflag:s12] =	ssyncset.done $0x0;
	(pc) =	sbr.rel @p0 .LBB2_1-.Ltmp1, $4  }
0x2f: {  	[sflag:s12] =	ssyncadd.s32 $0xFFFFE000  }
0x30: {  	[hbm4b:s13+s2] =	stream.linear.scatter [tilespmem:s7], [sflag:$0x2], $0xA000, $0x38;
	[tilespmem:$0xA180] =	vst v63  }
0x31: {  	_ =	swait.ge [sflag:s3], $0xA000  }
0x32: {  	[sflag:s3] =	ssyncset.done $0x0  }
.LBB2_2:
0x33: {  	[sflag:s3] =	ssyncadd.s32 $0xFFFF6000  }
0x34: {  	_ =	sfence.sel $0x180000  }
0x35: {  	[bflag:$0x0] =	sbarrier.arrive $0xFFFF  }
0x36: {  	p0 =	sne.s32 s0, $0x0;
	_ =	strace $0x90000071  }
0x37: {  	s0 =	sadd.s32 @!p0 $0x100000, s1;
	[bflag:$0x2] =	sbarrier.arrive $0xFFFF  }
0x38: {  	[sflag:s0] =	ssyncadd.tile.s32 @!p0 $0x1;
	_ =	shalt  }
.Lfunc_end2:
_tile_overlayer_lowered:
.L_overlay_start_2:
0x39: {  	(tag) =	ssettag $0x2  }
0x3a: {  	s0 =	rddreg [dreg:$0x0];
	s2 =	stileid.u32  }
0x3b: {  	s1 =	rddreg [dreg:$0x1];
	p0 =	sne.s32 s2, $0x0  }
0x3c: {  	s3 =	rddreg [dreg:$0x2];
	[bflag:$0x3] =	sbarrier.arrive $0xFFFF;
	s2 =	simm.s32 @!p0 $0x1C02  }
0x3d: {  	[timem:s3], [sflag:s2] =	dma.local @!p0 [hbm:s0], s1  }
0x3e: {  	s0 =	simm.s32 @!p0 $0x2  }
0x3f: {  	_ =	swait.ge @!p0 [sflag:s0], s1  }
0x40: {  	s1 =	ssub.s32 @!p0 $0x0, s1;
	[sflag:s0] =	ssyncset.done @!p0 $0x0  }
0x41: {  	[sflag:s0] =	ssyncadd.s32 @!p0 s1  }
0x42: {  	[bflag:$0x3] =	sbarrier.arrive $0xFFFF  }
0x43: {  	_ =	shalt  }

// kernel: kernel.80.cloned.1.call-start
scs
__scs_entry_jumppad:
0x0: {  	(pc) =	sbr.rel $0x88, $3  }
0x1: {  	(tag) =	ssettag $0x0;
	lr =	simm.s32 $0x1  }
0x2: {  	[smem:$0x3F95] =	sst lr;
	_ =	strace $0xD0000000  }
0x3: {  	_ = 	snop  }
0x4: {  	_ = 	snop  }
0x5: {  	_ = 	snop  }
0x6: {  	_ = 	snop  }
0x7: {  	_ = 	snop  }
__scs_overlays_trampoline_lowered:
0x8: {  	[smem:$0x3FA4] =	sst s0  }
0x9: {  	[smem:$0x3FA5] =	sst s1  }
0xa: {  	[smem:$0x3FA6] =	sst s2  }
0xb: {  	[smem:$0x3FA7] =	sst s3  }
0xc: {  	[smem:$0x3FA8] =	sst s4  }
0xd: {  	[smem:$0x3FA9] =	sst s5  }
0xe: {  	[smem:$0x3FAA] =	sst s6  }
0xf: {  	[smem:$0x3FAB] =	sst s7  }
0x10: {  	[smem:$0x3FAC] =	sst s8  }
0x11: {  	[smem:$0x3FAD] =	sst s9;
	s0 =	simm.s32 @!p0 $0x0  }
0x12: {  	s1 =	sld [smem:$0x3F93];
	s0 =	simm.s32 @p0 $0x1  }
0x13: {  	[smem:$0x3FAE] =	sst s0;
	s0 =	simm.s32 @!p1 $0x0  }
0x14: {  	s2 =	sld [smem:$0x3F92];
	s0 =	simm.s32 @p1 $0x1  }
0x15: {  	[smem:$0x3FAF] =	sst s0;
	s0 =	simm.s32 @!p2 $0x0  }
0x16: {  	s3 =	sld [smem:$0x3FDB];
	s0 =	simm.s32 @p2 $0x1  }
0x17: {  	s4 =	simm.s32 $0x1BF5;
	[smem:$0x3FB1] =	sst s0  }
0x18: {  	s0 =	sld [smem:$0x3F94];
	_ =	swait.ge [sflag:s4], $0x0  }
0x19: {  	s7 =	sld [smem:$0x3F95]  }
0x1a: {  	s8 =	sadd.s32 $0xFFFFE003, lr  }
0x1b: {  	s9 =	sadd.s32 $0xFFFFFEF7, lr;
	s5 =	simm.s32 $0xFFFFFFFF;
	p2 =	slt.u32 s8, $0xFFFFF086  }
0x1c: {  	p1 =	slt.u32 s9, $0xF7A;
	s5 =	simm.s32 @!p2 $0x0  }
0x1d: {  	s5 =	simm.s32 @p1 $0x1;
	p0 =	seq.s32 s7, s2  }
0x1e: {  	s7 =	smul.u32 @!p0 $0xF7A, s2;
	p2 =	seq.s32 @!p0 s5, $0x0  }
0x1f: {  	s9 =	smul.u32 $0xF7A, s1;
	s8 =	simm.s32 @!p0 $0x1BF5;
	p2 =	por !p2, p0  }
0x20: {  	[sflag:s8] =	ssyncset.s32 @!p0 $0xFFFFF086;
	s6 =	sadd.s32 @!p0 s3, s7;
	s7 =	simm.s32 @!p0 $0x108  }
0x21: {  	s3 =	sadd.s32 s3, s9;
	s6 =	sadd.s32 @!p0 $0x88, s6;
	s7 =	simm.s32 @p2 $0x1082  }
0x22: {  	[simem:s7], [sflag:s8] =	dma.local @!p0 [hbm:s6], $0xF7A  }
0x23: {  	s9 =	sor.u32 $0xD0000000, s2;
	s6 =	simm.s32 $0x108;
	_ =	swait.ge @!p0 [sflag:s8], $0x0  }
0x24: {  	s3 =	sadd.s32 $0x88, s3;
	s6 =	simm.s32 @!p1 $0x1082;
	[sflag:s4] =	ssyncset.s32 $0xFFFFF086  }
0x25: {  	[simem:s6], [sflag:s4] =	dma.local [hbm:s3], $0xF7A  }
0x26: {  	[smem:$0x3F95] =	sst s1;
	(tag) =	ssettag s2;
	_ =	strace s9  }
0x27: {  	s1 =	sld [smem:$0x3FA5]  }
0x28: {  	s2 =	sld [smem:$0x3FA6]  }
0x29: {  	s4 =	sld [smem:$0x3FA8]  }
0x2a: {  	p0 =	seq.s32 s5, $0x0;
	s5 =	sld [smem:$0x3FA9]  }
0x2b: {  	s6 =	sld [smem:$0x3FAA]  }
0x2c: {  	s7 =	sld [smem:$0x3FAB]  }
0x2d: {  	s3 =	simm.s32 $0x108;
	s8 =	sld [smem:$0x3FAC]  }
0x2e: {  	s3 =	simm.s32 @!p0 $0x1082;
	s9 =	sld [smem:$0x3FAD]  }
0x2f: {  	lr =	sadd.s32 s0, s3;
	s0 =	sld [smem:$0x3FA4]  }
0x30: {  	s3 =	sld [smem:$0x3FA7]  }
0x31: {  	[smem:$0x3FB0] =	sst s10  }
0x32: {  	s10 =	sld [smem:$0x3FAE];
	_ =	sdelay $0x3  }
0x33: {  	p0 =	seq.s32 s10, $0x1;
	s10 =	sld [smem:$0x3FB0];
	_ =	sdelay $0x3  }
0x34: {  	[smem:$0x3FB0] =	sst s10  }
0x35: {  	s10 =	sld [smem:$0x3FAF];
	_ =	sdelay $0x3  }
0x36: {  	p1 =	seq.s32 s10, $0x1;
	s10 =	sld [smem:$0x3FB0];
	_ =	sdelay $0x3  }
0x37: {  	[smem:$0x3FB0] =	sst s10  }
0x38: {  	s10 =	sld [smem:$0x3FB1]  }
0x39: {  	_ = 	snop;
	(pc) =	sbr.ind lr, $3  }
0x3a: {  	_ = 	snop  }
0x3b: {  	_ = 	snop  }
0x3c: {  	p2 =	seq.s32 s10, $0x1;
	s10 =	sld [smem:$0x3FB0]  }
0x3d: {  	_ =	shalt  }
0x3e: {  	_ =	shalt  }
0x3f: {  	_ =	shalt  }
0x40: {  	_ =	shalt  }
0x41: {  	_ =	shalt  }
0x42: {  	_ =	shalt  }
0x43: {  	_ =	shalt  }
0x44: {  	_ =	shalt  }
0x45: {  	_ =	shalt  }
0x46: {  	_ =	shalt  }
0x47: {  	_ =	shalt  }
0x48: {  	_ =	shalt  }
0x49: {  	_ =	shalt  }
0x4a: {  	_ =	shalt  }
0x4b: {  	_ =	shalt  }
0x4c: {  	_ =	shalt  }
0x4d: {  	_ =	shalt  }
0x4e: {  	_ =	shalt  }
0x4f: {  	_ =	shalt  }
0x50: {  	_ =	shalt  }
0x51: {  	_ =	shalt  }
0x52: {  	_ =	shalt  }
0x53: {  	_ =	shalt  }
0x54: {  	_ =	shalt  }
0x55: {  	_ =	shalt  }
0x56: {  	_ =	shalt  }
0x57: {  	_ =	shalt  }
0x58: {  	_ =	shalt  }
0x59: {  	_ =	shalt  }
0x5a: {  	_ =	shalt  }
0x5b: {  	_ =	shalt  }
0x5c: {  	_ =	shalt  }
0x5d: {  	_ =	shalt  }
0x5e: {  	_ =	shalt  }
0x5f: {  	_ =	shalt  }
0x60: {  	_ =	shalt  }
0x61: {  	_ =	shalt  }
0x62: {  	_ =	shalt  }
0x63: {  	_ =	shalt  }
0x64: {  	_ =	shalt  }
0x65: {  	_ =	shalt  }
0x66: {  	_ =	shalt  }
0x67: {  	_ =	shalt  }
0x68: {  	_ =	shalt  }
0x69: {  	_ =	shalt  }
0x6a: {  	_ =	shalt  }
0x6b: {  	_ =	shalt  }
0x6c: {  	_ =	shalt  }
0x6d: {  	_ =	shalt  }
0x6e: {  	_ =	shalt  }
0x6f: {  	_ =	shalt  }
0x70: {  	_ =	shalt  }
0x71: {  	_ =	shalt  }
0x72: {  	_ =	shalt  }
0x73: {  	_ =	shalt  }
0x74: {  	_ =	shalt  }
0x75: {  	_ =	shalt  }
0x76: {  	_ =	shalt  }
0x77: {  	_ =	shalt  }
0x78: {  	_ =	shalt  }
0x79: {  	_ =	shalt  }
0x7a: {  	_ =	shalt  }
0x7b: {  	_ =	shalt  }
0x7c: {  	_ =	shalt  }
0x7d: {  	_ =	shalt  }
0x7e: {  	_ =	shalt  }
0x7f: {  	_ =	shalt  }
0x80: {  	_ =	shalt  }
0x81: {  	_ =	shalt  }
0x82: {  	_ =	shalt  }
0x83: {  	_ =	shalt  }
0x84: {  	_ =	shalt  }
0x85: {  	_ =	shalt  }
0x86: {  	_ =	shalt  }
0x87: {  	_ =	shalt  }
.Lfunc_end0:
.L_simem_size_0:
called_computation.15_lowered:
.L_overlay_start_0:
0x88: {  	s2 =	sld [smem:$0x3FD9]  }
0x89: {  	s3 =	sld [smem:$0x3FFE];
	_ =	sdelay $0x1  }
0x8a: {  	s1 =	srdreg.scid  }
0x8b: {  	s0 =	sand.u32 $0x1, s1  }
0x8c: {  	s17 =	sshll.u32 s0, $0xA;
	s2 =	sadd.s32 s3, s2  }
0x8d: {  	s2 =	sadd.s32 s2, s17  }
0x8e: {  	[smem:$0x3FBC] =	sst s2  }
0x8f: {  	_ = 	snop  }
0x90: {  	(tm) =	ssettm $0x1  }
0x91: {  	s18 =	sld [smem:$0x3FFB];
	_ =	sdelay $0x3  }
0x92: {  	_ =	strace s18  }
0x93: {  	s2 =	sld [smem:$0x3FFC];
	_ =	sdelay $0x3  }
0x94: {  	_ =	strace s2  }
0x95: {  	s2 =	sld [smem:$0x3FFD];
	_ =	sdelay $0x3  }
0x96: {  	_ =	strace s2  }
0x97: {  	_ =	strace $0x8FFFFFFF  }
0x98: {  	s19 =	sld [smem:$0x3FDB];
	_ =	sdelay $0x1  }
0x99: {  	s20 =	simm.s32 $_scs_section_size  }
0x9a: {  	s4 =	simm.s32 $_size__tile_overlayer_lowered;
	s5 =	simm.s32 $_tile_overlayer_lowered  }
0x9b: {  	s6 =	simm.s32 $0x1BFF;
	s21 =	sshll.u32 s5, $0x1;
	s3 =	sadd.s32 s20, s19  }
0x9c: {  	s22 =	simm.s32 $0x0;
	s4 =	sshll.u32 s4, $0x1;
	s5 =	sadd.s32 s21, s3  }
0x9d: {  	[timem:s22], [sflag:s6] =	dma.local [hbm:s5], s4  }
0x9e: {  	_ =	swait.ge [sflag:s6], s4  }
0x9f: {  	s4 =	ssub.s32 $0x0, s4;
	[sflag:s6] =	ssyncset.done $0x0  }
0xa0: {  	[sflag:s6] =	ssyncadd.s32 s4;
	_ =	sdelay $0x1  }
0xa1: {  	s23 =	simm.s32 $0x1B8B  }
0xa2: {  	_ =	swait.ge [sflag:s23], $0x1  }
0xa3: {  	[sflag:s23] =	ssyncset.done $0x0  }
0xa4: {  	[sflag:s23] =	ssyncadd.s32 $0xFFFFFFFF  }
0xa5: {  	s4 =	sld [smem:$0x0]  }
0xa6: {  	s5 =	sand.u32 $0xFFFFFFFE, s1  }
0xa7: {  	p0 =	sne.s32 s1, s5  }
0xa8: {  	s5 =	sshll.u32 @p0 s5, $0xE  }
0xa9: {  	s5 =	sadd.s32 @p0 $0x11B8D, s5;
	s6 =	sshll.u32 @p0 s4, $0x11  }
0xaa: {  	s5 =	sor.u32 @p0 s6, s5  }
0xab: {  	[sflag:s5] =	ssyncadd.remote.s32 @p0 $0x1;
	_ =	sdelay $0x1  }
0xac: {  	s5 =	simm.s32 @p0 $0x1B8D  }
0xad: {  	_ =	swait.eq @p0 [sflag:s5], $0x1  }
0xae: {  	[sflag:s5] =	ssyncadd.s32 @p0 $0xFFFFFFFF  }
0xaf: {  	s6 =	sshll.u32 @!p0 s1, $0xE  }
0xb0: {  	s6 =	sor.u32 @!p0 $0x4000, s6;
	s5 =	simm.s32 @!p0 $0x1B8D  }
0xb1: {  	s4 =	sshll.u32 @!p0 s4, $0x11;
	s6 =	sadd.s32 @!p0 $0x11B8D, s6;
	_ =	swait.eq @!p0 [sflag:s5], $0x1  }
0xb2: {  	s4 =	sor.u32 @!p0 s4, s6;
	[sflag:s5] =	ssyncadd.s32 @!p0 $0xFFFFFFFF  }
0xb3: {  	s25 =	simm.s32 $0x1B8E;
	s24 =	sld [smem:$0x3FFE];
	[sflag:s4] =	ssyncadd.remote.s32 @!p0 $0x1  }
0xb4: {  	s26 =	simm.s32 $execute0_lowered;
	[smem:$0x3FD2] =	sst s25  }
0xb5: {  	s5 =	sshll.u32 s26, $0x1;
	_ =	strace $0x80000073;
	[dreg:$0x1] =	wrdreg $0xFFFFFFFF  }
0xb6: {  	s28 =	simm.s32 $_size_execute0_lowered;
	s3 =	sadd.s32 s3, s5;
	[dreg:$0x0] =	wrdreg $0x0  }
0xb7: {  	s5 =	sshll.u32 s28, $0x1;
	[dreg:$0x2] =	wrdreg s3  }
0xb8: {  	[dreg:$0x3] =	wrdreg s5  }
0xb9: {  	[dreg:$0x4] =	wrdreg $0xC0  }
0xba: {  	_ =	task [dreg:s22], $0x5FFFF  }
0xbb: {  	[dreg:$0x1] =	wrdreg $0xFFFFFFFF  }
0xbc: {  	[dreg:$0x0] =	wrdreg $0x60  }
0xbd: {  	[dreg:$0x2] =	wrdreg s24  }
0xbe: {  	[dreg:$0x3] =	wrdreg $0x9  }
0xbf: {  	_ =	task.clear_ibuf [dreg:s22], $0x4FFFF;
	_ =	strace $0x90000073  }
0xc0: {  	s29 =	simm.s32 $0x9;
	_ =	strace $0x80000075  }
0xc1: {  	_ =	swait.ge [sflag:s29], $0x1  }
0xc2: {  	[sflag:s29] =	ssyncadd.s32 $0xFFFFFFFF  }
0xc3: {  	_ =	strace $0x90000075  }
0xc4: {  	_ =	sfence  }
0xc5: {  	s30 =	sld [smem:$0x0];
	_ =	sdelay $0x2  }
0xc6: {  	s31 =	sshll.u32 s1, $0xD;
	s1 =	sshrl.u32 s1, $0x2  }
0xc7: {  	s4 =	sand.u32 $0x4000, s31;
	s1 =	sadd.s32 s1, s30  }
0xc8: {  	s0 =	sor.u32 s4, s0;
	s1 =	sshll.u32 s1, $0x11  }
0xc9: {  	s0 =	sor.u32 s1, s0  }
0xca: {  	s0 =	sadd.s32 $0x8F2B, s0  }
0xcb: {  	[sflag:s0] =	ssyncadd.remote.s32 $0x1  }
0xcc: {  	_ =	sfence.sel $0xFFFF  }
0xcd: {  	[dreg:$0x0] =	wrdreg $0xFFFFFFFF;
	(pc) =	sbr.abs _section_cstart, $3  }
0xce: {  	[dreg:$0x1] =	wrdreg $0xFFFFFFFF  }
0xcf: {  	_ =	task.clear_ibuf [dreg:s22], $0x2FFFF;
	_ =	strace $0x9FFFFFFF  }
0xd0: {  	(tm) =	ssettm $0x7FFFFFFF  }
0xd1: {  	_ =	shalt  }
tec
execute0_lowered:
.L_overlay_start_1:
0x0: {  	(tag) =	ssettag $0x1  }
0x1: {  	s1 =	srdreg.scid;
	s0 =	stileid.u32  }
0x2: {  	s13 =	sand.u32 $0x1, s1;
	s29 =	sshll.u32 s0, $0x1  }
0x3: {  	s14 =	sor.u32 s13, s29  }
0x4: {  	s15 =	rddreg [dreg:$0x0];
	s3 =	smul.u32 $0x28, s14  }
0x5: {  	s2 =	simm.s32 $0x0;
	s1 =	rddreg [dreg:$0x1]  }
0x6: {  	[smem:$0x7FF] =	sst s2;
	s3 =	sadd.s32 s3, s15  }
0x7: {  	_ =	strace $0x80000074;
	s4 =	sadd.s32 $0x66C00, s3;
	s3 =	simm.s32 $0x2  }
0x8: {  	[tilespmem:s2], [sflag:$0x2] =	stream.linear.gather [hbm4b:s4+s2], $0x140, $0x38;
	[tilespmem:$0xA180] =	vst v63  }
0x9: {  	_ =	swait.ge [sflag:s3], $0x140  }
0xa: {  	s6 =	simm.s32 $0x80;
	[sflag:s3] =	ssyncset.done $0x0  }
0xb: {  	s7 =	simm.s32 $0x180;
	s5 =	sadd.s32 $0x4AFA00, s15;
	[sflag:s3] =	ssyncadd.s32 $0xFFFFFEC0  }
0xc: {  	[tilespmem:s7], [sflag:$0x1] =	stream.indirect.gather [hbm4b:s5+s6], $0x80, s2, s6, $0xb8;
	[tilespmem:$0xA180] =	vst v63  }
0xd: {  	s8 =	simm.s32 $0x4180;
	s9 =	simm.s32 $0x40  }
0xe: {  	[tilespmem:s8], [sflag:$0x1] =	stream.indirect.gather [hbm4b:s5+s6], $0x80, s6, s6, $0xb8;
	[tilespmem:$0xA180] =	vst v63  }
0xf: {  	s10 =	simm.s32 $0x100;
	s11 =	simm.s32 $0x8180;
	s12 =	simm.s32 $0x1  }
0x10: {  	[tilespmem:s11], [sflag:$0x1] =	stream.indirect.gather [hbm4b:s5+s9], $0x80, s10, s9, $0xb8;
	[tilespmem:$0xA180] =	vst v63  }
0x11: {  	_ =	swait.ge [sflag:s12], $0x4000  }
0x12: {  	[sflag:s12] =	ssyncset.done $0x0  }
0x13: {  	s13 =	ssub.s32 $0x2, s13;
	[sflag:s12] =	ssyncadd.s32 $0xFFFFC000  }
0x14: {  	s16 =	sshrl.u32 s13, $0x1;
	_ =	swait.ge [sflag:s12], $0x4000  }
0x15: {  	s30 =	ssub.s32 s13, s16;
	[sflag:s12] =	ssyncset.done $0x0  }
0x16: {  	s14 =	smul.u32 $0x1400, s14;
	s31 =	smax.u32 s30, $0x1;
	[sflag:s12] =	ssyncadd.s32 $0xFFFFC000  }
0x17: {  	p0 =	sne.s32 s31, $0x1;
	_ =	swait.ge [sflag:s12], $0x2000  }
.Ltmp0:
0x18: {  	s14 =	sadd.s32 s14, s15;
	[sflag:s12] =	ssyncset.done $0x0;
	(pc) =	sbr.rel @!p0 .LBB2_2-.Ltmp0, $4  }
0x19: {  	s13 =	sadd.s32 $0x3C200, s14;
	[sflag:s12] =	ssyncadd.s32 $0xFFFFE000  }
0x1a: {  	[hbm4b:s13+s2] =	stream.linear.scatter [tilespmem:s7], [sflag:$0x2], $0xA000, $0x38;
	[tilespmem:$0xA180] =	vst v63  }
0x1b: {  	_ =	swait.ge [sflag:s3], $0xA000  }
0x1c: {  	s14 =	sadd.s32 $0xFFFFFFFF, s31;
	[sflag:s3] =	ssyncset.done $0x0  }
.LBB2_1:
0x1d: {  	p0 =	sne.s32 s14, $0x1;
	s14 =	sadd.s32 $0xFFFFFFFF, s14;
	[sflag:s3] =	ssyncadd.s32 $0xFFFF6000  }
0x1e: {  	[tilespmem:s2], [sflag:$0x2] =	stream.linear.gather [hbm4b:s4+s2], $0x140, $0x38;
	[tilespmem:$0xA180] =	vst v63  }
0x1f: {  	_ =	swait.ge [sflag:s3], $0x140  }
0x20: {  	[sflag:s3] =	ssyncset.done $0x0  }
0x21: {  	[sflag:s3] =	ssyncadd.s32 $0xFFFFFEC0  }
0x22: {  	[tilespmem:s7], [sflag:$0x1] =	stream.indirect.gather [hbm4b:s5+s6], $0x80, s2, s6, $0xb8;
	[tilespmem:$0xA180] =	vst v63  }
0x23: {  	_ = 	snop  }
0x24: {  	[tilespmem:s8], [sflag:$0x1] =	stream.indirect.gather [hbm4b:s5+s6], $0x80, s6, s6, $0xb8;
	[tilespmem:$0xA180] =	vst v63  }
0x25: {  	_ = 	snop  }
0x26: {  	[tilespmem:s11], [sflag:$0x1] =	stream.indirect.gather [hbm4b:s5+s9], $0x80, s10, s9, $0xb8;
	[tilespmem:$0xA180] =	vst v63  }
0x27: {  	_ =	swait.ge [sflag:s12], $0x4000  }
0x28: {  	[sflag:s12] =	ssyncset.done $0x0  }
0x29: {  	[sflag:s12] =	ssyncadd.s32 $0xFFFFC000  }
0x2a: {  	_ =	swait.ge [sflag:s12], $0x4000  }
0x2b: {  	[sflag:s12] =	ssyncset.done $0x0  }
0x2c: {  	[sflag:s12] =	ssyncadd.s32 $0xFFFFC000  }
0x2d: {  	_ =	swait.ge [sflag:s12], $0x2000  }
.Ltmp1:
0x2e: {  	[sflag:s12] =	ssyncset.done $0x0;
	(pc) =	sbr.rel @p0 .LBB2_1-.Ltmp1, $4  }
0x2f: {  	[sflag:s12] =	ssyncadd.s32 $0xFFFFE000  }
0x30: {  	[hbm4b:s13+s2] =	stream.linear.scatter [tilespmem:s7], [sflag:$0x2], $0xA000, $0x38;
	[tilespmem:$0xA180] =	vst v63  }
0x31: {  	_ =	swait.ge [sflag:s3], $0xA000  }
0x32: {  	[sflag:s3] =	ssyncset.done $0x0  }
.LBB2_2:
0x33: {  	[sflag:s3] =	ssyncadd.s32 $0xFFFF6000  }
0x34: {  	_ =	sfence.sel $0x180000  }
0x35: {  	[bflag:$0x0] =	sbarrier.arrive $0xFFFF  }
0x36: {  	p0 =	sne.s32 s0, $0x0;
	_ =	strace $0x90000074  }
0x37: {  	s0 =	sadd.s32 @!p0 $0x100000, s1;
	[bflag:$0x2] =	sbarrier.arrive $0xFFFF  }
0x38: {  	[sflag:s0] =	ssyncadd.tile.s32 @!p0 $0x1;
	_ =	shalt  }
.Lfunc_end2:
_tile_overlayer_lowered:
.L_overlay_start_2:
0x39: {  	(tag) =	ssettag $0x2  }
0x3a: {  	s0 =	rddreg [dreg:$0x0];
	s2 =	stileid.u32  }
0x3b: {  	s1 =	rddreg [dreg:$0x1];
	p0 =	sne.s32 s2, $0x0  }
0x3c: {  	s3 =	rddreg [dreg:$0x2];
	[bflag:$0x3] =	sbarrier.arrive $0xFFFF;
	s2 =	simm.s32 @!p0 $0x1C02  }
0x3d: {  	[timem:s3], [sflag:s2] =	dma.local @!p0 [hbm:s0], s1  }
0x3e: {  	s0 =	simm.s32 @!p0 $0x2  }
0x3f: {  	_ =	swait.ge @!p0 [sflag:s0], s1  }
0x40: {  	s1 =	ssub.s32 @!p0 $0x0, s1;
	[sflag:s0] =	ssyncset.done @!p0 $0x0  }
0x41: {  	[sflag:s0] =	ssyncadd.s32 @!p0 s1  }
0x42: {  	[bflag:$0x3] =	sbarrier.arrive $0xFFFF  }
0x43: {  	_ =	shalt  }

</sc_bundles>
